<compile_context>
chip_gen: v7x
topology: tpu7x:2x2x1
jax: 0.10.2.dev20260603
libtpu: 0.0.44.dev20260713+nightly
codegen_flags: <defaults>
</compile_context>

<pallas_src>
import functools

import jax
import jax.numpy as jnp
from jax import lax
from jax.experimental import pallas as pl
from jax.experimental.pallas import tpu as pltpu
from jax.experimental.pallas import tpu_sc as plsc

Q = 1024
D_REP = 128
A_DIM = 16
K_REAL = 100000
KT = 4096
T = 25
K_PAD = T * KT
TOPK = 5
SLOTS = 8

_F32_INF = float("inf")
_BIGF = 3.0e38


NCHUNK = KT // 128


def _topk_tile_kernel(br_ref, q2_ref, r2_ref, reps_ref, idx_out, wexp_out,
                      rv_ref, ri_ref):
    t = pl.program_id(0)

    @pl.when(t == 0)
    def _init():
        rv_ref[...] = jnp.full((Q, SLOTS), _F32_INF, jnp.float32)
        ri_ref[...] = jnp.zeros((Q, SLOTS), jnp.float32)

    br = br_ref[...]
    q2 = q2_ref[:, 0:1]
    r2 = r2_ref[0]
    reps = reps_ref[...]

    qr2 = lax.dot_general(br * -2.0, reps, (((1,), (1,)), ((), ())),
                          preferred_element_type=jnp.float32)
    sq = (q2 + r2) + qr2

    m1 = sq[:, 0:128]
    a1 = jnp.zeros((Q, 128), jnp.float32)
    m2 = jnp.full((Q, 128), _F32_INF, jnp.float32)
    a2 = jnp.zeros((Q, 128), jnp.float32)
    m3 = jnp.full((Q, 128), _F32_INF, jnp.float32)
    a3 = jnp.zeros((Q, 128), jnp.float32)
    for c in range(1, NCHUNK):
        x = sq[:, c * 128:(c + 1) * 128]
        cf = float(c)
        lt1 = x < m1
        lt2 = x < m2
        lt3 = x < m3
        m3 = jnp.where(lt2, m2, jnp.where(lt3, x, m3))
        a3 = jnp.where(lt2, a2, jnp.where(lt3, cf, a3))
        m2 = jnp.where(lt1, m1, jnp.where(lt2, x, m2))
        a2 = jnp.where(lt1, a1, jnp.where(lt2, cf, a2))
        m1 = jnp.where(lt1, x, m1)
        a1 = jnp.where(lt1, cf, a1)

    lane_f = lax.broadcasted_iota(jnp.int32, (Q, 128), 1).astype(jnp.float32)
    base = (t * KT).astype(jnp.float32)
    g1 = a1 * 128.0 + (lane_f + base)
    g2 = a2 * 128.0 + (lane_f + base)
    g3 = a3 * 128.0 + (lane_f + base)
    d123 = jnp.sqrt(jnp.maximum(jnp.concatenate([m1, m2, m3], axis=1), 1e-12))
    pool_d = jnp.concatenate([d123, rv_ref[...]], axis=1)
    pool_gi = jnp.concatenate([g1, g2, g3, ri_ref[...]], axis=1)

    new_v = []
    new_i = []
    for _ in range(TOPK):
        m = jnp.min(pool_d, axis=1, keepdims=True)
        gi = jnp.min(jnp.where(pool_d == m, pool_gi, _BIGF), axis=1,
                     keepdims=True)
        new_v.append(m)
        new_i.append(gi)
        pool_d = jnp.where(pool_gi == gi, _F32_INF, pool_d)
    pad1 = jnp.full((Q, 1), _F32_INF, jnp.float32)
    zad1 = jnp.zeros((Q, 1), jnp.float32)
    rv_ref[...] = jnp.concatenate(new_v + [pad1] * (SLOTS - TOPK), axis=1)
    ri_ref[...] = jnp.concatenate(new_i + [zad1] * (SLOTS - TOPK), axis=1)

    @pl.when(t == T - 1)
    def _finalize():
        d5 = rv_ref[:, 0:TOPK]
        neg = -d5
        mx = jnp.max(neg, axis=1, keepdims=True)
        e = jnp.exp(neg - mx)
        w = e / jnp.sum(e, axis=1, keepdims=True)
        lane128 = lax.broadcasted_iota(jnp.int32, (Q, SLOTS * A_DIM), 1)
        acc = jnp.zeros((Q, SLOTS * A_DIM), jnp.float32)
        for j in range(TOPK):
            acc = jnp.where(lane128 // A_DIM == j, w[:, j:j + 1], acc)
        wexp_out[...] = acc
        col = lax.broadcasted_iota(jnp.int32, (Q, SLOTS), 1)
        idx_out[...] = jnp.where(col < TOPK, ri_ref[...].astype(jnp.int32), 0)


def _run_topk(br, q2b, r2p, reps_p):
    return pl.pallas_call(
        _topk_tile_kernel,
        grid=(T,),
        in_specs=[
            pl.BlockSpec((Q, D_REP), lambda t: (0, 0)),
            pl.BlockSpec((Q, D_REP), lambda t: (0, 0)),
            pl.BlockSpec((1, 1, KT), lambda t: (t, 0, 0)),
            pl.BlockSpec((KT, D_REP), lambda t: (t, 0)),
        ],
        out_specs=[
            pl.BlockSpec((Q, SLOTS), lambda t: (0, 0)),
            pl.BlockSpec((Q, SLOTS * A_DIM), lambda t: (0, 0)),
        ],
        out_shape=[
            jax.ShapeDtypeStruct((Q, SLOTS), jnp.int32),
            jax.ShapeDtypeStruct((Q, SLOTS * A_DIM), jnp.float32),
        ],
        scratch_shapes=[
            pltpu.VMEM((Q, SLOTS), jnp.float32),
            pltpu.VMEM((Q, SLOTS), jnp.float32),
        ],
        compiler_params=pltpu.CompilerParams(
            dimension_semantics=("arbitrary",),
            vmem_limit_bytes=120 * 1024 * 1024,
        ),
    )(br, q2b, r2p, reps_p)


def _make_sc_gather_sum():
    info = plsc.get_sparse_core_info()
    nc, ns = info.num_cores, info.num_subcores
    nw = nc * ns
    rows = Q * SLOTS
    rpw = rows // nw
    qpw = Q // nw
    mesh = plsc.VectorSubcoreMesh(core_axis_name="c", subcore_axis_name="s")

    @functools.partial(
        pl.kernel, mesh=mesh,
        out_type=jax.ShapeDtypeStruct((Q, A_DIM), jnp.float32),
        compiler_params=pltpu.CompilerParams(use_tc_tiling_on_sc=False),
        scratch_types=[
            pltpu.VMEM((rpw,), jnp.int32),
            pltpu.VMEM((rpw, A_DIM), jnp.float32),
            pltpu.VMEM((qpw, SLOTS * A_DIM), jnp.float32),
            pltpu.VMEM((qpw, A_DIM), jnp.float32),
            pltpu.SemaphoreType.DMA,
            pltpu.SemaphoreType.DMA,
            pltpu.SemaphoreType.DMA,
        ],
    )
    def gather_sum(actions_hbm, idx_hbm, w_hbm, out_hbm,
                   idx_v, rows_v, w_v, out_v, sem, sem_i, sem_w):
        wid = lax.axis_index("s") * nc + lax.axis_index("c")
        idx_cp = pltpu.async_copy(idx_hbm.at[pl.ds(wid * rpw, rpw)], idx_v,
                                  sem_i)
        w_cp = pltpu.async_copy(w_hbm.at[pl.ds(wid * qpw, qpw)], w_v, sem_w)
        idx_cp.wait()
        gather_cp = pltpu.async_copy(actions_hbm.at[idx_v], rows_v, sem)
        w_cp.wait()
        gather_cp.wait()
        for ql in range(qpw):
            acc = rows_v[SLOTS * ql, :] * w_v[ql, pl.ds(0, A_DIM)]
            for j in range(1, SLOTS):
                acc = acc + (rows_v[SLOTS * ql + j, :]
                             * w_v[ql, pl.ds(j * A_DIM, A_DIM)])
            out_v[ql, :] = acc
        pltpu.sync_copy(out_v, out_hbm.at[pl.ds(wid * qpw, qpw)])

    return gather_sum


def kernel(batch_images, representations, actions, W_enc, k):
    del k
    br = batch_images @ W_enc
    q2 = jnp.sum(br * br, axis=1, keepdims=True)
    r2 = jnp.sum(representations * representations, axis=1)

    q2b = jnp.broadcast_to(q2, (Q, D_REP))
    r2p = jnp.concatenate(
        [r2, jnp.full((K_PAD - K_REAL,), _F32_INF, jnp.float32)]
    ).reshape(T, 1, KT)

    idx8, wexp = _run_topk(br, q2b, r2p, representations)
    pred = _make_sc_gather_sum()(actions, idx8.reshape(Q * SLOTS), wexp)
    return pred

# --- scband reference (transcript-rebuilt; emitter-appended) ---
"""Pipeline reference for scband-vinn-12292196401695 (READ-ONLY COPY).

The authoritative reference and input builder live on the scoring server;
editing this copy changes nothing except your own understanding.
"""

import jax, jax.numpy as jnp
import numpy as np


def setup_inputs(seed: int = 0) -> dict:
    key = jax.random.key(seed)
    k1, k2, k3, k4 = jax.random.split(key, 4)
    return {
        "batch_images": jax.random.normal(k1, (1024, 512), dtype=jnp.float32),
        "representations": jax.random.normal(k2, (100000, 128), dtype=jnp.float32),
        "actions": jax.random.normal(k3, (100000, 16), dtype=jnp.float32),
        "W_enc": jax.random.normal(k4, (512, 128), dtype=jnp.float32) * 0.02,
        "k": 5,
    }


def reference(batch_images, representations, actions, W_enc, k):
    # encoder: linear projection of query images into representation space
    batch_rep = batch_images @ W_enc  # [Q, d]
    # torch.cdist(batch_rep, representations): euclidean distance matrix [Q, K]
    q2 = jnp.sum(batch_rep * batch_rep, axis=1, keepdims=True)          # [Q, 1]
    r2 = jnp.sum(representations * representations, axis=1)[None, :]    # [1, K]
    sq = q2 + r2 - 2.0 * (batch_rep @ representations.T)                # [Q, K]
    all_distances = jnp.sqrt(jnp.maximum(sq, 1e-12))
    # torch.topk(all_distances, k, largest=False); k is always 5, so the
    # static value is used for the shape while the traced k stays consumed
    # via an exact no-op fold into the distances.
    all_distances = all_distances + 0.0 * k
    neg_top, indices = jax.lax.top_k(-all_distances, 5)                 # [Q, k]
    top_k_distances = -neg_top
    # dist_scale_func = softmax(-x) along dim=1
    weights = jax.nn.softmax(-top_k_distances, axis=1)                  # [Q, k]
    top_k_actions = actions[indices]                                    # [Q, k, A] gather
    pred = jnp.sum(top_k_actions * weights[..., None], axis=1)          # [Q, A]
    return pred

if __name__ == "__main__":
    import jax
    _d = setup_inputs()
    print(jax.jit(kernel)(*tuple(_d.values())))

</pallas_src>

<mosaic_0001>
#map = affine_map<(d0, d1) -> (0, 0)>
#map1 = affine_map<(d0, d1) -> (0)>
module attributes {stable_mosaic.version = 14 : i64} {
  func.func @gather_sum(%arg0: i32, %arg1: i32, %arg2: memref<100000x16xf32, #tpu.memory_space<hbm>>, %arg3: memref<8192xi32, #tpu.memory_space<hbm>>, %arg4: memref<1024x128xf32, #tpu.memory_space<hbm>>, %arg5: memref<1024x16xf32, #tpu.memory_space<hbm>>, %arg6: memref<256xi32, #tpu.memory_space<vmem>>, %arg7: memref<256x16xf32, #tpu.memory_space<vmem>>, %arg8: memref<32x128xf32, #tpu.memory_space<vmem>>, %arg9: memref<32x16xf32, #tpu.memory_space<vmem>>, %arg10: memref<!tpu.dma_semaphore, #tpu.memory_space<semaphore_mem>>, %arg11: memref<!tpu.dma_semaphore, #tpu.memory_space<semaphore_mem>>, %arg12: memref<!tpu.dma_semaphore, #tpu.memory_space<semaphore_mem>>) attributes {dimension_semantics = [#tpu.dimension_semantics<core_parallel>, #tpu.dimension_semantics<subcore_parallel>], iteration_bounds = array<i64: 2, 16>, scalar_prefetch = 0 : i64, scratch_operands = 7 : i64, tpu.core_type = #tpu.core_type<sc_vector_subcore>, window_params = [{transform_indices = #map}, {transform_indices = #map1}, {transform_indices = #map}, {transform_indices = #map}]} {
    %mul3A = arith.constant 2 : i32
    %mul3A_0 = arith.muli %arg1, %mul3A : i32
    %add3A = arith.addi %mul3A_0, %arg0 : i32
    %mul3A_1 = arith.constant 256 : i32
    %mul3A_2 = arith.muli %add3A, %mul3A_1 : i32
    %dma_start3A = tpu.memref_slice %arg3[%mul3A_2] : memref<8192xi32, #tpu.memory_space<hbm>> -> memref<256xi32, #tpu.memory_space<hbm>>
    %dma_start3A_3 = tpu.memref_slice %arg3[%mul3A_2] : memref<8192xi32, #tpu.memory_space<hbm>> -> memref<256xi32, #tpu.memory_space<hbm>>
    tpu.enqueue_dma source(%dma_start3A_3 : memref<256xi32, #tpu.memory_space<hbm>>) target(%arg6 : memref<256xi32, #tpu.memory_space<vmem>>) target_semaphore(%arg11 : memref<!tpu.dma_semaphore, #tpu.memory_space<semaphore_mem>>)
    %mul3A_4 = arith.constant 32 : i32
    %mul3A_5 = arith.muli %add3A, %mul3A_4 : i32
    %dma_start3A_6 = arith.constant 0 : i32
    %dma_start3A_7 = tpu.memref_slice %arg4[%mul3A_5, %dma_start3A_6] : memref<1024x128xf32, #tpu.memory_space<hbm>> -> memref<32x128xf32, #tpu.memory_space<hbm>>
    %dma_start3A_8 = arith.constant 0 : i32
    %dma_start3A_9 = tpu.memref_slice %arg4[%mul3A_5, %dma_start3A_8] : memref<1024x128xf32, #tpu.memory_space<hbm>> -> memref<32x128xf32, #tpu.memory_space<hbm>>
    tpu.enqueue_dma source(%dma_start3A_9 : memref<32x128xf32, #tpu.memory_space<hbm>>) target(%arg8 : memref<32x128xf32, #tpu.memory_space<vmem>>) target_semaphore(%arg12 : memref<!tpu.dma_semaphore, #tpu.memory_space<semaphore_mem>>)
    %dma_wait3A = tpu.memref_slice %arg3[%mul3A_2] : memref<8192xi32, #tpu.memory_space<hbm>> -> memref<256xi32, #tpu.memory_space<hbm>>
    %dma_wait3A_10 = tpu.memref_slice %arg3[%mul3A_2] : memref<8192xi32, #tpu.memory_space<hbm>> -> memref<256xi32, #tpu.memory_space<hbm>>
    tpu.wait_dma2 semaphore(%arg11 : memref<!tpu.dma_semaphore, #tpu.memory_space<semaphore_mem>>) src(%dma_wait3A_10 : memref<256xi32, #tpu.memory_space<hbm>>) dst(%arg6 : memref<256xi32, #tpu.memory_space<vmem>>)
    %dma_start3A_11 = arith.constant 0 : i32
    %dma_start3A_12 = arith.constant 0 : i32
    %dma_start3A_13 = tpu.memref_slice %arg2[%dma_start3A_11, %dma_start3A_12] : memref<100000x16xf32, #tpu.memory_space<hbm>> -> memref<100000x16xf32, #tpu.memory_space<hbm>>
    tpu.enqueue_indirect_dma source(%dma_start3A_13 : memref<100000x16xf32, #tpu.memory_space<hbm>>) target(%arg7 : memref<256x16xf32, #tpu.memory_space<vmem>>) offsets(%arg6 : memref<256xi32, #tpu.memory_space<vmem>>) semaphore(%arg10 : memref<!tpu.dma_semaphore, #tpu.memory_space<semaphore_mem>>)
    %dma_wait3A_14 = arith.constant 0 : i32
    %dma_wait3A_15 = tpu.memref_slice %arg4[%mul3A_5, %dma_wait3A_14] : memref<1024x128xf32, #tpu.memory_space<hbm>> -> memref<32x128xf32, #tpu.memory_space<hbm>>
    %dma_wait3A_16 = arith.constant 0 : i32
    %dma_wait3A_17 = tpu.memref_slice %arg4[%mul3A_5, %dma_wait3A_16] : memref<1024x128xf32, #tpu.memory_space<hbm>> -> memref<32x128xf32, #tpu.memory_space<hbm>>
    tpu.wait_dma2 semaphore(%arg12 : memref<!tpu.dma_semaphore, #tpu.memory_space<semaphore_mem>>) src(%dma_wait3A_17 : memref<32x128xf32, #tpu.memory_space<hbm>>) dst(%arg8 : memref<32x128xf32, #tpu.memory_space<vmem>>)
    %dma_wait3A_18 = arith.constant 0 : i32
    %dma_wait3A_19 = arith.constant 0 : i32
    %dma_wait3A_20 = tpu.memref_slice %arg2[%dma_wait3A_18, %dma_wait3A_19] : memref<100000x16xf32, #tpu.memory_space<hbm>> -> memref<100000x16xf32, #tpu.memory_space<hbm>>
    tpu.wait_indirect_dma semaphore(%arg10 : memref<!tpu.dma_semaphore, #tpu.memory_space<semaphore_mem>>) src(%dma_wait3A_20 : memref<100000x16xf32, #tpu.memory_space<hbm>>) dst(%arg7 : memref<256x16xf32, #tpu.memory_space<vmem>>)
    %get3A = arith.constant 0 : i32
    %get3A_21 = arith.index_cast %get3A : i32 to index
    %get3A_22 = arith.constant 0 : index
    %get3A_23 = tpu.vector_load %arg7[%get3A_21, %get3A_22] {strides = array<i32>} : memref<256x16xf32, #tpu.memory_space<vmem>>, vector<1x16xf32>,
    %get3A_24 = vector.shape_cast %get3A_23 : vector<1x16xf32> to vector<16xf32>
    %get3A_25 = arith.constant 0 : i32
    %get3A_26 = arith.index_cast %get3A_25 : i32 to index
    %get3A_27 = arith.constant 0 : index
    %get3A_28 = tpu.vector_load %arg8[%get3A_26, %get3A_27] {strides = array<i32>} : memref<32x128xf32, #tpu.memory_space<vmem>>, vector<1x16xf32>,
    %get3A_29 = vector.shape_cast %get3A_28 : vector<1x16xf32> to vector<16xf32>
    %mul3A_30 = arith.mulf %get3A_24, %get3A_29 : vector<16xf32>
    %get3A_31 = arith.constant 1 : i32
    %get3A_32 = arith.index_cast %get3A_31 : i32 to index
    %get3A_33 = arith.constant 0 : index
    %get3A_34 = tpu.vector_load %arg7[%get3A_32, %get3A_33] {strides = array<i32>} : memref<256x16xf32, #tpu.memory_space<vmem>>, vector<1x16xf32>,
    %get3A_35 = vector.shape_cast %get3A_34 : vector<1x16xf32> to vector<16xf32>
    %get3A_36 = arith.constant 0 : i32
    %get3A_37 = arith.index_cast %get3A_36 : i32 to index
    %get3A_38 = arith.constant 16 : index
    %get3A_39 = tpu.vector_load %arg8[%get3A_37, %get3A_38] {strides = array<i32>} : memref<32x128xf32, #tpu.memory_space<vmem>>, vector<1x16xf32>,
    %get3A_40 = vector.shape_cast %get3A_39 : vector<1x16xf32> to vector<16xf32>
    %mul3A_41 = arith.mulf %get3A_35, %get3A_40 : vector<16xf32>
    %add3A_42 = arith.addf %mul3A_30, %mul3A_41 : vector<16xf32>
    %get3A_43 = arith.constant 2 : i32
    %get3A_44 = arith.index_cast %get3A_43 : i32 to index
    %get3A_45 = arith.constant 0 : index
    %get3A_46 = tpu.vector_load %arg7[%get3A_44, %get3A_45] {strides = array<i32>} : memref<256x16xf32, #tpu.memory_space<vmem>>, vector<1x16xf32>,
    %get3A_47 = vector.shape_cast %get3A_46 : vector<1x16xf32> to vector<16xf32>
    %get3A_48 = arith.constant 0 : i32
    %get3A_49 = arith.index_cast %get3A_48 : i32 to index
    %get3A_50 = arith.constant 32 : index
    %get3A_51 = tpu.vector_load %arg8[%get3A_49, %get3A_50] {strides = array<i32>} : memref<32x128xf32, #tpu.memory_space<vmem>>, vector<1x16xf32>,
    %get3A_52 = vector.shape_cast %get3A_51 : vector<1x16xf32> to vector<16xf32>
    %mul3A_53 = arith.mulf %get3A_47, %get3A_52 : vector<16xf32>
    %add3A_54 = arith.addf %add3A_42, %mul3A_53 : vector<16xf32>
    %get3A_55 = arith.constant 3 : i32
    %get3A_56 = arith.index_cast %get3A_55 : i32 to index
    %get3A_57 = arith.constant 0 : index
    %get3A_58 = tpu.vector_load %arg7[%get3A_56, %get3A_57] {strides = array<i32>} : memref<256x16xf32, #tpu.memory_space<vmem>>, vector<1x16xf32>,
    %get3A_59 = vector.shape_cast %get3A_58 : vector<1x16xf32> to vector<16xf32>
    %get3A_60 = arith.constant 0 : i32
    %get3A_61 = arith.index_cast %get3A_60 : i32 to index
    %get3A_62 = arith.constant 48 : index
    %get3A_63 = tpu.vector_load %arg8[%get3A_61, %get3A_62] {strides = array<i32>} : memref<32x128xf32, #tpu.memory_space<vmem>>, vector<1x16xf32>,
    %get3A_64 = vector.shape_cast %get3A_63 : vector<1x16xf32> to vector<16xf32>
    %mul3A_65 = arith.mulf %get3A_59, %get3A_64 : vector<16xf32>
    %add3A_66 = arith.addf %add3A_54, %mul3A_65 : vector<16xf32>
    %get3A_67 = arith.constant 4 : i32
    %get3A_68 = arith.index_cast %get3A_67 : i32 to index
    %get3A_69 = arith.constant 0 : index
    %get3A_70 = tpu.vector_load %arg7[%get3A_68, %get3A_69] {strides = array<i32>} : memref<256x16xf32, #tpu.memory_space<vmem>>, vector<1x16xf32>,
    %get3A_71 = vector.shape_cast %get3A_70 : vector<1x16xf32> to vector<16xf32>
    %get3A_72 = arith.constant 0 : i32
    %get3A_73 = arith.index_cast %get3A_72 : i32 to index
    %get3A_74 = arith.constant 64 : index
    %get3A_75 = tpu.vector_load %arg8[%get3A_73, %get3A_74] {strides = array<i32>} : memref<32x128xf32, #tpu.memory_space<vmem>>, vector<1x16xf32>,
    %get3A_76 = vector.shape_cast %get3A_75 : vector<1x16xf32> to vector<16xf32>
    %mul3A_77 = arith.mulf %get3A_71, %get3A_76 : vector<16xf32>
    %add3A_78 = arith.addf %add3A_66, %mul3A_77 : vector<16xf32>
    %get3A_79 = arith.constant 5 : i32
    %get3A_80 = arith.index_cast %get3A_79 : i32 to index
    %get3A_81 = arith.constant 0 : index
    %get3A_82 = tpu.vector_load %arg7[%get3A_80, %get3A_81] {strides = array<i32>} : memref<256x16xf32, #tpu.memory_space<vmem>>, vector<1x16xf32>,
    %get3A_83 = vector.shape_cast %get3A_82 : vector<1x16xf32> to vector<16xf32>
    %get3A_84 = arith.constant 0 : i32
    %get3A_85 = arith.index_cast %get3A_84 : i32 to index
    %get3A_86 = arith.constant 80 : index
    %get3A_87 = tpu.vector_load %arg8[%get3A_85, %get3A_86] {strides = array<i32>} : memref<32x128xf32, #tpu.memory_space<vmem>>, vector<1x16xf32>,
    %get3A_88 = vector.shape_cast %get3A_87 : vector<1x16xf32> to vector<16xf32>
    %mul3A_89 = arith.mulf %get3A_83, %get3A_88 : vector<16xf32>
    %add3A_90 = arith.addf %add3A_78, %mul3A_89 : vector<16xf32>
    %get3A_91 = arith.constant 6 : i32
    %get3A_92 = arith.index_cast %get3A_91 : i32 to index
    %get3A_93 = arith.constant 0 : index
    %get3A_94 = tpu.vector_load %arg7[%get3A_92, %get3A_93] {strides = array<i32>} : memref<256x16xf32, #tpu.memory_space<vmem>>, vector<1x16xf32>,
    %get3A_95 = vector.shape_cast %get3A_94 : vector<1x16xf32> to vector<16xf32>
    %get3A_96 = arith.constant 0 : i32
    %get3A_97 = arith.index_cast %get3A_96 : i32 to index
    %get3A_98 = arith.constant 96 : index
    %get3A_99 = tpu.vector_load %arg8[%get3A_97, %get3A_98] {strides = array<i32>} : memref<32x128xf32, #tpu.memory_space<vmem>>, vector<1x16xf32>,
    %get3A_100 = vector.shape_cast %get3A_99 : vector<1x16xf32> to vector<16xf32>
    %mul3A_101 = arith.mulf %get3A_95, %get3A_100 : vector<16xf32>
    %add3A_102 = arith.addf %add3A_90, %mul3A_101 : vector<16xf32>
    %get3A_103 = arith.constant 7 : i32
    %get3A_104 = arith.index_cast %get3A_103 : i32 to index
    %get3A_105 = arith.constant 0 : index
    %get3A_106 = tpu.vector_load %arg7[%get3A_104, %get3A_105] {strides = array<i32>} : memref<256x16xf32, #tpu.memory_space<vmem>>, vector<1x16xf32>,
    %get3A_107 = vector.shape_cast %get3A_106 : vector<1x16xf32> to vector<16xf32>
    %get3A_108 = arith.constant 0 : i32
    %get3A_109 = arith.index_cast %get3A_108 : i32 to index
    %get3A_110 = arith.constant 112 : index
    %get3A_111 = tpu.vector_load %arg8[%get3A_109, %get3A_110] {strides = array<i32>} : memref<32x128xf32, #tpu.memory_space<vmem>>, vector<1x16xf32>,
    %get3A_112 = vector.shape_cast %get3A_111 : vector<1x16xf32> to vector<16xf32>
    %mul3A_113 = arith.mulf %get3A_107, %get3A_112 : vector<16xf32>
    %add3A_114 = arith.addf %add3A_102, %mul3A_113 : vector<16xf32>
    %swap3A = arith.constant 0 : i32
    %swap3A_115 = arith.index_cast %swap3A : i32 to index
    %swap3A_116 = arith.constant 0 : index
    %swap3A_117 = tpu.vector_load %arg9[%swap3A_115, %swap3A_116] {strides = array<i32>} : memref<32x16xf32, #tpu.memory_space<vmem>>, vector<1x16xf32>,
    %swap3A_118 = vector.shape_cast %swap3A_117 : vector<1x16xf32> to vector<16xf32>
    %swap3A_119 = vector.shape_cast %add3A_114 : vector<16xf32> to vector<1x16xf32>
    tpu.vector_store %arg9[%swap3A_115, %swap3A_116], %swap3A_119 {strides = array<i32>} : memref<32x16xf32, #tpu.memory_space<vmem>>, vector<1x16xf32>,
    %get3A_120 = arith.constant 8 : i32
    %get3A_121 = arith.index_cast %get3A_120 : i32 to index
    %get3A_122 = arith.constant 0 : index
    %get3A_123 = tpu.vector_load %arg7[%get3A_121, %get3A_122] {strides = array<i32>} : memref<256x16xf32, #tpu.memory_space<vmem>>, vector<1x16xf32>,
    %get3A_124 = vector.shape_cast %get3A_123 : vector<1x16xf32> to vector<16xf32>
    %get3A_125 = arith.constant 1 : i32
    %get3A_126 = arith.index_cast %get3A_125 : i32 to index
    %get3A_127 = arith.constant 0 : index
    %get3A_128 = tpu.vector_load %arg8[%get3A_126, %get3A_127] {strides = array<i32>} : memref<32x128xf32, #tpu.memory_space<vmem>>, vector<1x16xf32>,
    %get3A_129 = vector.shape_cast %get3A_128 : vector<1x16xf32> to vector<16xf32>
    %mul3A_130 = arith.mulf %get3A_124, %get3A_129 : vector<16xf32>
    %get3A_131 = arith.constant 9 : i32
    %get3A_132 = arith.index_cast %get3A_131 : i32 to index
    %get3A_133 = arith.constant 0 : index
    %get3A_134 = tpu.vector_load %arg7[%get3A_132, %get3A_133] {strides = array<i32>} : memref<256x16xf32, #tpu.memory_space<vmem>>, vector<1x16xf32>,
    %get3A_135 = vector.shape_cast %get3A_134 : vector<1x16xf32> to vector<16xf32>
    %get3A_136 = arith.constant 1 : i32
    %get3A_137 = arith.index_cast %get3A_136 : i32 to index
    %get3A_138 = arith.constant 16 : index
    %get3A_139 = tpu.vector_load %arg8[%get3A_137, %get3A_138] {strides = array<i32>} : memref<32x128xf32, #tpu.memory_space<vmem>>, vector<1x16xf32>,
    %get3A_140 = vector.shape_cast %get3A_139 : vector<1x16xf32> to vector<16xf32>
    %mul3A_141 = arith.mulf %get3A_135, %get3A_140 : vector<16xf32>
    %add3A_142 = arith.addf %mul3A_130, %mul3A_141 : vector<16xf32>
    %get3A_143 = arith.constant 10 : i32
    %get3A_144 = arith.index_cast %get3A_143 : i32 to index
    %get3A_145 = arith.constant 0 : index
    %get3A_146 = tpu.vector_load %arg7[%get3A_144, %get3A_145] {strides = array<i32>} : memref<256x16xf32, #tpu.memory_space<vmem>>, vector<1x16xf32>,
    %get3A_147 = vector.shape_cast %get3A_146 : vector<1x16xf32> to vector<16xf32>
    %get3A_148 = arith.constant 1 : i32
    %get3A_149 = arith.index_cast %get3A_148 : i32 to index
    %get3A_150 = arith.constant 32 : index
    %get3A_151 = tpu.vector_load %arg8[%get3A_149, %get3A_150] {strides = array<i32>} : memref<32x128xf32, #tpu.memory_space<vmem>>, vector<1x16xf32>,
    %get3A_152 = vector.shape_cast %get3A_151 : vector<1x16xf32> to vector<16xf32>
    %mul3A_153 = arith.mulf %get3A_147, %get3A_152 : vector<16xf32>
    %add3A_154 = arith.addf %add3A_142, %mul3A_153 : vector<16xf32>
    %get3A_155 = arith.constant 11 : i32
    %get3A_156 = arith.index_cast %get3A_155 : i32 to index
    %get3A_157 = arith.constant 0 : index
    %get3A_158 = tpu.vector_load %arg7[%get3A_156, %get3A_157] {strides = array<i32>} : memref<256x16xf32, #tpu.memory_space<vmem>>, vector<1x16xf32>,
    %get3A_159 = vector.shape_cast %get3A_158 : vector<1x16xf32> to vector<16xf32>
    %get3A_160 = arith.constant 1 : i32
    %get3A_161 = arith.index_cast %get3A_160 : i32 to index
    %get3A_162 = arith.constant 48 : index
    %get3A_163 = tpu.vector_load %arg8[%get3A_161, %get3A_162] {strides = array<i32>} : memref<32x128xf32, #tpu.memory_space<vmem>>, vector<1x16xf32>,
    %get3A_164 = vector.shape_cast %get3A_163 : vector<1x16xf32> to vector<16xf32>
    %mul3A_165 = arith.mulf %get3A_159, %get3A_164 : vector<16xf32>
    %add3A_166 = arith.addf %add3A_154, %mul3A_165 : vector<16xf32>
    %get3A_167 = arith.constant 12 : i32
    %get3A_168 = arith.index_cast %get3A_167 : i32 to index
    %get3A_169 = arith.constant 0 : index
    %get3A_170 = tpu.vector_load %arg7[%get3A_168, %get3A_169] {strides = array<i32>} : memref<256x16xf32, #tpu.memory_space<vmem>>, vector<1x16xf32>,
    %get3A_171 = vector.shape_cast %get3A_170 : vector<1x16xf32> to vector<16xf32>
    %get3A_172 = arith.constant 1 : i32
    %get3A_173 = arith.index_cast %get3A_172 : i32 to index
    %get3A_174 = arith.constant 64 : index
    %get3A_175 = tpu.vector_load %arg8[%get3A_173, %get3A_174] {strides = array<i32>} : memref<32x128xf32, #tpu.memory_space<vmem>>, vector<1x16xf32>,
    %get3A_176 = vector.shape_cast %get3A_175 : vector<1x16xf32> to vector<16xf32>
    %mul3A_177 = arith.mulf %get3A_171, %get3A_176 : vector<16xf32>
    %add3A_178 = arith.addf %add3A_166, %mul3A_177 : vector<16xf32>
    %get3A_179 = arith.constant 13 : i32
    %get3A_180 = arith.index_cast %get3A_179 : i32 to index
    %get3A_181 = arith.constant 0 : index
    %get3A_182 = tpu.vector_load %arg7[%get3A_180, %get3A_181] {strides = array<i32>} : memref<256x16xf32, #tpu.memory_space<vmem>>, vector<1x16xf32>,
    %get3A_183 = vector.shape_cast %get3A_182 : vector<1x16xf32> to vector<16xf32>
    %get3A_184 = arith.constant 1 : i32
    %get3A_185 = arith.index_cast %get3A_184 : i32 to index
    %get3A_186 = arith.constant 80 : index
    %get3A_187 = tpu.vector_load %arg8[%get3A_185, %get3A_186] {strides = array<i32>} : memref<32x128xf32, #tpu.memory_space<vmem>>, vector<1x16xf32>,
    %get3A_188 = vector.shape_cast %get3A_187 : vector<1x16xf32> to vector<16xf32>
    %mul3A_189 = arith.mulf %get3A_183, %get3A_188 : vector<16xf32>
    %add3A_190 = arith.addf %add3A_178, %mul3A_189 : vector<16xf32>
    %get3A_191 = arith.constant 14 : i32
    %get3A_192 = arith.index_cast %get3A_191 : i32 to index
    %get3A_193 = arith.constant 0 : index
    %get3A_194 = tpu.vector_load %arg7[%get3A_192, %get3A_193] {strides = array<i32>} : memref<256x16xf32, #tpu.memory_space<vmem>>, vector<1x16xf32>,
    %get3A_195 = vector.shape_cast %get3A_194 : vector<1x16xf32> to vector<16xf32>
    %get3A_196 = arith.constant 1 : i32
    %get3A_197 = arith.index_cast %get3A_196 : i32 to index
    %get3A_198 = arith.constant 96 : index
    %get3A_199 = tpu.vector_load %arg8[%get3A_197, %get3A_198] {strides = array<i32>} : memref<32x128xf32, #tpu.memory_space<vmem>>, vector<1x16xf32>,
    %get3A_200 = vector.shape_cast %get3A_199 : vector<1x16xf32> to vector<16xf32>
    %mul3A_201 = arith.mulf %get3A_195, %get3A_200 : vector<16xf32>
    %add3A_202 = arith.addf %add3A_190, %mul3A_201 : vector<16xf32>
    %get3A_203 = arith.constant 15 : i32
    %get3A_204 = arith.index_cast %get3A_203 : i32 to index
    %get3A_205 = arith.constant 0 : index
    %get3A_206 = tpu.vector_load %arg7[%get3A_204, %get3A_205] {strides = array<i32>} : memref<256x16xf32, #tpu.memory_space<vmem>>, vector<1x16xf32>,
    %get3A_207 = vector.shape_cast %get3A_206 : vector<1x16xf32> to vector<16xf32>
    %get3A_208 = arith.constant 1 : i32
    %get3A_209 = arith.index_cast %get3A_208 : i32 to index
    %get3A_210 = arith.constant 112 : index
    %get3A_211 = tpu.vector_load %arg8[%get3A_209, %get3A_210] {strides = array<i32>} : memref<32x128xf32, #tpu.memory_space<vmem>>, vector<1x16xf32>,
    %get3A_212 = vector.shape_cast %get3A_211 : vector<1x16xf32> to vector<16xf32>
    %mul3A_213 = arith.mulf %get3A_207, %get3A_212 : vector<16xf32>
    %add3A_214 = arith.addf %add3A_202, %mul3A_213 : vector<16xf32>
    %swap3A_215 = arith.constant 1 : i32
    %swap3A_216 = arith.index_cast %swap3A_215 : i32 to index
    %swap3A_217 = arith.constant 0 : index
    %swap3A_218 = tpu.vector_load %arg9[%swap3A_216, %swap3A_217] {strides = array<i32>} : memref<32x16xf32, #tpu.memory_space<vmem>>, vector<1x16xf32>,
    %swap3A_219 = vector.shape_cast %swap3A_218 : vector<1x16xf32> to vector<16xf32>
    %swap3A_220 = vector.shape_cast %add3A_214 : vector<16xf32> to vector<1x16xf32>
    tpu.vector_store %arg9[%swap3A_216, %swap3A_217], %swap3A_220 {strides = array<i32>} : memref<32x16xf32, #tpu.memory_space<vmem>>, vector<1x16xf32>,
    %get3A_221 = arith.constant 16 : i32
    %get3A_222 = arith.index_cast %get3A_221 : i32 to index
    %get3A_223 = arith.constant 0 : index
    %get3A_224 = tpu.vector_load %arg7[%get3A_222, %get3A_223] {strides = array<i32>} : memref<256x16xf32, #tpu.memory_space<vmem>>, vector<1x16xf32>,
    %get3A_225 = vector.shape_cast %get3A_224 : vector<1x16xf32> to vector<16xf32>
    %get3A_226 = arith.constant 2 : i32
    %get3A_227 = arith.index_cast %get3A_226 : i32 to index
    %get3A_228 = arith.constant 0 : index
    %get3A_229 = tpu.vector_load %arg8[%get3A_227, %get3A_228] {strides = array<i32>} : memref<32x128xf32, #tpu.memory_space<vmem>>, vector<1x16xf32>,
    %get3A_230 = vector.shape_cast %get3A_229 : vector<1x16xf32> to vector<16xf32>
    %mul3A_231 = arith.mulf %get3A_225, %get3A_230 : vector<16xf32>
    %get3A_232 = arith.constant 17 : i32
    %get3A_233 = arith.index_cast %get3A_232 : i32 to index
    %get3A_234 = arith.constant 0 : index
    %get3A_235 = tpu.vector_load %arg7[%get3A_233, %get3A_234] {strides = array<i32>} : memref<256x16xf32, #tpu.memory_space<vmem>>, vector<1x16xf32>,
    %get3A_236 = vector.shape_cast %get3A_235 : vector<1x16xf32> to vector<16xf32>
    %get3A_237 = arith.constant 2 : i32
    %get3A_238 = arith.index_cast %get3A_237 : i32 to index
    %get3A_239 = arith.constant 16 : index
    %get3A_240 = tpu.vector_load %arg8[%get3A_238, %get3A_239] {strides = array<i32>} : memref<32x128xf32, #tpu.memory_space<vmem>>, vector<1x16xf32>,
    %get3A_241 = vector.shape_cast %get3A_240 : vector<1x16xf32> to vector<16xf32>
    %mul3A_242 = arith.mulf %get3A_236, %get3A_241 : vector<16xf32>
    %add3A_243 = arith.addf %mul3A_231, %mul3A_242 : vector<16xf32>
    %get3A_244 = arith.constant 18 : i32
    %get3A_245 = arith.index_cast %get3A_244 : i32 to index
    %get3A_246 = arith.constant 0 : index
    %get3A_247 = tpu.vector_load %arg7[%get3A_245, %get3A_246] {strides = array<i32>} : memref<256x16xf32, #tpu.memory_space<vmem>>, vector<1x16xf32>,
    %get3A_248 = vector.shape_cast %get3A_247 : vector<1x16xf32> to vector<16xf32>
    %get3A_249 = arith.constant 2 : i32
    %get3A_250 = arith.index_cast %get3A_249 : i32 to index
    %get3A_251 = arith.constant 32 : index
    %get3A_252 = tpu.vector_load %arg8[%get3A_250, %get3A_251] {strides = array<i32>} : memref<32x128xf32, #tpu.memory_space<vmem>>, vector<1x16xf32>,
    %get3A_253 = vector.shape_cast %get3A_252 : vector<1x16xf32> to vector<16xf32>
    %mul3A_254 = arith.mulf %get3A_248, %get3A_253 : vector<16xf32>
    %add3A_255 = arith.addf %add3A_243, %mul3A_254 : vector<16xf32>
    %get3A_256 = arith.constant 19 : i32
    %get3A_257 = arith.index_cast %get3A_256 : i32 to index
    %get3A_258 = arith.constant 0 : index
    %get3A_259 = tpu.vector_load %arg7[%get3A_257, %get3A_258] {strides = array<i32>} : memref<256x16xf32, #tpu.memory_space<vmem>>, vector<1x16xf32>,
    %get3A_260 = vector.shape_cast %get3A_259 : vector<1x16xf32> to vector<16xf32>
    %get3A_261 = arith.constant 2 : i32
    %get3A_262 = arith.index_cast %get3A_261 : i32 to index
    %get3A_263 = arith.constant 48 : index
    %get3A_264 = tpu.vector_load %arg8[%get3A_262, %get3A_263] {strides = array<i32>} : memref<32x128xf32, #tpu.memory_space<vmem>>, vector<1x16xf32>,
    %get3A_265 = vector.shape_cast %get3A_264 : vector<1x16xf32> to vector<16xf32>
    %mul3A_266 = arith.mulf %get3A_260, %get3A_265 : vector<16xf32>
    %add3A_267 = arith.addf %add3A_255, %mul3A_266 : vector<16xf32>
    %get3A_268 = arith.constant 20 : i32
    %get3A_269 = arith.index_cast %get3A_268 : i32 to index
    %get3A_270 = arith.constant 0 : index
    %get3A_271 = tpu.vector_load %arg7[%get3A_269, %get3A_270] {strides = array<i32>} : memref<256x16xf32, #tpu.memory_space<vmem>>, vector<1x16xf32>,
    %get3A_272 = vector.shape_cast %get3A_271 : vector<1x16xf32> to vector<16xf32>
    %get3A_273 = arith.constant 2 : i32
    %get3A_274 = arith.index_cast %get3A_273 : i32 to index
    %get3A_275 = arith.constant 64 : index
    %get3A_276 = tpu.vector_load %arg8[%get3A_274, %get3A_275] {strides = array<i32>} : memref<32x128xf32, #tpu.memory_space<vmem>>, vector<1x16xf32>,
    %get3A_277 = vector.shape_cast %get3A_276 : vector<1x16xf32> to vector<16xf32>
    %mul3A_278 = arith.mulf %get3A_272, %get3A_277 : vector<16xf32>
    %add3A_279 = arith.addf %add3A_267, %mul3A_278 : vector<16xf32>
    %get3A_280 = arith.constant 21 : i32
    %get3A_281 = arith.index_cast %get3A_280 : i32 to index
    %get3A_282 = arith.constant 0 : index
    %get3A_283 = tpu.vector_load %arg7[%get3A_281, %get3A_282] {strides = array<i32>} : memref<256x16xf32, #tpu.memory_space<vmem>>, vector<1x16xf32>,
    %get3A_284 = vector.shape_cast %get3A_283 : vector<1x16xf32> to vector<16xf32>
    %get3A_285 = arith.constant 2 : i32
    %get3A_286 = arith.index_cast %get3A_285 : i32 to index
    %get3A_287 = arith.constant 80 : index
    %get3A_288 = tpu.vector_load %arg8[%get3A_286, %get3A_287] {strides = array<i32>} : memref<32x128xf32, #tpu.memory_space<vmem>>, vector<1x16xf32>,
    %get3A_289 = vector.shape_cast %get3A_288 : vector<1x16xf32> to vector<16xf32>
    %mul3A_290 = arith.mulf %get3A_284, %get3A_289 : vector<16xf32>
    %add3A_291 = arith.addf %add3A_279, %mul3A_290 : vector<16xf32>
    %get3A_292 = arith.constant 22 : i32
    %get3A_293 = arith.index_cast %get3A_292 : i32 to index
    %get3A_294 = arith.constant 0 : index
    %get3A_295 = tpu.vector_load %arg7[%get3A_293, %get3A_294] {strides = array<i32>} : memref<256x16xf32, #tpu.memory_space<vmem>>, vector<1x16xf32>,
    %get3A_296 = vector.shape_cast %get3A_295 : vector<1x16xf32> to vector<16xf32>
    %get3A_297 = arith.constant 2 : i32
    %get3A_298 = arith.index_cast %get3A_297 : i32 to index
    %get3A_299 = arith.constant 96 : index
    %get3A_300 = tpu.vector_load %arg8[%get3A_298, %get3A_299] {strides = array<i32>} : memref<32x128xf32, #tpu.memory_space<vmem>>, vector<1x16xf32>,
    %get3A_301 = vector.shape_cast %get3A_300 : vector<1x16xf32> to vector<16xf32>
    %mul3A_302 = arith.mulf %get3A_296, %get3A_301 : vector<16xf32>
    %add3A_303 = arith.addf %add3A_291, %mul3A_302 : vector<16xf32>
    %get3A_304 = arith.constant 23 : i32
    %get3A_305 = arith.index_cast %get3A_304 : i32 to index
    %get3A_306 = arith.constant 0 : index
    %get3A_307 = tpu.vector_load %arg7[%get3A_305, %get3A_306] {strides = array<i32>} : memref<256x16xf32, #tpu.memory_space<vmem>>, vector<1x16xf32>,
    %get3A_308 = vector.shape_cast %get3A_307 : vector<1x16xf32> to vector<16xf32>
    %get3A_309 = arith.constant 2 : i32
    %get3A_310 = arith.index_cast %get3A_309 : i32 to index
    %get3A_311 = arith.constant 112 : index
    %get3A_312 = tpu.vector_load %arg8[%get3A_310, %get3A_311] {strides = array<i32>} : memref<32x128xf32, #tpu.memory_space<vmem>>, vector<1x16xf32>,
    %get3A_313 = vector.shape_cast %get3A_312 : vector<1x16xf32> to vector<16xf32>
    %mul3A_314 = arith.mulf %get3A_308, %get3A_313 : vector<16xf32>
    %add3A_315 = arith.addf %add3A_303, %mul3A_314 : vector<16xf32>
    %swap3A_316 = arith.constant 2 : i32
    %swap3A_317 = arith.index_cast %swap3A_316 : i32 to index
    %swap3A_318 = arith.constant 0 : index
    %swap3A_319 = tpu.vector_load %arg9[%swap3A_317, %swap3A_318] {strides = array<i32>} : memref<32x16xf32, #tpu.memory_space<vmem>>, vector<1x16xf32>,
    %swap3A_320 = vector.shape_cast %swap3A_319 : vector<1x16xf32> to vector<16xf32>
    %swap3A_321 = vector.shape_cast %add3A_315 : vector<16xf32> to vector<1x16xf32>
    tpu.vector_store %arg9[%swap3A_317, %swap3A_318], %swap3A_321 {strides = array<i32>} : memref<32x16xf32, #tpu.memory_space<vmem>>, vector<1x16xf32>,
    %get3A_322 = arith.constant 24 : i32
    %get3A_323 = arith.index_cast %get3A_322 : i32 to index
    %get3A_324 = arith.constant 0 : index
    %get3A_325 = tpu.vector_load %arg7[%get3A_323, %get3A_324] {strides = array<i32>} : memref<256x16xf32, #tpu.memory_space<vmem>>, vector<1x16xf32>,
    %get3A_326 = vector.shape_cast %get3A_325 : vector<1x16xf32> to vector<16xf32>
    %get3A_327 = arith.constant 3 : i32
    %get3A_328 = arith.index_cast %get3A_327 : i32 to index
    %get3A_329 = arith.constant 0 : index
    %get3A_330 = tpu.vector_load %arg8[%get3A_328, %get3A_329] {strides = array<i32>} : memref<32x128xf32, #tpu.memory_space<vmem>>, vector<1x16xf32>,
    %get3A_331 = vector.shape_cast %get3A_330 : vector<1x16xf32> to vector<16xf32>
    %mul3A_332 = arith.mulf %get3A_326, %get3A_331 : vector<16xf32>
    %get3A_333 = arith.constant 25 : i32
    %get3A_334 = arith.index_cast %get3A_333 : i32 to index
    %get3A_335 = arith.constant 0 : index
    %get3A_336 = tpu.vector_load %arg7[%get3A_334, %get3A_335] {strides = array<i32>} : memref<256x16xf32, #tpu.memory_space<vmem>>, vector<1x16xf32>,
    %get3A_337 = vector.shape_cast %get3A_336 : vector<1x16xf32> to vector<16xf32>
    %get3A_338 = arith.constant 3 : i32
    %get3A_339 = arith.index_cast %get3A_338 : i32 to index
    %get3A_340 = arith.constant 16 : index
    %get3A_341 = tpu.vector_load %arg8[%get3A_339, %get3A_340] {strides = array<i32>} : memref<32x128xf32, #tpu.memory_space<vmem>>, vector<1x16xf32>,
    %get3A_342 = vector.shape_cast %get3A_341 : vector<1x16xf32> to vector<16xf32>
    %mul3A_343 = arith.mulf %get3A_337, %get3A_342 : vector<16xf32>
    %add3A_344 = arith.addf %mul3A_332, %mul3A_343 : vector<16xf32>
    %get3A_345 = arith.constant 26 : i32
    %get3A_346 = arith.index_cast %get3A_345 : i32 to index
    %get3A_347 = arith.constant 0 : index
    %get3A_348 = tpu.vector_load %arg7[%get3A_346, %get3A_347] {strides = array<i32>} : memref<256x16xf32, #tpu.memory_space<vmem>>, vector<1x16xf32>,
    %get3A_349 = vector.shape_cast %get3A_348 : vector<1x16xf32> to vector<16xf32>
    %get3A_350 = arith.constant 3 : i32
    %get3A_351 = arith.index_cast %get3A_350 : i32 to index
    %get3A_352 = arith.constant 32 : index
    %get3A_353 = tpu.vector_load %arg8[%get3A_351, %get3A_352] {strides = array<i32>} : memref<32x128xf32, #tpu.memory_space<vmem>>, vector<1x16xf32>,
    %get3A_354 = vector.shape_cast %get3A_353 : vector<1x16xf32> to vector<16xf32>
    %mul3A_355 = arith.mulf %get3A_349, %get3A_354 : vector<16xf32>
    %add3A_356 = arith.addf %add3A_344, %mul3A_355 : vector<16xf32>
    %get3A_357 = arith.constant 27 : i32
    %get3A_358 = arith.index_cast %get3A_357 : i32 to index
    %get3A_359 = arith.constant 0 : index
    %get3A_360 = tpu.vector_load %arg7[%get3A_358, %get3A_359] {strides = array<i32>} : memref<256x16xf32, #tpu.memory_space<vmem>>, vector<1x16xf32>,
    %get3A_361 = vector.shape_cast %get3A_360 : vector<1x16xf32> to vector<16xf32>
    %get3A_362 = arith.constant 3 : i32
    %get3A_363 = arith.index_cast %get3A_362 : i32 to index
    %get3A_364 = arith.constant 48 : index
    %get3A_365 = tpu.vector_load %arg8[%get3A_363, %get3A_364] {strides = array<i32>} : memref<32x128xf32, #tpu.memory_space<vmem>>, vector<1x16xf32>,
    %get3A_366 = vector.shape_cast %get3A_365 : vector<1x16xf32> to vector<16xf32>
    %mul3A_367 = arith.mulf %get3A_361, %get3A_366 : vector<16xf32>
    %add3A_368 = arith.addf %add3A_356, %mul3A_367 : vector<16xf32>
    %get3A_369 = arith.constant 28 : i32
    %get3A_370 = arith.index_cast %get3A_369 : i32 to index
    %get3A_371 = arith.constant 0 : index
    %get3A_372 = tpu.vector_load %arg7[%get3A_370, %get3A_371] {strides = array<i32>} : memref<256x16xf32, #tpu.memory_space<vmem>>, vector<1x16xf32>,
    %get3A_373 = vector.shape_cast %get3A_372 : vector<1x16xf32> to vector<16xf32>
    %get3A_374 = arith.constant 3 : i32
    %get3A_375 = arith.index_cast %get3A_374 : i32 to index
    %get3A_376 = arith.constant 64 : index
    %get3A_377 = tpu.vector_load %arg8[%get3A_375, %get3A_376] {strides = array<i32>} : memref<32x128xf32, #tpu.memory_space<vmem>>, vector<1x16xf32>,
    %get3A_378 = vector.shape_cast %get3A_377 : vector<1x16xf32> to vector<16xf32>
    %mul3A_379 = arith.mulf %get3A_373, %get3A_378 : vector<16xf32>
    %add3A_380 = arith.addf %add3A_368, %mul3A_379 : vector<16xf32>
    %get3A_381 = arith.constant 29 : i32
    %get3A_382 = arith.index_cast %get3A_381 : i32 to index
    %get3A_383 = arith.constant 0 : index
    %get3A_384 = tpu.vector_load %arg7[%get3A_382, %get3A_383] {strides = array<i32>} : memref<256x16xf32, #tpu.memory_space<vmem>>, vector<1x16xf32>,
    %get3A_385 = vector.shape_cast %get3A_384 : vector<1x16xf32> to vector<16xf32>
    %get3A_386 = arith.constant 3 : i32
    %get3A_387 = arith.index_cast %get3A_386 : i32 to index
    %get3A_388 = arith.constant 80 : index
    %get3A_389 = tpu.vector_load %arg8[%get3A_387, %get3A_388] {strides = array<i32>} : memref<32x128xf32, #tpu.memory_space<vmem>>, vector<1x16xf32>,
    %get3A_390 = vector.shape_cast %get3A_389 : vector<1x16xf32> to vector<16xf32>
    %mul3A_391 = arith.mulf %get3A_385, %get3A_390 : vector<16xf32>
    %add3A_392 = arith.addf %add3A_380, %mul3A_391 : vector<16xf32>
    %get3A_393 = arith.constant 30 : i32
    %get3A_394 = arith.index_cast %get3A_393 : i32 to index
    %get3A_395 = arith.constant 0 : index
    %get3A_396 = tpu.vector_load %arg7[%get3A_394, %get3A_395] {strides = array<i32>} : memref<256x16xf32, #tpu.memory_space<vmem>>, vector<1x16xf32>,
    %get3A_397 = vector.shape_cast %get3A_396 : vector<1x16xf32> to vector<16xf32>
    %get3A_398 = arith.constant 3 : i32
    %get3A_399 = arith.index_cast %get3A_398 : i32 to index
    %get3A_400 = arith.constant 96 : index
    %get3A_401 = tpu.vector_load %arg8[%get3A_399, %get3A_400] {strides = array<i32>} : memref<32x128xf32, #tpu.memory_space<vmem>>, vector<1x16xf32>,
    %get3A_402 = vector.shape_cast %get3A_401 : vector<1x16xf32> to vector<16xf32>
    %mul3A_403 = arith.mulf %get3A_397, %get3A_402 : vector<16xf32>
    %add3A_404 = arith.addf %add3A_392, %mul3A_403 : vector<16xf32>
    %get3A_405 = arith.constant 31 : i32
    %get3A_406 = arith.index_cast %get3A_405 : i32 to index
    %get3A_407 = arith.constant 0 : index
    %get3A_408 = tpu.vector_load %arg7[%get3A_406, %get3A_407] {strides = array<i32>} : memref<256x16xf32, #tpu.memory_space<vmem>>, vector<1x16xf32>,
    %get3A_409 = vector.shape_cast %get3A_408 : vector<1x16xf32> to vector<16xf32>
    %get3A_410 = arith.constant 3 : i32
    %get3A_411 = arith.index_cast %get3A_410 : i32 to index
    %get3A_412 = arith.constant 112 : index
    %get3A_413 = tpu.vector_load %arg8[%get3A_411, %get3A_412] {strides = array<i32>} : memref<32x128xf32, #tpu.memory_space<vmem>>, vector<1x16xf32>,
    %get3A_414 = vector.shape_cast %get3A_413 : vector<1x16xf32> to vector<16xf32>
    %mul3A_415 = arith.mulf %get3A_409, %get3A_414 : vector<16xf32>
    %add3A_416 = arith.addf %add3A_404, %mul3A_415 : vector<16xf32>
    %swap3A_417 = arith.constant 3 : i32
    %swap3A_418 = arith.index_cast %swap3A_417 : i32 to index
    %swap3A_419 = arith.constant 0 : index
    %swap3A_420 = tpu.vector_load %arg9[%swap3A_418, %swap3A_419] {strides = array<i32>} : memref<32x16xf32, #tpu.memory_space<vmem>>, vector<1x16xf32>,
    %swap3A_421 = vector.shape_cast %swap3A_420 : vector<1x16xf32> to vector<16xf32>
    %swap3A_422 = vector.shape_cast %add3A_416 : vector<16xf32> to vector<1x16xf32>
    tpu.vector_store %arg9[%swap3A_418, %swap3A_419], %swap3A_422 {strides = array<i32>} : memref<32x16xf32, #tpu.memory_space<vmem>>, vector<1x16xf32>,
    %get3A_423 = arith.constant 32 : i32
    %get3A_424 = arith.index_cast %get3A_423 : i32 to index
    %get3A_425 = arith.constant 0 : index
    %get3A_426 = tpu.vector_load %arg7[%get3A_424, %get3A_425] {strides = array<i32>} : memref<256x16xf32, #tpu.memory_space<vmem>>, vector<1x16xf32>,
    %get3A_427 = vector.shape_cast %get3A_426 : vector<1x16xf32> to vector<16xf32>
    %get3A_428 = arith.constant 4 : i32
    %get3A_429 = arith.index_cast %get3A_428 : i32 to index
    %get3A_430 = arith.constant 0 : index
    %get3A_431 = tpu.vector_load %arg8[%get3A_429, %get3A_430] {strides = array<i32>} : memref<32x128xf32, #tpu.memory_space<vmem>>, vector<1x16xf32>,
    %get3A_432 = vector.shape_cast %get3A_431 : vector<1x16xf32> to vector<16xf32>
    %mul3A_433 = arith.mulf %get3A_427, %get3A_432 : vector<16xf32>
    %get3A_434 = arith.constant 33 : i32
    %get3A_435 = arith.index_cast %get3A_434 : i32 to index
    %get3A_436 = arith.constant 0 : index
    %get3A_437 = tpu.vector_load %arg7[%get3A_435, %get3A_436] {strides = array<i32>} : memref<256x16xf32, #tpu.memory_space<vmem>>, vector<1x16xf32>,
    %get3A_438 = vector.shape_cast %get3A_437 : vector<1x16xf32> to vector<16xf32>
    %get3A_439 = arith.constant 4 : i32
    %get3A_440 = arith.index_cast %get3A_439 : i32 to index
    %get3A_441 = arith.constant 16 : index
    %get3A_442 = tpu.vector_load %arg8[%get3A_440, %get3A_441] {strides = array<i32>} : memref<32x128xf32, #tpu.memory_space<vmem>>, vector<1x16xf32>,
    %get3A_443 = vector.shape_cast %get3A_442 : vector<1x16xf32> to vector<16xf32>
    %mul3A_444 = arith.mulf %get3A_438, %get3A_443 : vector<16xf32>
    %add3A_445 = arith.addf %mul3A_433, %mul3A_444 : vector<16xf32>
    %get3A_446 = arith.constant 34 : i32
    %get3A_447 = arith.index_cast %get3A_446 : i32 to index
    %get3A_448 = arith.constant 0 : index
    %get3A_449 = tpu.vector_load %arg7[%get3A_447, %get3A_448] {strides = array<i32>} : memref<256x16xf32, #tpu.memory_space<vmem>>, vector<1x16xf32>,
    %get3A_450 = vector.shape_cast %get3A_449 : vector<1x16xf32> to vector<16xf32>
    %get3A_451 = arith.constant 4 : i32
    %get3A_452 = arith.index_cast %get3A_451 : i32 to index
    %get3A_453 = arith.constant 32 : index
    %get3A_454 = tpu.vector_load %arg8[%get3A_452, %get3A_453] {strides = array<i32>} : memref<32x128xf32, #tpu.memory_space<vmem>>, vector<1x16xf32>,
    %get3A_455 = vector.shape_cast %get3A_454 : vector<1x16xf32> to vector<16xf32>
    %mul3A_456 = arith.mulf %get3A_450, %get3A_455 : vector<16xf32>
    %add3A_457 = arith.addf %add3A_445, %mul3A_456 : vector<16xf32>
    %get3A_458 = arith.constant 35 : i32
    %get3A_459 = arith.index_cast %get3A_458 : i32 to index
    %get3A_460 = arith.constant 0 : index
    %get3A_461 = tpu.vector_load %arg7[%get3A_459, %get3A_460] {strides = array<i32>} : memref<256x16xf32, #tpu.memory_space<vmem>>, vector<1x16xf32>,
    %get3A_462 = vector.shape_cast %get3A_461 : vector<1x16xf32> to vector<16xf32>
    %get3A_463 = arith.constant 4 : i32
    %get3A_464 = arith.index_cast %get3A_463 : i32 to index
    %get3A_465 = arith.constant 48 : index
    %get3A_466 = tpu.vector_load %arg8[%get3A_464, %get3A_465] {strides = array<i32>} : memref<32x128xf32, #tpu.memory_space<vmem>>, vector<1x16xf32>,
    %get3A_467 = vector.shape_cast %get3A_466 : vector<1x16xf32> to vector<16xf32>
    %mul3A_468 = arith.mulf %get3A_462, %get3A_467 : vector<16xf32>
    %add3A_469 = arith.addf %add3A_457, %mul3A_468 : vector<16xf32>
    %get3A_470 = arith.constant 36 : i32
    %get3A_471 = arith.index_cast %get3A_470 : i32 to index
    %get3A_472 = arith.constant 0 : index
    %get3A_473 = tpu.vector_load %arg7[%get3A_471, %get3A_472] {strides = array<i32>} : memref<256x16xf32, #tpu.memory_space<vmem>>, vector<1x16xf32>,
    %get3A_474 = vector.shape_cast %get3A_473 : vector<1x16xf32> to vector<16xf32>
    %get3A_475 = arith.constant 4 : i32
    %get3A_476 = arith.index_cast %get3A_475 : i32 to index
    %get3A_477 = arith.constant 64 : index
    %get3A_478 = tpu.vector_load %arg8[%get3A_476, %get3A_477] {strides = array<i32>} : memref<32x128xf32, #tpu.memory_space<vmem>>, vector<1x16xf32>,
    %get3A_479 = vector.shape_cast %get3A_478 : vector<1x16xf32> to vector<16xf32>
    %mul3A_480 = arith.mulf %get3A_474, %get3A_479 : vector<16xf32>
    %add3A_481 = arith.addf %add3A_469, %mul3A_480 : vector<16xf32>
    %get3A_482 = arith.constant 37 : i32
    %get3A_483 = arith.index_cast %get3A_482 : i32 to index
    %get3A_484 = arith.constant 0 : index
    %get3A_485 = tpu.vector_load %arg7[%get3A_483, %get3A_484] {strides = array<i32>} : memref<256x16xf32, #tpu.memory_space<vmem>>, vector<1x16xf32>,
    %get3A_486 = vector.shape_cast %get3A_485 : vector<1x16xf32> to vector<16xf32>
    %get3A_487 = arith.constant 4 : i32
    %get3A_488 = arith.index_cast %get3A_487 : i32 to index
    %get3A_489 = arith.constant 80 : index
    %get3A_490 = tpu.vector_load %arg8[%get3A_488, %get3A_489] {strides = array<i32>} : memref<32x128xf32, #tpu.memory_space<vmem>>, vector<1x16xf32>,
    %get3A_491 = vector.shape_cast %get3A_490 : vector<1x16xf32> to vector<16xf32>
    %mul3A_492 = arith.mulf %get3A_486, %get3A_491 : vector<16xf32>
    %add3A_493 = arith.addf %add3A_481, %mul3A_492 : vector<16xf32>
    %get3A_494 = arith.constant 38 : i32
    %get3A_495 = arith.index_cast %get3A_494 : i32 to index
    %get3A_496 = arith.constant 0 : index
    %get3A_497 = tpu.vector_load %arg7[%get3A_495, %get3A_496] {strides = array<i32>} : memref<256x16xf32, #tpu.memory_space<vmem>>, vector<1x16xf32>,
    %get3A_498 = vector.shape_cast %get3A_497 : vector<1x16xf32> to vector<16xf32>
    %get3A_499 = arith.constant 4 : i32
    %get3A_500 = arith.index_cast %get3A_499 : i32 to index
    %get3A_501 = arith.constant 96 : index
    %get3A_502 = tpu.vector_load %arg8[%get3A_500, %get3A_501] {strides = array<i32>} : memref<32x128xf32, #tpu.memory_space<vmem>>, vector<1x16xf32>,
    %get3A_503 = vector.shape_cast %get3A_502 : vector<1x16xf32> to vector<16xf32>
    %mul3A_504 = arith.mulf %get3A_498, %get3A_503 : vector<16xf32>
    %add3A_505 = arith.addf %add3A_493, %mul3A_504 : vector<16xf32>
    %get3A_506 = arith.constant 39 : i32
    %get3A_507 = arith.index_cast %get3A_506 : i32 to index
    %get3A_508 = arith.constant 0 : index
    %get3A_509 = tpu.vector_load %arg7[%get3A_507, %get3A_508] {strides = array<i32>} : memref<256x16xf32, #tpu.memory_space<vmem>>, vector<1x16xf32>,
    %get3A_510 = vector.shape_cast %get3A_509 : vector<1x16xf32> to vector<16xf32>
    %get3A_511 = arith.constant 4 : i32
    %get3A_512 = arith.index_cast %get3A_511 : i32 to index
    %get3A_513 = arith.constant 112 : index
    %get3A_514 = tpu.vector_load %arg8[%get3A_512, %get3A_513] {strides = array<i32>} : memref<32x128xf32, #tpu.memory_space<vmem>>, vector<1x16xf32>,
    %get3A_515 = vector.shape_cast %get3A_514 : vector<1x16xf32> to vector<16xf32>
    %mul3A_516 = arith.mulf %get3A_510, %get3A_515 : vector<16xf32>
    %add3A_517 = arith.addf %add3A_505, %mul3A_516 : vector<16xf32>
    %swap3A_518 = arith.constant 4 : i32
    %swap3A_519 = arith.index_cast %swap3A_518 : i32 to index
    %swap3A_520 = arith.constant 0 : index
    %swap3A_521 = tpu.vector_load %arg9[%swap3A_519, %swap3A_520] {strides = array<i32>} : memref<32x16xf32, #tpu.memory_space<vmem>>, vector<1x16xf32>,
    %swap3A_522 = vector.shape_cast %swap3A_521 : vector<1x16xf32> to vector<16xf32>
    %swap3A_523 = vector.shape_cast %add3A_517 : vector<16xf32> to vector<1x16xf32>
    tpu.vector_store %arg9[%swap3A_519, %swap3A_520], %swap3A_523 {strides = array<i32>} : memref<32x16xf32, #tpu.memory_space<vmem>>, vector<1x16xf32>,
    %get3A_524 = arith.constant 40 : i32
    %get3A_525 = arith.index_cast %get3A_524 : i32 to index
    %get3A_526 = arith.constant 0 : index
    %get3A_527 = tpu.vector_load %arg7[%get3A_525, %get3A_526] {strides = array<i32>} : memref<256x16xf32, #tpu.memory_space<vmem>>, vector<1x16xf32>,
    %get3A_528 = vector.shape_cast %get3A_527 : vector<1x16xf32> to vector<16xf32>
    %get3A_529 = arith.constant 5 : i32
    %get3A_530 = arith.index_cast %get3A_529 : i32 to index
    %get3A_531 = arith.constant 0 : index
    %get3A_532 = tpu.vector_load %arg8[%get3A_530, %get3A_531] {strides = array<i32>} : memref<32x128xf32, #tpu.memory_space<vmem>>, vector<1x16xf32>,
    %get3A_533 = vector.shape_cast %get3A_532 : vector<1x16xf32> to vector<16xf32>
    %mul3A_534 = arith.mulf %get3A_528, %get3A_533 : vector<16xf32>
    %get3A_535 = arith.constant 41 : i32
    %get3A_536 = arith.index_cast %get3A_535 : i32 to index
    %get3A_537 = arith.constant 0 : index
    %get3A_538 = tpu.vector_load %arg7[%get3A_536, %get3A_537] {strides = array<i32>} : memref<256x16xf32, #tpu.memory_space<vmem>>, vector<1x16xf32>,
    %get3A_539 = vector.shape_cast %get3A_538 : vector<1x16xf32> to vector<16xf32>
    %get3A_540 = arith.constant 5 : i32
    %get3A_541 = arith.index_cast %get3A_540 : i32 to index
    %get3A_542 = arith.constant 16 : index
    %get3A_543 = tpu.vector_load %arg8[%get3A_541, %get3A_542] {strides = array<i32>} : memref<32x128xf32, #tpu.memory_space<vmem>>, vector<1x16xf32>,
    %get3A_544 = vector.shape_cast %get3A_543 : vector<1x16xf32> to vector<16xf32>
    %mul3A_545 = arith.mulf %get3A_539, %get3A_544 : vector<16xf32>
    %add3A_546 = arith.addf %mul3A_534, %mul3A_545 : vector<16xf32>
    %get3A_547 = arith.constant 42 : i32
    %get3A_548 = arith.index_cast %get3A_547 : i32 to index
    %get3A_549 = arith.constant 0 : index
    %get3A_550 = tpu.vector_load %arg7[%get3A_548, %get3A_549] {strides = array<i32>} : memref<256x16xf32, #tpu.memory_space<vmem>>, vector<1x16xf32>,
    %get3A_551 = vector.shape_cast %get3A_550 : vector<1x16xf32> to vector<16xf32>
    %get3A_552 = arith.constant 5 : i32
    %get3A_553 = arith.index_cast %get3A_552 : i32 to index
    %get3A_554 = arith.constant 32 : index
    %get3A_555 = tpu.vector_load %arg8[%get3A_553, %get3A_554] {strides = array<i32>} : memref<32x128xf32, #tpu.memory_space<vmem>>, vector<1x16xf32>,
    %get3A_556 = vector.shape_cast %get3A_555 : vector<1x16xf32> to vector<16xf32>
    %mul3A_557 = arith.mulf %get3A_551, %get3A_556 : vector<16xf32>
    %add3A_558 = arith.addf %add3A_546, %mul3A_557 : vector<16xf32>
    %get3A_559 = arith.constant 43 : i32
    %get3A_560 = arith.index_cast %get3A_559 : i32 to index
    %get3A_561 = arith.constant 0 : index
    %get3A_562 = tpu.vector_load %arg7[%get3A_560, %get3A_561] {strides = array<i32>} : memref<256x16xf32, #tpu.memory_space<vmem>>, vector<1x16xf32>,
    %get3A_563 = vector.shape_cast %get3A_562 : vector<1x16xf32> to vector<16xf32>
    %get3A_564 = arith.constant 5 : i32
    %get3A_565 = arith.index_cast %get3A_564 : i32 to index
    %get3A_566 = arith.constant 48 : index
    %get3A_567 = tpu.vector_load %arg8[%get3A_565, %get3A_566] {strides = array<i32>} : memref<32x128xf32, #tpu.memory_space<vmem>>, vector<1x16xf32>,
    %get3A_568 = vector.shape_cast %get3A_567 : vector<1x16xf32> to vector<16xf32>
    %mul3A_569 = arith.mulf %get3A_563, %get3A_568 : vector<16xf32>
    %add3A_570 = arith.addf %add3A_558, %mul3A_569 : vector<16xf32>
    %get3A_571 = arith.constant 44 : i32
    %get3A_572 = arith.index_cast %get3A_571 : i32 to index
    %get3A_573 = arith.constant 0 : index
    %get3A_574 = tpu.vector_load %arg7[%get3A_572, %get3A_573] {strides = array<i32>} : memref<256x16xf32, #tpu.memory_space<vmem>>, vector<1x16xf32>,
    %get3A_575 = vector.shape_cast %get3A_574 : vector<1x16xf32> to vector<16xf32>
    %get3A_576 = arith.constant 5 : i32
    %get3A_577 = arith.index_cast %get3A_576 : i32 to index
    %get3A_578 = arith.constant 64 : index
    %get3A_579 = tpu.vector_load %arg8[%get3A_577, %get3A_578] {strides = array<i32>} : memref<32x128xf32, #tpu.memory_space<vmem>>, vector<1x16xf32>,
    %get3A_580 = vector.shape_cast %get3A_579 : vector<1x16xf32> to vector<16xf32>
    %mul3A_581 = arith.mulf %get3A_575, %get3A_580 : vector<16xf32>
    %add3A_582 = arith.addf %add3A_570, %mul3A_581 : vector<16xf32>
    %get3A_583 = arith.constant 45 : i32
    %get3A_584 = arith.index_cast %get3A_583 : i32 to index
    %get3A_585 = arith.constant 0 : index
    %get3A_586 = tpu.vector_load %arg7[%get3A_584, %get3A_585] {strides = array<i32>} : memref<256x16xf32, #tpu.memory_space<vmem>>, vector<1x16xf32>,
    %get3A_587 = vector.shape_cast %get3A_586 : vector<1x16xf32> to vector<16xf32>
    %get3A_588 = arith.constant 5 : i32
    %get3A_589 = arith.index_cast %get3A_588 : i32 to index
    %get3A_590 = arith.constant 80 : index
    %get3A_591 = tpu.vector_load %arg8[%get3A_589, %get3A_590] {strides = array<i32>} : memref<32x128xf32, #tpu.memory_space<vmem>>, vector<1x16xf32>,
    %get3A_592 = vector.shape_cast %get3A_591 : vector<1x16xf32> to vector<16xf32>
    %mul3A_593 = arith.mulf %get3A_587, %get3A_592 : vector<16xf32>
    %add3A_594 = arith.addf %add3A_582, %mul3A_593 : vector<16xf32>
    %get3A_595 = arith.constant 46 : i32
    %get3A_596 = arith.index_cast %get3A_595 : i32 to index
    %get3A_597 = arith.constant 0 : index
    %get3A_598 = tpu.vector_load %arg7[%get3A_596, %get3A_597] {strides = array<i32>} : memref<256x16xf32, #tpu.memory_space<vmem>>, vector<1x16xf32>,
    %get3A_599 = vector.shape_cast %get3A_598 : vector<1x16xf32> to vector<16xf32>
    %get3A_600 = arith.constant 5 : i32
    %get3A_601 = arith.index_cast %get3A_600 : i32 to index
    %get3A_602 = arith.constant 96 : index
    %get3A_603 = tpu.vector_load %arg8[%get3A_601, %get3A_602] {strides = array<i32>} : memref<32x128xf32, #tpu.memory_space<vmem>>, vector<1x16xf32>,
    %get3A_604 = vector.shape_cast %get3A_603 : vector<1x16xf32> to vector<16xf32>
    %mul3A_605 = arith.mulf %get3A_599, %get3A_604 : vector<16xf32>
    %add3A_606 = arith.addf %add3A_594, %mul3A_605 : vector<16xf32>
    %get3A_607 = arith.constant 47 : i32
    %get3A_608 = arith.index_cast %get3A_607 : i32 to index
    %get3A_609 = arith.constant 0 : index
    %get3A_610 = tpu.vector_load %arg7[%get3A_608, %get3A_609] {strides = array<i32>} : memref<256x16xf32, #tpu.memory_space<vmem>>, vector<1x16xf32>,
    %get3A_611 = vector.shape_cast %get3A_610 : vector<1x16xf32> to vector<16xf32>
    %get3A_612 = arith.constant 5 : i32
    %get3A_613 = arith.index_cast %get3A_612 : i32 to index
    %get3A_614 = arith.constant 112 : index
    %get3A_615 = tpu.vector_load %arg8[%get3A_613, %get3A_614] {strides = array<i32>} : memref<32x128xf32, #tpu.memory_space<vmem>>, vector<1x16xf32>,
    %get3A_616 = vector.shape_cast %get3A_615 : vector<1x16xf32> to vector<16xf32>
    %mul3A_617 = arith.mulf %get3A_611, %get3A_616 : vector<16xf32>
    %add3A_618 = arith.addf %add3A_606, %mul3A_617 : vector<16xf32>
    %swap3A_619 = arith.constant 5 : i32
    %swap3A_620 = arith.index_cast %swap3A_619 : i32 to index
    %swap3A_621 = arith.constant 0 : index
    %swap3A_622 = tpu.vector_load %arg9[%swap3A_620, %swap3A_621] {strides = array<i32>} : memref<32x16xf32, #tpu.memory_space<vmem>>, vector<1x16xf32>,
    %swap3A_623 = vector.shape_cast %swap3A_622 : vector<1x16xf32> to vector<16xf32>
    %swap3A_624 = vector.shape_cast %add3A_618 : vector<16xf32> to vector<1x16xf32>
    tpu.vector_store %arg9[%swap3A_620, %swap3A_621], %swap3A_624 {strides = array<i32>} : memref<32x16xf32, #tpu.memory_space<vmem>>, vector<1x16xf32>,
    %get3A_625 = arith.constant 48 : i32
    %get3A_626 = arith.index_cast %get3A_625 : i32 to index
    %get3A_627 = arith.constant 0 : index
    %get3A_628 = tpu.vector_load %arg7[%get3A_626, %get3A_627] {strides = array<i32>} : memref<256x16xf32, #tpu.memory_space<vmem>>, vector<1x16xf32>,
    %get3A_629 = vector.shape_cast %get3A_628 : vector<1x16xf32> to vector<16xf32>
    %get3A_630 = arith.constant 6 : i32
    %get3A_631 = arith.index_cast %get3A_630 : i32 to index
    %get3A_632 = arith.constant 0 : index
    %get3A_633 = tpu.vector_load %arg8[%get3A_631, %get3A_632] {strides = array<i32>} : memref<32x128xf32, #tpu.memory_space<vmem>>, vector<1x16xf32>,
    %get3A_634 = vector.shape_cast %get3A_633 : vector<1x16xf32> to vector<16xf32>
    %mul3A_635 = arith.mulf %get3A_629, %get3A_634 : vector<16xf32>
    %get3A_636 = arith.constant 49 : i32
    %get3A_637 = arith.index_cast %get3A_636 : i32 to index
    %get3A_638 = arith.constant 0 : index
    %get3A_639 = tpu.vector_load %arg7[%get3A_637, %get3A_638] {strides = array<i32>} : memref<256x16xf32, #tpu.memory_space<vmem>>, vector<1x16xf32>,
    %get3A_640 = vector.shape_cast %get3A_639 : vector<1x16xf32> to vector<16xf32>
    %get3A_641 = arith.constant 6 : i32
    %get3A_642 = arith.index_cast %get3A_641 : i32 to index
    %get3A_643 = arith.constant 16 : index
    %get3A_644 = tpu.vector_load %arg8[%get3A_642, %get3A_643] {strides = array<i32>} : memref<32x128xf32, #tpu.memory_space<vmem>>, vector<1x16xf32>,
    %get3A_645 = vector.shape_cast %get3A_644 : vector<1x16xf32> to vector<16xf32>
    %mul3A_646 = arith.mulf %get3A_640, %get3A_645 : vector<16xf32>
    %add3A_647 = arith.addf %mul3A_635, %mul3A_646 : vector<16xf32>
    %get3A_648 = arith.constant 50 : i32
    %get3A_649 = arith.index_cast %get3A_648 : i32 to index
    %get3A_650 = arith.constant 0 : index
    %get3A_651 = tpu.vector_load %arg7[%get3A_649, %get3A_650] {strides = array<i32>} : memref<256x16xf32, #tpu.memory_space<vmem>>, vector<1x16xf32>,
    %get3A_652 = vector.shape_cast %get3A_651 : vector<1x16xf32> to vector<16xf32>
    %get3A_653 = arith.constant 6 : i32
    %get3A_654 = arith.index_cast %get3A_653 : i32 to index
    %get3A_655 = arith.constant 32 : index
    %get3A_656 = tpu.vector_load %arg8[%get3A_654, %get3A_655] {strides = array<i32>} : memref<32x128xf32, #tpu.memory_space<vmem>>, vector<1x16xf32>,
    %get3A_657 = vector.shape_cast %get3A_656 : vector<1x16xf32> to vector<16xf32>
    %mul3A_658 = arith.mulf %get3A_652, %get3A_657 : vector<16xf32>
    %add3A_659 = arith.addf %add3A_647, %mul3A_658 : vector<16xf32>
    %get3A_660 = arith.constant 51 : i32
    %get3A_661 = arith.index_cast %get3A_660 : i32 to index
    %get3A_662 = arith.constant 0 : index
    %get3A_663 = tpu.vector_load %arg7[%get3A_661, %get3A_662] {strides = array<i32>} : memref<256x16xf32, #tpu.memory_space<vmem>>, vector<1x16xf32>,
    %get3A_664 = vector.shape_cast %get3A_663 : vector<1x16xf32> to vector<16xf32>
    %get3A_665 = arith.constant 6 : i32
    %get3A_666 = arith.index_cast %get3A_665 : i32 to index
    %get3A_667 = arith.constant 48 : index
    %get3A_668 = tpu.vector_load %arg8[%get3A_666, %get3A_667] {strides = array<i32>} : memref<32x128xf32, #tpu.memory_space<vmem>>, vector<1x16xf32>,
    %get3A_669 = vector.shape_cast %get3A_668 : vector<1x16xf32> to vector<16xf32>
    %mul3A_670 = arith.mulf %get3A_664, %get3A_669 : vector<16xf32>
    %add3A_671 = arith.addf %add3A_659, %mul3A_670 : vector<16xf32>
    %get3A_672 = arith.constant 52 : i32
    %get3A_673 = arith.index_cast %get3A_672 : i32 to index
    %get3A_674 = arith.constant 0 : index
    %get3A_675 = tpu.vector_load %arg7[%get3A_673, %get3A_674] {strides = array<i32>} : memref<256x16xf32, #tpu.memory_space<vmem>>, vector<1x16xf32>,
    %get3A_676 = vector.shape_cast %get3A_675 : vector<1x16xf32> to vector<16xf32>
    %get3A_677 = arith.constant 6 : i32
    %get3A_678 = arith.index_cast %get3A_677 : i32 to index
    %get3A_679 = arith.constant 64 : index
    %get3A_680 = tpu.vector_load %arg8[%get3A_678, %get3A_679] {strides = array<i32>} : memref<32x128xf32, #tpu.memory_space<vmem>>, vector<1x16xf32>,
    %get3A_681 = vector.shape_cast %get3A_680 : vector<1x16xf32> to vector<16xf32>
    %mul3A_682 = arith.mulf %get3A_676, %get3A_681 : vector<16xf32>
    %add3A_683 = arith.addf %add3A_671, %mul3A_682 : vector<16xf32>
    %get3A_684 = arith.constant 53 : i32
    %get3A_685 = arith.index_cast %get3A_684 : i32 to index
    %get3A_686 = arith.constant 0 : index
    %get3A_687 = tpu.vector_load %arg7[%get3A_685, %get3A_686] {strides = array<i32>} : memref<256x16xf32, #tpu.memory_space<vmem>>, vector<1x16xf32>,
    %get3A_688 = vector.shape_cast %get3A_687 : vector<1x16xf32> to vector<16xf32>
    %get3A_689 = arith.constant 6 : i32
    %get3A_690 = arith.index_cast %get3A_689 : i32 to index
    %get3A_691 = arith.constant 80 : index
    %get3A_692 = tpu.vector_load %arg8[%get3A_690, %get3A_691] {strides = array<i32>} : memref<32x128xf32, #tpu.memory_space<vmem>>, vector<1x16xf32>,
    %get3A_693 = vector.shape_cast %get3A_692 : vector<1x16xf32> to vector<16xf32>
    %mul3A_694 = arith.mulf %get3A_688, %get3A_693 : vector<16xf32>
    %add3A_695 = arith.addf %add3A_683, %mul3A_694 : vector<16xf32>
    %get3A_696 = arith.constant 54 : i32
    %get3A_697 = arith.index_cast %get3A_696 : i32 to index
    %get3A_698 = arith.constant 0 : index
    %get3A_699 = tpu.vector_load %arg7[%get3A_697, %get3A_698] {strides = array<i32>} : memref<256x16xf32, #tpu.memory_space<vmem>>, vector<1x16xf32>,
    %get3A_700 = vector.shape_cast %get3A_699 : vector<1x16xf32> to vector<16xf32>
    %get3A_701 = arith.constant 6 : i32
    %get3A_702 = arith.index_cast %get3A_701 : i32 to index
    %get3A_703 = arith.constant 96 : index
    %get3A_704 = tpu.vector_load %arg8[%get3A_702, %get3A_703] {strides = array<i32>} : memref<32x128xf32, #tpu.memory_space<vmem>>, vector<1x16xf32>,
    %get3A_705 = vector.shape_cast %get3A_704 : vector<1x16xf32> to vector<16xf32>
    %mul3A_706 = arith.mulf %get3A_700, %get3A_705 : vector<16xf32>
    %add3A_707 = arith.addf %add3A_695, %mul3A_706 : vector<16xf32>
    %get3A_708 = arith.constant 55 : i32
    %get3A_709 = arith.index_cast %get3A_708 : i32 to index
    %get3A_710 = arith.constant 0 : index
    %get3A_711 = tpu.vector_load %arg7[%get3A_709, %get3A_710] {strides = array<i32>} : memref<256x16xf32, #tpu.memory_space<vmem>>, vector<1x16xf32>,
    %get3A_712 = vector.shape_cast %get3A_711 : vector<1x16xf32> to vector<16xf32>
    %get3A_713 = arith.constant 6 : i32
    %get3A_714 = arith.index_cast %get3A_713 : i32 to index
    %get3A_715 = arith.constant 112 : index
    %get3A_716 = tpu.vector_load %arg8[%get3A_714, %get3A_715] {strides = array<i32>} : memref<32x128xf32, #tpu.memory_space<vmem>>, vector<1x16xf32>,
    %get3A_717 = vector.shape_cast %get3A_716 : vector<1x16xf32> to vector<16xf32>
    %mul3A_718 = arith.mulf %get3A_712, %get3A_717 : vector<16xf32>
    %add3A_719 = arith.addf %add3A_707, %mul3A_718 : vector<16xf32>
    %swap3A_720 = arith.constant 6 : i32
    %swap3A_721 = arith.index_cast %swap3A_720 : i32 to index
    %swap3A_722 = arith.constant 0 : index
    %swap3A_723 = tpu.vector_load %arg9[%swap3A_721, %swap3A_722] {strides = array<i32>} : memref<32x16xf32, #tpu.memory_space<vmem>>, vector<1x16xf32>,
    %swap3A_724 = vector.shape_cast %swap3A_723 : vector<1x16xf32> to vector<16xf32>
    %swap3A_725 = vector.shape_cast %add3A_719 : vector<16xf32> to vector<1x16xf32>
    tpu.vector_store %arg9[%swap3A_721, %swap3A_722], %swap3A_725 {strides = array<i32>} : memref<32x16xf32, #tpu.memory_space<vmem>>, vector<1x16xf32>,
    %get3A_726 = arith.constant 56 : i32
    %get3A_727 = arith.index_cast %get3A_726 : i32 to index
    %get3A_728 = arith.constant 0 : index
    %get3A_729 = tpu.vector_load %arg7[%get3A_727, %get3A_728] {strides = array<i32>} : memref<256x16xf32, #tpu.memory_space<vmem>>, vector<1x16xf32>,
    %get3A_730 = vector.shape_cast %get3A_729 : vector<1x16xf32> to vector<16xf32>
    %get3A_731 = arith.constant 7 : i32
    %get3A_732 = arith.index_cast %get3A_731 : i32 to index
    %get3A_733 = arith.constant 0 : index
    %get3A_734 = tpu.vector_load %arg8[%get3A_732, %get3A_733] {strides = array<i32>} : memref<32x128xf32, #tpu.memory_space<vmem>>, vector<1x16xf32>,
    %get3A_735 = vector.shape_cast %get3A_734 : vector<1x16xf32> to vector<16xf32>
    %mul3A_736 = arith.mulf %get3A_730, %get3A_735 : vector<16xf32>
    %get3A_737 = arith.constant 57 : i32
    %get3A_738 = arith.index_cast %get3A_737 : i32 to index
    %get3A_739 = arith.constant 0 : index
    %get3A_740 = tpu.vector_load %arg7[%get3A_738, %get3A_739] {strides = array<i32>} : memref<256x16xf32, #tpu.memory_space<vmem>>, vector<1x16xf32>,
    %get3A_741 = vector.shape_cast %get3A_740 : vector<1x16xf32> to vector<16xf32>
    %get3A_742 = arith.constant 7 : i32
    %get3A_743 = arith.index_cast %get3A_742 : i32 to index
    %get3A_744 = arith.constant 16 : index
    %get3A_745 = tpu.vector_load %arg8[%get3A_743, %get3A_744] {strides = array<i32>} : memref<32x128xf32, #tpu.memory_space<vmem>>, vector<1x16xf32>,
    %get3A_746 = vector.shape_cast %get3A_745 : vector<1x16xf32> to vector<16xf32>
    %mul3A_747 = arith.mulf %get3A_741, %get3A_746 : vector<16xf32>
    %add3A_748 = arith.addf %mul3A_736, %mul3A_747 : vector<16xf32>
    %get3A_749 = arith.constant 58 : i32
    %get3A_750 = arith.index_cast %get3A_749 : i32 to index
    %get3A_751 = arith.constant 0 : index
    %get3A_752 = tpu.vector_load %arg7[%get3A_750, %get3A_751] {strides = array<i32>} : memref<256x16xf32, #tpu.memory_space<vmem>>, vector<1x16xf32>,
    %get3A_753 = vector.shape_cast %get3A_752 : vector<1x16xf32> to vector<16xf32>
    %get3A_754 = arith.constant 7 : i32
    %get3A_755 = arith.index_cast %get3A_754 : i32 to index
    %get3A_756 = arith.constant 32 : index
    %get3A_757 = tpu.vector_load %arg8[%get3A_755, %get3A_756] {strides = array<i32>} : memref<32x128xf32, #tpu.memory_space<vmem>>, vector<1x16xf32>,
    %get3A_758 = vector.shape_cast %get3A_757 : vector<1x16xf32> to vector<16xf32>
    %mul3A_759 = arith.mulf %get3A_753, %get3A_758 : vector<16xf32>
    %add3A_760 = arith.addf %add3A_748, %mul3A_759 : vector<16xf32>
    %get3A_761 = arith.constant 59 : i32
    %get3A_762 = arith.index_cast %get3A_761 : i32 to index
    %get3A_763 = arith.constant 0 : index
    %get3A_764 = tpu.vector_load %arg7[%get3A_762, %get3A_763] {strides = array<i32>} : memref<256x16xf32, #tpu.memory_space<vmem>>, vector<1x16xf32>,
    %get3A_765 = vector.shape_cast %get3A_764 : vector<1x16xf32> to vector<16xf32>
    %get3A_766 = arith.constant 7 : i32
    %get3A_767 = arith.index_cast %get3A_766 : i32 to index
    %get3A_768 = arith.constant 48 : index
    %get3A_769 = tpu.vector_load %arg8[%get3A_767, %get3A_768] {strides = array<i32>} : memref<32x128xf32, #tpu.memory_space<vmem>>, vector<1x16xf32>,
    %get3A_770 = vector.shape_cast %get3A_769 : vector<1x16xf32> to vector<16xf32>
    %mul3A_771 = arith.mulf %get3A_765, %get3A_770 : vector<16xf32>
    %add3A_772 = arith.addf %add3A_760, %mul3A_771 : vector<16xf32>
    %get3A_773 = arith.constant 60 : i32
    %get3A_774 = arith.index_cast %get3A_773 : i32 to index
    %get3A_775 = arith.constant 0 : index
    %get3A_776 = tpu.vector_load %arg7[%get3A_774, %get3A_775] {strides = array<i32>} : memref<256x16xf32, #tpu.memory_space<vmem>>, vector<1x16xf32>,
    %get3A_777 = vector.shape_cast %get3A_776 : vector<1x16xf32> to vector<16xf32>
    %get3A_778 = arith.constant 7 : i32
    %get3A_779 = arith.index_cast %get3A_778 : i32 to index
    %get3A_780 = arith.constant 64 : index
    %get3A_781 = tpu.vector_load %arg8[%get3A_779, %get3A_780] {strides = array<i32>} : memref<32x128xf32, #tpu.memory_space<vmem>>, vector<1x16xf32>,
    %get3A_782 = vector.shape_cast %get3A_781 : vector<1x16xf32> to vector<16xf32>
    %mul3A_783 = arith.mulf %get3A_777, %get3A_782 : vector<16xf32>
    %add3A_784 = arith.addf %add3A_772, %mul3A_783 : vector<16xf32>
    %get3A_785 = arith.constant 61 : i32
    %get3A_786 = arith.index_cast %get3A_785 : i32 to index
    %get3A_787 = arith.constant 0 : index
    %get3A_788 = tpu.vector_load %arg7[%get3A_786, %get3A_787] {strides = array<i32>} : memref<256x16xf32, #tpu.memory_space<vmem>>, vector<1x16xf32>,
    %get3A_789 = vector.shape_cast %get3A_788 : vector<1x16xf32> to vector<16xf32>
    %get3A_790 = arith.constant 7 : i32
    %get3A_791 = arith.index_cast %get3A_790 : i32 to index
    %get3A_792 = arith.constant 80 : index
    %get3A_793 = tpu.vector_load %arg8[%get3A_791, %get3A_792] {strides = array<i32>} : memref<32x128xf32, #tpu.memory_space<vmem>>, vector<1x16xf32>,
    %get3A_794 = vector.shape_cast %get3A_793 : vector<1x16xf32> to vector<16xf32>
    %mul3A_795 = arith.mulf %get3A_789, %get3A_794 : vector<16xf32>
    %add3A_796 = arith.addf %add3A_784, %mul3A_795 : vector<16xf32>
    %get3A_797 = arith.constant 62 : i32
    %get3A_798 = arith.index_cast %get3A_797 : i32 to index
    %get3A_799 = arith.constant 0 : index
    %get3A_800 = tpu.vector_load %arg7[%get3A_798, %get3A_799] {strides = array<i32>} : memref<256x16xf32, #tpu.memory_space<vmem>>, vector<1x16xf32>,
    %get3A_801 = vector.shape_cast %get3A_800 : vector<1x16xf32> to vector<16xf32>
    %get3A_802 = arith.constant 7 : i32
    %get3A_803 = arith.index_cast %get3A_802 : i32 to index
    %get3A_804 = arith.constant 96 : index
    %get3A_805 = tpu.vector_load %arg8[%get3A_803, %get3A_804] {strides = array<i32>} : memref<32x128xf32, #tpu.memory_space<vmem>>, vector<1x16xf32>,
    %get3A_806 = vector.shape_cast %get3A_805 : vector<1x16xf32> to vector<16xf32>
    %mul3A_807 = arith.mulf %get3A_801, %get3A_806 : vector<16xf32>
    %add3A_808 = arith.addf %add3A_796, %mul3A_807 : vector<16xf32>
    %get3A_809 = arith.constant 63 : i32
    %get3A_810 = arith.index_cast %get3A_809 : i32 to index
    %get3A_811 = arith.constant 0 : index
    %get3A_812 = tpu.vector_load %arg7[%get3A_810, %get3A_811] {strides = array<i32>} : memref<256x16xf32, #tpu.memory_space<vmem>>, vector<1x16xf32>,
    %get3A_813 = vector.shape_cast %get3A_812 : vector<1x16xf32> to vector<16xf32>
    %get3A_814 = arith.constant 7 : i32
    %get3A_815 = arith.index_cast %get3A_814 : i32 to index
    %get3A_816 = arith.constant 112 : index
    %get3A_817 = tpu.vector_load %arg8[%get3A_815, %get3A_816] {strides = array<i32>} : memref<32x128xf32, #tpu.memory_space<vmem>>, vector<1x16xf32>,
    %get3A_818 = vector.shape_cast %get3A_817 : vector<1x16xf32> to vector<16xf32>
    %mul3A_819 = arith.mulf %get3A_813, %get3A_818 : vector<16xf32>
    %add3A_820 = arith.addf %add3A_808, %mul3A_819 : vector<16xf32>
    %swap3A_821 = arith.constant 7 : i32
    %swap3A_822 = arith.index_cast %swap3A_821 : i32 to index
    %swap3A_823 = arith.constant 0 : index
    %swap3A_824 = tpu.vector_load %arg9[%swap3A_822, %swap3A_823] {strides = array<i32>} : memref<32x16xf32, #tpu.memory_space<vmem>>, vector<1x16xf32>,
    %swap3A_825 = vector.shape_cast %swap3A_824 : vector<1x16xf32> to vector<16xf32>
    %swap3A_826 = vector.shape_cast %add3A_820 : vector<16xf32> to vector<1x16xf32>
    tpu.vector_store %arg9[%swap3A_822, %swap3A_823], %swap3A_826 {strides = array<i32>} : memref<32x16xf32, #tpu.memory_space<vmem>>, vector<1x16xf32>,
    %get3A_827 = arith.constant 64 : i32
    %get3A_828 = arith.index_cast %get3A_827 : i32 to index
    %get3A_829 = arith.constant 0 : index
    %get3A_830 = tpu.vector_load %arg7[%get3A_828, %get3A_829] {strides = array<i32>} : memref<256x16xf32, #tpu.memory_space<vmem>>, vector<1x16xf32>,
    %get3A_831 = vector.shape_cast %get3A_830 : vector<1x16xf32> to vector<16xf32>
    %get3A_832 = arith.constant 8 : i32
    %get3A_833 = arith.index_cast %get3A_832 : i32 to index
    %get3A_834 = arith.constant 0 : index
    %get3A_835 = tpu.vector_load %arg8[%get3A_833, %get3A_834] {strides = array<i32>} : memref<32x128xf32, #tpu.memory_space<vmem>>, vector<1x16xf32>,
    %get3A_836 = vector.shape_cast %get3A_835 : vector<1x16xf32> to vector<16xf32>
    %mul3A_837 = arith.mulf %get3A_831, %get3A_836 : vector<16xf32>
    %get3A_838 = arith.constant 65 : i32
    %get3A_839 = arith.index_cast %get3A_838 : i32 to index
    %get3A_840 = arith.constant 0 : index
    %get3A_841 = tpu.vector_load %arg7[%get3A_839, %get3A_840] {strides = array<i32>} : memref<256x16xf32, #tpu.memory_space<vmem>>, vector<1x16xf32>,
    %get3A_842 = vector.shape_cast %get3A_841 : vector<1x16xf32> to vector<16xf32>
    %get3A_843 = arith.constant 8 : i32
    %get3A_844 = arith.index_cast %get3A_843 : i32 to index
    %get3A_845 = arith.constant 16 : index
    %get3A_846 = tpu.vector_load %arg8[%get3A_844, %get3A_845] {strides = array<i32>} : memref<32x128xf32, #tpu.memory_space<vmem>>, vector<1x16xf32>,
    %get3A_847 = vector.shape_cast %get3A_846 : vector<1x16xf32> to vector<16xf32>
    %mul3A_848 = arith.mulf %get3A_842, %get3A_847 : vector<16xf32>
    %add3A_849 = arith.addf %mul3A_837, %mul3A_848 : vector<16xf32>
    %get3A_850 = arith.constant 66 : i32
    %get3A_851 = arith.index_cast %get3A_850 : i32 to index
    %get3A_852 = arith.constant 0 : index
    %get3A_853 = tpu.vector_load %arg7[%get3A_851, %get3A_852] {strides = array<i32>} : memref<256x16xf32, #tpu.memory_space<vmem>>, vector<1x16xf32>,
    %get3A_854 = vector.shape_cast %get3A_853 : vector<1x16xf32> to vector<16xf32>
    %get3A_855 = arith.constant 8 : i32
    %get3A_856 = arith.index_cast %get3A_855 : i32 to index
    %get3A_857 = arith.constant 32 : index
    %get3A_858 = tpu.vector_load %arg8[%get3A_856, %get3A_857] {strides = array<i32>} : memref<32x128xf32, #tpu.memory_space<vmem>>, vector<1x16xf32>,
    %get3A_859 = vector.shape_cast %get3A_858 : vector<1x16xf32> to vector<16xf32>
    %mul3A_860 = arith.mulf %get3A_854, %get3A_859 : vector<16xf32>
    %add3A_861 = arith.addf %add3A_849, %mul3A_860 : vector<16xf32>
    %get3A_862 = arith.constant 67 : i32
    %get3A_863 = arith.index_cast %get3A_862 : i32 to index
    %get3A_864 = arith.constant 0 : index
    %get3A_865 = tpu.vector_load %arg7[%get3A_863, %get3A_864] {strides = array<i32>} : memref<256x16xf32, #tpu.memory_space<vmem>>, vector<1x16xf32>,
    %get3A_866 = vector.shape_cast %get3A_865 : vector<1x16xf32> to vector<16xf32>
    %get3A_867 = arith.constant 8 : i32
    %get3A_868 = arith.index_cast %get3A_867 : i32 to index
    %get3A_869 = arith.constant 48 : index
    %get3A_870 = tpu.vector_load %arg8[%get3A_868, %get3A_869] {strides = array<i32>} : memref<32x128xf32, #tpu.memory_space<vmem>>, vector<1x16xf32>,
    %get3A_871 = vector.shape_cast %get3A_870 : vector<1x16xf32> to vector<16xf32>
    %mul3A_872 = arith.mulf %get3A_866, %get3A_871 : vector<16xf32>
    %add3A_873 = arith.addf %add3A_861, %mul3A_872 : vector<16xf32>
    %get3A_874 = arith.constant 68 : i32
    %get3A_875 = arith.index_cast %get3A_874 : i32 to index
    %get3A_876 = arith.constant 0 : index
    %get3A_877 = tpu.vector_load %arg7[%get3A_875, %get3A_876] {strides = array<i32>} : memref<256x16xf32, #tpu.memory_space<vmem>>, vector<1x16xf32>,
    %get3A_878 = vector.shape_cast %get3A_877 : vector<1x16xf32> to vector<16xf32>
    %get3A_879 = arith.constant 8 : i32
    %get3A_880 = arith.index_cast %get3A_879 : i32 to index
    %get3A_881 = arith.constant 64 : index
    %get3A_882 = tpu.vector_load %arg8[%get3A_880, %get3A_881] {strides = array<i32>} : memref<32x128xf32, #tpu.memory_space<vmem>>, vector<1x16xf32>,
    %get3A_883 = vector.shape_cast %get3A_882 : vector<1x16xf32> to vector<16xf32>
    %mul3A_884 = arith.mulf %get3A_878, %get3A_883 : vector<16xf32>
    %add3A_885 = arith.addf %add3A_873, %mul3A_884 : vector<16xf32>
    %get3A_886 = arith.constant 69 : i32
    %get3A_887 = arith.index_cast %get3A_886 : i32 to index
    %get3A_888 = arith.constant 0 : index
    %get3A_889 = tpu.vector_load %arg7[%get3A_887, %get3A_888] {strides = array<i32>} : memref<256x16xf32, #tpu.memory_space<vmem>>, vector<1x16xf32>,
    %get3A_890 = vector.shape_cast %get3A_889 : vector<1x16xf32> to vector<16xf32>
    %get3A_891 = arith.constant 8 : i32
    %get3A_892 = arith.index_cast %get3A_891 : i32 to index
    %get3A_893 = arith.constant 80 : index
    %get3A_894 = tpu.vector_load %arg8[%get3A_892, %get3A_893] {strides = array<i32>} : memref<32x128xf32, #tpu.memory_space<vmem>>, vector<1x16xf32>,
    %get3A_895 = vector.shape_cast %get3A_894 : vector<1x16xf32> to vector<16xf32>
    %mul3A_896 = arith.mulf %get3A_890, %get3A_895 : vector<16xf32>
    %add3A_897 = arith.addf %add3A_885, %mul3A_896 : vector<16xf32>
    %get3A_898 = arith.constant 70 : i32
    %get3A_899 = arith.index_cast %get3A_898 : i32 to index
    %get3A_900 = arith.constant 0 : index
    %get3A_901 = tpu.vector_load %arg7[%get3A_899, %get3A_900] {strides = array<i32>} : memref<256x16xf32, #tpu.memory_space<vmem>>, vector<1x16xf32>,
    %get3A_902 = vector.shape_cast %get3A_901 : vector<1x16xf32> to vector<16xf32>
    %get3A_903 = arith.constant 8 : i32
    %get3A_904 = arith.index_cast %get3A_903 : i32 to index
    %get3A_905 = arith.constant 96 : index
    %get3A_906 = tpu.vector_load %arg8[%get3A_904, %get3A_905] {strides = array<i32>} : memref<32x128xf32, #tpu.memory_space<vmem>>, vector<1x16xf32>,
    %get3A_907 = vector.shape_cast %get3A_906 : vector<1x16xf32> to vector<16xf32>
    %mul3A_908 = arith.mulf %get3A_902, %get3A_907 : vector<16xf32>
    %add3A_909 = arith.addf %add3A_897, %mul3A_908 : vector<16xf32>
    %get3A_910 = arith.constant 71 : i32
    %get3A_911 = arith.index_cast %get3A_910 : i32 to index
    %get3A_912 = arith.constant 0 : index
    %get3A_913 = tpu.vector_load %arg7[%get3A_911, %get3A_912] {strides = array<i32>} : memref<256x16xf32, #tpu.memory_space<vmem>>, vector<1x16xf32>,
    %get3A_914 = vector.shape_cast %get3A_913 : vector<1x16xf32> to vector<16xf32>
    %get3A_915 = arith.constant 8 : i32
    %get3A_916 = arith.index_cast %get3A_915 : i32 to index
    %get3A_917 = arith.constant 112 : index
    %get3A_918 = tpu.vector_load %arg8[%get3A_916, %get3A_917] {strides = array<i32>} : memref<32x128xf32, #tpu.memory_space<vmem>>, vector<1x16xf32>,
    %get3A_919 = vector.shape_cast %get3A_918 : vector<1x16xf32> to vector<16xf32>
    %mul3A_920 = arith.mulf %get3A_914, %get3A_919 : vector<16xf32>
    %add3A_921 = arith.addf %add3A_909, %mul3A_920 : vector<16xf32>
    %swap3A_922 = arith.constant 8 : i32
    %swap3A_923 = arith.index_cast %swap3A_922 : i32 to index
    %swap3A_924 = arith.constant 0 : index
    %swap3A_925 = tpu.vector_load %arg9[%swap3A_923, %swap3A_924] {strides = array<i32>} : memref<32x16xf32, #tpu.memory_space<vmem>>, vector<1x16xf32>,
    %swap3A_926 = vector.shape_cast %swap3A_925 : vector<1x16xf32> to vector<16xf32>
    %swap3A_927 = vector.shape_cast %add3A_921 : vector<16xf32> to vector<1x16xf32>
    tpu.vector_store %arg9[%swap3A_923, %swap3A_924], %swap3A_927 {strides = array<i32>} : memref<32x16xf32, #tpu.memory_space<vmem>>, vector<1x16xf32>,
    %get3A_928 = arith.constant 72 : i32
    %get3A_929 = arith.index_cast %get3A_928 : i32 to index
    %get3A_930 = arith.constant 0 : index
    %get3A_931 = tpu.vector_load %arg7[%get3A_929, %get3A_930] {strides = array<i32>} : memref<256x16xf32, #tpu.memory_space<vmem>>, vector<1x16xf32>,
    %get3A_932 = vector.shape_cast %get3A_931 : vector<1x16xf32> to vector<16xf32>
    %get3A_933 = arith.constant 9 : i32
    %get3A_934 = arith.index_cast %get3A_933 : i32 to index
    %get3A_935 = arith.constant 0 : index
    %get3A_936 = tpu.vector_load %arg8[%get3A_934, %get3A_935] {strides = array<i32>} : memref<32x128xf32, #tpu.memory_space<vmem>>, vector<1x16xf32>,
    %get3A_937 = vector.shape_cast %get3A_936 : vector<1x16xf32> to vector<16xf32>
    %mul3A_938 = arith.mulf %get3A_932, %get3A_937 : vector<16xf32>
    %get3A_939 = arith.constant 73 : i32
    %get3A_940 = arith.index_cast %get3A_939 : i32 to index
    %get3A_941 = arith.constant 0 : index
    %get3A_942 = tpu.vector_load %arg7[%get3A_940, %get3A_941] {strides = array<i32>} : memref<256x16xf32, #tpu.memory_space<vmem>>, vector<1x16xf32>,
    %get3A_943 = vector.shape_cast %get3A_942 : vector<1x16xf32> to vector<16xf32>
    %get3A_944 = arith.constant 9 : i32
    %get3A_945 = arith.index_cast %get3A_944 : i32 to index
    %get3A_946 = arith.constant 16 : index
    %get3A_947 = tpu.vector_load %arg8[%get3A_945, %get3A_946] {strides = array<i32>} : memref<32x128xf32, #tpu.memory_space<vmem>>, vector<1x16xf32>,
    %get3A_948 = vector.shape_cast %get3A_947 : vector<1x16xf32> to vector<16xf32>
    %mul3A_949 = arith.mulf %get3A_943, %get3A_948 : vector<16xf32>
    %add3A_950 = arith.addf %mul3A_938, %mul3A_949 : vector<16xf32>
    %get3A_951 = arith.constant 74 : i32
    %get3A_952 = arith.index_cast %get3A_951 : i32 to index
    %get3A_953 = arith.constant 0 : index
    %get3A_954 = tpu.vector_load %arg7[%get3A_952, %get3A_953] {strides = array<i32>} : memref<256x16xf32, #tpu.memory_space<vmem>>, vector<1x16xf32>,
    %get3A_955 = vector.shape_cast %get3A_954 : vector<1x16xf32> to vector<16xf32>
    %get3A_956 = arith.constant 9 : i32
    %get3A_957 = arith.index_cast %get3A_956 : i32 to index
    %get3A_958 = arith.constant 32 : index
    %get3A_959 = tpu.vector_load %arg8[%get3A_957, %get3A_958] {strides = array<i32>} : memref<32x128xf32, #tpu.memory_space<vmem>>, vector<1x16xf32>,
    %get3A_960 = vector.shape_cast %get3A_959 : vector<1x16xf32> to vector<16xf32>
    %mul3A_961 = arith.mulf %get3A_955, %get3A_960 : vector<16xf32>
    %add3A_962 = arith.addf %add3A_950, %mul3A_961 : vector<16xf32>
    %get3A_963 = arith.constant 75 : i32
    %get3A_964 = arith.index_cast %get3A_963 : i32 to index
    %get3A_965 = arith.constant 0 : index
    %get3A_966 = tpu.vector_load %arg7[%get3A_964, %get3A_965] {strides = array<i32>} : memref<256x16xf32, #tpu.memory_space<vmem>>, vector<1x16xf32>,
    %get3A_967 = vector.shape_cast %get3A_966 : vector<1x16xf32> to vector<16xf32>
    %get3A_968 = arith.constant 9 : i32
    %get3A_969 = arith.index_cast %get3A_968 : i32 to index
    %get3A_970 = arith.constant 48 : index
    %get3A_971 = tpu.vector_load %arg8[%get3A_969, %get3A_970] {strides = array<i32>} : memref<32x128xf32, #tpu.memory_space<vmem>>, vector<1x16xf32>,
    %get3A_972 = vector.shape_cast %get3A_971 : vector<1x16xf32> to vector<16xf32>
    %mul3A_973 = arith.mulf %get3A_967, %get3A_972 : vector<16xf32>
    %add3A_974 = arith.addf %add3A_962, %mul3A_973 : vector<16xf32>
    %get3A_975 = arith.constant 76 : i32
    %get3A_976 = arith.index_cast %get3A_975 : i32 to index
    %get3A_977 = arith.constant 0 : index
    %get3A_978 = tpu.vector_load %arg7[%get3A_976, %get3A_977] {strides = array<i32>} : memref<256x16xf32, #tpu.memory_space<vmem>>, vector<1x16xf32>,
    %get3A_979 = vector.shape_cast %get3A_978 : vector<1x16xf32> to vector<16xf32>
    %get3A_980 = arith.constant 9 : i32
    %get3A_981 = arith.index_cast %get3A_980 : i32 to index
    %get3A_982 = arith.constant 64 : index
    %get3A_983 = tpu.vector_load %arg8[%get3A_981, %get3A_982] {strides = array<i32>} : memref<32x128xf32, #tpu.memory_space<vmem>>, vector<1x16xf32>,
    %get3A_984 = vector.shape_cast %get3A_983 : vector<1x16xf32> to vector<16xf32>
    %mul3A_985 = arith.mulf %get3A_979, %get3A_984 : vector<16xf32>
    %add3A_986 = arith.addf %add3A_974, %mul3A_985 : vector<16xf32>
    %get3A_987 = arith.constant 77 : i32
    %get3A_988 = arith.index_cast %get3A_987 : i32 to index
    %get3A_989 = arith.constant 0 : index
    %get3A_990 = tpu.vector_load %arg7[%get3A_988, %get3A_989] {strides = array<i32>} : memref<256x16xf32, #tpu.memory_space<vmem>>, vector<1x16xf32>,
    %get3A_991 = vector.shape_cast %get3A_990 : vector<1x16xf32> to vector<16xf32>
    %get3A_992 = arith.constant 9 : i32
    %get3A_993 = arith.index_cast %get3A_992 : i32 to index
    %get3A_994 = arith.constant 80 : index
    %get3A_995 = tpu.vector_load %arg8[%get3A_993, %get3A_994] {strides = array<i32>} : memref<32x128xf32, #tpu.memory_space<vmem>>, vector<1x16xf32>,
    %get3A_996 = vector.shape_cast %get3A_995 : vector<1x16xf32> to vector<16xf32>
    %mul3A_997 = arith.mulf %get3A_991, %get3A_996 : vector<16xf32>
    %add3A_998 = arith.addf %add3A_986, %mul3A_997 : vector<16xf32>
    %get3A_999 = arith.constant 78 : i32
    %get3A_1000 = arith.index_cast %get3A_999 : i32 to index
    %get3A_1001 = arith.constant 0 : index
    %get3A_1002 = tpu.vector_load %arg7[%get3A_1000, %get3A_1001] {strides = array<i32>} : memref<256x16xf32, #tpu.memory_space<vmem>>, vector<1x16xf32>,
    %get3A_1003 = vector.shape_cast %get3A_1002 : vector<1x16xf32> to vector<16xf32>
    %get3A_1004 = arith.constant 9 : i32
    %get3A_1005 = arith.index_cast %get3A_1004 : i32 to index
    %get3A_1006 = arith.constant 96 : index
    %get3A_1007 = tpu.vector_load %arg8[%get3A_1005, %get3A_1006] {strides = array<i32>} : memref<32x128xf32, #tpu.memory_space<vmem>>, vector<1x16xf32>,
    %get3A_1008 = vector.shape_cast %get3A_1007 : vector<1x16xf32> to vector<16xf32>
    %mul3A_1009 = arith.mulf %get3A_1003, %get3A_1008 : vector<16xf32>
    %add3A_1010 = arith.addf %add3A_998, %mul3A_1009 : vector<16xf32>
    %get3A_1011 = arith.constant 79 : i32
    %get3A_1012 = arith.index_cast %get3A_1011 : i32 to index
    %get3A_1013 = arith.constant 0 : index
    %get3A_1014 = tpu.vector_load %arg7[%get3A_1012, %get3A_1013] {strides = array<i32>} : memref<256x16xf32, #tpu.memory_space<vmem>>, vector<1x16xf32>,
    %get3A_1015 = vector.shape_cast %get3A_1014 : vector<1x16xf32> to vector<16xf32>
    %get3A_1016 = arith.constant 9 : i32
    %get3A_1017 = arith.index_cast %get3A_1016 : i32 to index
    %get3A_1018 = arith.constant 112 : index
    %get3A_1019 = tpu.vector_load %arg8[%get3A_1017, %get3A_1018] {strides = array<i32>} : memref<32x128xf32, #tpu.memory_space<vmem>>, vector<1x16xf32>,
    %get3A_1020 = vector.shape_cast %get3A_1019 : vector<1x16xf32> to vector<16xf32>
    %mul3A_1021 = arith.mulf %get3A_1015, %get3A_1020 : vector<16xf32>
    %add3A_1022 = arith.addf %add3A_1010, %mul3A_1021 : vector<16xf32>
    %swap3A_1023 = arith.constant 9 : i32
    %swap3A_1024 = arith.index_cast %swap3A_1023 : i32 to index
    %swap3A_1025 = arith.constant 0 : index
    %swap3A_1026 = tpu.vector_load %arg9[%swap3A_1024, %swap3A_1025] {strides = array<i32>} : memref<32x16xf32, #tpu.memory_space<vmem>>, vector<1x16xf32>,
    %swap3A_1027 = vector.shape_cast %swap3A_1026 : vector<1x16xf32> to vector<16xf32>
    %swap3A_1028 = vector.shape_cast %add3A_1022 : vector<16xf32> to vector<1x16xf32>
    tpu.vector_store %arg9[%swap3A_1024, %swap3A_1025], %swap3A_1028 {strides = array<i32>} : memref<32x16xf32, #tpu.memory_space<vmem>>, vector<1x16xf32>,
    %get3A_1029 = arith.constant 80 : i32
    %get3A_1030 = arith.index_cast %get3A_1029 : i32 to index
    %get3A_1031 = arith.constant 0 : index
    %get3A_1032 = tpu.vector_load %arg7[%get3A_1030, %get3A_1031] {strides = array<i32>} : memref<256x16xf32, #tpu.memory_space<vmem>>, vector<1x16xf32>,
    %get3A_1033 = vector.shape_cast %get3A_1032 : vector<1x16xf32> to vector<16xf32>
    %get3A_1034 = arith.constant 10 : i32
    %get3A_1035 = arith.index_cast %get3A_1034 : i32 to index
    %get3A_1036 = arith.constant 0 : index
    %get3A_1037 = tpu.vector_load %arg8[%get3A_1035, %get3A_1036] {strides = array<i32>} : memref<32x128xf32, #tpu.memory_space<vmem>>, vector<1x16xf32>,
    %get3A_1038 = vector.shape_cast %get3A_1037 : vector<1x16xf32> to vector<16xf32>
    %mul3A_1039 = arith.mulf %get3A_1033, %get3A_1038 : vector<16xf32>
    %get3A_1040 = arith.constant 81 : i32
    %get3A_1041 = arith.index_cast %get3A_1040 : i32 to index
    %get3A_1042 = arith.constant 0 : index
    %get3A_1043 = tpu.vector_load %arg7[%get3A_1041, %get3A_1042] {strides = array<i32>} : memref<256x16xf32, #tpu.memory_space<vmem>>, vector<1x16xf32>,
    %get3A_1044 = vector.shape_cast %get3A_1043 : vector<1x16xf32> to vector<16xf32>
    %get3A_1045 = arith.constant 10 : i32
    %get3A_1046 = arith.index_cast %get3A_1045 : i32 to index
    %get3A_1047 = arith.constant 16 : index
    %get3A_1048 = tpu.vector_load %arg8[%get3A_1046, %get3A_1047] {strides = array<i32>} : memref<32x128xf32, #tpu.memory_space<vmem>>, vector<1x16xf32>,
    %get3A_1049 = vector.shape_cast %get3A_1048 : vector<1x16xf32> to vector<16xf32>
    %mul3A_1050 = arith.mulf %get3A_1044, %get3A_1049 : vector<16xf32>
    %add3A_1051 = arith.addf %mul3A_1039, %mul3A_1050 : vector<16xf32>
    %get3A_1052 = arith.constant 82 : i32
    %get3A_1053 = arith.index_cast %get3A_1052 : i32 to index
    %get3A_1054 = arith.constant 0 : index
    %get3A_1055 = tpu.vector_load %arg7[%get3A_1053, %get3A_1054] {strides = array<i32>} : memref<256x16xf32, #tpu.memory_space<vmem>>, vector<1x16xf32>,
    %get3A_1056 = vector.shape_cast %get3A_1055 : vector<1x16xf32> to vector<16xf32>
    %get3A_1057 = arith.constant 10 : i32
    %get3A_1058 = arith.index_cast %get3A_1057 : i32 to index
    %get3A_1059 = arith.constant 32 : index
    %get3A_1060 = tpu.vector_load %arg8[%get3A_1058, %get3A_1059] {strides = array<i32>} : memref<32x128xf32, #tpu.memory_space<vmem>>, vector<1x16xf32>,
    %get3A_1061 = vector.shape_cast %get3A_1060 : vector<1x16xf32> to vector<16xf32>
    %mul3A_1062 = arith.mulf %get3A_1056, %get3A_1061 : vector<16xf32>
    %add3A_1063 = arith.addf %add3A_1051, %mul3A_1062 : vector<16xf32>
    %get3A_1064 = arith.constant 83 : i32
    %get3A_1065 = arith.index_cast %get3A_1064 : i32 to index
    %get3A_1066 = arith.constant 0 : index
    %get3A_1067 = tpu.vector_load %arg7[%get3A_1065, %get3A_1066] {strides = array<i32>} : memref<256x16xf32, #tpu.memory_space<vmem>>, vector<1x16xf32>,
    %get3A_1068 = vector.shape_cast %get3A_1067 : vector<1x16xf32> to vector<16xf32>
    %get3A_1069 = arith.constant 10 : i32
    %get3A_1070 = arith.index_cast %get3A_1069 : i32 to index
    %get3A_1071 = arith.constant 48 : index
    %get3A_1072 = tpu.vector_load %arg8[%get3A_1070, %get3A_1071] {strides = array<i32>} : memref<32x128xf32, #tpu.memory_space<vmem>>, vector<1x16xf32>,
    %get3A_1073 = vector.shape_cast %get3A_1072 : vector<1x16xf32> to vector<16xf32>
    %mul3A_1074 = arith.mulf %get3A_1068, %get3A_1073 : vector<16xf32>
    %add3A_1075 = arith.addf %add3A_1063, %mul3A_1074 : vector<16xf32>
    %get3A_1076 = arith.constant 84 : i32
    %get3A_1077 = arith.index_cast %get3A_1076 : i32 to index
    %get3A_1078 = arith.constant 0 : index
    %get3A_1079 = tpu.vector_load %arg7[%get3A_1077, %get3A_1078] {strides = array<i32>} : memref<256x16xf32, #tpu.memory_space<vmem>>, vector<1x16xf32>,
    %get3A_1080 = vector.shape_cast %get3A_1079 : vector<1x16xf32> to vector<16xf32>
    %get3A_1081 = arith.constant 10 : i32
    %get3A_1082 = arith.index_cast %get3A_1081 : i32 to index
    %get3A_1083 = arith.constant 64 : index
    %get3A_1084 = tpu.vector_load %arg8[%get3A_1082, %get3A_1083] {strides = array<i32>} : memref<32x128xf32, #tpu.memory_space<vmem>>, vector<1x16xf32>,
    %get3A_1085 = vector.shape_cast %get3A_1084 : vector<1x16xf32> to vector<16xf32>
    %mul3A_1086 = arith.mulf %get3A_1080, %get3A_1085 : vector<16xf32>
    %add3A_1087 = arith.addf %add3A_1075, %mul3A_1086 : vector<16xf32>
    %get3A_1088 = arith.constant 85 : i32
    %get3A_1089 = arith.index_cast %get3A_1088 : i32 to index
    %get3A_1090 = arith.constant 0 : index
    %get3A_1091 = tpu.vector_load %arg7[%get3A_1089, %get3A_1090] {strides = array<i32>} : memref<256x16xf32, #tpu.memory_space<vmem>>, vector<1x16xf32>,
    %get3A_1092 = vector.shape_cast %get3A_1091 : vector<1x16xf32> to vector<16xf32>
    %get3A_1093 = arith.constant 10 : i32
    %get3A_1094 = arith.index_cast %get3A_1093 : i32 to index
    %get3A_1095 = arith.constant 80 : index
    %get3A_1096 = tpu.vector_load %arg8[%get3A_1094, %get3A_1095] {strides = array<i32>} : memref<32x128xf32, #tpu.memory_space<vmem>>, vector<1x16xf32>,
    %get3A_1097 = vector.shape_cast %get3A_1096 : vector<1x16xf32> to vector<16xf32>
    %mul3A_1098 = arith.mulf %get3A_1092, %get3A_1097 : vector<16xf32>
    %add3A_1099 = arith.addf %add3A_1087, %mul3A_1098 : vector<16xf32>
    %get3A_1100 = arith.constant 86 : i32
    %get3A_1101 = arith.index_cast %get3A_1100 : i32 to index
    %get3A_1102 = arith.constant 0 : index
    %get3A_1103 = tpu.vector_load %arg7[%get3A_1101, %get3A_1102] {strides = array<i32>} : memref<256x16xf32, #tpu.memory_space<vmem>>, vector<1x16xf32>,
    %get3A_1104 = vector.shape_cast %get3A_1103 : vector<1x16xf32> to vector<16xf32>
    %get3A_1105 = arith.constant 10 : i32
    %get3A_1106 = arith.index_cast %get3A_1105 : i32 to index
    %get3A_1107 = arith.constant 96 : index
    %get3A_1108 = tpu.vector_load %arg8[%get3A_1106, %get3A_1107] {strides = array<i32>} : memref<32x128xf32, #tpu.memory_space<vmem>>, vector<1x16xf32>,
    %get3A_1109 = vector.shape_cast %get3A_1108 : vector<1x16xf32> to vector<16xf32>
    %mul3A_1110 = arith.mulf %get3A_1104, %get3A_1109 : vector<16xf32>
    %add3A_1111 = arith.addf %add3A_1099, %mul3A_1110 : vector<16xf32>
    %get3A_1112 = arith.constant 87 : i32
    %get3A_1113 = arith.index_cast %get3A_1112 : i32 to index
    %get3A_1114 = arith.constant 0 : index
    %get3A_1115 = tpu.vector_load %arg7[%get3A_1113, %get3A_1114] {strides = array<i32>} : memref<256x16xf32, #tpu.memory_space<vmem>>, vector<1x16xf32>,
    %get3A_1116 = vector.shape_cast %get3A_1115 : vector<1x16xf32> to vector<16xf32>
    %get3A_1117 = arith.constant 10 : i32
    %get3A_1118 = arith.index_cast %get3A_1117 : i32 to index
    %get3A_1119 = arith.constant 112 : index
    %get3A_1120 = tpu.vector_load %arg8[%get3A_1118, %get3A_1119] {strides = array<i32>} : memref<32x128xf32, #tpu.memory_space<vmem>>, vector<1x16xf32>,
    %get3A_1121 = vector.shape_cast %get3A_1120 : vector<1x16xf32> to vector<16xf32>
    %mul3A_1122 = arith.mulf %get3A_1116, %get3A_1121 : vector<16xf32>
    %add3A_1123 = arith.addf %add3A_1111, %mul3A_1122 : vector<16xf32>
    %swap3A_1124 = arith.constant 10 : i32
    %swap3A_1125 = arith.index_cast %swap3A_1124 : i32 to index
    %swap3A_1126 = arith.constant 0 : index
    %swap3A_1127 = tpu.vector_load %arg9[%swap3A_1125, %swap3A_1126] {strides = array<i32>} : memref<32x16xf32, #tpu.memory_space<vmem>>, vector<1x16xf32>,
    %swap3A_1128 = vector.shape_cast %swap3A_1127 : vector<1x16xf32> to vector<16xf32>
    %swap3A_1129 = vector.shape_cast %add3A_1123 : vector<16xf32> to vector<1x16xf32>
    tpu.vector_store %arg9[%swap3A_1125, %swap3A_1126], %swap3A_1129 {strides = array<i32>} : memref<32x16xf32, #tpu.memory_space<vmem>>, vector<1x16xf32>,
    %get3A_1130 = arith.constant 88 : i32
    %get3A_1131 = arith.index_cast %get3A_1130 : i32 to index
    %get3A_1132 = arith.constant 0 : index
    %get3A_1133 = tpu.vector_load %arg7[%get3A_1131, %get3A_1132] {strides = array<i32>} : memref<256x16xf32, #tpu.memory_space<vmem>>, vector<1x16xf32>,
    %get3A_1134 = vector.shape_cast %get3A_1133 : vector<1x16xf32> to vector<16xf32>
    %get3A_1135 = arith.constant 11 : i32
    %get3A_1136 = arith.index_cast %get3A_1135 : i32 to index
    %get3A_1137 = arith.constant 0 : index
    %get3A_1138 = tpu.vector_load %arg8[%get3A_1136, %get3A_1137] {strides = array<i32>} : memref<32x128xf32, #tpu.memory_space<vmem>>, vector<1x16xf32>,
    %get3A_1139 = vector.shape_cast %get3A_1138 : vector<1x16xf32> to vector<16xf32>
    %mul3A_1140 = arith.mulf %get3A_1134, %get3A_1139 : vector<16xf32>
    %get3A_1141 = arith.constant 89 : i32
    %get3A_1142 = arith.index_cast %get3A_1141 : i32 to index
    %get3A_1143 = arith.constant 0 : index
    %get3A_1144 = tpu.vector_load %arg7[%get3A_1142, %get3A_1143] {strides = array<i32>} : memref<256x16xf32, #tpu.memory_space<vmem>>, vector<1x16xf32>,
    %get3A_1145 = vector.shape_cast %get3A_1144 : vector<1x16xf32> to vector<16xf32>
    %get3A_1146 = arith.constant 11 : i32
    %get3A_1147 = arith.index_cast %get3A_1146 : i32 to index
    %get3A_1148 = arith.constant 16 : index
    %get3A_1149 = tpu.vector_load %arg8[%get3A_1147, %get3A_1148] {strides = array<i32>} : memref<32x128xf32, #tpu.memory_space<vmem>>, vector<1x16xf32>,
    %get3A_1150 = vector.shape_cast %get3A_1149 : vector<1x16xf32> to vector<16xf32>
    %mul3A_1151 = arith.mulf %get3A_1145, %get3A_1150 : vector<16xf32>
    %add3A_1152 = arith.addf %mul3A_1140, %mul3A_1151 : vector<16xf32>
    %get3A_1153 = arith.constant 90 : i32
    %get3A_1154 = arith.index_cast %get3A_1153 : i32 to index
    %get3A_1155 = arith.constant 0 : index
    %get3A_1156 = tpu.vector_load %arg7[%get3A_1154, %get3A_1155] {strides = array<i32>} : memref<256x16xf32, #tpu.memory_space<vmem>>, vector<1x16xf32>,
    %get3A_1157 = vector.shape_cast %get3A_1156 : vector<1x16xf32> to vector<16xf32>
    %get3A_1158 = arith.constant 11 : i32
    %get3A_1159 = arith.index_cast %get3A_1158 : i32 to index
    %get3A_1160 = arith.constant 32 : index
    %get3A_1161 = tpu.vector_load %arg8[%get3A_1159, %get3A_1160] {strides = array<i32>} : memref<32x128xf32, #tpu.memory_space<vmem>>, vector<1x16xf32>,
    %get3A_1162 = vector.shape_cast %get3A_1161 : vector<1x16xf32> to vector<16xf32>
    %mul3A_1163 = arith.mulf %get3A_1157, %get3A_1162 : vector<16xf32>
    %add3A_1164 = arith.addf %add3A_1152, %mul3A_1163 : vector<16xf32>
    %get3A_1165 = arith.constant 91 : i32
    %get3A_1166 = arith.index_cast %get3A_1165 : i32 to index
    %get3A_1167 = arith.constant 0 : index
    %get3A_1168 = tpu.vector_load %arg7[%get3A_1166, %get3A_1167] {strides = array<i32>} : memref<256x16xf32, #tpu.memory_space<vmem>>, vector<1x16xf32>,
    %get3A_1169 = vector.shape_cast %get3A_1168 : vector<1x16xf32> to vector<16xf32>
    %get3A_1170 = arith.constant 11 : i32
    %get3A_1171 = arith.index_cast %get3A_1170 : i32 to index
    %get3A_1172 = arith.constant 48 : index
    %get3A_1173 = tpu.vector_load %arg8[%get3A_1171, %get3A_1172] {strides = array<i32>} : memref<32x128xf32, #tpu.memory_space<vmem>>, vector<1x16xf32>,
    %get3A_1174 = vector.shape_cast %get3A_1173 : vector<1x16xf32> to vector<16xf32>
    %mul3A_1175 = arith.mulf %get3A_1169, %get3A_1174 : vector<16xf32>
    %add3A_1176 = arith.addf %add3A_1164, %mul3A_1175 : vector<16xf32>
    %get3A_1177 = arith.constant 92 : i32
    %get3A_1178 = arith.index_cast %get3A_1177 : i32 to index
    %get3A_1179 = arith.constant 0 : index
    %get3A_1180 = tpu.vector_load %arg7[%get3A_1178, %get3A_1179] {strides = array<i32>} : memref<256x16xf32, #tpu.memory_space<vmem>>, vector<1x16xf32>,
    %get3A_1181 = vector.shape_cast %get3A_1180 : vector<1x16xf32> to vector<16xf32>
    %get3A_1182 = arith.constant 11 : i32
    %get3A_1183 = arith.index_cast %get3A_1182 : i32 to index
    %get3A_1184 = arith.constant 64 : index
    %get3A_1185 = tpu.vector_load %arg8[%get3A_1183, %get3A_1184] {strides = array<i32>} : memref<32x128xf32, #tpu.memory_space<vmem>>, vector<1x16xf32>,
    %get3A_1186 = vector.shape_cast %get3A_1185 : vector<1x16xf32> to vector<16xf32>
    %mul3A_1187 = arith.mulf %get3A_1181, %get3A_1186 : vector<16xf32>
    %add3A_1188 = arith.addf %add3A_1176, %mul3A_1187 : vector<16xf32>
    %get3A_1189 = arith.constant 93 : i32
    %get3A_1190 = arith.index_cast %get3A_1189 : i32 to index
    %get3A_1191 = arith.constant 0 : index
    %get3A_1192 = tpu.vector_load %arg7[%get3A_1190, %get3A_1191] {strides = array<i32>} : memref<256x16xf32, #tpu.memory_space<vmem>>, vector<1x16xf32>,
    %get3A_1193 = vector.shape_cast %get3A_1192 : vector<1x16xf32> to vector<16xf32>
    %get3A_1194 = arith.constant 11 : i32
    %get3A_1195 = arith.index_cast %get3A_1194 : i32 to index
    %get3A_1196 = arith.constant 80 : index
    %get3A_1197 = tpu.vector_load %arg8[%get3A_1195, %get3A_1196] {strides = array<i32>} : memref<32x128xf32, #tpu.memory_space<vmem>>, vector<1x16xf32>,
    %get3A_1198 = vector.shape_cast %get3A_1197 : vector<1x16xf32> to vector<16xf32>
    %mul3A_1199 = arith.mulf %get3A_1193, %get3A_1198 : vector<16xf32>
    %add3A_1200 = arith.addf %add3A_1188, %mul3A_1199 : vector<16xf32>
    %get3A_1201 = arith.constant 94 : i32
    %get3A_1202 = arith.index_cast %get3A_1201 : i32 to index
    %get3A_1203 = arith.constant 0 : index
    %get3A_1204 = tpu.vector_load %arg7[%get3A_1202, %get3A_1203] {strides = array<i32>} : memref<256x16xf32, #tpu.memory_space<vmem>>, vector<1x16xf32>,
    %get3A_1205 = vector.shape_cast %get3A_1204 : vector<1x16xf32> to vector<16xf32>
    %get3A_1206 = arith.constant 11 : i32
    %get3A_1207 = arith.index_cast %get3A_1206 : i32 to index
    %get3A_1208 = arith.constant 96 : index
    %get3A_1209 = tpu.vector_load %arg8[%get3A_1207, %get3A_1208] {strides = array<i32>} : memref<32x128xf32, #tpu.memory_space<vmem>>, vector<1x16xf32>,
    %get3A_1210 = vector.shape_cast %get3A_1209 : vector<1x16xf32> to vector<16xf32>
    %mul3A_1211 = arith.mulf %get3A_1205, %get3A_1210 : vector<16xf32>
    %add3A_1212 = arith.addf %add3A_1200, %mul3A_1211 : vector<16xf32>
    %get3A_1213 = arith.constant 95 : i32
    %get3A_1214 = arith.index_cast %get3A_1213 : i32 to index
    %get3A_1215 = arith.constant 0 : index
    %get3A_1216 = tpu.vector_load %arg7[%get3A_1214, %get3A_1215] {strides = array<i32>} : memref<256x16xf32, #tpu.memory_space<vmem>>, vector<1x16xf32>,
    %get3A_1217 = vector.shape_cast %get3A_1216 : vector<1x16xf32> to vector<16xf32>
    %get3A_1218 = arith.constant 11 : i32
    %get3A_1219 = arith.index_cast %get3A_1218 : i32 to index
    %get3A_1220 = arith.constant 112 : index
    %get3A_1221 = tpu.vector_load %arg8[%get3A_1219, %get3A_1220] {strides = array<i32>} : memref<32x128xf32, #tpu.memory_space<vmem>>, vector<1x16xf32>,
    %get3A_1222 = vector.shape_cast %get3A_1221 : vector<1x16xf32> to vector<16xf32>
    %mul3A_1223 = arith.mulf %get3A_1217, %get3A_1222 : vector<16xf32>
    %add3A_1224 = arith.addf %add3A_1212, %mul3A_1223 : vector<16xf32>
    %swap3A_1225 = arith.constant 11 : i32
    %swap3A_1226 = arith.index_cast %swap3A_1225 : i32 to index
    %swap3A_1227 = arith.constant 0 : index
    %swap3A_1228 = tpu.vector_load %arg9[%swap3A_1226, %swap3A_1227] {strides = array<i32>} : memref<32x16xf32, #tpu.memory_space<vmem>>, vector<1x16xf32>,
    %swap3A_1229 = vector.shape_cast %swap3A_1228 : vector<1x16xf32> to vector<16xf32>
    %swap3A_1230 = vector.shape_cast %add3A_1224 : vector<16xf32> to vector<1x16xf32>
    tpu.vector_store %arg9[%swap3A_1226, %swap3A_1227], %swap3A_1230 {strides = array<i32>} : memref<32x16xf32, #tpu.memory_space<vmem>>, vector<1x16xf32>,
    %get3A_1231 = arith.constant 96 : i32
    %get3A_1232 = arith.index_cast %get3A_1231 : i32 to index
    %get3A_1233 = arith.constant 0 : index
    %get3A_1234 = tpu.vector_load %arg7[%get3A_1232, %get3A_1233] {strides = array<i32>} : memref<256x16xf32, #tpu.memory_space<vmem>>, vector<1x16xf32>,
    %get3A_1235 = vector.shape_cast %get3A_1234 : vector<1x16xf32> to vector<16xf32>
    %get3A_1236 = arith.constant 12 : i32
    %get3A_1237 = arith.index_cast %get3A_1236 : i32 to index
    %get3A_1238 = arith.constant 0 : index
    %get3A_1239 = tpu.vector_load %arg8[%get3A_1237, %get3A_1238] {strides = array<i32>} : memref<32x128xf32, #tpu.memory_space<vmem>>, vector<1x16xf32>,
    %get3A_1240 = vector.shape_cast %get3A_1239 : vector<1x16xf32> to vector<16xf32>
    %mul3A_1241 = arith.mulf %get3A_1235, %get3A_1240 : vector<16xf32>
    %get3A_1242 = arith.constant 97 : i32
    %get3A_1243 = arith.index_cast %get3A_1242 : i32 to index
    %get3A_1244 = arith.constant 0 : index
    %get3A_1245 = tpu.vector_load %arg7[%get3A_1243, %get3A_1244] {strides = array<i32>} : memref<256x16xf32, #tpu.memory_space<vmem>>, vector<1x16xf32>,
    %get3A_1246 = vector.shape_cast %get3A_1245 : vector<1x16xf32> to vector<16xf32>
    %get3A_1247 = arith.constant 12 : i32
    %get3A_1248 = arith.index_cast %get3A_1247 : i32 to index
    %get3A_1249 = arith.constant 16 : index
    %get3A_1250 = tpu.vector_load %arg8[%get3A_1248, %get3A_1249] {strides = array<i32>} : memref<32x128xf32, #tpu.memory_space<vmem>>, vector<1x16xf32>,
    %get3A_1251 = vector.shape_cast %get3A_1250 : vector<1x16xf32> to vector<16xf32>
    %mul3A_1252 = arith.mulf %get3A_1246, %get3A_1251 : vector<16xf32>
    %add3A_1253 = arith.addf %mul3A_1241, %mul3A_1252 : vector<16xf32>
    %get3A_1254 = arith.constant 98 : i32
    %get3A_1255 = arith.index_cast %get3A_1254 : i32 to index
    %get3A_1256 = arith.constant 0 : index
    %get3A_1257 = tpu.vector_load %arg7[%get3A_1255, %get3A_1256] {strides = array<i32>} : memref<256x16xf32, #tpu.memory_space<vmem>>, vector<1x16xf32>,
    %get3A_1258 = vector.shape_cast %get3A_1257 : vector<1x16xf32> to vector<16xf32>
    %get3A_1259 = arith.constant 12 : i32
    %get3A_1260 = arith.index_cast %get3A_1259 : i32 to index
    %get3A_1261 = arith.constant 32 : index
    %get3A_1262 = tpu.vector_load %arg8[%get3A_1260, %get3A_1261] {strides = array<i32>} : memref<32x128xf32, #tpu.memory_space<vmem>>, vector<1x16xf32>,
    %get3A_1263 = vector.shape_cast %get3A_1262 : vector<1x16xf32> to vector<16xf32>
    %mul3A_1264 = arith.mulf %get3A_1258, %get3A_1263 : vector<16xf32>
    %add3A_1265 = arith.addf %add3A_1253, %mul3A_1264 : vector<16xf32>
    %get3A_1266 = arith.constant 99 : i32
    %get3A_1267 = arith.index_cast %get3A_1266 : i32 to index
    %get3A_1268 = arith.constant 0 : index
    %get3A_1269 = tpu.vector_load %arg7[%get3A_1267, %get3A_1268] {strides = array<i32>} : memref<256x16xf32, #tpu.memory_space<vmem>>, vector<1x16xf32>,
    %get3A_1270 = vector.shape_cast %get3A_1269 : vector<1x16xf32> to vector<16xf32>
    %get3A_1271 = arith.constant 12 : i32
    %get3A_1272 = arith.index_cast %get3A_1271 : i32 to index
    %get3A_1273 = arith.constant 48 : index
    %get3A_1274 = tpu.vector_load %arg8[%get3A_1272, %get3A_1273] {strides = array<i32>} : memref<32x128xf32, #tpu.memory_space<vmem>>, vector<1x16xf32>,
    %get3A_1275 = vector.shape_cast %get3A_1274 : vector<1x16xf32> to vector<16xf32>
    %mul3A_1276 = arith.mulf %get3A_1270, %get3A_1275 : vector<16xf32>
    %add3A_1277 = arith.addf %add3A_1265, %mul3A_1276 : vector<16xf32>
    %get3A_1278 = arith.constant 100 : i32
    %get3A_1279 = arith.index_cast %get3A_1278 : i32 to index
    %get3A_1280 = arith.constant 0 : index
    %get3A_1281 = tpu.vector_load %arg7[%get3A_1279, %get3A_1280] {strides = array<i32>} : memref<256x16xf32, #tpu.memory_space<vmem>>, vector<1x16xf32>,
    %get3A_1282 = vector.shape_cast %get3A_1281 : vector<1x16xf32> to vector<16xf32>
    %get3A_1283 = arith.constant 12 : i32
    %get3A_1284 = arith.index_cast %get3A_1283 : i32 to index
    %get3A_1285 = arith.constant 64 : index
    %get3A_1286 = tpu.vector_load %arg8[%get3A_1284, %get3A_1285] {strides = array<i32>} : memref<32x128xf32, #tpu.memory_space<vmem>>, vector<1x16xf32>,
    %get3A_1287 = vector.shape_cast %get3A_1286 : vector<1x16xf32> to vector<16xf32>
    %mul3A_1288 = arith.mulf %get3A_1282, %get3A_1287 : vector<16xf32>
    %add3A_1289 = arith.addf %add3A_1277, %mul3A_1288 : vector<16xf32>
    %get3A_1290 = arith.constant 101 : i32
    %get3A_1291 = arith.index_cast %get3A_1290 : i32 to index
    %get3A_1292 = arith.constant 0 : index
    %get3A_1293 = tpu.vector_load %arg7[%get3A_1291, %get3A_1292] {strides = array<i32>} : memref<256x16xf32, #tpu.memory_space<vmem>>, vector<1x16xf32>,
    %get3A_1294 = vector.shape_cast %get3A_1293 : vector<1x16xf32> to vector<16xf32>
    %get3A_1295 = arith.constant 12 : i32
    %get3A_1296 = arith.index_cast %get3A_1295 : i32 to index
    %get3A_1297 = arith.constant 80 : index
    %get3A_1298 = tpu.vector_load %arg8[%get3A_1296, %get3A_1297] {strides = array<i32>} : memref<32x128xf32, #tpu.memory_space<vmem>>, vector<1x16xf32>,
    %get3A_1299 = vector.shape_cast %get3A_1298 : vector<1x16xf32> to vector<16xf32>
    %mul3A_1300 = arith.mulf %get3A_1294, %get3A_1299 : vector<16xf32>
    %add3A_1301 = arith.addf %add3A_1289, %mul3A_1300 : vector<16xf32>
    %get3A_1302 = arith.constant 102 : i32
    %get3A_1303 = arith.index_cast %get3A_1302 : i32 to index
    %get3A_1304 = arith.constant 0 : index
    %get3A_1305 = tpu.vector_load %arg7[%get3A_1303, %get3A_1304] {strides = array<i32>} : memref<256x16xf32, #tpu.memory_space<vmem>>, vector<1x16xf32>,
    %get3A_1306 = vector.shape_cast %get3A_1305 : vector<1x16xf32> to vector<16xf32>
    %get3A_1307 = arith.constant 12 : i32
    %get3A_1308 = arith.index_cast %get3A_1307 : i32 to index
    %get3A_1309 = arith.constant 96 : index
    %get3A_1310 = tpu.vector_load %arg8[%get3A_1308, %get3A_1309] {strides = array<i32>} : memref<32x128xf32, #tpu.memory_space<vmem>>, vector<1x16xf32>,
    %get3A_1311 = vector.shape_cast %get3A_1310 : vector<1x16xf32> to vector<16xf32>
    %mul3A_1312 = arith.mulf %get3A_1306, %get3A_1311 : vector<16xf32>
    %add3A_1313 = arith.addf %add3A_1301, %mul3A_1312 : vector<16xf32>
    %get3A_1314 = arith.constant 103 : i32
    %get3A_1315 = arith.index_cast %get3A_1314 : i32 to index
    %get3A_1316 = arith.constant 0 : index
    %get3A_1317 = tpu.vector_load %arg7[%get3A_1315, %get3A_1316] {strides = array<i32>} : memref<256x16xf32, #tpu.memory_space<vmem>>, vector<1x16xf32>,
    %get3A_1318 = vector.shape_cast %get3A_1317 : vector<1x16xf32> to vector<16xf32>
    %get3A_1319 = arith.constant 12 : i32
    %get3A_1320 = arith.index_cast %get3A_1319 : i32 to index
    %get3A_1321 = arith.constant 112 : index
    %get3A_1322 = tpu.vector_load %arg8[%get3A_1320, %get3A_1321] {strides = array<i32>} : memref<32x128xf32, #tpu.memory_space<vmem>>, vector<1x16xf32>,
    %get3A_1323 = vector.shape_cast %get3A_1322 : vector<1x16xf32> to vector<16xf32>
    %mul3A_1324 = arith.mulf %get3A_1318, %get3A_1323 : vector<16xf32>
    %add3A_1325 = arith.addf %add3A_1313, %mul3A_1324 : vector<16xf32>
    %swap3A_1326 = arith.constant 12 : i32
    %swap3A_1327 = arith.index_cast %swap3A_1326 : i32 to index
    %swap3A_1328 = arith.constant 0 : index
    %swap3A_1329 = tpu.vector_load %arg9[%swap3A_1327, %swap3A_1328] {strides = array<i32>} : memref<32x16xf32, #tpu.memory_space<vmem>>, vector<1x16xf32>,
    %swap3A_1330 = vector.shape_cast %swap3A_1329 : vector<1x16xf32> to vector<16xf32>
    %swap3A_1331 = vector.shape_cast %add3A_1325 : vector<16xf32> to vector<1x16xf32>
    tpu.vector_store %arg9[%swap3A_1327, %swap3A_1328], %swap3A_1331 {strides = array<i32>} : memref<32x16xf32, #tpu.memory_space<vmem>>, vector<1x16xf32>,
    %get3A_1332 = arith.constant 104 : i32
    %get3A_1333 = arith.index_cast %get3A_1332 : i32 to index
    %get3A_1334 = arith.constant 0 : index
    %get3A_1335 = tpu.vector_load %arg7[%get3A_1333, %get3A_1334] {strides = array<i32>} : memref<256x16xf32, #tpu.memory_space<vmem>>, vector<1x16xf32>,
    %get3A_1336 = vector.shape_cast %get3A_1335 : vector<1x16xf32> to vector<16xf32>
    %get3A_1337 = arith.constant 13 : i32
    %get3A_1338 = arith.index_cast %get3A_1337 : i32 to index
    %get3A_1339 = arith.constant 0 : index
    %get3A_1340 = tpu.vector_load %arg8[%get3A_1338, %get3A_1339] {strides = array<i32>} : memref<32x128xf32, #tpu.memory_space<vmem>>, vector<1x16xf32>,
    %get3A_1341 = vector.shape_cast %get3A_1340 : vector<1x16xf32> to vector<16xf32>
    %mul3A_1342 = arith.mulf %get3A_1336, %get3A_1341 : vector<16xf32>
    %get3A_1343 = arith.constant 105 : i32
    %get3A_1344 = arith.index_cast %get3A_1343 : i32 to index
    %get3A_1345 = arith.constant 0 : index
    %get3A_1346 = tpu.vector_load %arg7[%get3A_1344, %get3A_1345] {strides = array<i32>} : memref<256x16xf32, #tpu.memory_space<vmem>>, vector<1x16xf32>,
    %get3A_1347 = vector.shape_cast %get3A_1346 : vector<1x16xf32> to vector<16xf32>
    %get3A_1348 = arith.constant 13 : i32
    %get3A_1349 = arith.index_cast %get3A_1348 : i32 to index
    %get3A_1350 = arith.constant 16 : index
    %get3A_1351 = tpu.vector_load %arg8[%get3A_1349, %get3A_1350] {strides = array<i32>} : memref<32x128xf32, #tpu.memory_space<vmem>>, vector<1x16xf32>,
    %get3A_1352 = vector.shape_cast %get3A_1351 : vector<1x16xf32> to vector<16xf32>
    %mul3A_1353 = arith.mulf %get3A_1347, %get3A_1352 : vector<16xf32>
    %add3A_1354 = arith.addf %mul3A_1342, %mul3A_1353 : vector<16xf32>
    %get3A_1355 = arith.constant 106 : i32
    %get3A_1356 = arith.index_cast %get3A_1355 : i32 to index
    %get3A_1357 = arith.constant 0 : index
    %get3A_1358 = tpu.vector_load %arg7[%get3A_1356, %get3A_1357] {strides = array<i32>} : memref<256x16xf32, #tpu.memory_space<vmem>>, vector<1x16xf32>,
    %get3A_1359 = vector.shape_cast %get3A_1358 : vector<1x16xf32> to vector<16xf32>
    %get3A_1360 = arith.constant 13 : i32
    %get3A_1361 = arith.index_cast %get3A_1360 : i32 to index
    %get3A_1362 = arith.constant 32 : index
    %get3A_1363 = tpu.vector_load %arg8[%get3A_1361, %get3A_1362] {strides = array<i32>} : memref<32x128xf32, #tpu.memory_space<vmem>>, vector<1x16xf32>,
    %get3A_1364 = vector.shape_cast %get3A_1363 : vector<1x16xf32> to vector<16xf32>
    %mul3A_1365 = arith.mulf %get3A_1359, %get3A_1364 : vector<16xf32>
    %add3A_1366 = arith.addf %add3A_1354, %mul3A_1365 : vector<16xf32>
    %get3A_1367 = arith.constant 107 : i32
    %get3A_1368 = arith.index_cast %get3A_1367 : i32 to index
    %get3A_1369 = arith.constant 0 : index
    %get3A_1370 = tpu.vector_load %arg7[%get3A_1368, %get3A_1369] {strides = array<i32>} : memref<256x16xf32, #tpu.memory_space<vmem>>, vector<1x16xf32>,
    %get3A_1371 = vector.shape_cast %get3A_1370 : vector<1x16xf32> to vector<16xf32>
    %get3A_1372 = arith.constant 13 : i32
    %get3A_1373 = arith.index_cast %get3A_1372 : i32 to index
    %get3A_1374 = arith.constant 48 : index
    %get3A_1375 = tpu.vector_load %arg8[%get3A_1373, %get3A_1374] {strides = array<i32>} : memref<32x128xf32, #tpu.memory_space<vmem>>, vector<1x16xf32>,
    %get3A_1376 = vector.shape_cast %get3A_1375 : vector<1x16xf32> to vector<16xf32>
    %mul3A_1377 = arith.mulf %get3A_1371, %get3A_1376 : vector<16xf32>
    %add3A_1378 = arith.addf %add3A_1366, %mul3A_1377 : vector<16xf32>
    %get3A_1379 = arith.constant 108 : i32
    %get3A_1380 = arith.index_cast %get3A_1379 : i32 to index
    %get3A_1381 = arith.constant 0 : index
    %get3A_1382 = tpu.vector_load %arg7[%get3A_1380, %get3A_1381] {strides = array<i32>} : memref<256x16xf32, #tpu.memory_space<vmem>>, vector<1x16xf32>,
    %get3A_1383 = vector.shape_cast %get3A_1382 : vector<1x16xf32> to vector<16xf32>
    %get3A_1384 = arith.constant 13 : i32
    %get3A_1385 = arith.index_cast %get3A_1384 : i32 to index
    %get3A_1386 = arith.constant 64 : index
    %get3A_1387 = tpu.vector_load %arg8[%get3A_1385, %get3A_1386] {strides = array<i32>} : memref<32x128xf32, #tpu.memory_space<vmem>>, vector<1x16xf32>,
    %get3A_1388 = vector.shape_cast %get3A_1387 : vector<1x16xf32> to vector<16xf32>
    %mul3A_1389 = arith.mulf %get3A_1383, %get3A_1388 : vector<16xf32>
    %add3A_1390 = arith.addf %add3A_1378, %mul3A_1389 : vector<16xf32>
    %get3A_1391 = arith.constant 109 : i32
    %get3A_1392 = arith.index_cast %get3A_1391 : i32 to index
    %get3A_1393 = arith.constant 0 : index
    %get3A_1394 = tpu.vector_load %arg7[%get3A_1392, %get3A_1393] {strides = array<i32>} : memref<256x16xf32, #tpu.memory_space<vmem>>, vector<1x16xf32>,
    %get3A_1395 = vector.shape_cast %get3A_1394 : vector<1x16xf32> to vector<16xf32>
    %get3A_1396 = arith.constant 13 : i32
    %get3A_1397 = arith.index_cast %get3A_1396 : i32 to index
    %get3A_1398 = arith.constant 80 : index
    %get3A_1399 = tpu.vector_load %arg8[%get3A_1397, %get3A_1398] {strides = array<i32>} : memref<32x128xf32, #tpu.memory_space<vmem>>, vector<1x16xf32>,
    %get3A_1400 = vector.shape_cast %get3A_1399 : vector<1x16xf32> to vector<16xf32>
    %mul3A_1401 = arith.mulf %get3A_1395, %get3A_1400 : vector<16xf32>
    %add3A_1402 = arith.addf %add3A_1390, %mul3A_1401 : vector<16xf32>
    %get3A_1403 = arith.constant 110 : i32
    %get3A_1404 = arith.index_cast %get3A_1403 : i32 to index
    %get3A_1405 = arith.constant 0 : index
    %get3A_1406 = tpu.vector_load %arg7[%get3A_1404, %get3A_1405] {strides = array<i32>} : memref<256x16xf32, #tpu.memory_space<vmem>>, vector<1x16xf32>,
    %get3A_1407 = vector.shape_cast %get3A_1406 : vector<1x16xf32> to vector<16xf32>
    %get3A_1408 = arith.constant 13 : i32
    %get3A_1409 = arith.index_cast %get3A_1408 : i32 to index
    %get3A_1410 = arith.constant 96 : index
    %get3A_1411 = tpu.vector_load %arg8[%get3A_1409, %get3A_1410] {strides = array<i32>} : memref<32x128xf32, #tpu.memory_space<vmem>>, vector<1x16xf32>,
    %get3A_1412 = vector.shape_cast %get3A_1411 : vector<1x16xf32> to vector<16xf32>
    %mul3A_1413 = arith.mulf %get3A_1407, %get3A_1412 : vector<16xf32>
    %add3A_1414 = arith.addf %add3A_1402, %mul3A_1413 : vector<16xf32>
    %get3A_1415 = arith.constant 111 : i32
    %get3A_1416 = arith.index_cast %get3A_1415 : i32 to index
    %get3A_1417 = arith.constant 0 : index
    %get3A_1418 = tpu.vector_load %arg7[%get3A_1416, %get3A_1417] {strides = array<i32>} : memref<256x16xf32, #tpu.memory_space<vmem>>, vector<1x16xf32>,
    %get3A_1419 = vector.shape_cast %get3A_1418 : vector<1x16xf32> to vector<16xf32>
    %get3A_1420 = arith.constant 13 : i32
    %get3A_1421 = arith.index_cast %get3A_1420 : i32 to index
    %get3A_1422 = arith.constant 112 : index
    %get3A_1423 = tpu.vector_load %arg8[%get3A_1421, %get3A_1422] {strides = array<i32>} : memref<32x128xf32, #tpu.memory_space<vmem>>, vector<1x16xf32>,
    %get3A_1424 = vector.shape_cast %get3A_1423 : vector<1x16xf32> to vector<16xf32>
    %mul3A_1425 = arith.mulf %get3A_1419, %get3A_1424 : vector<16xf32>
    %add3A_1426 = arith.addf %add3A_1414, %mul3A_1425 : vector<16xf32>
    %swap3A_1427 = arith.constant 13 : i32
    %swap3A_1428 = arith.index_cast %swap3A_1427 : i32 to index
    %swap3A_1429 = arith.constant 0 : index
    %swap3A_1430 = tpu.vector_load %arg9[%swap3A_1428, %swap3A_1429] {strides = array<i32>} : memref<32x16xf32, #tpu.memory_space<vmem>>, vector<1x16xf32>,
    %swap3A_1431 = vector.shape_cast %swap3A_1430 : vector<1x16xf32> to vector<16xf32>
    %swap3A_1432 = vector.shape_cast %add3A_1426 : vector<16xf32> to vector<1x16xf32>
    tpu.vector_store %arg9[%swap3A_1428, %swap3A_1429], %swap3A_1432 {strides = array<i32>} : memref<32x16xf32, #tpu.memory_space<vmem>>, vector<1x16xf32>,
    %get3A_1433 = arith.constant 112 : i32
    %get3A_1434 = arith.index_cast %get3A_1433 : i32 to index
    %get3A_1435 = arith.constant 0 : index
    %get3A_1436 = tpu.vector_load %arg7[%get3A_1434, %get3A_1435] {strides = array<i32>} : memref<256x16xf32, #tpu.memory_space<vmem>>, vector<1x16xf32>,
    %get3A_1437 = vector.shape_cast %get3A_1436 : vector<1x16xf32> to vector<16xf32>
    %get3A_1438 = arith.constant 14 : i32
    %get3A_1439 = arith.index_cast %get3A_1438 : i32 to index
    %get3A_1440 = arith.constant 0 : index
    %get3A_1441 = tpu.vector_load %arg8[%get3A_1439, %get3A_1440] {strides = array<i32>} : memref<32x128xf32, #tpu.memory_space<vmem>>, vector<1x16xf32>,
    %get3A_1442 = vector.shape_cast %get3A_1441 : vector<1x16xf32> to vector<16xf32>
    %mul3A_1443 = arith.mulf %get3A_1437, %get3A_1442 : vector<16xf32>
    %get3A_1444 = arith.constant 113 : i32
    %get3A_1445 = arith.index_cast %get3A_1444 : i32 to index
    %get3A_1446 = arith.constant 0 : index
    %get3A_1447 = tpu.vector_load %arg7[%get3A_1445, %get3A_1446] {strides = array<i32>} : memref<256x16xf32, #tpu.memory_space<vmem>>, vector<1x16xf32>,
    %get3A_1448 = vector.shape_cast %get3A_1447 : vector<1x16xf32> to vector<16xf32>
    %get3A_1449 = arith.constant 14 : i32
    %get3A_1450 = arith.index_cast %get3A_1449 : i32 to index
    %get3A_1451 = arith.constant 16 : index
    %get3A_1452 = tpu.vector_load %arg8[%get3A_1450, %get3A_1451] {strides = array<i32>} : memref<32x128xf32, #tpu.memory_space<vmem>>, vector<1x16xf32>,
    %get3A_1453 = vector.shape_cast %get3A_1452 : vector<1x16xf32> to vector<16xf32>
    %mul3A_1454 = arith.mulf %get3A_1448, %get3A_1453 : vector<16xf32>
    %add3A_1455 = arith.addf %mul3A_1443, %mul3A_1454 : vector<16xf32>
    %get3A_1456 = arith.constant 114 : i32
    %get3A_1457 = arith.index_cast %get3A_1456 : i32 to index
    %get3A_1458 = arith.constant 0 : index
    %get3A_1459 = tpu.vector_load %arg7[%get3A_1457, %get3A_1458] {strides = array<i32>} : memref<256x16xf32, #tpu.memory_space<vmem>>, vector<1x16xf32>,
    %get3A_1460 = vector.shape_cast %get3A_1459 : vector<1x16xf32> to vector<16xf32>
    %get3A_1461 = arith.constant 14 : i32
    %get3A_1462 = arith.index_cast %get3A_1461 : i32 to index
    %get3A_1463 = arith.constant 32 : index
    %get3A_1464 = tpu.vector_load %arg8[%get3A_1462, %get3A_1463] {strides = array<i32>} : memref<32x128xf32, #tpu.memory_space<vmem>>, vector<1x16xf32>,
    %get3A_1465 = vector.shape_cast %get3A_1464 : vector<1x16xf32> to vector<16xf32>
    %mul3A_1466 = arith.mulf %get3A_1460, %get3A_1465 : vector<16xf32>
    %add3A_1467 = arith.addf %add3A_1455, %mul3A_1466 : vector<16xf32>
    %get3A_1468 = arith.constant 115 : i32
    %get3A_1469 = arith.index_cast %get3A_1468 : i32 to index
    %get3A_1470 = arith.constant 0 : index
    %get3A_1471 = tpu.vector_load %arg7[%get3A_1469, %get3A_1470] {strides = array<i32>} : memref<256x16xf32, #tpu.memory_space<vmem>>, vector<1x16xf32>,
    %get3A_1472 = vector.shape_cast %get3A_1471 : vector<1x16xf32> to vector<16xf32>
    %get3A_1473 = arith.constant 14 : i32
    %get3A_1474 = arith.index_cast %get3A_1473 : i32 to index
    %get3A_1475 = arith.constant 48 : index
    %get3A_1476 = tpu.vector_load %arg8[%get3A_1474, %get3A_1475] {strides = array<i32>} : memref<32x128xf32, #tpu.memory_space<vmem>>, vector<1x16xf32>,
    %get3A_1477 = vector.shape_cast %get3A_1476 : vector<1x16xf32> to vector<16xf32>
    %mul3A_1478 = arith.mulf %get3A_1472, %get3A_1477 : vector<16xf32>
    %add3A_1479 = arith.addf %add3A_1467, %mul3A_1478 : vector<16xf32>
    %get3A_1480 = arith.constant 116 : i32
    %get3A_1481 = arith.index_cast %get3A_1480 : i32 to index
    %get3A_1482 = arith.constant 0 : index
    %get3A_1483 = tpu.vector_load %arg7[%get3A_1481, %get3A_1482] {strides = array<i32>} : memref<256x16xf32, #tpu.memory_space<vmem>>, vector<1x16xf32>,
    %get3A_1484 = vector.shape_cast %get3A_1483 : vector<1x16xf32> to vector<16xf32>
    %get3A_1485 = arith.constant 14 : i32
    %get3A_1486 = arith.index_cast %get3A_1485 : i32 to index
    %get3A_1487 = arith.constant 64 : index
    %get3A_1488 = tpu.vector_load %arg8[%get3A_1486, %get3A_1487] {strides = array<i32>} : memref<32x128xf32, #tpu.memory_space<vmem>>, vector<1x16xf32>,
    %get3A_1489 = vector.shape_cast %get3A_1488 : vector<1x16xf32> to vector<16xf32>
    %mul3A_1490 = arith.mulf %get3A_1484, %get3A_1489 : vector<16xf32>
    %add3A_1491 = arith.addf %add3A_1479, %mul3A_1490 : vector<16xf32>
    %get3A_1492 = arith.constant 117 : i32
    %get3A_1493 = arith.index_cast %get3A_1492 : i32 to index
    %get3A_1494 = arith.constant 0 : index
    %get3A_1495 = tpu.vector_load %arg7[%get3A_1493, %get3A_1494] {strides = array<i32>} : memref<256x16xf32, #tpu.memory_space<vmem>>, vector<1x16xf32>,
    %get3A_1496 = vector.shape_cast %get3A_1495 : vector<1x16xf32> to vector<16xf32>
    %get3A_1497 = arith.constant 14 : i32
    %get3A_1498 = arith.index_cast %get3A_1497 : i32 to index
    %get3A_1499 = arith.constant 80 : index
    %get3A_1500 = tpu.vector_load %arg8[%get3A_1498, %get3A_1499] {strides = array<i32>} : memref<32x128xf32, #tpu.memory_space<vmem>>, vector<1x16xf32>,
    %get3A_1501 = vector.shape_cast %get3A_1500 : vector<1x16xf32> to vector<16xf32>
    %mul3A_1502 = arith.mulf %get3A_1496, %get3A_1501 : vector<16xf32>
    %add3A_1503 = arith.addf %add3A_1491, %mul3A_1502 : vector<16xf32>
    %get3A_1504 = arith.constant 118 : i32
    %get3A_1505 = arith.index_cast %get3A_1504 : i32 to index
    %get3A_1506 = arith.constant 0 : index
    %get3A_1507 = tpu.vector_load %arg7[%get3A_1505, %get3A_1506] {strides = array<i32>} : memref<256x16xf32, #tpu.memory_space<vmem>>, vector<1x16xf32>,
    %get3A_1508 = vector.shape_cast %get3A_1507 : vector<1x16xf32> to vector<16xf32>
    %get3A_1509 = arith.constant 14 : i32
    %get3A_1510 = arith.index_cast %get3A_1509 : i32 to index
    %get3A_1511 = arith.constant 96 : index
    %get3A_1512 = tpu.vector_load %arg8[%get3A_1510, %get3A_1511] {strides = array<i32>} : memref<32x128xf32, #tpu.memory_space<vmem>>, vector<1x16xf32>,
    %get3A_1513 = vector.shape_cast %get3A_1512 : vector<1x16xf32> to vector<16xf32>
    %mul3A_1514 = arith.mulf %get3A_1508, %get3A_1513 : vector<16xf32>
    %add3A_1515 = arith.addf %add3A_1503, %mul3A_1514 : vector<16xf32>
    %get3A_1516 = arith.constant 119 : i32
    %get3A_1517 = arith.index_cast %get3A_1516 : i32 to index
    %get3A_1518 = arith.constant 0 : index
    %get3A_1519 = tpu.vector_load %arg7[%get3A_1517, %get3A_1518] {strides = array<i32>} : memref<256x16xf32, #tpu.memory_space<vmem>>, vector<1x16xf32>,
    %get3A_1520 = vector.shape_cast %get3A_1519 : vector<1x16xf32> to vector<16xf32>
    %get3A_1521 = arith.constant 14 : i32
    %get3A_1522 = arith.index_cast %get3A_1521 : i32 to index
    %get3A_1523 = arith.constant 112 : index
    %get3A_1524 = tpu.vector_load %arg8[%get3A_1522, %get3A_1523] {strides = array<i32>} : memref<32x128xf32, #tpu.memory_space<vmem>>, vector<1x16xf32>,
    %get3A_1525 = vector.shape_cast %get3A_1524 : vector<1x16xf32> to vector<16xf32>
    %mul3A_1526 = arith.mulf %get3A_1520, %get3A_1525 : vector<16xf32>
    %add3A_1527 = arith.addf %add3A_1515, %mul3A_1526 : vector<16xf32>
    %swap3A_1528 = arith.constant 14 : i32
    %swap3A_1529 = arith.index_cast %swap3A_1528 : i32 to index
    %swap3A_1530 = arith.constant 0 : index
    %swap3A_1531 = tpu.vector_load %arg9[%swap3A_1529, %swap3A_1530] {strides = array<i32>} : memref<32x16xf32, #tpu.memory_space<vmem>>, vector<1x16xf32>,
    %swap3A_1532 = vector.shape_cast %swap3A_1531 : vector<1x16xf32> to vector<16xf32>
    %swap3A_1533 = vector.shape_cast %add3A_1527 : vector<16xf32> to vector<1x16xf32>
    tpu.vector_store %arg9[%swap3A_1529, %swap3A_1530], %swap3A_1533 {strides = array<i32>} : memref<32x16xf32, #tpu.memory_space<vmem>>, vector<1x16xf32>,
    %get3A_1534 = arith.constant 120 : i32
    %get3A_1535 = arith.index_cast %get3A_1534 : i32 to index
    %get3A_1536 = arith.constant 0 : index
    %get3A_1537 = tpu.vector_load %arg7[%get3A_1535, %get3A_1536] {strides = array<i32>} : memref<256x16xf32, #tpu.memory_space<vmem>>, vector<1x16xf32>,
    %get3A_1538 = vector.shape_cast %get3A_1537 : vector<1x16xf32> to vector<16xf32>
    %get3A_1539 = arith.constant 15 : i32
    %get3A_1540 = arith.index_cast %get3A_1539 : i32 to index
    %get3A_1541 = arith.constant 0 : index
    %get3A_1542 = tpu.vector_load %arg8[%get3A_1540, %get3A_1541] {strides = array<i32>} : memref<32x128xf32, #tpu.memory_space<vmem>>, vector<1x16xf32>,
    %get3A_1543 = vector.shape_cast %get3A_1542 : vector<1x16xf32> to vector<16xf32>
    %mul3A_1544 = arith.mulf %get3A_1538, %get3A_1543 : vector<16xf32>
    %get3A_1545 = arith.constant 121 : i32
    %get3A_1546 = arith.index_cast %get3A_1545 : i32 to index
    %get3A_1547 = arith.constant 0 : index
    %get3A_1548 = tpu.vector_load %arg7[%get3A_1546, %get3A_1547] {strides = array<i32>} : memref<256x16xf32, #tpu.memory_space<vmem>>, vector<1x16xf32>,
    %get3A_1549 = vector.shape_cast %get3A_1548 : vector<1x16xf32> to vector<16xf32>
    %get3A_1550 = arith.constant 15 : i32
    %get3A_1551 = arith.index_cast %get3A_1550 : i32 to index
    %get3A_1552 = arith.constant 16 : index
    %get3A_1553 = tpu.vector_load %arg8[%get3A_1551, %get3A_1552] {strides = array<i32>} : memref<32x128xf32, #tpu.memory_space<vmem>>, vector<1x16xf32>,
    %get3A_1554 = vector.shape_cast %get3A_1553 : vector<1x16xf32> to vector<16xf32>
    %mul3A_1555 = arith.mulf %get3A_1549, %get3A_1554 : vector<16xf32>
    %add3A_1556 = arith.addf %mul3A_1544, %mul3A_1555 : vector<16xf32>
    %get3A_1557 = arith.constant 122 : i32
    %get3A_1558 = arith.index_cast %get3A_1557 : i32 to index
    %get3A_1559 = arith.constant 0 : index
    %get3A_1560 = tpu.vector_load %arg7[%get3A_1558, %get3A_1559] {strides = array<i32>} : memref<256x16xf32, #tpu.memory_space<vmem>>, vector<1x16xf32>,
    %get3A_1561 = vector.shape_cast %get3A_1560 : vector<1x16xf32> to vector<16xf32>
    %get3A_1562 = arith.constant 15 : i32
    %get3A_1563 = arith.index_cast %get3A_1562 : i32 to index
    %get3A_1564 = arith.constant 32 : index
    %get3A_1565 = tpu.vector_load %arg8[%get3A_1563, %get3A_1564] {strides = array<i32>} : memref<32x128xf32, #tpu.memory_space<vmem>>, vector<1x16xf32>,
    %get3A_1566 = vector.shape_cast %get3A_1565 : vector<1x16xf32> to vector<16xf32>
    %mul3A_1567 = arith.mulf %get3A_1561, %get3A_1566 : vector<16xf32>
    %add3A_1568 = arith.addf %add3A_1556, %mul3A_1567 : vector<16xf32>
    %get3A_1569 = arith.constant 123 : i32
    %get3A_1570 = arith.index_cast %get3A_1569 : i32 to index
    %get3A_1571 = arith.constant 0 : index
    %get3A_1572 = tpu.vector_load %arg7[%get3A_1570, %get3A_1571] {strides = array<i32>} : memref<256x16xf32, #tpu.memory_space<vmem>>, vector<1x16xf32>,
    %get3A_1573 = vector.shape_cast %get3A_1572 : vector<1x16xf32> to vector<16xf32>
    %get3A_1574 = arith.constant 15 : i32
    %get3A_1575 = arith.index_cast %get3A_1574 : i32 to index
    %get3A_1576 = arith.constant 48 : index
    %get3A_1577 = tpu.vector_load %arg8[%get3A_1575, %get3A_1576] {strides = array<i32>} : memref<32x128xf32, #tpu.memory_space<vmem>>, vector<1x16xf32>,
    %get3A_1578 = vector.shape_cast %get3A_1577 : vector<1x16xf32> to vector<16xf32>
    %mul3A_1579 = arith.mulf %get3A_1573, %get3A_1578 : vector<16xf32>
    %add3A_1580 = arith.addf %add3A_1568, %mul3A_1579 : vector<16xf32>
    %get3A_1581 = arith.constant 124 : i32
    %get3A_1582 = arith.index_cast %get3A_1581 : i32 to index
    %get3A_1583 = arith.constant 0 : index
    %get3A_1584 = tpu.vector_load %arg7[%get3A_1582, %get3A_1583] {strides = array<i32>} : memref<256x16xf32, #tpu.memory_space<vmem>>, vector<1x16xf32>,
    %get3A_1585 = vector.shape_cast %get3A_1584 : vector<1x16xf32> to vector<16xf32>
    %get3A_1586 = arith.constant 15 : i32
    %get3A_1587 = arith.index_cast %get3A_1586 : i32 to index
    %get3A_1588 = arith.constant 64 : index
    %get3A_1589 = tpu.vector_load %arg8[%get3A_1587, %get3A_1588] {strides = array<i32>} : memref<32x128xf32, #tpu.memory_space<vmem>>, vector<1x16xf32>,
    %get3A_1590 = vector.shape_cast %get3A_1589 : vector<1x16xf32> to vector<16xf32>
    %mul3A_1591 = arith.mulf %get3A_1585, %get3A_1590 : vector<16xf32>
    %add3A_1592 = arith.addf %add3A_1580, %mul3A_1591 : vector<16xf32>
    %get3A_1593 = arith.constant 125 : i32
    %get3A_1594 = arith.index_cast %get3A_1593 : i32 to index
    %get3A_1595 = arith.constant 0 : index
    %get3A_1596 = tpu.vector_load %arg7[%get3A_1594, %get3A_1595] {strides = array<i32>} : memref<256x16xf32, #tpu.memory_space<vmem>>, vector<1x16xf32>,
    %get3A_1597 = vector.shape_cast %get3A_1596 : vector<1x16xf32> to vector<16xf32>
    %get3A_1598 = arith.constant 15 : i32
    %get3A_1599 = arith.index_cast %get3A_1598 : i32 to index
    %get3A_1600 = arith.constant 80 : index
    %get3A_1601 = tpu.vector_load %arg8[%get3A_1599, %get3A_1600] {strides = array<i32>} : memref<32x128xf32, #tpu.memory_space<vmem>>, vector<1x16xf32>,
    %get3A_1602 = vector.shape_cast %get3A_1601 : vector<1x16xf32> to vector<16xf32>
    %mul3A_1603 = arith.mulf %get3A_1597, %get3A_1602 : vector<16xf32>
    %add3A_1604 = arith.addf %add3A_1592, %mul3A_1603 : vector<16xf32>
    %get3A_1605 = arith.constant 126 : i32
    %get3A_1606 = arith.index_cast %get3A_1605 : i32 to index
    %get3A_1607 = arith.constant 0 : index
    %get3A_1608 = tpu.vector_load %arg7[%get3A_1606, %get3A_1607] {strides = array<i32>} : memref<256x16xf32, #tpu.memory_space<vmem>>, vector<1x16xf32>,
    %get3A_1609 = vector.shape_cast %get3A_1608 : vector<1x16xf32> to vector<16xf32>
    %get3A_1610 = arith.constant 15 : i32
    %get3A_1611 = arith.index_cast %get3A_1610 : i32 to index
    %get3A_1612 = arith.constant 96 : index
    %get3A_1613 = tpu.vector_load %arg8[%get3A_1611, %get3A_1612] {strides = array<i32>} : memref<32x128xf32, #tpu.memory_space<vmem>>, vector<1x16xf32>,
    %get3A_1614 = vector.shape_cast %get3A_1613 : vector<1x16xf32> to vector<16xf32>
    %mul3A_1615 = arith.mulf %get3A_1609, %get3A_1614 : vector<16xf32>
    %add3A_1616 = arith.addf %add3A_1604, %mul3A_1615 : vector<16xf32>
    %get3A_1617 = arith.constant 127 : i32
    %get3A_1618 = arith.index_cast %get3A_1617 : i32 to index
    %get3A_1619 = arith.constant 0 : index
    %get3A_1620 = tpu.vector_load %arg7[%get3A_1618, %get3A_1619] {strides = array<i32>} : memref<256x16xf32, #tpu.memory_space<vmem>>, vector<1x16xf32>,
    %get3A_1621 = vector.shape_cast %get3A_1620 : vector<1x16xf32> to vector<16xf32>
    %get3A_1622 = arith.constant 15 : i32
    %get3A_1623 = arith.index_cast %get3A_1622 : i32 to index
    %get3A_1624 = arith.constant 112 : index
    %get3A_1625 = tpu.vector_load %arg8[%get3A_1623, %get3A_1624] {strides = array<i32>} : memref<32x128xf32, #tpu.memory_space<vmem>>, vector<1x16xf32>,
    %get3A_1626 = vector.shape_cast %get3A_1625 : vector<1x16xf32> to vector<16xf32>
    %mul3A_1627 = arith.mulf %get3A_1621, %get3A_1626 : vector<16xf32>
    %add3A_1628 = arith.addf %add3A_1616, %mul3A_1627 : vector<16xf32>
    %swap3A_1629 = arith.constant 15 : i32
    %swap3A_1630 = arith.index_cast %swap3A_1629 : i32 to index
    %swap3A_1631 = arith.constant 0 : index
    %swap3A_1632 = tpu.vector_load %arg9[%swap3A_1630, %swap3A_1631] {strides = array<i32>} : memref<32x16xf32, #tpu.memory_space<vmem>>, vector<1x16xf32>,
    %swap3A_1633 = vector.shape_cast %swap3A_1632 : vector<1x16xf32> to vector<16xf32>
    %swap3A_1634 = vector.shape_cast %add3A_1628 : vector<16xf32> to vector<1x16xf32>
    tpu.vector_store %arg9[%swap3A_1630, %swap3A_1631], %swap3A_1634 {strides = array<i32>} : memref<32x16xf32, #tpu.memory_space<vmem>>, vector<1x16xf32>,
    %get3A_1635 = arith.constant 128 : i32
    %get3A_1636 = arith.index_cast %get3A_1635 : i32 to index
    %get3A_1637 = arith.constant 0 : index
    %get3A_1638 = tpu.vector_load %arg7[%get3A_1636, %get3A_1637] {strides = array<i32>} : memref<256x16xf32, #tpu.memory_space<vmem>>, vector<1x16xf32>,
    %get3A_1639 = vector.shape_cast %get3A_1638 : vector<1x16xf32> to vector<16xf32>
    %get3A_1640 = arith.constant 16 : i32
    %get3A_1641 = arith.index_cast %get3A_1640 : i32 to index
    %get3A_1642 = arith.constant 0 : index
    %get3A_1643 = tpu.vector_load %arg8[%get3A_1641, %get3A_1642] {strides = array<i32>} : memref<32x128xf32, #tpu.memory_space<vmem>>, vector<1x16xf32>,
    %get3A_1644 = vector.shape_cast %get3A_1643 : vector<1x16xf32> to vector<16xf32>
    %mul3A_1645 = arith.mulf %get3A_1639, %get3A_1644 : vector<16xf32>
    %get3A_1646 = arith.constant 129 : i32
    %get3A_1647 = arith.index_cast %get3A_1646 : i32 to index
    %get3A_1648 = arith.constant 0 : index
    %get3A_1649 = tpu.vector_load %arg7[%get3A_1647, %get3A_1648] {strides = array<i32>} : memref<256x16xf32, #tpu.memory_space<vmem>>, vector<1x16xf32>,
    %get3A_1650 = vector.shape_cast %get3A_1649 : vector<1x16xf32> to vector<16xf32>
    %get3A_1651 = arith.constant 16 : i32
    %get3A_1652 = arith.index_cast %get3A_1651 : i32 to index
    %get3A_1653 = arith.constant 16 : index
    %get3A_1654 = tpu.vector_load %arg8[%get3A_1652, %get3A_1653] {strides = array<i32>} : memref<32x128xf32, #tpu.memory_space<vmem>>, vector<1x16xf32>,
    %get3A_1655 = vector.shape_cast %get3A_1654 : vector<1x16xf32> to vector<16xf32>
    %mul3A_1656 = arith.mulf %get3A_1650, %get3A_1655 : vector<16xf32>
    %add3A_1657 = arith.addf %mul3A_1645, %mul3A_1656 : vector<16xf32>
    %get3A_1658 = arith.constant 130 : i32
    %get3A_1659 = arith.index_cast %get3A_1658 : i32 to index
    %get3A_1660 = arith.constant 0 : index
    %get3A_1661 = tpu.vector_load %arg7[%get3A_1659, %get3A_1660] {strides = array<i32>} : memref<256x16xf32, #tpu.memory_space<vmem>>, vector<1x16xf32>,
    %get3A_1662 = vector.shape_cast %get3A_1661 : vector<1x16xf32> to vector<16xf32>
    %get3A_1663 = arith.constant 16 : i32
    %get3A_1664 = arith.index_cast %get3A_1663 : i32 to index
    %get3A_1665 = arith.constant 32 : index
    %get3A_1666 = tpu.vector_load %arg8[%get3A_1664, %get3A_1665] {strides = array<i32>} : memref<32x128xf32, #tpu.memory_space<vmem>>, vector<1x16xf32>,
    %get3A_1667 = vector.shape_cast %get3A_1666 : vector<1x16xf32> to vector<16xf32>
    %mul3A_1668 = arith.mulf %get3A_1662, %get3A_1667 : vector<16xf32>
    %add3A_1669 = arith.addf %add3A_1657, %mul3A_1668 : vector<16xf32>
    %get3A_1670 = arith.constant 131 : i32
    %get3A_1671 = arith.index_cast %get3A_1670 : i32 to index
    %get3A_1672 = arith.constant 0 : index
    %get3A_1673 = tpu.vector_load %arg7[%get3A_1671, %get3A_1672] {strides = array<i32>} : memref<256x16xf32, #tpu.memory_space<vmem>>, vector<1x16xf32>,
    %get3A_1674 = vector.shape_cast %get3A_1673 : vector<1x16xf32> to vector<16xf32>
    %get3A_1675 = arith.constant 16 : i32
    %get3A_1676 = arith.index_cast %get3A_1675 : i32 to index
    %get3A_1677 = arith.constant 48 : index
    %get3A_1678 = tpu.vector_load %arg8[%get3A_1676, %get3A_1677] {strides = array<i32>} : memref<32x128xf32, #tpu.memory_space<vmem>>, vector<1x16xf32>,
    %get3A_1679 = vector.shape_cast %get3A_1678 : vector<1x16xf32> to vector<16xf32>
    %mul3A_1680 = arith.mulf %get3A_1674, %get3A_1679 : vector<16xf32>
    %add3A_1681 = arith.addf %add3A_1669, %mul3A_1680 : vector<16xf32>
    %get3A_1682 = arith.constant 132 : i32
    %get3A_1683 = arith.index_cast %get3A_1682 : i32 to index
    %get3A_1684 = arith.constant 0 : index
    %get3A_1685 = tpu.vector_load %arg7[%get3A_1683, %get3A_1684] {strides = array<i32>} : memref<256x16xf32, #tpu.memory_space<vmem>>, vector<1x16xf32>,
    %get3A_1686 = vector.shape_cast %get3A_1685 : vector<1x16xf32> to vector<16xf32>
    %get3A_1687 = arith.constant 16 : i32
    %get3A_1688 = arith.index_cast %get3A_1687 : i32 to index
    %get3A_1689 = arith.constant 64 : index
    %get3A_1690 = tpu.vector_load %arg8[%get3A_1688, %get3A_1689] {strides = array<i32>} : memref<32x128xf32, #tpu.memory_space<vmem>>, vector<1x16xf32>,
    %get3A_1691 = vector.shape_cast %get3A_1690 : vector<1x16xf32> to vector<16xf32>
    %mul3A_1692 = arith.mulf %get3A_1686, %get3A_1691 : vector<16xf32>
    %add3A_1693 = arith.addf %add3A_1681, %mul3A_1692 : vector<16xf32>
    %get3A_1694 = arith.constant 133 : i32
    %get3A_1695 = arith.index_cast %get3A_1694 : i32 to index
    %get3A_1696 = arith.constant 0 : index
    %get3A_1697 = tpu.vector_load %arg7[%get3A_1695, %get3A_1696] {strides = array<i32>} : memref<256x16xf32, #tpu.memory_space<vmem>>, vector<1x16xf32>,
    %get3A_1698 = vector.shape_cast %get3A_1697 : vector<1x16xf32> to vector<16xf32>
    %get3A_1699 = arith.constant 16 : i32
    %get3A_1700 = arith.index_cast %get3A_1699 : i32 to index
    %get3A_1701 = arith.constant 80 : index
    %get3A_1702 = tpu.vector_load %arg8[%get3A_1700, %get3A_1701] {strides = array<i32>} : memref<32x128xf32, #tpu.memory_space<vmem>>, vector<1x16xf32>,
    %get3A_1703 = vector.shape_cast %get3A_1702 : vector<1x16xf32> to vector<16xf32>
    %mul3A_1704 = arith.mulf %get3A_1698, %get3A_1703 : vector<16xf32>
    %add3A_1705 = arith.addf %add3A_1693, %mul3A_1704 : vector<16xf32>
    %get3A_1706 = arith.constant 134 : i32
    %get3A_1707 = arith.index_cast %get3A_1706 : i32 to index
    %get3A_1708 = arith.constant 0 : index
    %get3A_1709 = tpu.vector_load %arg7[%get3A_1707, %get3A_1708] {strides = array<i32>} : memref<256x16xf32, #tpu.memory_space<vmem>>, vector<1x16xf32>,
    %get3A_1710 = vector.shape_cast %get3A_1709 : vector<1x16xf32> to vector<16xf32>
    %get3A_1711 = arith.constant 16 : i32
    %get3A_1712 = arith.index_cast %get3A_1711 : i32 to index
    %get3A_1713 = arith.constant 96 : index
    %get3A_1714 = tpu.vector_load %arg8[%get3A_1712, %get3A_1713] {strides = array<i32>} : memref<32x128xf32, #tpu.memory_space<vmem>>, vector<1x16xf32>,
    %get3A_1715 = vector.shape_cast %get3A_1714 : vector<1x16xf32> to vector<16xf32>
    %mul3A_1716 = arith.mulf %get3A_1710, %get3A_1715 : vector<16xf32>
    %add3A_1717 = arith.addf %add3A_1705, %mul3A_1716 : vector<16xf32>
    %get3A_1718 = arith.constant 135 : i32
    %get3A_1719 = arith.index_cast %get3A_1718 : i32 to index
    %get3A_1720 = arith.constant 0 : index
    %get3A_1721 = tpu.vector_load %arg7[%get3A_1719, %get3A_1720] {strides = array<i32>} : memref<256x16xf32, #tpu.memory_space<vmem>>, vector<1x16xf32>,
    %get3A_1722 = vector.shape_cast %get3A_1721 : vector<1x16xf32> to vector<16xf32>
    %get3A_1723 = arith.constant 16 : i32
    %get3A_1724 = arith.index_cast %get3A_1723 : i32 to index
    %get3A_1725 = arith.constant 112 : index
    %get3A_1726 = tpu.vector_load %arg8[%get3A_1724, %get3A_1725] {strides = array<i32>} : memref<32x128xf32, #tpu.memory_space<vmem>>, vector<1x16xf32>,
    %get3A_1727 = vector.shape_cast %get3A_1726 : vector<1x16xf32> to vector<16xf32>
    %mul3A_1728 = arith.mulf %get3A_1722, %get3A_1727 : vector<16xf32>
    %add3A_1729 = arith.addf %add3A_1717, %mul3A_1728 : vector<16xf32>
    %swap3A_1730 = arith.constant 16 : i32
    %swap3A_1731 = arith.index_cast %swap3A_1730 : i32 to index
    %swap3A_1732 = arith.constant 0 : index
    %swap3A_1733 = tpu.vector_load %arg9[%swap3A_1731, %swap3A_1732] {strides = array<i32>} : memref<32x16xf32, #tpu.memory_space<vmem>>, vector<1x16xf32>,
    %swap3A_1734 = vector.shape_cast %swap3A_1733 : vector<1x16xf32> to vector<16xf32>
    %swap3A_1735 = vector.shape_cast %add3A_1729 : vector<16xf32> to vector<1x16xf32>
    tpu.vector_store %arg9[%swap3A_1731, %swap3A_1732], %swap3A_1735 {strides = array<i32>} : memref<32x16xf32, #tpu.memory_space<vmem>>, vector<1x16xf32>,
    %get3A_1736 = arith.constant 136 : i32
    %get3A_1737 = arith.index_cast %get3A_1736 : i32 to index
    %get3A_1738 = arith.constant 0 : index
    %get3A_1739 = tpu.vector_load %arg7[%get3A_1737, %get3A_1738] {strides = array<i32>} : memref<256x16xf32, #tpu.memory_space<vmem>>, vector<1x16xf32>,
    %get3A_1740 = vector.shape_cast %get3A_1739 : vector<1x16xf32> to vector<16xf32>
    %get3A_1741 = arith.constant 17 : i32
    %get3A_1742 = arith.index_cast %get3A_1741 : i32 to index
    %get3A_1743 = arith.constant 0 : index
    %get3A_1744 = tpu.vector_load %arg8[%get3A_1742, %get3A_1743] {strides = array<i32>} : memref<32x128xf32, #tpu.memory_space<vmem>>, vector<1x16xf32>,
    %get3A_1745 = vector.shape_cast %get3A_1744 : vector<1x16xf32> to vector<16xf32>
    %mul3A_1746 = arith.mulf %get3A_1740, %get3A_1745 : vector<16xf32>
    %get3A_1747 = arith.constant 137 : i32
    %get3A_1748 = arith.index_cast %get3A_1747 : i32 to index
    %get3A_1749 = arith.constant 0 : index
    %get3A_1750 = tpu.vector_load %arg7[%get3A_1748, %get3A_1749] {strides = array<i32>} : memref<256x16xf32, #tpu.memory_space<vmem>>, vector<1x16xf32>,
    %get3A_1751 = vector.shape_cast %get3A_1750 : vector<1x16xf32> to vector<16xf32>
    %get3A_1752 = arith.constant 17 : i32
    %get3A_1753 = arith.index_cast %get3A_1752 : i32 to index
    %get3A_1754 = arith.constant 16 : index
    %get3A_1755 = tpu.vector_load %arg8[%get3A_1753, %get3A_1754] {strides = array<i32>} : memref<32x128xf32, #tpu.memory_space<vmem>>, vector<1x16xf32>,
    %get3A_1756 = vector.shape_cast %get3A_1755 : vector<1x16xf32> to vector<16xf32>
    %mul3A_1757 = arith.mulf %get3A_1751, %get3A_1756 : vector<16xf32>
    %add3A_1758 = arith.addf %mul3A_1746, %mul3A_1757 : vector<16xf32>
    %get3A_1759 = arith.constant 138 : i32
    %get3A_1760 = arith.index_cast %get3A_1759 : i32 to index
    %get3A_1761 = arith.constant 0 : index
    %get3A_1762 = tpu.vector_load %arg7[%get3A_1760, %get3A_1761] {strides = array<i32>} : memref<256x16xf32, #tpu.memory_space<vmem>>, vector<1x16xf32>,
    %get3A_1763 = vector.shape_cast %get3A_1762 : vector<1x16xf32> to vector<16xf32>
    %get3A_1764 = arith.constant 17 : i32
    %get3A_1765 = arith.index_cast %get3A_1764 : i32 to index
    %get3A_1766 = arith.constant 32 : index
    %get3A_1767 = tpu.vector_load %arg8[%get3A_1765, %get3A_1766] {strides = array<i32>} : memref<32x128xf32, #tpu.memory_space<vmem>>, vector<1x16xf32>,
    %get3A_1768 = vector.shape_cast %get3A_1767 : vector<1x16xf32> to vector<16xf32>
    %mul3A_1769 = arith.mulf %get3A_1763, %get3A_1768 : vector<16xf32>
    %add3A_1770 = arith.addf %add3A_1758, %mul3A_1769 : vector<16xf32>
    %get3A_1771 = arith.constant 139 : i32
    %get3A_1772 = arith.index_cast %get3A_1771 : i32 to index
    %get3A_1773 = arith.constant 0 : index
    %get3A_1774 = tpu.vector_load %arg7[%get3A_1772, %get3A_1773] {strides = array<i32>} : memref<256x16xf32, #tpu.memory_space<vmem>>, vector<1x16xf32>,
    %get3A_1775 = vector.shape_cast %get3A_1774 : vector<1x16xf32> to vector<16xf32>
    %get3A_1776 = arith.constant 17 : i32
    %get3A_1777 = arith.index_cast %get3A_1776 : i32 to index
    %get3A_1778 = arith.constant 48 : index
    %get3A_1779 = tpu.vector_load %arg8[%get3A_1777, %get3A_1778] {strides = array<i32>} : memref<32x128xf32, #tpu.memory_space<vmem>>, vector<1x16xf32>,
    %get3A_1780 = vector.shape_cast %get3A_1779 : vector<1x16xf32> to vector<16xf32>
    %mul3A_1781 = arith.mulf %get3A_1775, %get3A_1780 : vector<16xf32>
    %add3A_1782 = arith.addf %add3A_1770, %mul3A_1781 : vector<16xf32>
    %get3A_1783 = arith.constant 140 : i32
    %get3A_1784 = arith.index_cast %get3A_1783 : i32 to index
    %get3A_1785 = arith.constant 0 : index
    %get3A_1786 = tpu.vector_load %arg7[%get3A_1784, %get3A_1785] {strides = array<i32>} : memref<256x16xf32, #tpu.memory_space<vmem>>, vector<1x16xf32>,
    %get3A_1787 = vector.shape_cast %get3A_1786 : vector<1x16xf32> to vector<16xf32>
    %get3A_1788 = arith.constant 17 : i32
    %get3A_1789 = arith.index_cast %get3A_1788 : i32 to index
    %get3A_1790 = arith.constant 64 : index
    %get3A_1791 = tpu.vector_load %arg8[%get3A_1789, %get3A_1790] {strides = array<i32>} : memref<32x128xf32, #tpu.memory_space<vmem>>, vector<1x16xf32>,
    %get3A_1792 = vector.shape_cast %get3A_1791 : vector<1x16xf32> to vector<16xf32>
    %mul3A_1793 = arith.mulf %get3A_1787, %get3A_1792 : vector<16xf32>
    %add3A_1794 = arith.addf %add3A_1782, %mul3A_1793 : vector<16xf32>
    %get3A_1795 = arith.constant 141 : i32
    %get3A_1796 = arith.index_cast %get3A_1795 : i32 to index
    %get3A_1797 = arith.constant 0 : index
    %get3A_1798 = tpu.vector_load %arg7[%get3A_1796, %get3A_1797] {strides = array<i32>} : memref<256x16xf32, #tpu.memory_space<vmem>>, vector<1x16xf32>,
    %get3A_1799 = vector.shape_cast %get3A_1798 : vector<1x16xf32> to vector<16xf32>
    %get3A_1800 = arith.constant 17 : i32
    %get3A_1801 = arith.index_cast %get3A_1800 : i32 to index
    %get3A_1802 = arith.constant 80 : index
    %get3A_1803 = tpu.vector_load %arg8[%get3A_1801, %get3A_1802] {strides = array<i32>} : memref<32x128xf32, #tpu.memory_space<vmem>>, vector<1x16xf32>,
    %get3A_1804 = vector.shape_cast %get3A_1803 : vector<1x16xf32> to vector<16xf32>
    %mul3A_1805 = arith.mulf %get3A_1799, %get3A_1804 : vector<16xf32>
    %add3A_1806 = arith.addf %add3A_1794, %mul3A_1805 : vector<16xf32>
    %get3A_1807 = arith.constant 142 : i32
    %get3A_1808 = arith.index_cast %get3A_1807 : i32 to index
    %get3A_1809 = arith.constant 0 : index
    %get3A_1810 = tpu.vector_load %arg7[%get3A_1808, %get3A_1809] {strides = array<i32>} : memref<256x16xf32, #tpu.memory_space<vmem>>, vector<1x16xf32>,
    %get3A_1811 = vector.shape_cast %get3A_1810 : vector<1x16xf32> to vector<16xf32>
    %get3A_1812 = arith.constant 17 : i32
    %get3A_1813 = arith.index_cast %get3A_1812 : i32 to index
    %get3A_1814 = arith.constant 96 : index
    %get3A_1815 = tpu.vector_load %arg8[%get3A_1813, %get3A_1814] {strides = array<i32>} : memref<32x128xf32, #tpu.memory_space<vmem>>, vector<1x16xf32>,
    %get3A_1816 = vector.shape_cast %get3A_1815 : vector<1x16xf32> to vector<16xf32>
    %mul3A_1817 = arith.mulf %get3A_1811, %get3A_1816 : vector<16xf32>
    %add3A_1818 = arith.addf %add3A_1806, %mul3A_1817 : vector<16xf32>
    %get3A_1819 = arith.constant 143 : i32
    %get3A_1820 = arith.index_cast %get3A_1819 : i32 to index
    %get3A_1821 = arith.constant 0 : index
    %get3A_1822 = tpu.vector_load %arg7[%get3A_1820, %get3A_1821] {strides = array<i32>} : memref<256x16xf32, #tpu.memory_space<vmem>>, vector<1x16xf32>,
    %get3A_1823 = vector.shape_cast %get3A_1822 : vector<1x16xf32> to vector<16xf32>
    %get3A_1824 = arith.constant 17 : i32
    %get3A_1825 = arith.index_cast %get3A_1824 : i32 to index
    %get3A_1826 = arith.constant 112 : index
    %get3A_1827 = tpu.vector_load %arg8[%get3A_1825, %get3A_1826] {strides = array<i32>} : memref<32x128xf32, #tpu.memory_space<vmem>>, vector<1x16xf32>,
    %get3A_1828 = vector.shape_cast %get3A_1827 : vector<1x16xf32> to vector<16xf32>
    %mul3A_1829 = arith.mulf %get3A_1823, %get3A_1828 : vector<16xf32>
    %add3A_1830 = arith.addf %add3A_1818, %mul3A_1829 : vector<16xf32>
    %swap3A_1831 = arith.constant 17 : i32
    %swap3A_1832 = arith.index_cast %swap3A_1831 : i32 to index
    %swap3A_1833 = arith.constant 0 : index
    %swap3A_1834 = tpu.vector_load %arg9[%swap3A_1832, %swap3A_1833] {strides = array<i32>} : memref<32x16xf32, #tpu.memory_space<vmem>>, vector<1x16xf32>,
    %swap3A_1835 = vector.shape_cast %swap3A_1834 : vector<1x16xf32> to vector<16xf32>
    %swap3A_1836 = vector.shape_cast %add3A_1830 : vector<16xf32> to vector<1x16xf32>
    tpu.vector_store %arg9[%swap3A_1832, %swap3A_1833], %swap3A_1836 {strides = array<i32>} : memref<32x16xf32, #tpu.memory_space<vmem>>, vector<1x16xf32>,
    %get3A_1837 = arith.constant 144 : i32
    %get3A_1838 = arith.index_cast %get3A_1837 : i32 to index
    %get3A_1839 = arith.constant 0 : index
    %get3A_1840 = tpu.vector_load %arg7[%get3A_1838, %get3A_1839] {strides = array<i32>} : memref<256x16xf32, #tpu.memory_space<vmem>>, vector<1x16xf32>,
    %get3A_1841 = vector.shape_cast %get3A_1840 : vector<1x16xf32> to vector<16xf32>
    %get3A_1842 = arith.constant 18 : i32
    %get3A_1843 = arith.index_cast %get3A_1842 : i32 to index
    %get3A_1844 = arith.constant 0 : index
    %get3A_1845 = tpu.vector_load %arg8[%get3A_1843, %get3A_1844] {strides = array<i32>} : memref<32x128xf32, #tpu.memory_space<vmem>>, vector<1x16xf32>,
    %get3A_1846 = vector.shape_cast %get3A_1845 : vector<1x16xf32> to vector<16xf32>
    %mul3A_1847 = arith.mulf %get3A_1841, %get3A_1846 : vector<16xf32>
    %get3A_1848 = arith.constant 145 : i32
    %get3A_1849 = arith.index_cast %get3A_1848 : i32 to index
    %get3A_1850 = arith.constant 0 : index
    %get3A_1851 = tpu.vector_load %arg7[%get3A_1849, %get3A_1850] {strides = array<i32>} : memref<256x16xf32, #tpu.memory_space<vmem>>, vector<1x16xf32>,
    %get3A_1852 = vector.shape_cast %get3A_1851 : vector<1x16xf32> to vector<16xf32>
    %get3A_1853 = arith.constant 18 : i32
    %get3A_1854 = arith.index_cast %get3A_1853 : i32 to index
    %get3A_1855 = arith.constant 16 : index
    %get3A_1856 = tpu.vector_load %arg8[%get3A_1854, %get3A_1855] {strides = array<i32>} : memref<32x128xf32, #tpu.memory_space<vmem>>, vector<1x16xf32>,
    %get3A_1857 = vector.shape_cast %get3A_1856 : vector<1x16xf32> to vector<16xf32>
    %mul3A_1858 = arith.mulf %get3A_1852, %get3A_1857 : vector<16xf32>
    %add3A_1859 = arith.addf %mul3A_1847, %mul3A_1858 : vector<16xf32>
    %get3A_1860 = arith.constant 146 : i32
    %get3A_1861 = arith.index_cast %get3A_1860 : i32 to index
    %get3A_1862 = arith.constant 0 : index
    %get3A_1863 = tpu.vector_load %arg7[%get3A_1861, %get3A_1862] {strides = array<i32>} : memref<256x16xf32, #tpu.memory_space<vmem>>, vector<1x16xf32>,
    %get3A_1864 = vector.shape_cast %get3A_1863 : vector<1x16xf32> to vector<16xf32>
    %get3A_1865 = arith.constant 18 : i32
    %get3A_1866 = arith.index_cast %get3A_1865 : i32 to index
    %get3A_1867 = arith.constant 32 : index
    %get3A_1868 = tpu.vector_load %arg8[%get3A_1866, %get3A_1867] {strides = array<i32>} : memref<32x128xf32, #tpu.memory_space<vmem>>, vector<1x16xf32>,
    %get3A_1869 = vector.shape_cast %get3A_1868 : vector<1x16xf32> to vector<16xf32>
    %mul3A_1870 = arith.mulf %get3A_1864, %get3A_1869 : vector<16xf32>
    %add3A_1871 = arith.addf %add3A_1859, %mul3A_1870 : vector<16xf32>
    %get3A_1872 = arith.constant 147 : i32
    %get3A_1873 = arith.index_cast %get3A_1872 : i32 to index
    %get3A_1874 = arith.constant 0 : index
    %get3A_1875 = tpu.vector_load %arg7[%get3A_1873, %get3A_1874] {strides = array<i32>} : memref<256x16xf32, #tpu.memory_space<vmem>>, vector<1x16xf32>,
    %get3A_1876 = vector.shape_cast %get3A_1875 : vector<1x16xf32> to vector<16xf32>
    %get3A_1877 = arith.constant 18 : i32
    %get3A_1878 = arith.index_cast %get3A_1877 : i32 to index
    %get3A_1879 = arith.constant 48 : index
    %get3A_1880 = tpu.vector_load %arg8[%get3A_1878, %get3A_1879] {strides = array<i32>} : memref<32x128xf32, #tpu.memory_space<vmem>>, vector<1x16xf32>,
    %get3A_1881 = vector.shape_cast %get3A_1880 : vector<1x16xf32> to vector<16xf32>
    %mul3A_1882 = arith.mulf %get3A_1876, %get3A_1881 : vector<16xf32>
    %add3A_1883 = arith.addf %add3A_1871, %mul3A_1882 : vector<16xf32>
    %get3A_1884 = arith.constant 148 : i32
    %get3A_1885 = arith.index_cast %get3A_1884 : i32 to index
    %get3A_1886 = arith.constant 0 : index
    %get3A_1887 = tpu.vector_load %arg7[%get3A_1885, %get3A_1886] {strides = array<i32>} : memref<256x16xf32, #tpu.memory_space<vmem>>, vector<1x16xf32>,
    %get3A_1888 = vector.shape_cast %get3A_1887 : vector<1x16xf32> to vector<16xf32>
    %get3A_1889 = arith.constant 18 : i32
    %get3A_1890 = arith.index_cast %get3A_1889 : i32 to index
    %get3A_1891 = arith.constant 64 : index
    %get3A_1892 = tpu.vector_load %arg8[%get3A_1890, %get3A_1891] {strides = array<i32>} : memref<32x128xf32, #tpu.memory_space<vmem>>, vector<1x16xf32>,
    %get3A_1893 = vector.shape_cast %get3A_1892 : vector<1x16xf32> to vector<16xf32>
    %mul3A_1894 = arith.mulf %get3A_1888, %get3A_1893 : vector<16xf32>
    %add3A_1895 = arith.addf %add3A_1883, %mul3A_1894 : vector<16xf32>
    %get3A_1896 = arith.constant 149 : i32
    %get3A_1897 = arith.index_cast %get3A_1896 : i32 to index
    %get3A_1898 = arith.constant 0 : index
    %get3A_1899 = tpu.vector_load %arg7[%get3A_1897, %get3A_1898] {strides = array<i32>} : memref<256x16xf32, #tpu.memory_space<vmem>>, vector<1x16xf32>,
    %get3A_1900 = vector.shape_cast %get3A_1899 : vector<1x16xf32> to vector<16xf32>
    %get3A_1901 = arith.constant 18 : i32
    %get3A_1902 = arith.index_cast %get3A_1901 : i32 to index
    %get3A_1903 = arith.constant 80 : index
    %get3A_1904 = tpu.vector_load %arg8[%get3A_1902, %get3A_1903] {strides = array<i32>} : memref<32x128xf32, #tpu.memory_space<vmem>>, vector<1x16xf32>,
    %get3A_1905 = vector.shape_cast %get3A_1904 : vector<1x16xf32> to vector<16xf32>
    %mul3A_1906 = arith.mulf %get3A_1900, %get3A_1905 : vector<16xf32>
    %add3A_1907 = arith.addf %add3A_1895, %mul3A_1906 : vector<16xf32>
    %get3A_1908 = arith.constant 150 : i32
    %get3A_1909 = arith.index_cast %get3A_1908 : i32 to index
    %get3A_1910 = arith.constant 0 : index
    %get3A_1911 = tpu.vector_load %arg7[%get3A_1909, %get3A_1910] {strides = array<i32>} : memref<256x16xf32, #tpu.memory_space<vmem>>, vector<1x16xf32>,
    %get3A_1912 = vector.shape_cast %get3A_1911 : vector<1x16xf32> to vector<16xf32>
    %get3A_1913 = arith.constant 18 : i32
    %get3A_1914 = arith.index_cast %get3A_1913 : i32 to index
    %get3A_1915 = arith.constant 96 : index
    %get3A_1916 = tpu.vector_load %arg8[%get3A_1914, %get3A_1915] {strides = array<i32>} : memref<32x128xf32, #tpu.memory_space<vmem>>, vector<1x16xf32>,
    %get3A_1917 = vector.shape_cast %get3A_1916 : vector<1x16xf32> to vector<16xf32>
    %mul3A_1918 = arith.mulf %get3A_1912, %get3A_1917 : vector<16xf32>
    %add3A_1919 = arith.addf %add3A_1907, %mul3A_1918 : vector<16xf32>
    %get3A_1920 = arith.constant 151 : i32
    %get3A_1921 = arith.index_cast %get3A_1920 : i32 to index
    %get3A_1922 = arith.constant 0 : index
    %get3A_1923 = tpu.vector_load %arg7[%get3A_1921, %get3A_1922] {strides = array<i32>} : memref<256x16xf32, #tpu.memory_space<vmem>>, vector<1x16xf32>,
    %get3A_1924 = vector.shape_cast %get3A_1923 : vector<1x16xf32> to vector<16xf32>
    %get3A_1925 = arith.constant 18 : i32
    %get3A_1926 = arith.index_cast %get3A_1925 : i32 to index
    %get3A_1927 = arith.constant 112 : index
    %get3A_1928 = tpu.vector_load %arg8[%get3A_1926, %get3A_1927] {strides = array<i32>} : memref<32x128xf32, #tpu.memory_space<vmem>>, vector<1x16xf32>,
    %get3A_1929 = vector.shape_cast %get3A_1928 : vector<1x16xf32> to vector<16xf32>
    %mul3A_1930 = arith.mulf %get3A_1924, %get3A_1929 : vector<16xf32>
    %add3A_1931 = arith.addf %add3A_1919, %mul3A_1930 : vector<16xf32>
    %swap3A_1932 = arith.constant 18 : i32
    %swap3A_1933 = arith.index_cast %swap3A_1932 : i32 to index
    %swap3A_1934 = arith.constant 0 : index
    %swap3A_1935 = tpu.vector_load %arg9[%swap3A_1933, %swap3A_1934] {strides = array<i32>} : memref<32x16xf32, #tpu.memory_space<vmem>>, vector<1x16xf32>,
    %swap3A_1936 = vector.shape_cast %swap3A_1935 : vector<1x16xf32> to vector<16xf32>
    %swap3A_1937 = vector.shape_cast %add3A_1931 : vector<16xf32> to vector<1x16xf32>
    tpu.vector_store %arg9[%swap3A_1933, %swap3A_1934], %swap3A_1937 {strides = array<i32>} : memref<32x16xf32, #tpu.memory_space<vmem>>, vector<1x16xf32>,
    %get3A_1938 = arith.constant 152 : i32
    %get3A_1939 = arith.index_cast %get3A_1938 : i32 to index
    %get3A_1940 = arith.constant 0 : index
    %get3A_1941 = tpu.vector_load %arg7[%get3A_1939, %get3A_1940] {strides = array<i32>} : memref<256x16xf32, #tpu.memory_space<vmem>>, vector<1x16xf32>,
    %get3A_1942 = vector.shape_cast %get3A_1941 : vector<1x16xf32> to vector<16xf32>
    %get3A_1943 = arith.constant 19 : i32
    %get3A_1944 = arith.index_cast %get3A_1943 : i32 to index
    %get3A_1945 = arith.constant 0 : index
    %get3A_1946 = tpu.vector_load %arg8[%get3A_1944, %get3A_1945] {strides = array<i32>} : memref<32x128xf32, #tpu.memory_space<vmem>>, vector<1x16xf32>,
    %get3A_1947 = vector.shape_cast %get3A_1946 : vector<1x16xf32> to vector<16xf32>
    %mul3A_1948 = arith.mulf %get3A_1942, %get3A_1947 : vector<16xf32>
    %get3A_1949 = arith.constant 153 : i32
    %get3A_1950 = arith.index_cast %get3A_1949 : i32 to index
    %get3A_1951 = arith.constant 0 : index
    %get3A_1952 = tpu.vector_load %arg7[%get3A_1950, %get3A_1951] {strides = array<i32>} : memref<256x16xf32, #tpu.memory_space<vmem>>, vector<1x16xf32>,
    %get3A_1953 = vector.shape_cast %get3A_1952 : vector<1x16xf32> to vector<16xf32>
    %get3A_1954 = arith.constant 19 : i32
    %get3A_1955 = arith.index_cast %get3A_1954 : i32 to index
    %get3A_1956 = arith.constant 16 : index
    %get3A_1957 = tpu.vector_load %arg8[%get3A_1955, %get3A_1956] {strides = array<i32>} : memref<32x128xf32, #tpu.memory_space<vmem>>, vector<1x16xf32>,
    %get3A_1958 = vector.shape_cast %get3A_1957 : vector<1x16xf32> to vector<16xf32>
    %mul3A_1959 = arith.mulf %get3A_1953, %get3A_1958 : vector<16xf32>
    %add3A_1960 = arith.addf %mul3A_1948, %mul3A_1959 : vector<16xf32>
    %get3A_1961 = arith.constant 154 : i32
    %get3A_1962 = arith.index_cast %get3A_1961 : i32 to index
    %get3A_1963 = arith.constant 0 : index
    %get3A_1964 = tpu.vector_load %arg7[%get3A_1962, %get3A_1963] {strides = array<i32>} : memref<256x16xf32, #tpu.memory_space<vmem>>, vector<1x16xf32>,
    %get3A_1965 = vector.shape_cast %get3A_1964 : vector<1x16xf32> to vector<16xf32>
    %get3A_1966 = arith.constant 19 : i32
    %get3A_1967 = arith.index_cast %get3A_1966 : i32 to index
    %get3A_1968 = arith.constant 32 : index
    %get3A_1969 = tpu.vector_load %arg8[%get3A_1967, %get3A_1968] {strides = array<i32>} : memref<32x128xf32, #tpu.memory_space<vmem>>, vector<1x16xf32>,
    %get3A_1970 = vector.shape_cast %get3A_1969 : vector<1x16xf32> to vector<16xf32>
    %mul3A_1971 = arith.mulf %get3A_1965, %get3A_1970 : vector<16xf32>
    %add3A_1972 = arith.addf %add3A_1960, %mul3A_1971 : vector<16xf32>
    %get3A_1973 = arith.constant 155 : i32
    %get3A_1974 = arith.index_cast %get3A_1973 : i32 to index
    %get3A_1975 = arith.constant 0 : index
    %get3A_1976 = tpu.vector_load %arg7[%get3A_1974, %get3A_1975] {strides = array<i32>} : memref<256x16xf32, #tpu.memory_space<vmem>>, vector<1x16xf32>,
    %get3A_1977 = vector.shape_cast %get3A_1976 : vector<1x16xf32> to vector<16xf32>
    %get3A_1978 = arith.constant 19 : i32
    %get3A_1979 = arith.index_cast %get3A_1978 : i32 to index
    %get3A_1980 = arith.constant 48 : index
    %get3A_1981 = tpu.vector_load %arg8[%get3A_1979, %get3A_1980] {strides = array<i32>} : memref<32x128xf32, #tpu.memory_space<vmem>>, vector<1x16xf32>,
    %get3A_1982 = vector.shape_cast %get3A_1981 : vector<1x16xf32> to vector<16xf32>
    %mul3A_1983 = arith.mulf %get3A_1977, %get3A_1982 : vector<16xf32>
    %add3A_1984 = arith.addf %add3A_1972, %mul3A_1983 : vector<16xf32>
    %get3A_1985 = arith.constant 156 : i32
    %get3A_1986 = arith.index_cast %get3A_1985 : i32 to index
    %get3A_1987 = arith.constant 0 : index
    %get3A_1988 = tpu.vector_load %arg7[%get3A_1986, %get3A_1987] {strides = array<i32>} : memref<256x16xf32, #tpu.memory_space<vmem>>, vector<1x16xf32>,
    %get3A_1989 = vector.shape_cast %get3A_1988 : vector<1x16xf32> to vector<16xf32>
    %get3A_1990 = arith.constant 19 : i32
    %get3A_1991 = arith.index_cast %get3A_1990 : i32 to index
    %get3A_1992 = arith.constant 64 : index
    %get3A_1993 = tpu.vector_load %arg8[%get3A_1991, %get3A_1992] {strides = array<i32>} : memref<32x128xf32, #tpu.memory_space<vmem>>, vector<1x16xf32>,
    %get3A_1994 = vector.shape_cast %get3A_1993 : vector<1x16xf32> to vector<16xf32>
    %mul3A_1995 = arith.mulf %get3A_1989, %get3A_1994 : vector<16xf32>
    %add3A_1996 = arith.addf %add3A_1984, %mul3A_1995 : vector<16xf32>
    %get3A_1997 = arith.constant 157 : i32
    %get3A_1998 = arith.index_cast %get3A_1997 : i32 to index
    %get3A_1999 = arith.constant 0 : index
    %get3A_2000 = tpu.vector_load %arg7[%get3A_1998, %get3A_1999] {strides = array<i32>} : memref<256x16xf32, #tpu.memory_space<vmem>>, vector<1x16xf32>,
    %get3A_2001 = vector.shape_cast %get3A_2000 : vector<1x16xf32> to vector<16xf32>
    %get3A_2002 = arith.constant 19 : i32
    %get3A_2003 = arith.index_cast %get3A_2002 : i32 to index
    %get3A_2004 = arith.constant 80 : index
    %get3A_2005 = tpu.vector_load %arg8[%get3A_2003, %get3A_2004] {strides = array<i32>} : memref<32x128xf32, #tpu.memory_space<vmem>>, vector<1x16xf32>,
    %get3A_2006 = vector.shape_cast %get3A_2005 : vector<1x16xf32> to vector<16xf32>
    %mul3A_2007 = arith.mulf %get3A_2001, %get3A_2006 : vector<16xf32>
    %add3A_2008 = arith.addf %add3A_1996, %mul3A_2007 : vector<16xf32>
    %get3A_2009 = arith.constant 158 : i32
    %get3A_2010 = arith.index_cast %get3A_2009 : i32 to index
    %get3A_2011 = arith.constant 0 : index
    %get3A_2012 = tpu.vector_load %arg7[%get3A_2010, %get3A_2011] {strides = array<i32>} : memref<256x16xf32, #tpu.memory_space<vmem>>, vector<1x16xf32>,
    %get3A_2013 = vector.shape_cast %get3A_2012 : vector<1x16xf32> to vector<16xf32>
    %get3A_2014 = arith.constant 19 : i32
    %get3A_2015 = arith.index_cast %get3A_2014 : i32 to index
    %get3A_2016 = arith.constant 96 : index
    %get3A_2017 = tpu.vector_load %arg8[%get3A_2015, %get3A_2016] {strides = array<i32>} : memref<32x128xf32, #tpu.memory_space<vmem>>, vector<1x16xf32>,
    %get3A_2018 = vector.shape_cast %get3A_2017 : vector<1x16xf32> to vector<16xf32>
    %mul3A_2019 = arith.mulf %get3A_2013, %get3A_2018 : vector<16xf32>
    %add3A_2020 = arith.addf %add3A_2008, %mul3A_2019 : vector<16xf32>
    %get3A_2021 = arith.constant 159 : i32
    %get3A_2022 = arith.index_cast %get3A_2021 : i32 to index
    %get3A_2023 = arith.constant 0 : index
    %get3A_2024 = tpu.vector_load %arg7[%get3A_2022, %get3A_2023] {strides = array<i32>} : memref<256x16xf32, #tpu.memory_space<vmem>>, vector<1x16xf32>,
    %get3A_2025 = vector.shape_cast %get3A_2024 : vector<1x16xf32> to vector<16xf32>
    %get3A_2026 = arith.constant 19 : i32
    %get3A_2027 = arith.index_cast %get3A_2026 : i32 to index
    %get3A_2028 = arith.constant 112 : index
    %get3A_2029 = tpu.vector_load %arg8[%get3A_2027, %get3A_2028] {strides = array<i32>} : memref<32x128xf32, #tpu.memory_space<vmem>>, vector<1x16xf32>,
    %get3A_2030 = vector.shape_cast %get3A_2029 : vector<1x16xf32> to vector<16xf32>
    %mul3A_2031 = arith.mulf %get3A_2025, %get3A_2030 : vector<16xf32>
    %add3A_2032 = arith.addf %add3A_2020, %mul3A_2031 : vector<16xf32>
    %swap3A_2033 = arith.constant 19 : i32
    %swap3A_2034 = arith.index_cast %swap3A_2033 : i32 to index
    %swap3A_2035 = arith.constant 0 : index
    %swap3A_2036 = tpu.vector_load %arg9[%swap3A_2034, %swap3A_2035] {strides = array<i32>} : memref<32x16xf32, #tpu.memory_space<vmem>>, vector<1x16xf32>,
    %swap3A_2037 = vector.shape_cast %swap3A_2036 : vector<1x16xf32> to vector<16xf32>
    %swap3A_2038 = vector.shape_cast %add3A_2032 : vector<16xf32> to vector<1x16xf32>
    tpu.vector_store %arg9[%swap3A_2034, %swap3A_2035], %swap3A_2038 {strides = array<i32>} : memref<32x16xf32, #tpu.memory_space<vmem>>, vector<1x16xf32>,
    %get3A_2039 = arith.constant 160 : i32
    %get3A_2040 = arith.index_cast %get3A_2039 : i32 to index
    %get3A_2041 = arith.constant 0 : index
    %get3A_2042 = tpu.vector_load %arg7[%get3A_2040, %get3A_2041] {strides = array<i32>} : memref<256x16xf32, #tpu.memory_space<vmem>>, vector<1x16xf32>,
    %get3A_2043 = vector.shape_cast %get3A_2042 : vector<1x16xf32> to vector<16xf32>
    %get3A_2044 = arith.constant 20 : i32
    %get3A_2045 = arith.index_cast %get3A_2044 : i32 to index
    %get3A_2046 = arith.constant 0 : index
    %get3A_2047 = tpu.vector_load %arg8[%get3A_2045, %get3A_2046] {strides = array<i32>} : memref<32x128xf32, #tpu.memory_space<vmem>>, vector<1x16xf32>,
    %get3A_2048 = vector.shape_cast %get3A_2047 : vector<1x16xf32> to vector<16xf32>
    %mul3A_2049 = arith.mulf %get3A_2043, %get3A_2048 : vector<16xf32>
    %get3A_2050 = arith.constant 161 : i32
    %get3A_2051 = arith.index_cast %get3A_2050 : i32 to index
    %get3A_2052 = arith.constant 0 : index
    %get3A_2053 = tpu.vector_load %arg7[%get3A_2051, %get3A_2052] {strides = array<i32>} : memref<256x16xf32, #tpu.memory_space<vmem>>, vector<1x16xf32>,
    %get3A_2054 = vector.shape_cast %get3A_2053 : vector<1x16xf32> to vector<16xf32>
    %get3A_2055 = arith.constant 20 : i32
    %get3A_2056 = arith.index_cast %get3A_2055 : i32 to index
    %get3A_2057 = arith.constant 16 : index
    %get3A_2058 = tpu.vector_load %arg8[%get3A_2056, %get3A_2057] {strides = array<i32>} : memref<32x128xf32, #tpu.memory_space<vmem>>, vector<1x16xf32>,
    %get3A_2059 = vector.shape_cast %get3A_2058 : vector<1x16xf32> to vector<16xf32>
    %mul3A_2060 = arith.mulf %get3A_2054, %get3A_2059 : vector<16xf32>
    %add3A_2061 = arith.addf %mul3A_2049, %mul3A_2060 : vector<16xf32>
    %get3A_2062 = arith.constant 162 : i32
    %get3A_2063 = arith.index_cast %get3A_2062 : i32 to index
    %get3A_2064 = arith.constant 0 : index
    %get3A_2065 = tpu.vector_load %arg7[%get3A_2063, %get3A_2064] {strides = array<i32>} : memref<256x16xf32, #tpu.memory_space<vmem>>, vector<1x16xf32>,
    %get3A_2066 = vector.shape_cast %get3A_2065 : vector<1x16xf32> to vector<16xf32>
    %get3A_2067 = arith.constant 20 : i32
    %get3A_2068 = arith.index_cast %get3A_2067 : i32 to index
    %get3A_2069 = arith.constant 32 : index
    %get3A_2070 = tpu.vector_load %arg8[%get3A_2068, %get3A_2069] {strides = array<i32>} : memref<32x128xf32, #tpu.memory_space<vmem>>, vector<1x16xf32>,
    %get3A_2071 = vector.shape_cast %get3A_2070 : vector<1x16xf32> to vector<16xf32>
    %mul3A_2072 = arith.mulf %get3A_2066, %get3A_2071 : vector<16xf32>
    %add3A_2073 = arith.addf %add3A_2061, %mul3A_2072 : vector<16xf32>
    %get3A_2074 = arith.constant 163 : i32
    %get3A_2075 = arith.index_cast %get3A_2074 : i32 to index
    %get3A_2076 = arith.constant 0 : index
    %get3A_2077 = tpu.vector_load %arg7[%get3A_2075, %get3A_2076] {strides = array<i32>} : memref<256x16xf32, #tpu.memory_space<vmem>>, vector<1x16xf32>,
    %get3A_2078 = vector.shape_cast %get3A_2077 : vector<1x16xf32> to vector<16xf32>
    %get3A_2079 = arith.constant 20 : i32
    %get3A_2080 = arith.index_cast %get3A_2079 : i32 to index
    %get3A_2081 = arith.constant 48 : index
    %get3A_2082 = tpu.vector_load %arg8[%get3A_2080, %get3A_2081] {strides = array<i32>} : memref<32x128xf32, #tpu.memory_space<vmem>>, vector<1x16xf32>,
    %get3A_2083 = vector.shape_cast %get3A_2082 : vector<1x16xf32> to vector<16xf32>
    %mul3A_2084 = arith.mulf %get3A_2078, %get3A_2083 : vector<16xf32>
    %add3A_2085 = arith.addf %add3A_2073, %mul3A_2084 : vector<16xf32>
    %get3A_2086 = arith.constant 164 : i32
    %get3A_2087 = arith.index_cast %get3A_2086 : i32 to index
    %get3A_2088 = arith.constant 0 : index
    %get3A_2089 = tpu.vector_load %arg7[%get3A_2087, %get3A_2088] {strides = array<i32>} : memref<256x16xf32, #tpu.memory_space<vmem>>, vector<1x16xf32>,
    %get3A_2090 = vector.shape_cast %get3A_2089 : vector<1x16xf32> to vector<16xf32>
    %get3A_2091 = arith.constant 20 : i32
    %get3A_2092 = arith.index_cast %get3A_2091 : i32 to index
    %get3A_2093 = arith.constant 64 : index
    %get3A_2094 = tpu.vector_load %arg8[%get3A_2092, %get3A_2093] {strides = array<i32>} : memref<32x128xf32, #tpu.memory_space<vmem>>, vector<1x16xf32>,
    %get3A_2095 = vector.shape_cast %get3A_2094 : vector<1x16xf32> to vector<16xf32>
    %mul3A_2096 = arith.mulf %get3A_2090, %get3A_2095 : vector<16xf32>
    %add3A_2097 = arith.addf %add3A_2085, %mul3A_2096 : vector<16xf32>
    %get3A_2098 = arith.constant 165 : i32
    %get3A_2099 = arith.index_cast %get3A_2098 : i32 to index
    %get3A_2100 = arith.constant 0 : index
    %get3A_2101 = tpu.vector_load %arg7[%get3A_2099, %get3A_2100] {strides = array<i32>} : memref<256x16xf32, #tpu.memory_space<vmem>>, vector<1x16xf32>,
    %get3A_2102 = vector.shape_cast %get3A_2101 : vector<1x16xf32> to vector<16xf32>
    %get3A_2103 = arith.constant 20 : i32
    %get3A_2104 = arith.index_cast %get3A_2103 : i32 to index
    %get3A_2105 = arith.constant 80 : index
    %get3A_2106 = tpu.vector_load %arg8[%get3A_2104, %get3A_2105] {strides = array<i32>} : memref<32x128xf32, #tpu.memory_space<vmem>>, vector<1x16xf32>,
    %get3A_2107 = vector.shape_cast %get3A_2106 : vector<1x16xf32> to vector<16xf32>
    %mul3A_2108 = arith.mulf %get3A_2102, %get3A_2107 : vector<16xf32>
    %add3A_2109 = arith.addf %add3A_2097, %mul3A_2108 : vector<16xf32>
    %get3A_2110 = arith.constant 166 : i32
    %get3A_2111 = arith.index_cast %get3A_2110 : i32 to index
    %get3A_2112 = arith.constant 0 : index
    %get3A_2113 = tpu.vector_load %arg7[%get3A_2111, %get3A_2112] {strides = array<i32>} : memref<256x16xf32, #tpu.memory_space<vmem>>, vector<1x16xf32>,
    %get3A_2114 = vector.shape_cast %get3A_2113 : vector<1x16xf32> to vector<16xf32>
    %get3A_2115 = arith.constant 20 : i32
    %get3A_2116 = arith.index_cast %get3A_2115 : i32 to index
    %get3A_2117 = arith.constant 96 : index
    %get3A_2118 = tpu.vector_load %arg8[%get3A_2116, %get3A_2117] {strides = array<i32>} : memref<32x128xf32, #tpu.memory_space<vmem>>, vector<1x16xf32>,
    %get3A_2119 = vector.shape_cast %get3A_2118 : vector<1x16xf32> to vector<16xf32>
    %mul3A_2120 = arith.mulf %get3A_2114, %get3A_2119 : vector<16xf32>
    %add3A_2121 = arith.addf %add3A_2109, %mul3A_2120 : vector<16xf32>
    %get3A_2122 = arith.constant 167 : i32
    %get3A_2123 = arith.index_cast %get3A_2122 : i32 to index
    %get3A_2124 = arith.constant 0 : index
    %get3A_2125 = tpu.vector_load %arg7[%get3A_2123, %get3A_2124] {strides = array<i32>} : memref<256x16xf32, #tpu.memory_space<vmem>>, vector<1x16xf32>,
    %get3A_2126 = vector.shape_cast %get3A_2125 : vector<1x16xf32> to vector<16xf32>
    %get3A_2127 = arith.constant 20 : i32
    %get3A_2128 = arith.index_cast %get3A_2127 : i32 to index
    %get3A_2129 = arith.constant 112 : index
    %get3A_2130 = tpu.vector_load %arg8[%get3A_2128, %get3A_2129] {strides = array<i32>} : memref<32x128xf32, #tpu.memory_space<vmem>>, vector<1x16xf32>,
    %get3A_2131 = vector.shape_cast %get3A_2130 : vector<1x16xf32> to vector<16xf32>
    %mul3A_2132 = arith.mulf %get3A_2126, %get3A_2131 : vector<16xf32>
    %add3A_2133 = arith.addf %add3A_2121, %mul3A_2132 : vector<16xf32>
    %swap3A_2134 = arith.constant 20 : i32
    %swap3A_2135 = arith.index_cast %swap3A_2134 : i32 to index
    %swap3A_2136 = arith.constant 0 : index
    %swap3A_2137 = tpu.vector_load %arg9[%swap3A_2135, %swap3A_2136] {strides = array<i32>} : memref<32x16xf32, #tpu.memory_space<vmem>>, vector<1x16xf32>,
    %swap3A_2138 = vector.shape_cast %swap3A_2137 : vector<1x16xf32> to vector<16xf32>
    %swap3A_2139 = vector.shape_cast %add3A_2133 : vector<16xf32> to vector<1x16xf32>
    tpu.vector_store %arg9[%swap3A_2135, %swap3A_2136], %swap3A_2139 {strides = array<i32>} : memref<32x16xf32, #tpu.memory_space<vmem>>, vector<1x16xf32>,
    %get3A_2140 = arith.constant 168 : i32
    %get3A_2141 = arith.index_cast %get3A_2140 : i32 to index
    %get3A_2142 = arith.constant 0 : index
    %get3A_2143 = tpu.vector_load %arg7[%get3A_2141, %get3A_2142] {strides = array<i32>} : memref<256x16xf32, #tpu.memory_space<vmem>>, vector<1x16xf32>,
    %get3A_2144 = vector.shape_cast %get3A_2143 : vector<1x16xf32> to vector<16xf32>
    %get3A_2145 = arith.constant 21 : i32
    %get3A_2146 = arith.index_cast %get3A_2145 : i32 to index
    %get3A_2147 = arith.constant 0 : index
    %get3A_2148 = tpu.vector_load %arg8[%get3A_2146, %get3A_2147] {strides = array<i32>} : memref<32x128xf32, #tpu.memory_space<vmem>>, vector<1x16xf32>,
    %get3A_2149 = vector.shape_cast %get3A_2148 : vector<1x16xf32> to vector<16xf32>
    %mul3A_2150 = arith.mulf %get3A_2144, %get3A_2149 : vector<16xf32>
    %get3A_2151 = arith.constant 169 : i32
    %get3A_2152 = arith.index_cast %get3A_2151 : i32 to index
    %get3A_2153 = arith.constant 0 : index
    %get3A_2154 = tpu.vector_load %arg7[%get3A_2152, %get3A_2153] {strides = array<i32>} : memref<256x16xf32, #tpu.memory_space<vmem>>, vector<1x16xf32>,
    %get3A_2155 = vector.shape_cast %get3A_2154 : vector<1x16xf32> to vector<16xf32>
    %get3A_2156 = arith.constant 21 : i32
    %get3A_2157 = arith.index_cast %get3A_2156 : i32 to index
    %get3A_2158 = arith.constant 16 : index
    %get3A_2159 = tpu.vector_load %arg8[%get3A_2157, %get3A_2158] {strides = array<i32>} : memref<32x128xf32, #tpu.memory_space<vmem>>, vector<1x16xf32>,
    %get3A_2160 = vector.shape_cast %get3A_2159 : vector<1x16xf32> to vector<16xf32>
    %mul3A_2161 = arith.mulf %get3A_2155, %get3A_2160 : vector<16xf32>
    %add3A_2162 = arith.addf %mul3A_2150, %mul3A_2161 : vector<16xf32>
    %get3A_2163 = arith.constant 170 : i32
    %get3A_2164 = arith.index_cast %get3A_2163 : i32 to index
    %get3A_2165 = arith.constant 0 : index
    %get3A_2166 = tpu.vector_load %arg7[%get3A_2164, %get3A_2165] {strides = array<i32>} : memref<256x16xf32, #tpu.memory_space<vmem>>, vector<1x16xf32>,
    %get3A_2167 = vector.shape_cast %get3A_2166 : vector<1x16xf32> to vector<16xf32>
    %get3A_2168 = arith.constant 21 : i32
    %get3A_2169 = arith.index_cast %get3A_2168 : i32 to index
    %get3A_2170 = arith.constant 32 : index
    %get3A_2171 = tpu.vector_load %arg8[%get3A_2169, %get3A_2170] {strides = array<i32>} : memref<32x128xf32, #tpu.memory_space<vmem>>, vector<1x16xf32>,
    %get3A_2172 = vector.shape_cast %get3A_2171 : vector<1x16xf32> to vector<16xf32>
    %mul3A_2173 = arith.mulf %get3A_2167, %get3A_2172 : vector<16xf32>
    %add3A_2174 = arith.addf %add3A_2162, %mul3A_2173 : vector<16xf32>
    %get3A_2175 = arith.constant 171 : i32
    %get3A_2176 = arith.index_cast %get3A_2175 : i32 to index
    %get3A_2177 = arith.constant 0 : index
    %get3A_2178 = tpu.vector_load %arg7[%get3A_2176, %get3A_2177] {strides = array<i32>} : memref<256x16xf32, #tpu.memory_space<vmem>>, vector<1x16xf32>,
    %get3A_2179 = vector.shape_cast %get3A_2178 : vector<1x16xf32> to vector<16xf32>
    %get3A_2180 = arith.constant 21 : i32
    %get3A_2181 = arith.index_cast %get3A_2180 : i32 to index
    %get3A_2182 = arith.constant 48 : index
    %get3A_2183 = tpu.vector_load %arg8[%get3A_2181, %get3A_2182] {strides = array<i32>} : memref<32x128xf32, #tpu.memory_space<vmem>>, vector<1x16xf32>,
    %get3A_2184 = vector.shape_cast %get3A_2183 : vector<1x16xf32> to vector<16xf32>
    %mul3A_2185 = arith.mulf %get3A_2179, %get3A_2184 : vector<16xf32>
    %add3A_2186 = arith.addf %add3A_2174, %mul3A_2185 : vector<16xf32>
    %get3A_2187 = arith.constant 172 : i32
    %get3A_2188 = arith.index_cast %get3A_2187 : i32 to index
    %get3A_2189 = arith.constant 0 : index
    %get3A_2190 = tpu.vector_load %arg7[%get3A_2188, %get3A_2189] {strides = array<i32>} : memref<256x16xf32, #tpu.memory_space<vmem>>, vector<1x16xf32>,
    %get3A_2191 = vector.shape_cast %get3A_2190 : vector<1x16xf32> to vector<16xf32>
    %get3A_2192 = arith.constant 21 : i32
    %get3A_2193 = arith.index_cast %get3A_2192 : i32 to index
    %get3A_2194 = arith.constant 64 : index
    %get3A_2195 = tpu.vector_load %arg8[%get3A_2193, %get3A_2194] {strides = array<i32>} : memref<32x128xf32, #tpu.memory_space<vmem>>, vector<1x16xf32>,
    %get3A_2196 = vector.shape_cast %get3A_2195 : vector<1x16xf32> to vector<16xf32>
    %mul3A_2197 = arith.mulf %get3A_2191, %get3A_2196 : vector<16xf32>
    %add3A_2198 = arith.addf %add3A_2186, %mul3A_2197 : vector<16xf32>
    %get3A_2199 = arith.constant 173 : i32
    %get3A_2200 = arith.index_cast %get3A_2199 : i32 to index
    %get3A_2201 = arith.constant 0 : index
    %get3A_2202 = tpu.vector_load %arg7[%get3A_2200, %get3A_2201] {strides = array<i32>} : memref<256x16xf32, #tpu.memory_space<vmem>>, vector<1x16xf32>,
    %get3A_2203 = vector.shape_cast %get3A_2202 : vector<1x16xf32> to vector<16xf32>
    %get3A_2204 = arith.constant 21 : i32
    %get3A_2205 = arith.index_cast %get3A_2204 : i32 to index
    %get3A_2206 = arith.constant 80 : index
    %get3A_2207 = tpu.vector_load %arg8[%get3A_2205, %get3A_2206] {strides = array<i32>} : memref<32x128xf32, #tpu.memory_space<vmem>>, vector<1x16xf32>,
    %get3A_2208 = vector.shape_cast %get3A_2207 : vector<1x16xf32> to vector<16xf32>
    %mul3A_2209 = arith.mulf %get3A_2203, %get3A_2208 : vector<16xf32>
    %add3A_2210 = arith.addf %add3A_2198, %mul3A_2209 : vector<16xf32>
    %get3A_2211 = arith.constant 174 : i32
    %get3A_2212 = arith.index_cast %get3A_2211 : i32 to index
    %get3A_2213 = arith.constant 0 : index
    %get3A_2214 = tpu.vector_load %arg7[%get3A_2212, %get3A_2213] {strides = array<i32>} : memref<256x16xf32, #tpu.memory_space<vmem>>, vector<1x16xf32>,
    %get3A_2215 = vector.shape_cast %get3A_2214 : vector<1x16xf32> to vector<16xf32>
    %get3A_2216 = arith.constant 21 : i32
    %get3A_2217 = arith.index_cast %get3A_2216 : i32 to index
    %get3A_2218 = arith.constant 96 : index
    %get3A_2219 = tpu.vector_load %arg8[%get3A_2217, %get3A_2218] {strides = array<i32>} : memref<32x128xf32, #tpu.memory_space<vmem>>, vector<1x16xf32>,
    %get3A_2220 = vector.shape_cast %get3A_2219 : vector<1x16xf32> to vector<16xf32>
    %mul3A_2221 = arith.mulf %get3A_2215, %get3A_2220 : vector<16xf32>
    %add3A_2222 = arith.addf %add3A_2210, %mul3A_2221 : vector<16xf32>
    %get3A_2223 = arith.constant 175 : i32
    %get3A_2224 = arith.index_cast %get3A_2223 : i32 to index
    %get3A_2225 = arith.constant 0 : index
    %get3A_2226 = tpu.vector_load %arg7[%get3A_2224, %get3A_2225] {strides = array<i32>} : memref<256x16xf32, #tpu.memory_space<vmem>>, vector<1x16xf32>,
    %get3A_2227 = vector.shape_cast %get3A_2226 : vector<1x16xf32> to vector<16xf32>
    %get3A_2228 = arith.constant 21 : i32
    %get3A_2229 = arith.index_cast %get3A_2228 : i32 to index
    %get3A_2230 = arith.constant 112 : index
    %get3A_2231 = tpu.vector_load %arg8[%get3A_2229, %get3A_2230] {strides = array<i32>} : memref<32x128xf32, #tpu.memory_space<vmem>>, vector<1x16xf32>,
    %get3A_2232 = vector.shape_cast %get3A_2231 : vector<1x16xf32> to vector<16xf32>
    %mul3A_2233 = arith.mulf %get3A_2227, %get3A_2232 : vector<16xf32>
    %add3A_2234 = arith.addf %add3A_2222, %mul3A_2233 : vector<16xf32>
    %swap3A_2235 = arith.constant 21 : i32
    %swap3A_2236 = arith.index_cast %swap3A_2235 : i32 to index
    %swap3A_2237 = arith.constant 0 : index
    %swap3A_2238 = tpu.vector_load %arg9[%swap3A_2236, %swap3A_2237] {strides = array<i32>} : memref<32x16xf32, #tpu.memory_space<vmem>>, vector<1x16xf32>,
    %swap3A_2239 = vector.shape_cast %swap3A_2238 : vector<1x16xf32> to vector<16xf32>
    %swap3A_2240 = vector.shape_cast %add3A_2234 : vector<16xf32> to vector<1x16xf32>
    tpu.vector_store %arg9[%swap3A_2236, %swap3A_2237], %swap3A_2240 {strides = array<i32>} : memref<32x16xf32, #tpu.memory_space<vmem>>, vector<1x16xf32>,
    %get3A_2241 = arith.constant 176 : i32
    %get3A_2242 = arith.index_cast %get3A_2241 : i32 to index
    %get3A_2243 = arith.constant 0 : index
    %get3A_2244 = tpu.vector_load %arg7[%get3A_2242, %get3A_2243] {strides = array<i32>} : memref<256x16xf32, #tpu.memory_space<vmem>>, vector<1x16xf32>,
    %get3A_2245 = vector.shape_cast %get3A_2244 : vector<1x16xf32> to vector<16xf32>
    %get3A_2246 = arith.constant 22 : i32
    %get3A_2247 = arith.index_cast %get3A_2246 : i32 to index
    %get3A_2248 = arith.constant 0 : index
    %get3A_2249 = tpu.vector_load %arg8[%get3A_2247, %get3A_2248] {strides = array<i32>} : memref<32x128xf32, #tpu.memory_space<vmem>>, vector<1x16xf32>,
    %get3A_2250 = vector.shape_cast %get3A_2249 : vector<1x16xf32> to vector<16xf32>
    %mul3A_2251 = arith.mulf %get3A_2245, %get3A_2250 : vector<16xf32>
    %get3A_2252 = arith.constant 177 : i32
    %get3A_2253 = arith.index_cast %get3A_2252 : i32 to index
    %get3A_2254 = arith.constant 0 : index
    %get3A_2255 = tpu.vector_load %arg7[%get3A_2253, %get3A_2254] {strides = array<i32>} : memref<256x16xf32, #tpu.memory_space<vmem>>, vector<1x16xf32>,
    %get3A_2256 = vector.shape_cast %get3A_2255 : vector<1x16xf32> to vector<16xf32>
    %get3A_2257 = arith.constant 22 : i32
    %get3A_2258 = arith.index_cast %get3A_2257 : i32 to index
    %get3A_2259 = arith.constant 16 : index
    %get3A_2260 = tpu.vector_load %arg8[%get3A_2258, %get3A_2259] {strides = array<i32>} : memref<32x128xf32, #tpu.memory_space<vmem>>, vector<1x16xf32>,
    %get3A_2261 = vector.shape_cast %get3A_2260 : vector<1x16xf32> to vector<16xf32>
    %mul3A_2262 = arith.mulf %get3A_2256, %get3A_2261 : vector<16xf32>
    %add3A_2263 = arith.addf %mul3A_2251, %mul3A_2262 : vector<16xf32>
    %get3A_2264 = arith.constant 178 : i32
    %get3A_2265 = arith.index_cast %get3A_2264 : i32 to index
    %get3A_2266 = arith.constant 0 : index
    %get3A_2267 = tpu.vector_load %arg7[%get3A_2265, %get3A_2266] {strides = array<i32>} : memref<256x16xf32, #tpu.memory_space<vmem>>, vector<1x16xf32>,
    %get3A_2268 = vector.shape_cast %get3A_2267 : vector<1x16xf32> to vector<16xf32>
    %get3A_2269 = arith.constant 22 : i32
    %get3A_2270 = arith.index_cast %get3A_2269 : i32 to index
    %get3A_2271 = arith.constant 32 : index
    %get3A_2272 = tpu.vector_load %arg8[%get3A_2270, %get3A_2271] {strides = array<i32>} : memref<32x128xf32, #tpu.memory_space<vmem>>, vector<1x16xf32>,
    %get3A_2273 = vector.shape_cast %get3A_2272 : vector<1x16xf32> to vector<16xf32>
    %mul3A_2274 = arith.mulf %get3A_2268, %get3A_2273 : vector<16xf32>
    %add3A_2275 = arith.addf %add3A_2263, %mul3A_2274 : vector<16xf32>
    %get3A_2276 = arith.constant 179 : i32
    %get3A_2277 = arith.index_cast %get3A_2276 : i32 to index
    %get3A_2278 = arith.constant 0 : index
    %get3A_2279 = tpu.vector_load %arg7[%get3A_2277, %get3A_2278] {strides = array<i32>} : memref<256x16xf32, #tpu.memory_space<vmem>>, vector<1x16xf32>,
    %get3A_2280 = vector.shape_cast %get3A_2279 : vector<1x16xf32> to vector<16xf32>
    %get3A_2281 = arith.constant 22 : i32
    %get3A_2282 = arith.index_cast %get3A_2281 : i32 to index
    %get3A_2283 = arith.constant 48 : index
    %get3A_2284 = tpu.vector_load %arg8[%get3A_2282, %get3A_2283] {strides = array<i32>} : memref<32x128xf32, #tpu.memory_space<vmem>>, vector<1x16xf32>,
    %get3A_2285 = vector.shape_cast %get3A_2284 : vector<1x16xf32> to vector<16xf32>
    %mul3A_2286 = arith.mulf %get3A_2280, %get3A_2285 : vector<16xf32>
    %add3A_2287 = arith.addf %add3A_2275, %mul3A_2286 : vector<16xf32>
    %get3A_2288 = arith.constant 180 : i32
    %get3A_2289 = arith.index_cast %get3A_2288 : i32 to index
    %get3A_2290 = arith.constant 0 : index
    %get3A_2291 = tpu.vector_load %arg7[%get3A_2289, %get3A_2290] {strides = array<i32>} : memref<256x16xf32, #tpu.memory_space<vmem>>, vector<1x16xf32>,
    %get3A_2292 = vector.shape_cast %get3A_2291 : vector<1x16xf32> to vector<16xf32>
    %get3A_2293 = arith.constant 22 : i32
    %get3A_2294 = arith.index_cast %get3A_2293 : i32 to index
    %get3A_2295 = arith.constant 64 : index
    %get3A_2296 = tpu.vector_load %arg8[%get3A_2294, %get3A_2295] {strides = array<i32>} : memref<32x128xf32, #tpu.memory_space<vmem>>, vector<1x16xf32>,
    %get3A_2297 = vector.shape_cast %get3A_2296 : vector<1x16xf32> to vector<16xf32>
    %mul3A_2298 = arith.mulf %get3A_2292, %get3A_2297 : vector<16xf32>
    %add3A_2299 = arith.addf %add3A_2287, %mul3A_2298 : vector<16xf32>
    %get3A_2300 = arith.constant 181 : i32
    %get3A_2301 = arith.index_cast %get3A_2300 : i32 to index
    %get3A_2302 = arith.constant 0 : index
    %get3A_2303 = tpu.vector_load %arg7[%get3A_2301, %get3A_2302] {strides = array<i32>} : memref<256x16xf32, #tpu.memory_space<vmem>>, vector<1x16xf32>,
    %get3A_2304 = vector.shape_cast %get3A_2303 : vector<1x16xf32> to vector<16xf32>
    %get3A_2305 = arith.constant 22 : i32
    %get3A_2306 = arith.index_cast %get3A_2305 : i32 to index
    %get3A_2307 = arith.constant 80 : index
    %get3A_2308 = tpu.vector_load %arg8[%get3A_2306, %get3A_2307] {strides = array<i32>} : memref<32x128xf32, #tpu.memory_space<vmem>>, vector<1x16xf32>,
    %get3A_2309 = vector.shape_cast %get3A_2308 : vector<1x16xf32> to vector<16xf32>
    %mul3A_2310 = arith.mulf %get3A_2304, %get3A_2309 : vector<16xf32>
    %add3A_2311 = arith.addf %add3A_2299, %mul3A_2310 : vector<16xf32>
    %get3A_2312 = arith.constant 182 : i32
    %get3A_2313 = arith.index_cast %get3A_2312 : i32 to index
    %get3A_2314 = arith.constant 0 : index
    %get3A_2315 = tpu.vector_load %arg7[%get3A_2313, %get3A_2314] {strides = array<i32>} : memref<256x16xf32, #tpu.memory_space<vmem>>, vector<1x16xf32>,
    %get3A_2316 = vector.shape_cast %get3A_2315 : vector<1x16xf32> to vector<16xf32>
    %get3A_2317 = arith.constant 22 : i32
    %get3A_2318 = arith.index_cast %get3A_2317 : i32 to index
    %get3A_2319 = arith.constant 96 : index
    %get3A_2320 = tpu.vector_load %arg8[%get3A_2318, %get3A_2319] {strides = array<i32>} : memref<32x128xf32, #tpu.memory_space<vmem>>, vector<1x16xf32>,
    %get3A_2321 = vector.shape_cast %get3A_2320 : vector<1x16xf32> to vector<16xf32>
    %mul3A_2322 = arith.mulf %get3A_2316, %get3A_2321 : vector<16xf32>
    %add3A_2323 = arith.addf %add3A_2311, %mul3A_2322 : vector<16xf32>
    %get3A_2324 = arith.constant 183 : i32
    %get3A_2325 = arith.index_cast %get3A_2324 : i32 to index
    %get3A_2326 = arith.constant 0 : index
    %get3A_2327 = tpu.vector_load %arg7[%get3A_2325, %get3A_2326] {strides = array<i32>} : memref<256x16xf32, #tpu.memory_space<vmem>>, vector<1x16xf32>,
    %get3A_2328 = vector.shape_cast %get3A_2327 : vector<1x16xf32> to vector<16xf32>
    %get3A_2329 = arith.constant 22 : i32
    %get3A_2330 = arith.index_cast %get3A_2329 : i32 to index
    %get3A_2331 = arith.constant 112 : index
    %get3A_2332 = tpu.vector_load %arg8[%get3A_2330, %get3A_2331] {strides = array<i32>} : memref<32x128xf32, #tpu.memory_space<vmem>>, vector<1x16xf32>,
    %get3A_2333 = vector.shape_cast %get3A_2332 : vector<1x16xf32> to vector<16xf32>
    %mul3A_2334 = arith.mulf %get3A_2328, %get3A_2333 : vector<16xf32>
    %add3A_2335 = arith.addf %add3A_2323, %mul3A_2334 : vector<16xf32>
    %swap3A_2336 = arith.constant 22 : i32
    %swap3A_2337 = arith.index_cast %swap3A_2336 : i32 to index
    %swap3A_2338 = arith.constant 0 : index
    %swap3A_2339 = tpu.vector_load %arg9[%swap3A_2337, %swap3A_2338] {strides = array<i32>} : memref<32x16xf32, #tpu.memory_space<vmem>>, vector<1x16xf32>,
    %swap3A_2340 = vector.shape_cast %swap3A_2339 : vector<1x16xf32> to vector<16xf32>
    %swap3A_2341 = vector.shape_cast %add3A_2335 : vector<16xf32> to vector<1x16xf32>
    tpu.vector_store %arg9[%swap3A_2337, %swap3A_2338], %swap3A_2341 {strides = array<i32>} : memref<32x16xf32, #tpu.memory_space<vmem>>, vector<1x16xf32>,
    %get3A_2342 = arith.constant 184 : i32
    %get3A_2343 = arith.index_cast %get3A_2342 : i32 to index
    %get3A_2344 = arith.constant 0 : index
    %get3A_2345 = tpu.vector_load %arg7[%get3A_2343, %get3A_2344] {strides = array<i32>} : memref<256x16xf32, #tpu.memory_space<vmem>>, vector<1x16xf32>,
    %get3A_2346 = vector.shape_cast %get3A_2345 : vector<1x16xf32> to vector<16xf32>
    %get3A_2347 = arith.constant 23 : i32
    %get3A_2348 = arith.index_cast %get3A_2347 : i32 to index
    %get3A_2349 = arith.constant 0 : index
    %get3A_2350 = tpu.vector_load %arg8[%get3A_2348, %get3A_2349] {strides = array<i32>} : memref<32x128xf32, #tpu.memory_space<vmem>>, vector<1x16xf32>,
    %get3A_2351 = vector.shape_cast %get3A_2350 : vector<1x16xf32> to vector<16xf32>
    %mul3A_2352 = arith.mulf %get3A_2346, %get3A_2351 : vector<16xf32>
    %get3A_2353 = arith.constant 185 : i32
    %get3A_2354 = arith.index_cast %get3A_2353 : i32 to index
    %get3A_2355 = arith.constant 0 : index
    %get3A_2356 = tpu.vector_load %arg7[%get3A_2354, %get3A_2355] {strides = array<i32>} : memref<256x16xf32, #tpu.memory_space<vmem>>, vector<1x16xf32>,
    %get3A_2357 = vector.shape_cast %get3A_2356 : vector<1x16xf32> to vector<16xf32>
    %get3A_2358 = arith.constant 23 : i32
    %get3A_2359 = arith.index_cast %get3A_2358 : i32 to index
    %get3A_2360 = arith.constant 16 : index
    %get3A_2361 = tpu.vector_load %arg8[%get3A_2359, %get3A_2360] {strides = array<i32>} : memref<32x128xf32, #tpu.memory_space<vmem>>, vector<1x16xf32>,
    %get3A_2362 = vector.shape_cast %get3A_2361 : vector<1x16xf32> to vector<16xf32>
    %mul3A_2363 = arith.mulf %get3A_2357, %get3A_2362 : vector<16xf32>
    %add3A_2364 = arith.addf %mul3A_2352, %mul3A_2363 : vector<16xf32>
    %get3A_2365 = arith.constant 186 : i32
    %get3A_2366 = arith.index_cast %get3A_2365 : i32 to index
    %get3A_2367 = arith.constant 0 : index
    %get3A_2368 = tpu.vector_load %arg7[%get3A_2366, %get3A_2367] {strides = array<i32>} : memref<256x16xf32, #tpu.memory_space<vmem>>, vector<1x16xf32>,
    %get3A_2369 = vector.shape_cast %get3A_2368 : vector<1x16xf32> to vector<16xf32>
    %get3A_2370 = arith.constant 23 : i32
    %get3A_2371 = arith.index_cast %get3A_2370 : i32 to index
    %get3A_2372 = arith.constant 32 : index
    %get3A_2373 = tpu.vector_load %arg8[%get3A_2371, %get3A_2372] {strides = array<i32>} : memref<32x128xf32, #tpu.memory_space<vmem>>, vector<1x16xf32>,
    %get3A_2374 = vector.shape_cast %get3A_2373 : vector<1x16xf32> to vector<16xf32>
    %mul3A_2375 = arith.mulf %get3A_2369, %get3A_2374 : vector<16xf32>
    %add3A_2376 = arith.addf %add3A_2364, %mul3A_2375 : vector<16xf32>
    %get3A_2377 = arith.constant 187 : i32
    %get3A_2378 = arith.index_cast %get3A_2377 : i32 to index
    %get3A_2379 = arith.constant 0 : index
    %get3A_2380 = tpu.vector_load %arg7[%get3A_2378, %get3A_2379] {strides = array<i32>} : memref<256x16xf32, #tpu.memory_space<vmem>>, vector<1x16xf32>,
    %get3A_2381 = vector.shape_cast %get3A_2380 : vector<1x16xf32> to vector<16xf32>
    %get3A_2382 = arith.constant 23 : i32
    %get3A_2383 = arith.index_cast %get3A_2382 : i32 to index
    %get3A_2384 = arith.constant 48 : index
    %get3A_2385 = tpu.vector_load %arg8[%get3A_2383, %get3A_2384] {strides = array<i32>} : memref<32x128xf32, #tpu.memory_space<vmem>>, vector<1x16xf32>,
    %get3A_2386 = vector.shape_cast %get3A_2385 : vector<1x16xf32> to vector<16xf32>
    %mul3A_2387 = arith.mulf %get3A_2381, %get3A_2386 : vector<16xf32>
    %add3A_2388 = arith.addf %add3A_2376, %mul3A_2387 : vector<16xf32>
    %get3A_2389 = arith.constant 188 : i32
    %get3A_2390 = arith.index_cast %get3A_2389 : i32 to index
    %get3A_2391 = arith.constant 0 : index
    %get3A_2392 = tpu.vector_load %arg7[%get3A_2390, %get3A_2391] {strides = array<i32>} : memref<256x16xf32, #tpu.memory_space<vmem>>, vector<1x16xf32>,
    %get3A_2393 = vector.shape_cast %get3A_2392 : vector<1x16xf32> to vector<16xf32>
    %get3A_2394 = arith.constant 23 : i32
    %get3A_2395 = arith.index_cast %get3A_2394 : i32 to index
    %get3A_2396 = arith.constant 64 : index
    %get3A_2397 = tpu.vector_load %arg8[%get3A_2395, %get3A_2396] {strides = array<i32>} : memref<32x128xf32, #tpu.memory_space<vmem>>, vector<1x16xf32>,
    %get3A_2398 = vector.shape_cast %get3A_2397 : vector<1x16xf32> to vector<16xf32>
    %mul3A_2399 = arith.mulf %get3A_2393, %get3A_2398 : vector<16xf32>
    %add3A_2400 = arith.addf %add3A_2388, %mul3A_2399 : vector<16xf32>
    %get3A_2401 = arith.constant 189 : i32
    %get3A_2402 = arith.index_cast %get3A_2401 : i32 to index
    %get3A_2403 = arith.constant 0 : index
    %get3A_2404 = tpu.vector_load %arg7[%get3A_2402, %get3A_2403] {strides = array<i32>} : memref<256x16xf32, #tpu.memory_space<vmem>>, vector<1x16xf32>,
    %get3A_2405 = vector.shape_cast %get3A_2404 : vector<1x16xf32> to vector<16xf32>
    %get3A_2406 = arith.constant 23 : i32
    %get3A_2407 = arith.index_cast %get3A_2406 : i32 to index
    %get3A_2408 = arith.constant 80 : index
    %get3A_2409 = tpu.vector_load %arg8[%get3A_2407, %get3A_2408] {strides = array<i32>} : memref<32x128xf32, #tpu.memory_space<vmem>>, vector<1x16xf32>,
    %get3A_2410 = vector.shape_cast %get3A_2409 : vector<1x16xf32> to vector<16xf32>
    %mul3A_2411 = arith.mulf %get3A_2405, %get3A_2410 : vector<16xf32>
    %add3A_2412 = arith.addf %add3A_2400, %mul3A_2411 : vector<16xf32>
    %get3A_2413 = arith.constant 190 : i32
    %get3A_2414 = arith.index_cast %get3A_2413 : i32 to index
    %get3A_2415 = arith.constant 0 : index
    %get3A_2416 = tpu.vector_load %arg7[%get3A_2414, %get3A_2415] {strides = array<i32>} : memref<256x16xf32, #tpu.memory_space<vmem>>, vector<1x16xf32>,
    %get3A_2417 = vector.shape_cast %get3A_2416 : vector<1x16xf32> to vector<16xf32>
    %get3A_2418 = arith.constant 23 : i32
    %get3A_2419 = arith.index_cast %get3A_2418 : i32 to index
    %get3A_2420 = arith.constant 96 : index
    %get3A_2421 = tpu.vector_load %arg8[%get3A_2419, %get3A_2420] {strides = array<i32>} : memref<32x128xf32, #tpu.memory_space<vmem>>, vector<1x16xf32>,
    %get3A_2422 = vector.shape_cast %get3A_2421 : vector<1x16xf32> to vector<16xf32>
    %mul3A_2423 = arith.mulf %get3A_2417, %get3A_2422 : vector<16xf32>
    %add3A_2424 = arith.addf %add3A_2412, %mul3A_2423 : vector<16xf32>
    %get3A_2425 = arith.constant 191 : i32
    %get3A_2426 = arith.index_cast %get3A_2425 : i32 to index
    %get3A_2427 = arith.constant 0 : index
    %get3A_2428 = tpu.vector_load %arg7[%get3A_2426, %get3A_2427] {strides = array<i32>} : memref<256x16xf32, #tpu.memory_space<vmem>>, vector<1x16xf32>,
    %get3A_2429 = vector.shape_cast %get3A_2428 : vector<1x16xf32> to vector<16xf32>
    %get3A_2430 = arith.constant 23 : i32
    %get3A_2431 = arith.index_cast %get3A_2430 : i32 to index
    %get3A_2432 = arith.constant 112 : index
    %get3A_2433 = tpu.vector_load %arg8[%get3A_2431, %get3A_2432] {strides = array<i32>} : memref<32x128xf32, #tpu.memory_space<vmem>>, vector<1x16xf32>,
    %get3A_2434 = vector.shape_cast %get3A_2433 : vector<1x16xf32> to vector<16xf32>
    %mul3A_2435 = arith.mulf %get3A_2429, %get3A_2434 : vector<16xf32>
    %add3A_2436 = arith.addf %add3A_2424, %mul3A_2435 : vector<16xf32>
    %swap3A_2437 = arith.constant 23 : i32
    %swap3A_2438 = arith.index_cast %swap3A_2437 : i32 to index
    %swap3A_2439 = arith.constant 0 : index
    %swap3A_2440 = tpu.vector_load %arg9[%swap3A_2438, %swap3A_2439] {strides = array<i32>} : memref<32x16xf32, #tpu.memory_space<vmem>>, vector<1x16xf32>,
    %swap3A_2441 = vector.shape_cast %swap3A_2440 : vector<1x16xf32> to vector<16xf32>
    %swap3A_2442 = vector.shape_cast %add3A_2436 : vector<16xf32> to vector<1x16xf32>
    tpu.vector_store %arg9[%swap3A_2438, %swap3A_2439], %swap3A_2442 {strides = array<i32>} : memref<32x16xf32, #tpu.memory_space<vmem>>, vector<1x16xf32>,
    %get3A_2443 = arith.constant 192 : i32
    %get3A_2444 = arith.index_cast %get3A_2443 : i32 to index
    %get3A_2445 = arith.constant 0 : index
    %get3A_2446 = tpu.vector_load %arg7[%get3A_2444, %get3A_2445] {strides = array<i32>} : memref<256x16xf32, #tpu.memory_space<vmem>>, vector<1x16xf32>,
    %get3A_2447 = vector.shape_cast %get3A_2446 : vector<1x16xf32> to vector<16xf32>
    %get3A_2448 = arith.constant 24 : i32
    %get3A_2449 = arith.index_cast %get3A_2448 : i32 to index
    %get3A_2450 = arith.constant 0 : index
    %get3A_2451 = tpu.vector_load %arg8[%get3A_2449, %get3A_2450] {strides = array<i32>} : memref<32x128xf32, #tpu.memory_space<vmem>>, vector<1x16xf32>,
    %get3A_2452 = vector.shape_cast %get3A_2451 : vector<1x16xf32> to vector<16xf32>
    %mul3A_2453 = arith.mulf %get3A_2447, %get3A_2452 : vector<16xf32>
    %get3A_2454 = arith.constant 193 : i32
    %get3A_2455 = arith.index_cast %get3A_2454 : i32 to index
    %get3A_2456 = arith.constant 0 : index
    %get3A_2457 = tpu.vector_load %arg7[%get3A_2455, %get3A_2456] {strides = array<i32>} : memref<256x16xf32, #tpu.memory_space<vmem>>, vector<1x16xf32>,
    %get3A_2458 = vector.shape_cast %get3A_2457 : vector<1x16xf32> to vector<16xf32>
    %get3A_2459 = arith.constant 24 : i32
    %get3A_2460 = arith.index_cast %get3A_2459 : i32 to index
    %get3A_2461 = arith.constant 16 : index
    %get3A_2462 = tpu.vector_load %arg8[%get3A_2460, %get3A_2461] {strides = array<i32>} : memref<32x128xf32, #tpu.memory_space<vmem>>, vector<1x16xf32>,
    %get3A_2463 = vector.shape_cast %get3A_2462 : vector<1x16xf32> to vector<16xf32>
    %mul3A_2464 = arith.mulf %get3A_2458, %get3A_2463 : vector<16xf32>
    %add3A_2465 = arith.addf %mul3A_2453, %mul3A_2464 : vector<16xf32>
    %get3A_2466 = arith.constant 194 : i32
    %get3A_2467 = arith.index_cast %get3A_2466 : i32 to index
    %get3A_2468 = arith.constant 0 : index
    %get3A_2469 = tpu.vector_load %arg7[%get3A_2467, %get3A_2468] {strides = array<i32>} : memref<256x16xf32, #tpu.memory_space<vmem>>, vector<1x16xf32>,
    %get3A_2470 = vector.shape_cast %get3A_2469 : vector<1x16xf32> to vector<16xf32>
    %get3A_2471 = arith.constant 24 : i32
    %get3A_2472 = arith.index_cast %get3A_2471 : i32 to index
    %get3A_2473 = arith.constant 32 : index
    %get3A_2474 = tpu.vector_load %arg8[%get3A_2472, %get3A_2473] {strides = array<i32>} : memref<32x128xf32, #tpu.memory_space<vmem>>, vector<1x16xf32>,
    %get3A_2475 = vector.shape_cast %get3A_2474 : vector<1x16xf32> to vector<16xf32>
    %mul3A_2476 = arith.mulf %get3A_2470, %get3A_2475 : vector<16xf32>
    %add3A_2477 = arith.addf %add3A_2465, %mul3A_2476 : vector<16xf32>
    %get3A_2478 = arith.constant 195 : i32
    %get3A_2479 = arith.index_cast %get3A_2478 : i32 to index
    %get3A_2480 = arith.constant 0 : index
    %get3A_2481 = tpu.vector_load %arg7[%get3A_2479, %get3A_2480] {strides = array<i32>} : memref<256x16xf32, #tpu.memory_space<vmem>>, vector<1x16xf32>,
    %get3A_2482 = vector.shape_cast %get3A_2481 : vector<1x16xf32> to vector<16xf32>
    %get3A_2483 = arith.constant 24 : i32
    %get3A_2484 = arith.index_cast %get3A_2483 : i32 to index
    %get3A_2485 = arith.constant 48 : index
    %get3A_2486 = tpu.vector_load %arg8[%get3A_2484, %get3A_2485] {strides = array<i32>} : memref<32x128xf32, #tpu.memory_space<vmem>>, vector<1x16xf32>,
    %get3A_2487 = vector.shape_cast %get3A_2486 : vector<1x16xf32> to vector<16xf32>
    %mul3A_2488 = arith.mulf %get3A_2482, %get3A_2487 : vector<16xf32>
    %add3A_2489 = arith.addf %add3A_2477, %mul3A_2488 : vector<16xf32>
    %get3A_2490 = arith.constant 196 : i32
    %get3A_2491 = arith.index_cast %get3A_2490 : i32 to index
    %get3A_2492 = arith.constant 0 : index
    %get3A_2493 = tpu.vector_load %arg7[%get3A_2491, %get3A_2492] {strides = array<i32>} : memref<256x16xf32, #tpu.memory_space<vmem>>, vector<1x16xf32>,
    %get3A_2494 = vector.shape_cast %get3A_2493 : vector<1x16xf32> to vector<16xf32>
    %get3A_2495 = arith.constant 24 : i32
    %get3A_2496 = arith.index_cast %get3A_2495 : i32 to index
    %get3A_2497 = arith.constant 64 : index
    %get3A_2498 = tpu.vector_load %arg8[%get3A_2496, %get3A_2497] {strides = array<i32>} : memref<32x128xf32, #tpu.memory_space<vmem>>, vector<1x16xf32>,
    %get3A_2499 = vector.shape_cast %get3A_2498 : vector<1x16xf32> to vector<16xf32>
    %mul3A_2500 = arith.mulf %get3A_2494, %get3A_2499 : vector<16xf32>
    %add3A_2501 = arith.addf %add3A_2489, %mul3A_2500 : vector<16xf32>
    %get3A_2502 = arith.constant 197 : i32
    %get3A_2503 = arith.index_cast %get3A_2502 : i32 to index
    %get3A_2504 = arith.constant 0 : index
    %get3A_2505 = tpu.vector_load %arg7[%get3A_2503, %get3A_2504] {strides = array<i32>} : memref<256x16xf32, #tpu.memory_space<vmem>>, vector<1x16xf32>,
    %get3A_2506 = vector.shape_cast %get3A_2505 : vector<1x16xf32> to vector<16xf32>
    %get3A_2507 = arith.constant 24 : i32
    %get3A_2508 = arith.index_cast %get3A_2507 : i32 to index
    %get3A_2509 = arith.constant 80 : index
    %get3A_2510 = tpu.vector_load %arg8[%get3A_2508, %get3A_2509] {strides = array<i32>} : memref<32x128xf32, #tpu.memory_space<vmem>>, vector<1x16xf32>,
    %get3A_2511 = vector.shape_cast %get3A_2510 : vector<1x16xf32> to vector<16xf32>
    %mul3A_2512 = arith.mulf %get3A_2506, %get3A_2511 : vector<16xf32>
    %add3A_2513 = arith.addf %add3A_2501, %mul3A_2512 : vector<16xf32>
    %get3A_2514 = arith.constant 198 : i32
    %get3A_2515 = arith.index_cast %get3A_2514 : i32 to index
    %get3A_2516 = arith.constant 0 : index
    %get3A_2517 = tpu.vector_load %arg7[%get3A_2515, %get3A_2516] {strides = array<i32>} : memref<256x16xf32, #tpu.memory_space<vmem>>, vector<1x16xf32>,
    %get3A_2518 = vector.shape_cast %get3A_2517 : vector<1x16xf32> to vector<16xf32>
    %get3A_2519 = arith.constant 24 : i32
    %get3A_2520 = arith.index_cast %get3A_2519 : i32 to index
    %get3A_2521 = arith.constant 96 : index
    %get3A_2522 = tpu.vector_load %arg8[%get3A_2520, %get3A_2521] {strides = array<i32>} : memref<32x128xf32, #tpu.memory_space<vmem>>, vector<1x16xf32>,
    %get3A_2523 = vector.shape_cast %get3A_2522 : vector<1x16xf32> to vector<16xf32>
    %mul3A_2524 = arith.mulf %get3A_2518, %get3A_2523 : vector<16xf32>
    %add3A_2525 = arith.addf %add3A_2513, %mul3A_2524 : vector<16xf32>
    %get3A_2526 = arith.constant 199 : i32
    %get3A_2527 = arith.index_cast %get3A_2526 : i32 to index
    %get3A_2528 = arith.constant 0 : index
    %get3A_2529 = tpu.vector_load %arg7[%get3A_2527, %get3A_2528] {strides = array<i32>} : memref<256x16xf32, #tpu.memory_space<vmem>>, vector<1x16xf32>,
    %get3A_2530 = vector.shape_cast %get3A_2529 : vector<1x16xf32> to vector<16xf32>
    %get3A_2531 = arith.constant 24 : i32
    %get3A_2532 = arith.index_cast %get3A_2531 : i32 to index
    %get3A_2533 = arith.constant 112 : index
    %get3A_2534 = tpu.vector_load %arg8[%get3A_2532, %get3A_2533] {strides = array<i32>} : memref<32x128xf32, #tpu.memory_space<vmem>>, vector<1x16xf32>,
    %get3A_2535 = vector.shape_cast %get3A_2534 : vector<1x16xf32> to vector<16xf32>
    %mul3A_2536 = arith.mulf %get3A_2530, %get3A_2535 : vector<16xf32>
    %add3A_2537 = arith.addf %add3A_2525, %mul3A_2536 : vector<16xf32>
    %swap3A_2538 = arith.constant 24 : i32
    %swap3A_2539 = arith.index_cast %swap3A_2538 : i32 to index
    %swap3A_2540 = arith.constant 0 : index
    %swap3A_2541 = tpu.vector_load %arg9[%swap3A_2539, %swap3A_2540] {strides = array<i32>} : memref<32x16xf32, #tpu.memory_space<vmem>>, vector<1x16xf32>,
    %swap3A_2542 = vector.shape_cast %swap3A_2541 : vector<1x16xf32> to vector<16xf32>
    %swap3A_2543 = vector.shape_cast %add3A_2537 : vector<16xf32> to vector<1x16xf32>
    tpu.vector_store %arg9[%swap3A_2539, %swap3A_2540], %swap3A_2543 {strides = array<i32>} : memref<32x16xf32, #tpu.memory_space<vmem>>, vector<1x16xf32>,
    %get3A_2544 = arith.constant 200 : i32
    %get3A_2545 = arith.index_cast %get3A_2544 : i32 to index
    %get3A_2546 = arith.constant 0 : index
    %get3A_2547 = tpu.vector_load %arg7[%get3A_2545, %get3A_2546] {strides = array<i32>} : memref<256x16xf32, #tpu.memory_space<vmem>>, vector<1x16xf32>,
    %get3A_2548 = vector.shape_cast %get3A_2547 : vector<1x16xf32> to vector<16xf32>
    %get3A_2549 = arith.constant 25 : i32
    %get3A_2550 = arith.index_cast %get3A_2549 : i32 to index
    %get3A_2551 = arith.constant 0 : index
    %get3A_2552 = tpu.vector_load %arg8[%get3A_2550, %get3A_2551] {strides = array<i32>} : memref<32x128xf32, #tpu.memory_space<vmem>>, vector<1x16xf32>,
    %get3A_2553 = vector.shape_cast %get3A_2552 : vector<1x16xf32> to vector<16xf32>
    %mul3A_2554 = arith.mulf %get3A_2548, %get3A_2553 : vector<16xf32>
    %get3A_2555 = arith.constant 201 : i32
    %get3A_2556 = arith.index_cast %get3A_2555 : i32 to index
    %get3A_2557 = arith.constant 0 : index
    %get3A_2558 = tpu.vector_load %arg7[%get3A_2556, %get3A_2557] {strides = array<i32>} : memref<256x16xf32, #tpu.memory_space<vmem>>, vector<1x16xf32>,
    %get3A_2559 = vector.shape_cast %get3A_2558 : vector<1x16xf32> to vector<16xf32>
    %get3A_2560 = arith.constant 25 : i32
    %get3A_2561 = arith.index_cast %get3A_2560 : i32 to index
    %get3A_2562 = arith.constant 16 : index
    %get3A_2563 = tpu.vector_load %arg8[%get3A_2561, %get3A_2562] {strides = array<i32>} : memref<32x128xf32, #tpu.memory_space<vmem>>, vector<1x16xf32>,
    %get3A_2564 = vector.shape_cast %get3A_2563 : vector<1x16xf32> to vector<16xf32>
    %mul3A_2565 = arith.mulf %get3A_2559, %get3A_2564 : vector<16xf32>
    %add3A_2566 = arith.addf %mul3A_2554, %mul3A_2565 : vector<16xf32>
    %get3A_2567 = arith.constant 202 : i32
    %get3A_2568 = arith.index_cast %get3A_2567 : i32 to index
    %get3A_2569 = arith.constant 0 : index
    %get3A_2570 = tpu.vector_load %arg7[%get3A_2568, %get3A_2569] {strides = array<i32>} : memref<256x16xf32, #tpu.memory_space<vmem>>, vector<1x16xf32>,
    %get3A_2571 = vector.shape_cast %get3A_2570 : vector<1x16xf32> to vector<16xf32>
    %get3A_2572 = arith.constant 25 : i32
    %get3A_2573 = arith.index_cast %get3A_2572 : i32 to index
    %get3A_2574 = arith.constant 32 : index
    %get3A_2575 = tpu.vector_load %arg8[%get3A_2573, %get3A_2574] {strides = array<i32>} : memref<32x128xf32, #tpu.memory_space<vmem>>, vector<1x16xf32>,
    %get3A_2576 = vector.shape_cast %get3A_2575 : vector<1x16xf32> to vector<16xf32>
    %mul3A_2577 = arith.mulf %get3A_2571, %get3A_2576 : vector<16xf32>
    %add3A_2578 = arith.addf %add3A_2566, %mul3A_2577 : vector<16xf32>
    %get3A_2579 = arith.constant 203 : i32
    %get3A_2580 = arith.index_cast %get3A_2579 : i32 to index
    %get3A_2581 = arith.constant 0 : index
    %get3A_2582 = tpu.vector_load %arg7[%get3A_2580, %get3A_2581] {strides = array<i32>} : memref<256x16xf32, #tpu.memory_space<vmem>>, vector<1x16xf32>,
    %get3A_2583 = vector.shape_cast %get3A_2582 : vector<1x16xf32> to vector<16xf32>
    %get3A_2584 = arith.constant 25 : i32
    %get3A_2585 = arith.index_cast %get3A_2584 : i32 to index
    %get3A_2586 = arith.constant 48 : index
    %get3A_2587 = tpu.vector_load %arg8[%get3A_2585, %get3A_2586] {strides = array<i32>} : memref<32x128xf32, #tpu.memory_space<vmem>>, vector<1x16xf32>,
    %get3A_2588 = vector.shape_cast %get3A_2587 : vector<1x16xf32> to vector<16xf32>
    %mul3A_2589 = arith.mulf %get3A_2583, %get3A_2588 : vector<16xf32>
    %add3A_2590 = arith.addf %add3A_2578, %mul3A_2589 : vector<16xf32>
    %get3A_2591 = arith.constant 204 : i32
    %get3A_2592 = arith.index_cast %get3A_2591 : i32 to index
    %get3A_2593 = arith.constant 0 : index
    %get3A_2594 = tpu.vector_load %arg7[%get3A_2592, %get3A_2593] {strides = array<i32>} : memref<256x16xf32, #tpu.memory_space<vmem>>, vector<1x16xf32>,
    %get3A_2595 = vector.shape_cast %get3A_2594 : vector<1x16xf32> to vector<16xf32>
    %get3A_2596 = arith.constant 25 : i32
    %get3A_2597 = arith.index_cast %get3A_2596 : i32 to index
    %get3A_2598 = arith.constant 64 : index
    %get3A_2599 = tpu.vector_load %arg8[%get3A_2597, %get3A_2598] {strides = array<i32>} : memref<32x128xf32, #tpu.memory_space<vmem>>, vector<1x16xf32>,
    %get3A_2600 = vector.shape_cast %get3A_2599 : vector<1x16xf32> to vector<16xf32>
    %mul3A_2601 = arith.mulf %get3A_2595, %get3A_2600 : vector<16xf32>
    %add3A_2602 = arith.addf %add3A_2590, %mul3A_2601 : vector<16xf32>
    %get3A_2603 = arith.constant 205 : i32
    %get3A_2604 = arith.index_cast %get3A_2603 : i32 to index
    %get3A_2605 = arith.constant 0 : index
    %get3A_2606 = tpu.vector_load %arg7[%get3A_2604, %get3A_2605] {strides = array<i32>} : memref<256x16xf32, #tpu.memory_space<vmem>>, vector<1x16xf32>,
    %get3A_2607 = vector.shape_cast %get3A_2606 : vector<1x16xf32> to vector<16xf32>
    %get3A_2608 = arith.constant 25 : i32
    %get3A_2609 = arith.index_cast %get3A_2608 : i32 to index
    %get3A_2610 = arith.constant 80 : index
    %get3A_2611 = tpu.vector_load %arg8[%get3A_2609, %get3A_2610] {strides = array<i32>} : memref<32x128xf32, #tpu.memory_space<vmem>>, vector<1x16xf32>,
    %get3A_2612 = vector.shape_cast %get3A_2611 : vector<1x16xf32> to vector<16xf32>
    %mul3A_2613 = arith.mulf %get3A_2607, %get3A_2612 : vector<16xf32>
    %add3A_2614 = arith.addf %add3A_2602, %mul3A_2613 : vector<16xf32>
    %get3A_2615 = arith.constant 206 : i32
    %get3A_2616 = arith.index_cast %get3A_2615 : i32 to index
    %get3A_2617 = arith.constant 0 : index
    %get3A_2618 = tpu.vector_load %arg7[%get3A_2616, %get3A_2617] {strides = array<i32>} : memref<256x16xf32, #tpu.memory_space<vmem>>, vector<1x16xf32>,
    %get3A_2619 = vector.shape_cast %get3A_2618 : vector<1x16xf32> to vector<16xf32>
    %get3A_2620 = arith.constant 25 : i32
    %get3A_2621 = arith.index_cast %get3A_2620 : i32 to index
    %get3A_2622 = arith.constant 96 : index
    %get3A_2623 = tpu.vector_load %arg8[%get3A_2621, %get3A_2622] {strides = array<i32>} : memref<32x128xf32, #tpu.memory_space<vmem>>, vector<1x16xf32>,
    %get3A_2624 = vector.shape_cast %get3A_2623 : vector<1x16xf32> to vector<16xf32>
    %mul3A_2625 = arith.mulf %get3A_2619, %get3A_2624 : vector<16xf32>
    %add3A_2626 = arith.addf %add3A_2614, %mul3A_2625 : vector<16xf32>
    %get3A_2627 = arith.constant 207 : i32
    %get3A_2628 = arith.index_cast %get3A_2627 : i32 to index
    %get3A_2629 = arith.constant 0 : index
    %get3A_2630 = tpu.vector_load %arg7[%get3A_2628, %get3A_2629] {strides = array<i32>} : memref<256x16xf32, #tpu.memory_space<vmem>>, vector<1x16xf32>,
    %get3A_2631 = vector.shape_cast %get3A_2630 : vector<1x16xf32> to vector<16xf32>
    %get3A_2632 = arith.constant 25 : i32
    %get3A_2633 = arith.index_cast %get3A_2632 : i32 to index
    %get3A_2634 = arith.constant 112 : index
    %get3A_2635 = tpu.vector_load %arg8[%get3A_2633, %get3A_2634] {strides = array<i32>} : memref<32x128xf32, #tpu.memory_space<vmem>>, vector<1x16xf32>,
    %get3A_2636 = vector.shape_cast %get3A_2635 : vector<1x16xf32> to vector<16xf32>
    %mul3A_2637 = arith.mulf %get3A_2631, %get3A_2636 : vector<16xf32>
    %add3A_2638 = arith.addf %add3A_2626, %mul3A_2637 : vector<16xf32>
    %swap3A_2639 = arith.constant 25 : i32
    %swap3A_2640 = arith.index_cast %swap3A_2639 : i32 to index
    %swap3A_2641 = arith.constant 0 : index
    %swap3A_2642 = tpu.vector_load %arg9[%swap3A_2640, %swap3A_2641] {strides = array<i32>} : memref<32x16xf32, #tpu.memory_space<vmem>>, vector<1x16xf32>,
    %swap3A_2643 = vector.shape_cast %swap3A_2642 : vector<1x16xf32> to vector<16xf32>
    %swap3A_2644 = vector.shape_cast %add3A_2638 : vector<16xf32> to vector<1x16xf32>
    tpu.vector_store %arg9[%swap3A_2640, %swap3A_2641], %swap3A_2644 {strides = array<i32>} : memref<32x16xf32, #tpu.memory_space<vmem>>, vector<1x16xf32>,
    %get3A_2645 = arith.constant 208 : i32
    %get3A_2646 = arith.index_cast %get3A_2645 : i32 to index
    %get3A_2647 = arith.constant 0 : index
    %get3A_2648 = tpu.vector_load %arg7[%get3A_2646, %get3A_2647] {strides = array<i32>} : memref<256x16xf32, #tpu.memory_space<vmem>>, vector<1x16xf32>,
    %get3A_2649 = vector.shape_cast %get3A_2648 : vector<1x16xf32> to vector<16xf32>
    %get3A_2650 = arith.constant 26 : i32
    %get3A_2651 = arith.index_cast %get3A_2650 : i32 to index
    %get3A_2652 = arith.constant 0 : index
    %get3A_2653 = tpu.vector_load %arg8[%get3A_2651, %get3A_2652] {strides = array<i32>} : memref<32x128xf32, #tpu.memory_space<vmem>>, vector<1x16xf32>,
    %get3A_2654 = vector.shape_cast %get3A_2653 : vector<1x16xf32> to vector<16xf32>
    %mul3A_2655 = arith.mulf %get3A_2649, %get3A_2654 : vector<16xf32>
    %get3A_2656 = arith.constant 209 : i32
    %get3A_2657 = arith.index_cast %get3A_2656 : i32 to index
    %get3A_2658 = arith.constant 0 : index
    %get3A_2659 = tpu.vector_load %arg7[%get3A_2657, %get3A_2658] {strides = array<i32>} : memref<256x16xf32, #tpu.memory_space<vmem>>, vector<1x16xf32>,
    %get3A_2660 = vector.shape_cast %get3A_2659 : vector<1x16xf32> to vector<16xf32>
    %get3A_2661 = arith.constant 26 : i32
    %get3A_2662 = arith.index_cast %get3A_2661 : i32 to index
    %get3A_2663 = arith.constant 16 : index
    %get3A_2664 = tpu.vector_load %arg8[%get3A_2662, %get3A_2663] {strides = array<i32>} : memref<32x128xf32, #tpu.memory_space<vmem>>, vector<1x16xf32>,
    %get3A_2665 = vector.shape_cast %get3A_2664 : vector<1x16xf32> to vector<16xf32>
    %mul3A_2666 = arith.mulf %get3A_2660, %get3A_2665 : vector<16xf32>
    %add3A_2667 = arith.addf %mul3A_2655, %mul3A_2666 : vector<16xf32>
    %get3A_2668 = arith.constant 210 : i32
    %get3A_2669 = arith.index_cast %get3A_2668 : i32 to index
    %get3A_2670 = arith.constant 0 : index
    %get3A_2671 = tpu.vector_load %arg7[%get3A_2669, %get3A_2670] {strides = array<i32>} : memref<256x16xf32, #tpu.memory_space<vmem>>, vector<1x16xf32>,
    %get3A_2672 = vector.shape_cast %get3A_2671 : vector<1x16xf32> to vector<16xf32>
    %get3A_2673 = arith.constant 26 : i32
    %get3A_2674 = arith.index_cast %get3A_2673 : i32 to index
    %get3A_2675 = arith.constant 32 : index
    %get3A_2676 = tpu.vector_load %arg8[%get3A_2674, %get3A_2675] {strides = array<i32>} : memref<32x128xf32, #tpu.memory_space<vmem>>, vector<1x16xf32>,
    %get3A_2677 = vector.shape_cast %get3A_2676 : vector<1x16xf32> to vector<16xf32>
    %mul3A_2678 = arith.mulf %get3A_2672, %get3A_2677 : vector<16xf32>
    %add3A_2679 = arith.addf %add3A_2667, %mul3A_2678 : vector<16xf32>
    %get3A_2680 = arith.constant 211 : i32
    %get3A_2681 = arith.index_cast %get3A_2680 : i32 to index
    %get3A_2682 = arith.constant 0 : index
    %get3A_2683 = tpu.vector_load %arg7[%get3A_2681, %get3A_2682] {strides = array<i32>} : memref<256x16xf32, #tpu.memory_space<vmem>>, vector<1x16xf32>,
    %get3A_2684 = vector.shape_cast %get3A_2683 : vector<1x16xf32> to vector<16xf32>
    %get3A_2685 = arith.constant 26 : i32
    %get3A_2686 = arith.index_cast %get3A_2685 : i32 to index
    %get3A_2687 = arith.constant 48 : index
    %get3A_2688 = tpu.vector_load %arg8[%get3A_2686, %get3A_2687] {strides = array<i32>} : memref<32x128xf32, #tpu.memory_space<vmem>>, vector<1x16xf32>,
    %get3A_2689 = vector.shape_cast %get3A_2688 : vector<1x16xf32> to vector<16xf32>
    %mul3A_2690 = arith.mulf %get3A_2684, %get3A_2689 : vector<16xf32>
    %add3A_2691 = arith.addf %add3A_2679, %mul3A_2690 : vector<16xf32>
    %get3A_2692 = arith.constant 212 : i32
    %get3A_2693 = arith.index_cast %get3A_2692 : i32 to index
    %get3A_2694 = arith.constant 0 : index
    %get3A_2695 = tpu.vector_load %arg7[%get3A_2693, %get3A_2694] {strides = array<i32>} : memref<256x16xf32, #tpu.memory_space<vmem>>, vector<1x16xf32>,
    %get3A_2696 = vector.shape_cast %get3A_2695 : vector<1x16xf32> to vector<16xf32>
    %get3A_2697 = arith.constant 26 : i32
    %get3A_2698 = arith.index_cast %get3A_2697 : i32 to index
    %get3A_2699 = arith.constant 64 : index
    %get3A_2700 = tpu.vector_load %arg8[%get3A_2698, %get3A_2699] {strides = array<i32>} : memref<32x128xf32, #tpu.memory_space<vmem>>, vector<1x16xf32>,
    %get3A_2701 = vector.shape_cast %get3A_2700 : vector<1x16xf32> to vector<16xf32>
    %mul3A_2702 = arith.mulf %get3A_2696, %get3A_2701 : vector<16xf32>
    %add3A_2703 = arith.addf %add3A_2691, %mul3A_2702 : vector<16xf32>
    %get3A_2704 = arith.constant 213 : i32
    %get3A_2705 = arith.index_cast %get3A_2704 : i32 to index
    %get3A_2706 = arith.constant 0 : index
    %get3A_2707 = tpu.vector_load %arg7[%get3A_2705, %get3A_2706] {strides = array<i32>} : memref<256x16xf32, #tpu.memory_space<vmem>>, vector<1x16xf32>,
    %get3A_2708 = vector.shape_cast %get3A_2707 : vector<1x16xf32> to vector<16xf32>
    %get3A_2709 = arith.constant 26 : i32
    %get3A_2710 = arith.index_cast %get3A_2709 : i32 to index
    %get3A_2711 = arith.constant 80 : index
    %get3A_2712 = tpu.vector_load %arg8[%get3A_2710, %get3A_2711] {strides = array<i32>} : memref<32x128xf32, #tpu.memory_space<vmem>>, vector<1x16xf32>,
    %get3A_2713 = vector.shape_cast %get3A_2712 : vector<1x16xf32> to vector<16xf32>
    %mul3A_2714 = arith.mulf %get3A_2708, %get3A_2713 : vector<16xf32>
    %add3A_2715 = arith.addf %add3A_2703, %mul3A_2714 : vector<16xf32>
    %get3A_2716 = arith.constant 214 : i32
    %get3A_2717 = arith.index_cast %get3A_2716 : i32 to index
    %get3A_2718 = arith.constant 0 : index
    %get3A_2719 = tpu.vector_load %arg7[%get3A_2717, %get3A_2718] {strides = array<i32>} : memref<256x16xf32, #tpu.memory_space<vmem>>, vector<1x16xf32>,
    %get3A_2720 = vector.shape_cast %get3A_2719 : vector<1x16xf32> to vector<16xf32>
    %get3A_2721 = arith.constant 26 : i32
    %get3A_2722 = arith.index_cast %get3A_2721 : i32 to index
    %get3A_2723 = arith.constant 96 : index
    %get3A_2724 = tpu.vector_load %arg8[%get3A_2722, %get3A_2723] {strides = array<i32>} : memref<32x128xf32, #tpu.memory_space<vmem>>, vector<1x16xf32>,
    %get3A_2725 = vector.shape_cast %get3A_2724 : vector<1x16xf32> to vector<16xf32>
    %mul3A_2726 = arith.mulf %get3A_2720, %get3A_2725 : vector<16xf32>
    %add3A_2727 = arith.addf %add3A_2715, %mul3A_2726 : vector<16xf32>
    %get3A_2728 = arith.constant 215 : i32
    %get3A_2729 = arith.index_cast %get3A_2728 : i32 to index
    %get3A_2730 = arith.constant 0 : index
    %get3A_2731 = tpu.vector_load %arg7[%get3A_2729, %get3A_2730] {strides = array<i32>} : memref<256x16xf32, #tpu.memory_space<vmem>>, vector<1x16xf32>,
    %get3A_2732 = vector.shape_cast %get3A_2731 : vector<1x16xf32> to vector<16xf32>
    %get3A_2733 = arith.constant 26 : i32
    %get3A_2734 = arith.index_cast %get3A_2733 : i32 to index
    %get3A_2735 = arith.constant 112 : index
    %get3A_2736 = tpu.vector_load %arg8[%get3A_2734, %get3A_2735] {strides = array<i32>} : memref<32x128xf32, #tpu.memory_space<vmem>>, vector<1x16xf32>,
    %get3A_2737 = vector.shape_cast %get3A_2736 : vector<1x16xf32> to vector<16xf32>
    %mul3A_2738 = arith.mulf %get3A_2732, %get3A_2737 : vector<16xf32>
    %add3A_2739 = arith.addf %add3A_2727, %mul3A_2738 : vector<16xf32>
    %swap3A_2740 = arith.constant 26 : i32
    %swap3A_2741 = arith.index_cast %swap3A_2740 : i32 to index
    %swap3A_2742 = arith.constant 0 : index
    %swap3A_2743 = tpu.vector_load %arg9[%swap3A_2741, %swap3A_2742] {strides = array<i32>} : memref<32x16xf32, #tpu.memory_space<vmem>>, vector<1x16xf32>,
    %swap3A_2744 = vector.shape_cast %swap3A_2743 : vector<1x16xf32> to vector<16xf32>
    %swap3A_2745 = vector.shape_cast %add3A_2739 : vector<16xf32> to vector<1x16xf32>
    tpu.vector_store %arg9[%swap3A_2741, %swap3A_2742], %swap3A_2745 {strides = array<i32>} : memref<32x16xf32, #tpu.memory_space<vmem>>, vector<1x16xf32>,
    %get3A_2746 = arith.constant 216 : i32
    %get3A_2747 = arith.index_cast %get3A_2746 : i32 to index
    %get3A_2748 = arith.constant 0 : index
    %get3A_2749 = tpu.vector_load %arg7[%get3A_2747, %get3A_2748] {strides = array<i32>} : memref<256x16xf32, #tpu.memory_space<vmem>>, vector<1x16xf32>,
    %get3A_2750 = vector.shape_cast %get3A_2749 : vector<1x16xf32> to vector<16xf32>
    %get3A_2751 = arith.constant 27 : i32
    %get3A_2752 = arith.index_cast %get3A_2751 : i32 to index
    %get3A_2753 = arith.constant 0 : index
    %get3A_2754 = tpu.vector_load %arg8[%get3A_2752, %get3A_2753] {strides = array<i32>} : memref<32x128xf32, #tpu.memory_space<vmem>>, vector<1x16xf32>,
    %get3A_2755 = vector.shape_cast %get3A_2754 : vector<1x16xf32> to vector<16xf32>
    %mul3A_2756 = arith.mulf %get3A_2750, %get3A_2755 : vector<16xf32>
    %get3A_2757 = arith.constant 217 : i32
    %get3A_2758 = arith.index_cast %get3A_2757 : i32 to index
    %get3A_2759 = arith.constant 0 : index
    %get3A_2760 = tpu.vector_load %arg7[%get3A_2758, %get3A_2759] {strides = array<i32>} : memref<256x16xf32, #tpu.memory_space<vmem>>, vector<1x16xf32>,
    %get3A_2761 = vector.shape_cast %get3A_2760 : vector<1x16xf32> to vector<16xf32>
    %get3A_2762 = arith.constant 27 : i32
    %get3A_2763 = arith.index_cast %get3A_2762 : i32 to index
    %get3A_2764 = arith.constant 16 : index
    %get3A_2765 = tpu.vector_load %arg8[%get3A_2763, %get3A_2764] {strides = array<i32>} : memref<32x128xf32, #tpu.memory_space<vmem>>, vector<1x16xf32>,
    %get3A_2766 = vector.shape_cast %get3A_2765 : vector<1x16xf32> to vector<16xf32>
    %mul3A_2767 = arith.mulf %get3A_2761, %get3A_2766 : vector<16xf32>
    %add3A_2768 = arith.addf %mul3A_2756, %mul3A_2767 : vector<16xf32>
    %get3A_2769 = arith.constant 218 : i32
    %get3A_2770 = arith.index_cast %get3A_2769 : i32 to index
    %get3A_2771 = arith.constant 0 : index
    %get3A_2772 = tpu.vector_load %arg7[%get3A_2770, %get3A_2771] {strides = array<i32>} : memref<256x16xf32, #tpu.memory_space<vmem>>, vector<1x16xf32>,
    %get3A_2773 = vector.shape_cast %get3A_2772 : vector<1x16xf32> to vector<16xf32>
    %get3A_2774 = arith.constant 27 : i32
    %get3A_2775 = arith.index_cast %get3A_2774 : i32 to index
    %get3A_2776 = arith.constant 32 : index
    %get3A_2777 = tpu.vector_load %arg8[%get3A_2775, %get3A_2776] {strides = array<i32>} : memref<32x128xf32, #tpu.memory_space<vmem>>, vector<1x16xf32>,
    %get3A_2778 = vector.shape_cast %get3A_2777 : vector<1x16xf32> to vector<16xf32>
    %mul3A_2779 = arith.mulf %get3A_2773, %get3A_2778 : vector<16xf32>
    %add3A_2780 = arith.addf %add3A_2768, %mul3A_2779 : vector<16xf32>
    %get3A_2781 = arith.constant 219 : i32
    %get3A_2782 = arith.index_cast %get3A_2781 : i32 to index
    %get3A_2783 = arith.constant 0 : index
    %get3A_2784 = tpu.vector_load %arg7[%get3A_2782, %get3A_2783] {strides = array<i32>} : memref<256x16xf32, #tpu.memory_space<vmem>>, vector<1x16xf32>,
    %get3A_2785 = vector.shape_cast %get3A_2784 : vector<1x16xf32> to vector<16xf32>
    %get3A_2786 = arith.constant 27 : i32
    %get3A_2787 = arith.index_cast %get3A_2786 : i32 to index
    %get3A_2788 = arith.constant 48 : index
    %get3A_2789 = tpu.vector_load %arg8[%get3A_2787, %get3A_2788] {strides = array<i32>} : memref<32x128xf32, #tpu.memory_space<vmem>>, vector<1x16xf32>,
    %get3A_2790 = vector.shape_cast %get3A_2789 : vector<1x16xf32> to vector<16xf32>
    %mul3A_2791 = arith.mulf %get3A_2785, %get3A_2790 : vector<16xf32>
    %add3A_2792 = arith.addf %add3A_2780, %mul3A_2791 : vector<16xf32>
    %get3A_2793 = arith.constant 220 : i32
    %get3A_2794 = arith.index_cast %get3A_2793 : i32 to index
    %get3A_2795 = arith.constant 0 : index
    %get3A_2796 = tpu.vector_load %arg7[%get3A_2794, %get3A_2795] {strides = array<i32>} : memref<256x16xf32, #tpu.memory_space<vmem>>, vector<1x16xf32>,
    %get3A_2797 = vector.shape_cast %get3A_2796 : vector<1x16xf32> to vector<16xf32>
    %get3A_2798 = arith.constant 27 : i32
    %get3A_2799 = arith.index_cast %get3A_2798 : i32 to index
    %get3A_2800 = arith.constant 64 : index
    %get3A_2801 = tpu.vector_load %arg8[%get3A_2799, %get3A_2800] {strides = array<i32>} : memref<32x128xf32, #tpu.memory_space<vmem>>, vector<1x16xf32>,
    %get3A_2802 = vector.shape_cast %get3A_2801 : vector<1x16xf32> to vector<16xf32>
    %mul3A_2803 = arith.mulf %get3A_2797, %get3A_2802 : vector<16xf32>
    %add3A_2804 = arith.addf %add3A_2792, %mul3A_2803 : vector<16xf32>
    %get3A_2805 = arith.constant 221 : i32
    %get3A_2806 = arith.index_cast %get3A_2805 : i32 to index
    %get3A_2807 = arith.constant 0 : index
    %get3A_2808 = tpu.vector_load %arg7[%get3A_2806, %get3A_2807] {strides = array<i32>} : memref<256x16xf32, #tpu.memory_space<vmem>>, vector<1x16xf32>,
    %get3A_2809 = vector.shape_cast %get3A_2808 : vector<1x16xf32> to vector<16xf32>
    %get3A_2810 = arith.constant 27 : i32
    %get3A_2811 = arith.index_cast %get3A_2810 : i32 to index
    %get3A_2812 = arith.constant 80 : index
    %get3A_2813 = tpu.vector_load %arg8[%get3A_2811, %get3A_2812] {strides = array<i32>} : memref<32x128xf32, #tpu.memory_space<vmem>>, vector<1x16xf32>,
    %get3A_2814 = vector.shape_cast %get3A_2813 : vector<1x16xf32> to vector<16xf32>
    %mul3A_2815 = arith.mulf %get3A_2809, %get3A_2814 : vector<16xf32>
    %add3A_2816 = arith.addf %add3A_2804, %mul3A_2815 : vector<16xf32>
    %get3A_2817 = arith.constant 222 : i32
    %get3A_2818 = arith.index_cast %get3A_2817 : i32 to index
    %get3A_2819 = arith.constant 0 : index
    %get3A_2820 = tpu.vector_load %arg7[%get3A_2818, %get3A_2819] {strides = array<i32>} : memref<256x16xf32, #tpu.memory_space<vmem>>, vector<1x16xf32>,
    %get3A_2821 = vector.shape_cast %get3A_2820 : vector<1x16xf32> to vector<16xf32>
    %get3A_2822 = arith.constant 27 : i32
    %get3A_2823 = arith.index_cast %get3A_2822 : i32 to index
    %get3A_2824 = arith.constant 96 : index
    %get3A_2825 = tpu.vector_load %arg8[%get3A_2823, %get3A_2824] {strides = array<i32>} : memref<32x128xf32, #tpu.memory_space<vmem>>, vector<1x16xf32>,
    %get3A_2826 = vector.shape_cast %get3A_2825 : vector<1x16xf32> to vector<16xf32>
    %mul3A_2827 = arith.mulf %get3A_2821, %get3A_2826 : vector<16xf32>
    %add3A_2828 = arith.addf %add3A_2816, %mul3A_2827 : vector<16xf32>
    %get3A_2829 = arith.constant 223 : i32
    %get3A_2830 = arith.index_cast %get3A_2829 : i32 to index
    %get3A_2831 = arith.constant 0 : index
    %get3A_2832 = tpu.vector_load %arg7[%get3A_2830, %get3A_2831] {strides = array<i32>} : memref<256x16xf32, #tpu.memory_space<vmem>>, vector<1x16xf32>,
    %get3A_2833 = vector.shape_cast %get3A_2832 : vector<1x16xf32> to vector<16xf32>
    %get3A_2834 = arith.constant 27 : i32
    %get3A_2835 = arith.index_cast %get3A_2834 : i32 to index
    %get3A_2836 = arith.constant 112 : index
    %get3A_2837 = tpu.vector_load %arg8[%get3A_2835, %get3A_2836] {strides = array<i32>} : memref<32x128xf32, #tpu.memory_space<vmem>>, vector<1x16xf32>,
    %get3A_2838 = vector.shape_cast %get3A_2837 : vector<1x16xf32> to vector<16xf32>
    %mul3A_2839 = arith.mulf %get3A_2833, %get3A_2838 : vector<16xf32>
    %add3A_2840 = arith.addf %add3A_2828, %mul3A_2839 : vector<16xf32>
    %swap3A_2841 = arith.constant 27 : i32
    %swap3A_2842 = arith.index_cast %swap3A_2841 : i32 to index
    %swap3A_2843 = arith.constant 0 : index
    %swap3A_2844 = tpu.vector_load %arg9[%swap3A_2842, %swap3A_2843] {strides = array<i32>} : memref<32x16xf32, #tpu.memory_space<vmem>>, vector<1x16xf32>,
    %swap3A_2845 = vector.shape_cast %swap3A_2844 : vector<1x16xf32> to vector<16xf32>
    %swap3A_2846 = vector.shape_cast %add3A_2840 : vector<16xf32> to vector<1x16xf32>
    tpu.vector_store %arg9[%swap3A_2842, %swap3A_2843], %swap3A_2846 {strides = array<i32>} : memref<32x16xf32, #tpu.memory_space<vmem>>, vector<1x16xf32>,
    %get3A_2847 = arith.constant 224 : i32
    %get3A_2848 = arith.index_cast %get3A_2847 : i32 to index
    %get3A_2849 = arith.constant 0 : index
    %get3A_2850 = tpu.vector_load %arg7[%get3A_2848, %get3A_2849] {strides = array<i32>} : memref<256x16xf32, #tpu.memory_space<vmem>>, vector<1x16xf32>,
    %get3A_2851 = vector.shape_cast %get3A_2850 : vector<1x16xf32> to vector<16xf32>
    %get3A_2852 = arith.constant 28 : i32
    %get3A_2853 = arith.index_cast %get3A_2852 : i32 to index
    %get3A_2854 = arith.constant 0 : index
    %get3A_2855 = tpu.vector_load %arg8[%get3A_2853, %get3A_2854] {strides = array<i32>} : memref<32x128xf32, #tpu.memory_space<vmem>>, vector<1x16xf32>,
    %get3A_2856 = vector.shape_cast %get3A_2855 : vector<1x16xf32> to vector<16xf32>
    %mul3A_2857 = arith.mulf %get3A_2851, %get3A_2856 : vector<16xf32>
    %get3A_2858 = arith.constant 225 : i32
    %get3A_2859 = arith.index_cast %get3A_2858 : i32 to index
    %get3A_2860 = arith.constant 0 : index
    %get3A_2861 = tpu.vector_load %arg7[%get3A_2859, %get3A_2860] {strides = array<i32>} : memref<256x16xf32, #tpu.memory_space<vmem>>, vector<1x16xf32>,
    %get3A_2862 = vector.shape_cast %get3A_2861 : vector<1x16xf32> to vector<16xf32>
    %get3A_2863 = arith.constant 28 : i32
    %get3A_2864 = arith.index_cast %get3A_2863 : i32 to index
    %get3A_2865 = arith.constant 16 : index
    %get3A_2866 = tpu.vector_load %arg8[%get3A_2864, %get3A_2865] {strides = array<i32>} : memref<32x128xf32, #tpu.memory_space<vmem>>, vector<1x16xf32>,
    %get3A_2867 = vector.shape_cast %get3A_2866 : vector<1x16xf32> to vector<16xf32>
    %mul3A_2868 = arith.mulf %get3A_2862, %get3A_2867 : vector<16xf32>
    %add3A_2869 = arith.addf %mul3A_2857, %mul3A_2868 : vector<16xf32>
    %get3A_2870 = arith.constant 226 : i32
    %get3A_2871 = arith.index_cast %get3A_2870 : i32 to index
    %get3A_2872 = arith.constant 0 : index
    %get3A_2873 = tpu.vector_load %arg7[%get3A_2871, %get3A_2872] {strides = array<i32>} : memref<256x16xf32, #tpu.memory_space<vmem>>, vector<1x16xf32>,
    %get3A_2874 = vector.shape_cast %get3A_2873 : vector<1x16xf32> to vector<16xf32>
    %get3A_2875 = arith.constant 28 : i32
    %get3A_2876 = arith.index_cast %get3A_2875 : i32 to index
    %get3A_2877 = arith.constant 32 : index
    %get3A_2878 = tpu.vector_load %arg8[%get3A_2876, %get3A_2877] {strides = array<i32>} : memref<32x128xf32, #tpu.memory_space<vmem>>, vector<1x16xf32>,
    %get3A_2879 = vector.shape_cast %get3A_2878 : vector<1x16xf32> to vector<16xf32>
    %mul3A_2880 = arith.mulf %get3A_2874, %get3A_2879 : vector<16xf32>
    %add3A_2881 = arith.addf %add3A_2869, %mul3A_2880 : vector<16xf32>
    %get3A_2882 = arith.constant 227 : i32
    %get3A_2883 = arith.index_cast %get3A_2882 : i32 to index
    %get3A_2884 = arith.constant 0 : index
    %get3A_2885 = tpu.vector_load %arg7[%get3A_2883, %get3A_2884] {strides = array<i32>} : memref<256x16xf32, #tpu.memory_space<vmem>>, vector<1x16xf32>,
    %get3A_2886 = vector.shape_cast %get3A_2885 : vector<1x16xf32> to vector<16xf32>
    %get3A_2887 = arith.constant 28 : i32
    %get3A_2888 = arith.index_cast %get3A_2887 : i32 to index
    %get3A_2889 = arith.constant 48 : index
    %get3A_2890 = tpu.vector_load %arg8[%get3A_2888, %get3A_2889] {strides = array<i32>} : memref<32x128xf32, #tpu.memory_space<vmem>>, vector<1x16xf32>,
    %get3A_2891 = vector.shape_cast %get3A_2890 : vector<1x16xf32> to vector<16xf32>
    %mul3A_2892 = arith.mulf %get3A_2886, %get3A_2891 : vector<16xf32>
    %add3A_2893 = arith.addf %add3A_2881, %mul3A_2892 : vector<16xf32>
    %get3A_2894 = arith.constant 228 : i32
    %get3A_2895 = arith.index_cast %get3A_2894 : i32 to index
    %get3A_2896 = arith.constant 0 : index
    %get3A_2897 = tpu.vector_load %arg7[%get3A_2895, %get3A_2896] {strides = array<i32>} : memref<256x16xf32, #tpu.memory_space<vmem>>, vector<1x16xf32>,
    %get3A_2898 = vector.shape_cast %get3A_2897 : vector<1x16xf32> to vector<16xf32>
    %get3A_2899 = arith.constant 28 : i32
    %get3A_2900 = arith.index_cast %get3A_2899 : i32 to index
    %get3A_2901 = arith.constant 64 : index
    %get3A_2902 = tpu.vector_load %arg8[%get3A_2900, %get3A_2901] {strides = array<i32>} : memref<32x128xf32, #tpu.memory_space<vmem>>, vector<1x16xf32>,
    %get3A_2903 = vector.shape_cast %get3A_2902 : vector<1x16xf32> to vector<16xf32>
    %mul3A_2904 = arith.mulf %get3A_2898, %get3A_2903 : vector<16xf32>
    %add3A_2905 = arith.addf %add3A_2893, %mul3A_2904 : vector<16xf32>
    %get3A_2906 = arith.constant 229 : i32
    %get3A_2907 = arith.index_cast %get3A_2906 : i32 to index
    %get3A_2908 = arith.constant 0 : index
    %get3A_2909 = tpu.vector_load %arg7[%get3A_2907, %get3A_2908] {strides = array<i32>} : memref<256x16xf32, #tpu.memory_space<vmem>>, vector<1x16xf32>,
    %get3A_2910 = vector.shape_cast %get3A_2909 : vector<1x16xf32> to vector<16xf32>
    %get3A_2911 = arith.constant 28 : i32
    %get3A_2912 = arith.index_cast %get3A_2911 : i32 to index
    %get3A_2913 = arith.constant 80 : index
    %get3A_2914 = tpu.vector_load %arg8[%get3A_2912, %get3A_2913] {strides = array<i32>} : memref<32x128xf32, #tpu.memory_space<vmem>>, vector<1x16xf32>,
    %get3A_2915 = vector.shape_cast %get3A_2914 : vector<1x16xf32> to vector<16xf32>
    %mul3A_2916 = arith.mulf %get3A_2910, %get3A_2915 : vector<16xf32>
    %add3A_2917 = arith.addf %add3A_2905, %mul3A_2916 : vector<16xf32>
    %get3A_2918 = arith.constant 230 : i32
    %get3A_2919 = arith.index_cast %get3A_2918 : i32 to index
    %get3A_2920 = arith.constant 0 : index
    %get3A_2921 = tpu.vector_load %arg7[%get3A_2919, %get3A_2920] {strides = array<i32>} : memref<256x16xf32, #tpu.memory_space<vmem>>, vector<1x16xf32>,
    %get3A_2922 = vector.shape_cast %get3A_2921 : vector<1x16xf32> to vector<16xf32>
    %get3A_2923 = arith.constant 28 : i32
    %get3A_2924 = arith.index_cast %get3A_2923 : i32 to index
    %get3A_2925 = arith.constant 96 : index
    %get3A_2926 = tpu.vector_load %arg8[%get3A_2924, %get3A_2925] {strides = array<i32>} : memref<32x128xf32, #tpu.memory_space<vmem>>, vector<1x16xf32>,
    %get3A_2927 = vector.shape_cast %get3A_2926 : vector<1x16xf32> to vector<16xf32>
    %mul3A_2928 = arith.mulf %get3A_2922, %get3A_2927 : vector<16xf32>
    %add3A_2929 = arith.addf %add3A_2917, %mul3A_2928 : vector<16xf32>
    %get3A_2930 = arith.constant 231 : i32
    %get3A_2931 = arith.index_cast %get3A_2930 : i32 to index
    %get3A_2932 = arith.constant 0 : index
    %get3A_2933 = tpu.vector_load %arg7[%get3A_2931, %get3A_2932] {strides = array<i32>} : memref<256x16xf32, #tpu.memory_space<vmem>>, vector<1x16xf32>,
    %get3A_2934 = vector.shape_cast %get3A_2933 : vector<1x16xf32> to vector<16xf32>
    %get3A_2935 = arith.constant 28 : i32
    %get3A_2936 = arith.index_cast %get3A_2935 : i32 to index
    %get3A_2937 = arith.constant 112 : index
    %get3A_2938 = tpu.vector_load %arg8[%get3A_2936, %get3A_2937] {strides = array<i32>} : memref<32x128xf32, #tpu.memory_space<vmem>>, vector<1x16xf32>,
    %get3A_2939 = vector.shape_cast %get3A_2938 : vector<1x16xf32> to vector<16xf32>
    %mul3A_2940 = arith.mulf %get3A_2934, %get3A_2939 : vector<16xf32>
    %add3A_2941 = arith.addf %add3A_2929, %mul3A_2940 : vector<16xf32>
    %swap3A_2942 = arith.constant 28 : i32
    %swap3A_2943 = arith.index_cast %swap3A_2942 : i32 to index
    %swap3A_2944 = arith.constant 0 : index
    %swap3A_2945 = tpu.vector_load %arg9[%swap3A_2943, %swap3A_2944] {strides = array<i32>} : memref<32x16xf32, #tpu.memory_space<vmem>>, vector<1x16xf32>,
    %swap3A_2946 = vector.shape_cast %swap3A_2945 : vector<1x16xf32> to vector<16xf32>
    %swap3A_2947 = vector.shape_cast %add3A_2941 : vector<16xf32> to vector<1x16xf32>
    tpu.vector_store %arg9[%swap3A_2943, %swap3A_2944], %swap3A_2947 {strides = array<i32>} : memref<32x16xf32, #tpu.memory_space<vmem>>, vector<1x16xf32>,
    %get3A_2948 = arith.constant 232 : i32
    %get3A_2949 = arith.index_cast %get3A_2948 : i32 to index
    %get3A_2950 = arith.constant 0 : index
    %get3A_2951 = tpu.vector_load %arg7[%get3A_2949, %get3A_2950] {strides = array<i32>} : memref<256x16xf32, #tpu.memory_space<vmem>>, vector<1x16xf32>,
    %get3A_2952 = vector.shape_cast %get3A_2951 : vector<1x16xf32> to vector<16xf32>
    %get3A_2953 = arith.constant 29 : i32
    %get3A_2954 = arith.index_cast %get3A_2953 : i32 to index
    %get3A_2955 = arith.constant 0 : index
    %get3A_2956 = tpu.vector_load %arg8[%get3A_2954, %get3A_2955] {strides = array<i32>} : memref<32x128xf32, #tpu.memory_space<vmem>>, vector<1x16xf32>,
    %get3A_2957 = vector.shape_cast %get3A_2956 : vector<1x16xf32> to vector<16xf32>
    %mul3A_2958 = arith.mulf %get3A_2952, %get3A_2957 : vector<16xf32>
    %get3A_2959 = arith.constant 233 : i32
    %get3A_2960 = arith.index_cast %get3A_2959 : i32 to index
    %get3A_2961 = arith.constant 0 : index
    %get3A_2962 = tpu.vector_load %arg7[%get3A_2960, %get3A_2961] {strides = array<i32>} : memref<256x16xf32, #tpu.memory_space<vmem>>, vector<1x16xf32>,
    %get3A_2963 = vector.shape_cast %get3A_2962 : vector<1x16xf32> to vector<16xf32>
    %get3A_2964 = arith.constant 29 : i32
    %get3A_2965 = arith.index_cast %get3A_2964 : i32 to index
    %get3A_2966 = arith.constant 16 : index
    %get3A_2967 = tpu.vector_load %arg8[%get3A_2965, %get3A_2966] {strides = array<i32>} : memref<32x128xf32, #tpu.memory_space<vmem>>, vector<1x16xf32>,
    %get3A_2968 = vector.shape_cast %get3A_2967 : vector<1x16xf32> to vector<16xf32>
    %mul3A_2969 = arith.mulf %get3A_2963, %get3A_2968 : vector<16xf32>
    %add3A_2970 = arith.addf %mul3A_2958, %mul3A_2969 : vector<16xf32>
    %get3A_2971 = arith.constant 234 : i32
    %get3A_2972 = arith.index_cast %get3A_2971 : i32 to index
    %get3A_2973 = arith.constant 0 : index
    %get3A_2974 = tpu.vector_load %arg7[%get3A_2972, %get3A_2973] {strides = array<i32>} : memref<256x16xf32, #tpu.memory_space<vmem>>, vector<1x16xf32>,
    %get3A_2975 = vector.shape_cast %get3A_2974 : vector<1x16xf32> to vector<16xf32>
    %get3A_2976 = arith.constant 29 : i32
    %get3A_2977 = arith.index_cast %get3A_2976 : i32 to index
    %get3A_2978 = arith.constant 32 : index
    %get3A_2979 = tpu.vector_load %arg8[%get3A_2977, %get3A_2978] {strides = array<i32>} : memref<32x128xf32, #tpu.memory_space<vmem>>, vector<1x16xf32>,
    %get3A_2980 = vector.shape_cast %get3A_2979 : vector<1x16xf32> to vector<16xf32>
    %mul3A_2981 = arith.mulf %get3A_2975, %get3A_2980 : vector<16xf32>
    %add3A_2982 = arith.addf %add3A_2970, %mul3A_2981 : vector<16xf32>
    %get3A_2983 = arith.constant 235 : i32
    %get3A_2984 = arith.index_cast %get3A_2983 : i32 to index
    %get3A_2985 = arith.constant 0 : index
    %get3A_2986 = tpu.vector_load %arg7[%get3A_2984, %get3A_2985] {strides = array<i32>} : memref<256x16xf32, #tpu.memory_space<vmem>>, vector<1x16xf32>,
    %get3A_2987 = vector.shape_cast %get3A_2986 : vector<1x16xf32> to vector<16xf32>
    %get3A_2988 = arith.constant 29 : i32
    %get3A_2989 = arith.index_cast %get3A_2988 : i32 to index
    %get3A_2990 = arith.constant 48 : index
    %get3A_2991 = tpu.vector_load %arg8[%get3A_2989, %get3A_2990] {strides = array<i32>} : memref<32x128xf32, #tpu.memory_space<vmem>>, vector<1x16xf32>,
    %get3A_2992 = vector.shape_cast %get3A_2991 : vector<1x16xf32> to vector<16xf32>
    %mul3A_2993 = arith.mulf %get3A_2987, %get3A_2992 : vector<16xf32>
    %add3A_2994 = arith.addf %add3A_2982, %mul3A_2993 : vector<16xf32>
    %get3A_2995 = arith.constant 236 : i32
    %get3A_2996 = arith.index_cast %get3A_2995 : i32 to index
    %get3A_2997 = arith.constant 0 : index
    %get3A_2998 = tpu.vector_load %arg7[%get3A_2996, %get3A_2997] {strides = array<i32>} : memref<256x16xf32, #tpu.memory_space<vmem>>, vector<1x16xf32>,
    %get3A_2999 = vector.shape_cast %get3A_2998 : vector<1x16xf32> to vector<16xf32>
    %get3A_3000 = arith.constant 29 : i32
    %get3A_3001 = arith.index_cast %get3A_3000 : i32 to index
    %get3A_3002 = arith.constant 64 : index
    %get3A_3003 = tpu.vector_load %arg8[%get3A_3001, %get3A_3002] {strides = array<i32>} : memref<32x128xf32, #tpu.memory_space<vmem>>, vector<1x16xf32>,
    %get3A_3004 = vector.shape_cast %get3A_3003 : vector<1x16xf32> to vector<16xf32>
    %mul3A_3005 = arith.mulf %get3A_2999, %get3A_3004 : vector<16xf32>
    %add3A_3006 = arith.addf %add3A_2994, %mul3A_3005 : vector<16xf32>
    %get3A_3007 = arith.constant 237 : i32
    %get3A_3008 = arith.index_cast %get3A_3007 : i32 to index
    %get3A_3009 = arith.constant 0 : index
    %get3A_3010 = tpu.vector_load %arg7[%get3A_3008, %get3A_3009] {strides = array<i32>} : memref<256x16xf32, #tpu.memory_space<vmem>>, vector<1x16xf32>,
    %get3A_3011 = vector.shape_cast %get3A_3010 : vector<1x16xf32> to vector<16xf32>
    %get3A_3012 = arith.constant 29 : i32
    %get3A_3013 = arith.index_cast %get3A_3012 : i32 to index
    %get3A_3014 = arith.constant 80 : index
    %get3A_3015 = tpu.vector_load %arg8[%get3A_3013, %get3A_3014] {strides = array<i32>} : memref<32x128xf32, #tpu.memory_space<vmem>>, vector<1x16xf32>,
    %get3A_3016 = vector.shape_cast %get3A_3015 : vector<1x16xf32> to vector<16xf32>
    %mul3A_3017 = arith.mulf %get3A_3011, %get3A_3016 : vector<16xf32>
    %add3A_3018 = arith.addf %add3A_3006, %mul3A_3017 : vector<16xf32>
    %get3A_3019 = arith.constant 238 : i32
    %get3A_3020 = arith.index_cast %get3A_3019 : i32 to index
    %get3A_3021 = arith.constant 0 : index
    %get3A_3022 = tpu.vector_load %arg7[%get3A_3020, %get3A_3021] {strides = array<i32>} : memref<256x16xf32, #tpu.memory_space<vmem>>, vector<1x16xf32>,
    %get3A_3023 = vector.shape_cast %get3A_3022 : vector<1x16xf32> to vector<16xf32>
    %get3A_3024 = arith.constant 29 : i32
    %get3A_3025 = arith.index_cast %get3A_3024 : i32 to index
    %get3A_3026 = arith.constant 96 : index
    %get3A_3027 = tpu.vector_load %arg8[%get3A_3025, %get3A_3026] {strides = array<i32>} : memref<32x128xf32, #tpu.memory_space<vmem>>, vector<1x16xf32>,
    %get3A_3028 = vector.shape_cast %get3A_3027 : vector<1x16xf32> to vector<16xf32>
    %mul3A_3029 = arith.mulf %get3A_3023, %get3A_3028 : vector<16xf32>
    %add3A_3030 = arith.addf %add3A_3018, %mul3A_3029 : vector<16xf32>
    %get3A_3031 = arith.constant 239 : i32
    %get3A_3032 = arith.index_cast %get3A_3031 : i32 to index
    %get3A_3033 = arith.constant 0 : index
    %get3A_3034 = tpu.vector_load %arg7[%get3A_3032, %get3A_3033] {strides = array<i32>} : memref<256x16xf32, #tpu.memory_space<vmem>>, vector<1x16xf32>,
    %get3A_3035 = vector.shape_cast %get3A_3034 : vector<1x16xf32> to vector<16xf32>
    %get3A_3036 = arith.constant 29 : i32
    %get3A_3037 = arith.index_cast %get3A_3036 : i32 to index
    %get3A_3038 = arith.constant 112 : index
    %get3A_3039 = tpu.vector_load %arg8[%get3A_3037, %get3A_3038] {strides = array<i32>} : memref<32x128xf32, #tpu.memory_space<vmem>>, vector<1x16xf32>,
    %get3A_3040 = vector.shape_cast %get3A_3039 : vector<1x16xf32> to vector<16xf32>
    %mul3A_3041 = arith.mulf %get3A_3035, %get3A_3040 : vector<16xf32>
    %add3A_3042 = arith.addf %add3A_3030, %mul3A_3041 : vector<16xf32>
    %swap3A_3043 = arith.constant 29 : i32
    %swap3A_3044 = arith.index_cast %swap3A_3043 : i32 to index
    %swap3A_3045 = arith.constant 0 : index
    %swap3A_3046 = tpu.vector_load %arg9[%swap3A_3044, %swap3A_3045] {strides = array<i32>} : memref<32x16xf32, #tpu.memory_space<vmem>>, vector<1x16xf32>,
    %swap3A_3047 = vector.shape_cast %swap3A_3046 : vector<1x16xf32> to vector<16xf32>
    %swap3A_3048 = vector.shape_cast %add3A_3042 : vector<16xf32> to vector<1x16xf32>
    tpu.vector_store %arg9[%swap3A_3044, %swap3A_3045], %swap3A_3048 {strides = array<i32>} : memref<32x16xf32, #tpu.memory_space<vmem>>, vector<1x16xf32>,
    %get3A_3049 = arith.constant 240 : i32
    %get3A_3050 = arith.index_cast %get3A_3049 : i32 to index
    %get3A_3051 = arith.constant 0 : index
    %get3A_3052 = tpu.vector_load %arg7[%get3A_3050, %get3A_3051] {strides = array<i32>} : memref<256x16xf32, #tpu.memory_space<vmem>>, vector<1x16xf32>,
    %get3A_3053 = vector.shape_cast %get3A_3052 : vector<1x16xf32> to vector<16xf32>
    %get3A_3054 = arith.constant 30 : i32
    %get3A_3055 = arith.index_cast %get3A_3054 : i32 to index
    %get3A_3056 = arith.constant 0 : index
    %get3A_3057 = tpu.vector_load %arg8[%get3A_3055, %get3A_3056] {strides = array<i32>} : memref<32x128xf32, #tpu.memory_space<vmem>>, vector<1x16xf32>,
    %get3A_3058 = vector.shape_cast %get3A_3057 : vector<1x16xf32> to vector<16xf32>
    %mul3A_3059 = arith.mulf %get3A_3053, %get3A_3058 : vector<16xf32>
    %get3A_3060 = arith.constant 241 : i32
    %get3A_3061 = arith.index_cast %get3A_3060 : i32 to index
    %get3A_3062 = arith.constant 0 : index
    %get3A_3063 = tpu.vector_load %arg7[%get3A_3061, %get3A_3062] {strides = array<i32>} : memref<256x16xf32, #tpu.memory_space<vmem>>, vector<1x16xf32>,
    %get3A_3064 = vector.shape_cast %get3A_3063 : vector<1x16xf32> to vector<16xf32>
    %get3A_3065 = arith.constant 30 : i32
    %get3A_3066 = arith.index_cast %get3A_3065 : i32 to index
    %get3A_3067 = arith.constant 16 : index
    %get3A_3068 = tpu.vector_load %arg8[%get3A_3066, %get3A_3067] {strides = array<i32>} : memref<32x128xf32, #tpu.memory_space<vmem>>, vector<1x16xf32>,
    %get3A_3069 = vector.shape_cast %get3A_3068 : vector<1x16xf32> to vector<16xf32>
    %mul3A_3070 = arith.mulf %get3A_3064, %get3A_3069 : vector<16xf32>
    %add3A_3071 = arith.addf %mul3A_3059, %mul3A_3070 : vector<16xf32>
    %get3A_3072 = arith.constant 242 : i32
    %get3A_3073 = arith.index_cast %get3A_3072 : i32 to index
    %get3A_3074 = arith.constant 0 : index
    %get3A_3075 = tpu.vector_load %arg7[%get3A_3073, %get3A_3074] {strides = array<i32>} : memref<256x16xf32, #tpu.memory_space<vmem>>, vector<1x16xf32>,
    %get3A_3076 = vector.shape_cast %get3A_3075 : vector<1x16xf32> to vector<16xf32>
    %get3A_3077 = arith.constant 30 : i32
    %get3A_3078 = arith.index_cast %get3A_3077 : i32 to index
    %get3A_3079 = arith.constant 32 : index
    %get3A_3080 = tpu.vector_load %arg8[%get3A_3078, %get3A_3079] {strides = array<i32>} : memref<32x128xf32, #tpu.memory_space<vmem>>, vector<1x16xf32>,
    %get3A_3081 = vector.shape_cast %get3A_3080 : vector<1x16xf32> to vector<16xf32>
    %mul3A_3082 = arith.mulf %get3A_3076, %get3A_3081 : vector<16xf32>
    %add3A_3083 = arith.addf %add3A_3071, %mul3A_3082 : vector<16xf32>
    %get3A_3084 = arith.constant 243 : i32
    %get3A_3085 = arith.index_cast %get3A_3084 : i32 to index
    %get3A_3086 = arith.constant 0 : index
    %get3A_3087 = tpu.vector_load %arg7[%get3A_3085, %get3A_3086] {strides = array<i32>} : memref<256x16xf32, #tpu.memory_space<vmem>>, vector<1x16xf32>,
    %get3A_3088 = vector.shape_cast %get3A_3087 : vector<1x16xf32> to vector<16xf32>
    %get3A_3089 = arith.constant 30 : i32
    %get3A_3090 = arith.index_cast %get3A_3089 : i32 to index
    %get3A_3091 = arith.constant 48 : index
    %get3A_3092 = tpu.vector_load %arg8[%get3A_3090, %get3A_3091] {strides = array<i32>} : memref<32x128xf32, #tpu.memory_space<vmem>>, vector<1x16xf32>,
    %get3A_3093 = vector.shape_cast %get3A_3092 : vector<1x16xf32> to vector<16xf32>
    %mul3A_3094 = arith.mulf %get3A_3088, %get3A_3093 : vector<16xf32>
    %add3A_3095 = arith.addf %add3A_3083, %mul3A_3094 : vector<16xf32>
    %get3A_3096 = arith.constant 244 : i32
    %get3A_3097 = arith.index_cast %get3A_3096 : i32 to index
    %get3A_3098 = arith.constant 0 : index
    %get3A_3099 = tpu.vector_load %arg7[%get3A_3097, %get3A_3098] {strides = array<i32>} : memref<256x16xf32, #tpu.memory_space<vmem>>, vector<1x16xf32>,
    %get3A_3100 = vector.shape_cast %get3A_3099 : vector<1x16xf32> to vector<16xf32>
    %get3A_3101 = arith.constant 30 : i32
    %get3A_3102 = arith.index_cast %get3A_3101 : i32 to index
    %get3A_3103 = arith.constant 64 : index
    %get3A_3104 = tpu.vector_load %arg8[%get3A_3102, %get3A_3103] {strides = array<i32>} : memref<32x128xf32, #tpu.memory_space<vmem>>, vector<1x16xf32>,
    %get3A_3105 = vector.shape_cast %get3A_3104 : vector<1x16xf32> to vector<16xf32>
    %mul3A_3106 = arith.mulf %get3A_3100, %get3A_3105 : vector<16xf32>
    %add3A_3107 = arith.addf %add3A_3095, %mul3A_3106 : vector<16xf32>
    %get3A_3108 = arith.constant 245 : i32
    %get3A_3109 = arith.index_cast %get3A_3108 : i32 to index
    %get3A_3110 = arith.constant 0 : index
    %get3A_3111 = tpu.vector_load %arg7[%get3A_3109, %get3A_3110] {strides = array<i32>} : memref<256x16xf32, #tpu.memory_space<vmem>>, vector<1x16xf32>,
    %get3A_3112 = vector.shape_cast %get3A_3111 : vector<1x16xf32> to vector<16xf32>
    %get3A_3113 = arith.constant 30 : i32
    %get3A_3114 = arith.index_cast %get3A_3113 : i32 to index
    %get3A_3115 = arith.constant 80 : index
    %get3A_3116 = tpu.vector_load %arg8[%get3A_3114, %get3A_3115] {strides = array<i32>} : memref<32x128xf32, #tpu.memory_space<vmem>>, vector<1x16xf32>,
    %get3A_3117 = vector.shape_cast %get3A_3116 : vector<1x16xf32> to vector<16xf32>
    %mul3A_3118 = arith.mulf %get3A_3112, %get3A_3117 : vector<16xf32>
    %add3A_3119 = arith.addf %add3A_3107, %mul3A_3118 : vector<16xf32>
    %get3A_3120 = arith.constant 246 : i32
    %get3A_3121 = arith.index_cast %get3A_3120 : i32 to index
    %get3A_3122 = arith.constant 0 : index
    %get3A_3123 = tpu.vector_load %arg7[%get3A_3121, %get3A_3122] {strides = array<i32>} : memref<256x16xf32, #tpu.memory_space<vmem>>, vector<1x16xf32>,
    %get3A_3124 = vector.shape_cast %get3A_3123 : vector<1x16xf32> to vector<16xf32>
    %get3A_3125 = arith.constant 30 : i32
    %get3A_3126 = arith.index_cast %get3A_3125 : i32 to index
    %get3A_3127 = arith.constant 96 : index
    %get3A_3128 = tpu.vector_load %arg8[%get3A_3126, %get3A_3127] {strides = array<i32>} : memref<32x128xf32, #tpu.memory_space<vmem>>, vector<1x16xf32>,
    %get3A_3129 = vector.shape_cast %get3A_3128 : vector<1x16xf32> to vector<16xf32>
    %mul3A_3130 = arith.mulf %get3A_3124, %get3A_3129 : vector<16xf32>
    %add3A_3131 = arith.addf %add3A_3119, %mul3A_3130 : vector<16xf32>
    %get3A_3132 = arith.constant 247 : i32
    %get3A_3133 = arith.index_cast %get3A_3132 : i32 to index
    %get3A_3134 = arith.constant 0 : index
    %get3A_3135 = tpu.vector_load %arg7[%get3A_3133, %get3A_3134] {strides = array<i32>} : memref<256x16xf32, #tpu.memory_space<vmem>>, vector<1x16xf32>,
    %get3A_3136 = vector.shape_cast %get3A_3135 : vector<1x16xf32> to vector<16xf32>
    %get3A_3137 = arith.constant 30 : i32
    %get3A_3138 = arith.index_cast %get3A_3137 : i32 to index
    %get3A_3139 = arith.constant 112 : index
    %get3A_3140 = tpu.vector_load %arg8[%get3A_3138, %get3A_3139] {strides = array<i32>} : memref<32x128xf32, #tpu.memory_space<vmem>>, vector<1x16xf32>,
    %get3A_3141 = vector.shape_cast %get3A_3140 : vector<1x16xf32> to vector<16xf32>
    %mul3A_3142 = arith.mulf %get3A_3136, %get3A_3141 : vector<16xf32>
    %add3A_3143 = arith.addf %add3A_3131, %mul3A_3142 : vector<16xf32>
    %swap3A_3144 = arith.constant 30 : i32
    %swap3A_3145 = arith.index_cast %swap3A_3144 : i32 to index
    %swap3A_3146 = arith.constant 0 : index
    %swap3A_3147 = tpu.vector_load %arg9[%swap3A_3145, %swap3A_3146] {strides = array<i32>} : memref<32x16xf32, #tpu.memory_space<vmem>>, vector<1x16xf32>,
    %swap3A_3148 = vector.shape_cast %swap3A_3147 : vector<1x16xf32> to vector<16xf32>
    %swap3A_3149 = vector.shape_cast %add3A_3143 : vector<16xf32> to vector<1x16xf32>
    tpu.vector_store %arg9[%swap3A_3145, %swap3A_3146], %swap3A_3149 {strides = array<i32>} : memref<32x16xf32, #tpu.memory_space<vmem>>, vector<1x16xf32>,
    %get3A_3150 = arith.constant 248 : i32
    %get3A_3151 = arith.index_cast %get3A_3150 : i32 to index
    %get3A_3152 = arith.constant 0 : index
    %get3A_3153 = tpu.vector_load %arg7[%get3A_3151, %get3A_3152] {strides = array<i32>} : memref<256x16xf32, #tpu.memory_space<vmem>>, vector<1x16xf32>,
    %get3A_3154 = vector.shape_cast %get3A_3153 : vector<1x16xf32> to vector<16xf32>
    %get3A_3155 = arith.constant 31 : i32
    %get3A_3156 = arith.index_cast %get3A_3155 : i32 to index
    %get3A_3157 = arith.constant 0 : index
    %get3A_3158 = tpu.vector_load %arg8[%get3A_3156, %get3A_3157] {strides = array<i32>} : memref<32x128xf32, #tpu.memory_space<vmem>>, vector<1x16xf32>,
    %get3A_3159 = vector.shape_cast %get3A_3158 : vector<1x16xf32> to vector<16xf32>
    %mul3A_3160 = arith.mulf %get3A_3154, %get3A_3159 : vector<16xf32>
    %get3A_3161 = arith.constant 249 : i32
    %get3A_3162 = arith.index_cast %get3A_3161 : i32 to index
    %get3A_3163 = arith.constant 0 : index
    %get3A_3164 = tpu.vector_load %arg7[%get3A_3162, %get3A_3163] {strides = array<i32>} : memref<256x16xf32, #tpu.memory_space<vmem>>, vector<1x16xf32>,
    %get3A_3165 = vector.shape_cast %get3A_3164 : vector<1x16xf32> to vector<16xf32>
    %get3A_3166 = arith.constant 31 : i32
    %get3A_3167 = arith.index_cast %get3A_3166 : i32 to index
    %get3A_3168 = arith.constant 16 : index
    %get3A_3169 = tpu.vector_load %arg8[%get3A_3167, %get3A_3168] {strides = array<i32>} : memref<32x128xf32, #tpu.memory_space<vmem>>, vector<1x16xf32>,
    %get3A_3170 = vector.shape_cast %get3A_3169 : vector<1x16xf32> to vector<16xf32>
    %mul3A_3171 = arith.mulf %get3A_3165, %get3A_3170 : vector<16xf32>
    %add3A_3172 = arith.addf %mul3A_3160, %mul3A_3171 : vector<16xf32>
    %get3A_3173 = arith.constant 250 : i32
    %get3A_3174 = arith.index_cast %get3A_3173 : i32 to index
    %get3A_3175 = arith.constant 0 : index
    %get3A_3176 = tpu.vector_load %arg7[%get3A_3174, %get3A_3175] {strides = array<i32>} : memref<256x16xf32, #tpu.memory_space<vmem>>, vector<1x16xf32>,
    %get3A_3177 = vector.shape_cast %get3A_3176 : vector<1x16xf32> to vector<16xf32>
    %get3A_3178 = arith.constant 31 : i32
    %get3A_3179 = arith.index_cast %get3A_3178 : i32 to index
    %get3A_3180 = arith.constant 32 : index
    %get3A_3181 = tpu.vector_load %arg8[%get3A_3179, %get3A_3180] {strides = array<i32>} : memref<32x128xf32, #tpu.memory_space<vmem>>, vector<1x16xf32>,
    %get3A_3182 = vector.shape_cast %get3A_3181 : vector<1x16xf32> to vector<16xf32>
    %mul3A_3183 = arith.mulf %get3A_3177, %get3A_3182 : vector<16xf32>
    %add3A_3184 = arith.addf %add3A_3172, %mul3A_3183 : vector<16xf32>
    %get3A_3185 = arith.constant 251 : i32
    %get3A_3186 = arith.index_cast %get3A_3185 : i32 to index
    %get3A_3187 = arith.constant 0 : index
    %get3A_3188 = tpu.vector_load %arg7[%get3A_3186, %get3A_3187] {strides = array<i32>} : memref<256x16xf32, #tpu.memory_space<vmem>>, vector<1x16xf32>,
    %get3A_3189 = vector.shape_cast %get3A_3188 : vector<1x16xf32> to vector<16xf32>
    %get3A_3190 = arith.constant 31 : i32
    %get3A_3191 = arith.index_cast %get3A_3190 : i32 to index
    %get3A_3192 = arith.constant 48 : index
    %get3A_3193 = tpu.vector_load %arg8[%get3A_3191, %get3A_3192] {strides = array<i32>} : memref<32x128xf32, #tpu.memory_space<vmem>>, vector<1x16xf32>,
    %get3A_3194 = vector.shape_cast %get3A_3193 : vector<1x16xf32> to vector<16xf32>
    %mul3A_3195 = arith.mulf %get3A_3189, %get3A_3194 : vector<16xf32>
    %add3A_3196 = arith.addf %add3A_3184, %mul3A_3195 : vector<16xf32>
    %get3A_3197 = arith.constant 252 : i32
    %get3A_3198 = arith.index_cast %get3A_3197 : i32 to index
    %get3A_3199 = arith.constant 0 : index
    %get3A_3200 = tpu.vector_load %arg7[%get3A_3198, %get3A_3199] {strides = array<i32>} : memref<256x16xf32, #tpu.memory_space<vmem>>, vector<1x16xf32>,
    %get3A_3201 = vector.shape_cast %get3A_3200 : vector<1x16xf32> to vector<16xf32>
    %get3A_3202 = arith.constant 31 : i32
    %get3A_3203 = arith.index_cast %get3A_3202 : i32 to index
    %get3A_3204 = arith.constant 64 : index
    %get3A_3205 = tpu.vector_load %arg8[%get3A_3203, %get3A_3204] {strides = array<i32>} : memref<32x128xf32, #tpu.memory_space<vmem>>, vector<1x16xf32>,
    %get3A_3206 = vector.shape_cast %get3A_3205 : vector<1x16xf32> to vector<16xf32>
    %mul3A_3207 = arith.mulf %get3A_3201, %get3A_3206 : vector<16xf32>
    %add3A_3208 = arith.addf %add3A_3196, %mul3A_3207 : vector<16xf32>
    %get3A_3209 = arith.constant 253 : i32
    %get3A_3210 = arith.index_cast %get3A_3209 : i32 to index
    %get3A_3211 = arith.constant 0 : index
    %get3A_3212 = tpu.vector_load %arg7[%get3A_3210, %get3A_3211] {strides = array<i32>} : memref<256x16xf32, #tpu.memory_space<vmem>>, vector<1x16xf32>,
    %get3A_3213 = vector.shape_cast %get3A_3212 : vector<1x16xf32> to vector<16xf32>
    %get3A_3214 = arith.constant 31 : i32
    %get3A_3215 = arith.index_cast %get3A_3214 : i32 to index
    %get3A_3216 = arith.constant 80 : index
    %get3A_3217 = tpu.vector_load %arg8[%get3A_3215, %get3A_3216] {strides = array<i32>} : memref<32x128xf32, #tpu.memory_space<vmem>>, vector<1x16xf32>,
    %get3A_3218 = vector.shape_cast %get3A_3217 : vector<1x16xf32> to vector<16xf32>
    %mul3A_3219 = arith.mulf %get3A_3213, %get3A_3218 : vector<16xf32>
    %add3A_3220 = arith.addf %add3A_3208, %mul3A_3219 : vector<16xf32>
    %get3A_3221 = arith.constant 254 : i32
    %get3A_3222 = arith.index_cast %get3A_3221 : i32 to index
    %get3A_3223 = arith.constant 0 : index
    %get3A_3224 = tpu.vector_load %arg7[%get3A_3222, %get3A_3223] {strides = array<i32>} : memref<256x16xf32, #tpu.memory_space<vmem>>, vector<1x16xf32>,
    %get3A_3225 = vector.shape_cast %get3A_3224 : vector<1x16xf32> to vector<16xf32>
    %get3A_3226 = arith.constant 31 : i32
    %get3A_3227 = arith.index_cast %get3A_3226 : i32 to index
    %get3A_3228 = arith.constant 96 : index
    %get3A_3229 = tpu.vector_load %arg8[%get3A_3227, %get3A_3228] {strides = array<i32>} : memref<32x128xf32, #tpu.memory_space<vmem>>, vector<1x16xf32>,
    %get3A_3230 = vector.shape_cast %get3A_3229 : vector<1x16xf32> to vector<16xf32>
    %mul3A_3231 = arith.mulf %get3A_3225, %get3A_3230 : vector<16xf32>
    %add3A_3232 = arith.addf %add3A_3220, %mul3A_3231 : vector<16xf32>
    %get3A_3233 = arith.constant 255 : i32
    %get3A_3234 = arith.index_cast %get3A_3233 : i32 to index
    %get3A_3235 = arith.constant 0 : index
    %get3A_3236 = tpu.vector_load %arg7[%get3A_3234, %get3A_3235] {strides = array<i32>} : memref<256x16xf32, #tpu.memory_space<vmem>>, vector<1x16xf32>,
    %get3A_3237 = vector.shape_cast %get3A_3236 : vector<1x16xf32> to vector<16xf32>
    %get3A_3238 = arith.constant 31 : i32
    %get3A_3239 = arith.index_cast %get3A_3238 : i32 to index
    %get3A_3240 = arith.constant 112 : index
    %get3A_3241 = tpu.vector_load %arg8[%get3A_3239, %get3A_3240] {strides = array<i32>} : memref<32x128xf32, #tpu.memory_space<vmem>>, vector<1x16xf32>,
    %get3A_3242 = vector.shape_cast %get3A_3241 : vector<1x16xf32> to vector<16xf32>
    %mul3A_3243 = arith.mulf %get3A_3237, %get3A_3242 : vector<16xf32>
    %add3A_3244 = arith.addf %add3A_3232, %mul3A_3243 : vector<16xf32>
    %swap3A_3245 = arith.constant 31 : i32
    %swap3A_3246 = arith.index_cast %swap3A_3245 : i32 to index
    %swap3A_3247 = arith.constant 0 : index
    %swap3A_3248 = tpu.vector_load %arg9[%swap3A_3246, %swap3A_3247] {strides = array<i32>} : memref<32x16xf32, #tpu.memory_space<vmem>>, vector<1x16xf32>,
    %swap3A_3249 = vector.shape_cast %swap3A_3248 : vector<1x16xf32> to vector<16xf32>
    %swap3A_3250 = vector.shape_cast %add3A_3244 : vector<16xf32> to vector<1x16xf32>
    tpu.vector_store %arg9[%swap3A_3246, %swap3A_3247], %swap3A_3250 {strides = array<i32>} : memref<32x16xf32, #tpu.memory_space<vmem>>, vector<1x16xf32>,
    %mul3A_3251 = arith.constant 32 : i32
    %mul3A_3252 = arith.muli %add3A, %mul3A_3251 : i32
    "tpu.region"() ({
      %run_scoped3A = tpu.sem_alloc : memref<!tpu.dma_semaphore, #tpu.memory_space<semaphore_mem>>
      %dma_start3A_3253 = arith.constant 0 : i32
      %dma_start3A_3254 = tpu.memref_slice %arg5[%mul3A_3252, %dma_start3A_3253] : memref<1024x16xf32, #tpu.memory_space<hbm>> -> memref<32x16xf32, #tpu.memory_space<hbm>>
      %dma_start3A_3255 = arith.constant 0 : i32
      %dma_start3A_3256 = tpu.memref_slice %arg5[%mul3A_3252, %dma_start3A_3255] : memref<1024x16xf32, #tpu.memory_space<hbm>> -> memref<32x16xf32, #tpu.memory_space<hbm>>
      tpu.enqueue_dma source(%arg9 : memref<32x16xf32, #tpu.memory_space<vmem>>) target(%dma_start3A_3256 : memref<32x16xf32, #tpu.memory_space<hbm>>) target_semaphore(%run_scoped3A : memref<!tpu.dma_semaphore, #tpu.memory_space<semaphore_mem>>)
      %dma_wait3A_3257 = arith.constant 0 : i32
      %dma_wait3A_3258 = tpu.memref_slice %arg5[%mul3A_3252, %dma_wait3A_3257] : memref<1024x16xf32, #tpu.memory_space<hbm>> -> memref<32x16xf32, #tpu.memory_space<hbm>>
      %dma_wait3A_3259 = arith.constant 0 : i32
      %dma_wait3A_3260 = tpu.memref_slice %arg5[%mul3A_3252, %dma_wait3A_3259] : memref<1024x16xf32, #tpu.memory_space<hbm>> -> memref<32x16xf32, #tpu.memory_space<hbm>>
      tpu.wait_dma2 semaphore(%run_scoped3A : memref<!tpu.dma_semaphore, #tpu.memory_space<semaphore_mem>>) src(%arg9 : memref<32x16xf32, #tpu.memory_space<vmem>>) dst(%dma_wait3A_3260 : memref<32x16xf32, #tpu.memory_space<hbm>>)
      tpu.yield
    }) : () -> ()
    return
  }
}

module attributes {stable_mosaic.version = 14 : i64} {
  func.func @_topk_tile_kernel(%arg0: i32, %arg1: memref<1024x128xf32, #tpu.memory_space<vmem>>, %arg2: memref<1024x128xf32, #tpu.memory_space<vmem>>, %arg3: memref<1x1x4096xf32, #tpu.memory_space<vmem>>, %arg4: memref<4096x128xf32, #tpu.memory_space<vmem>>, %arg5: memref<1024x8xi32, #tpu.memory_space<vmem>>, %arg6: memref<1024x128xf32, #tpu.memory_space<vmem>>, %arg7: memref<1024x8xf32, #tpu.memory_space<vmem>>, %arg8: memref<1024x8xf32, #tpu.memory_space<vmem>>) attributes {dimension_semantics = [#tpu.dimension_semantics<arbitrary>], iteration_bounds = array<i64: 25>, scalar_prefetch = 0 : i64, scratch_operands = 2 : i64, tpu.core_type = #tpu.core_type<tc>, window_params = [{pipeline_mode = #tpu.pipeline_mode<synchronous>, transform_indices = @transform_0, window_bounds = array<i64: 1024, 128>}, {pipeline_mode = #tpu.pipeline_mode<synchronous>, transform_indices = @transform_1, window_bounds = array<i64: 1024, 128>}, {transform_indices = @transform_2, window_bounds = array<i64: 1, 1, 4096>}, {transform_indices = @transform_3, window_bounds = array<i64: 4096, 128>}, {pipeline_mode = #tpu.pipeline_mode<synchronous>, transform_indices = @transform_4, window_bounds = array<i64: 1024, 8>}, {pipeline_mode = #tpu.pipeline_mode<synchronous>, transform_indices = @transform_5, window_bounds = array<i64: 1024, 128>}]} {
    %eq3A = arith.constant 0 : i32
    %eq3A_0 = arith.cmpi eq, %arg0, %eq3A : i32
    %convert_element_type3A = arith.extui %eq3A_0 : i1 to i32
    %cond3A = arith.constant 0 : i32
    %cond3A_1 = arith.cmpi ne, %convert_element_type3A, %cond3A : i32
    scf.if %cond3A_1 {
      %broadcast_in_dim3A_769 = arith.constant 0x7F800000 : f32
      %broadcast_in_dim3A_770 = vector.broadcast %broadcast_in_dim3A_769 : f32 to vector<1024x8xf32>
      %swap3A_771 = arith.constant 0 : index
      %swap3A_772 = arith.constant 0 : index
      %swap3A_773 = vector.load %arg7[%swap3A_771, %swap3A_772] : memref<1024x8xf32, #tpu.memory_space<vmem>>, vector<1024x8xf32>
      tpu.vector_store %arg7[%swap3A_771, %swap3A_772], %broadcast_in_dim3A_770 {strides = array<i32>} : memref<1024x8xf32, #tpu.memory_space<vmem>>, vector<1024x8xf32>,
      %broadcast_in_dim3A_774 = arith.constant 0.000000e+00 : f32
      %broadcast_in_dim3A_775 = vector.broadcast %broadcast_in_dim3A_774 : f32 to vector<1024x8xf32>
      %swap3A_776 = arith.constant 0 : index
      %swap3A_777 = arith.constant 0 : index
      %swap3A_778 = vector.load %arg8[%swap3A_776, %swap3A_777] : memref<1024x8xf32, #tpu.memory_space<vmem>>, vector<1024x8xf32>
      tpu.vector_store %arg8[%swap3A_776, %swap3A_777], %broadcast_in_dim3A_775 {strides = array<i32>} : memref<1024x8xf32, #tpu.memory_space<vmem>>, vector<1024x8xf32>,
    } else {
    }
    %get3A = arith.constant 0 : index
    %get3A_2 = arith.constant 0 : index
    %get3A_3 = vector.load %arg1[%get3A, %get3A_2] : memref<1024x128xf32, #tpu.memory_space<vmem>>, vector<1024x128xf32>
    %get3A_4 = arith.constant 0 : index
    %get3A_5 = arith.constant 0 : index
    %get3A_6 = vector.load %arg2[%get3A_4, %get3A_5] : memref<1024x128xf32, #tpu.memory_space<vmem>>, vector<1024x1xf32>
    %get3A_7 = arith.constant 0 : index
    %get3A_8 = arith.constant 0 : index
    %get3A_9 = arith.constant 0 : index
    %get3A_10 = vector.load %arg3[%get3A_7, %get3A_8, %get3A_9] : memref<1x1x4096xf32, #tpu.memory_space<vmem>>, vector<1x1x4096xf32>
    %get3A_11 = vector.shape_cast %get3A_10 : vector<1x1x4096xf32> to vector<1x4096xf32>
    %get3A_12 = arith.constant 0 : index
    %get3A_13 = arith.constant 0 : index
    %get3A_14 = vector.load %arg4[%get3A_12, %get3A_13] : memref<4096x128xf32, #tpu.memory_space<vmem>>, vector<4096x128xf32>
    %mul3A = arith.constant -2.000000e+00 : f32
    %mul3A_15 = vector.broadcast %mul3A : f32 to vector<1024x128xf32>
    %mul3A_16 = arith.mulf %get3A_3, %mul3A_15 : vector<1024x128xf32>
    %dot_general3A = arith.constant dense<0.000000e+00> : vector<1024x4096xf32>
    %dot_general3A_17 = tpu.matmul %mul3A_16, %get3A_14, %dot_general3A {dimension_numbers = #tpu.dot_dimension_numbers<[1], [1], [0], [0], [0, 0, 1, 0], [], []>, transpose_lhs_hint = false} : vector<1024x128xf32>, vector<4096x128xf32>, vector<1024x4096xf32> -> vector<1024x4096xf32>
    %add3A = vector.broadcast %get3A_6 : vector<1024x1xf32> to vector<1024x4096xf32>
    %add3A_18 = vector.broadcast %get3A_11 : vector<1x4096xf32> to vector<1024x4096xf32>
    %add3A_19 = arith.addf %add3A, %add3A_18 : vector<1024x4096xf32>
    %add3A_20 = arith.addf %add3A_19, %dot_general3A_17 : vector<1024x4096xf32>
    %slice3A = vector.extract_strided_slice %add3A_20 {offsets = [0, 0], sizes = [1024, 128], strides = [1, 1]} : vector<1024x4096xf32> to vector<1024x128xf32>
    %broadcast_in_dim3A = arith.constant 0.000000e+00 : f32
    %broadcast_in_dim3A_21 = vector.broadcast %broadcast_in_dim3A : f32 to vector<1024x128xf32>
    %broadcast_in_dim3A_22 = arith.constant 0x7F800000 : f32
    %broadcast_in_dim3A_23 = vector.broadcast %broadcast_in_dim3A_22 : f32 to vector<1024x128xf32>
    %broadcast_in_dim3A_24 = arith.constant 0.000000e+00 : f32
    %broadcast_in_dim3A_25 = vector.broadcast %broadcast_in_dim3A_24 : f32 to vector<1024x128xf32>
    %broadcast_in_dim3A_26 = arith.constant 0x7F800000 : f32
    %broadcast_in_dim3A_27 = vector.broadcast %broadcast_in_dim3A_26 : f32 to vector<1024x128xf32>
    %broadcast_in_dim3A_28 = arith.constant 0.000000e+00 : f32
    %broadcast_in_dim3A_29 = vector.broadcast %broadcast_in_dim3A_28 : f32 to vector<1024x128xf32>
    %slice3A_30 = vector.extract_strided_slice %add3A_20 {offsets = [0, 128], sizes = [1024, 128], strides = [1, 1]} : vector<1024x4096xf32> to vector<1024x128xf32>
    %lt3A = arith.cmpf olt, %slice3A_30, %slice3A : vector<1024x128xf32>
    %lt3A_31 = arith.cmpf olt, %slice3A_30, %broadcast_in_dim3A_23 : vector<1024x128xf32>
    %lt3A_32 = arith.cmpf olt, %slice3A_30, %broadcast_in_dim3A_27 : vector<1024x128xf32>
    %select_n3A = arith.select %lt3A_32, %slice3A_30, %broadcast_in_dim3A_27 : vector<1024x128xi1>, vector<1024x128xf32>
    %select_n3A_33 = arith.select %lt3A_31, %broadcast_in_dim3A_23, %select_n3A : vector<1024x128xi1>, vector<1024x128xf32>
    %jit3A = arith.constant 1.000000e+00 : f32
    %broadcast_in_dim3A_34 = vector.broadcast %jit3A : f32 to vector<1024x128xf32>
    %select_n3A_35 = arith.select %lt3A_32, %broadcast_in_dim3A_34, %broadcast_in_dim3A_29 : vector<1024x128xi1>, vector<1024x128xf32>
    %select_n3A_36 = arith.select %lt3A_31, %broadcast_in_dim3A_25, %select_n3A_35 : vector<1024x128xi1>, vector<1024x128xf32>
    %select_n3A_37 = arith.select %lt3A_31, %slice3A_30, %broadcast_in_dim3A_23 : vector<1024x128xi1>, vector<1024x128xf32>
    %select_n3A_38 = arith.select %lt3A, %slice3A, %select_n3A_37 : vector<1024x128xi1>, vector<1024x128xf32>
    %jit3A_39 = arith.constant 1.000000e+00 : f32
    %broadcast_in_dim3A_40 = vector.broadcast %jit3A_39 : f32 to vector<1024x128xf32>
    %select_n3A_41 = arith.select %lt3A_31, %broadcast_in_dim3A_40, %broadcast_in_dim3A_25 : vector<1024x128xi1>, vector<1024x128xf32>
    %select_n3A_42 = arith.select %lt3A, %broadcast_in_dim3A_21, %select_n3A_41 : vector<1024x128xi1>, vector<1024x128xf32>
    %select_n3A_43 = arith.select %lt3A, %slice3A_30, %slice3A : vector<1024x128xi1>, vector<1024x128xf32>
    %jit3A_44 = arith.constant 1.000000e+00 : f32
    %broadcast_in_dim3A_45 = vector.broadcast %jit3A_44 : f32 to vector<1024x128xf32>
    %select_n3A_46 = arith.select %lt3A, %broadcast_in_dim3A_45, %broadcast_in_dim3A_21 : vector<1024x128xi1>, vector<1024x128xf32>
    %slice3A_47 = vector.extract_strided_slice %add3A_20 {offsets = [0, 256], sizes = [1024, 128], strides = [1, 1]} : vector<1024x4096xf32> to vector<1024x128xf32>
    %lt3A_48 = arith.cmpf olt, %slice3A_47, %select_n3A_43 : vector<1024x128xf32>
    %lt3A_49 = arith.cmpf olt, %slice3A_47, %select_n3A_38 : vector<1024x128xf32>
    %lt3A_50 = arith.cmpf olt, %slice3A_47, %select_n3A_33 : vector<1024x128xf32>
    %select_n3A_51 = arith.select %lt3A_50, %slice3A_47, %select_n3A_33 : vector<1024x128xi1>, vector<1024x128xf32>
    %select_n3A_52 = arith.select %lt3A_49, %select_n3A_38, %select_n3A_51 : vector<1024x128xi1>, vector<1024x128xf32>
    %jit3A_53 = arith.constant 2.000000e+00 : f32
    %broadcast_in_dim3A_54 = vector.broadcast %jit3A_53 : f32 to vector<1024x128xf32>
    %select_n3A_55 = arith.select %lt3A_50, %broadcast_in_dim3A_54, %select_n3A_36 : vector<1024x128xi1>, vector<1024x128xf32>
    %select_n3A_56 = arith.select %lt3A_49, %select_n3A_42, %select_n3A_55 : vector<1024x128xi1>, vector<1024x128xf32>
    %select_n3A_57 = arith.select %lt3A_49, %slice3A_47, %select_n3A_38 : vector<1024x128xi1>, vector<1024x128xf32>
    %select_n3A_58 = arith.select %lt3A_48, %select_n3A_43, %select_n3A_57 : vector<1024x128xi1>, vector<1024x128xf32>
    %jit3A_59 = arith.constant 2.000000e+00 : f32
    %broadcast_in_dim3A_60 = vector.broadcast %jit3A_59 : f32 to vector<1024x128xf32>
    %select_n3A_61 = arith.select %lt3A_49, %broadcast_in_dim3A_60, %select_n3A_42 : vector<1024x128xi1>, vector<1024x128xf32>
    %select_n3A_62 = arith.select %lt3A_48, %select_n3A_46, %select_n3A_61 : vector<1024x128xi1>, vector<1024x128xf32>
    %select_n3A_63 = arith.select %lt3A_48, %slice3A_47, %select_n3A_43 : vector<1024x128xi1>, vector<1024x128xf32>
    %jit3A_64 = arith.constant 2.000000e+00 : f32
    %broadcast_in_dim3A_65 = vector.broadcast %jit3A_64 : f32 to vector<1024x128xf32>
    %select_n3A_66 = arith.select %lt3A_48, %broadcast_in_dim3A_65, %select_n3A_46 : vector<1024x128xi1>, vector<1024x128xf32>
    %slice3A_67 = vector.extract_strided_slice %add3A_20 {offsets = [0, 384], sizes = [1024, 128], strides = [1, 1]} : vector<1024x4096xf32> to vector<1024x128xf32>
    %lt3A_68 = arith.cmpf olt, %slice3A_67, %select_n3A_63 : vector<1024x128xf32>
    %lt3A_69 = arith.cmpf olt, %slice3A_67, %select_n3A_58 : vector<1024x128xf32>
    %lt3A_70 = arith.cmpf olt, %slice3A_67, %select_n3A_52 : vector<1024x128xf32>
    %select_n3A_71 = arith.select %lt3A_70, %slice3A_67, %select_n3A_52 : vector<1024x128xi1>, vector<1024x128xf32>
    %select_n3A_72 = arith.select %lt3A_69, %select_n3A_58, %select_n3A_71 : vector<1024x128xi1>, vector<1024x128xf32>
    %jit3A_73 = arith.constant 3.000000e+00 : f32
    %broadcast_in_dim3A_74 = vector.broadcast %jit3A_73 : f32 to vector<1024x128xf32>
    %select_n3A_75 = arith.select %lt3A_70, %broadcast_in_dim3A_74, %select_n3A_56 : vector<1024x128xi1>, vector<1024x128xf32>
    %select_n3A_76 = arith.select %lt3A_69, %select_n3A_62, %select_n3A_75 : vector<1024x128xi1>, vector<1024x128xf32>
    %select_n3A_77 = arith.select %lt3A_69, %slice3A_67, %select_n3A_58 : vector<1024x128xi1>, vector<1024x128xf32>
    %select_n3A_78 = arith.select %lt3A_68, %select_n3A_63, %select_n3A_77 : vector<1024x128xi1>, vector<1024x128xf32>
    %jit3A_79 = arith.constant 3.000000e+00 : f32
    %broadcast_in_dim3A_80 = vector.broadcast %jit3A_79 : f32 to vector<1024x128xf32>
    %select_n3A_81 = arith.select %lt3A_69, %broadcast_in_dim3A_80, %select_n3A_62 : vector<1024x128xi1>, vector<1024x128xf32>
    %select_n3A_82 = arith.select %lt3A_68, %select_n3A_66, %select_n3A_81 : vector<1024x128xi1>, vector<1024x128xf32>
    %select_n3A_83 = arith.select %lt3A_68, %slice3A_67, %select_n3A_63 : vector<1024x128xi1>, vector<1024x128xf32>
    %jit3A_84 = arith.constant 3.000000e+00 : f32
    %broadcast_in_dim3A_85 = vector.broadcast %jit3A_84 : f32 to vector<1024x128xf32>
    %select_n3A_86 = arith.select %lt3A_68, %broadcast_in_dim3A_85, %select_n3A_66 : vector<1024x128xi1>, vector<1024x128xf32>
    %slice3A_87 = vector.extract_strided_slice %add3A_20 {offsets = [0, 512], sizes = [1024, 128], strides = [1, 1]} : vector<1024x4096xf32> to vector<1024x128xf32>
    %lt3A_88 = arith.cmpf olt, %slice3A_87, %select_n3A_83 : vector<1024x128xf32>
    %lt3A_89 = arith.cmpf olt, %slice3A_87, %select_n3A_78 : vector<1024x128xf32>
    %lt3A_90 = arith.cmpf olt, %slice3A_87, %select_n3A_72 : vector<1024x128xf32>
    %select_n3A_91 = arith.select %lt3A_90, %slice3A_87, %select_n3A_72 : vector<1024x128xi1>, vector<1024x128xf32>
    %select_n3A_92 = arith.select %lt3A_89, %select_n3A_78, %select_n3A_91 : vector<1024x128xi1>, vector<1024x128xf32>
    %jit3A_93 = arith.constant 4.000000e+00 : f32
    %broadcast_in_dim3A_94 = vector.broadcast %jit3A_93 : f32 to vector<1024x128xf32>
    %select_n3A_95 = arith.select %lt3A_90, %broadcast_in_dim3A_94, %select_n3A_76 : vector<1024x128xi1>, vector<1024x128xf32>
    %select_n3A_96 = arith.select %lt3A_89, %select_n3A_82, %select_n3A_95 : vector<1024x128xi1>, vector<1024x128xf32>
    %select_n3A_97 = arith.select %lt3A_89, %slice3A_87, %select_n3A_78 : vector<1024x128xi1>, vector<1024x128xf32>
    %select_n3A_98 = arith.select %lt3A_88, %select_n3A_83, %select_n3A_97 : vector<1024x128xi1>, vector<1024x128xf32>
    %jit3A_99 = arith.constant 4.000000e+00 : f32
    %broadcast_in_dim3A_100 = vector.broadcast %jit3A_99 : f32 to vector<1024x128xf32>
    %select_n3A_101 = arith.select %lt3A_89, %broadcast_in_dim3A_100, %select_n3A_82 : vector<1024x128xi1>, vector<1024x128xf32>
    %select_n3A_102 = arith.select %lt3A_88, %select_n3A_86, %select_n3A_101 : vector<1024x128xi1>, vector<1024x128xf32>
    %select_n3A_103 = arith.select %lt3A_88, %slice3A_87, %select_n3A_83 : vector<1024x128xi1>, vector<1024x128xf32>
    %jit3A_104 = arith.constant 4.000000e+00 : f32
    %broadcast_in_dim3A_105 = vector.broadcast %jit3A_104 : f32 to vector<1024x128xf32>
    %select_n3A_106 = arith.select %lt3A_88, %broadcast_in_dim3A_105, %select_n3A_86 : vector<1024x128xi1>, vector<1024x128xf32>
    %slice3A_107 = vector.extract_strided_slice %add3A_20 {offsets = [0, 640], sizes = [1024, 128], strides = [1, 1]} : vector<1024x4096xf32> to vector<1024x128xf32>
    %lt3A_108 = arith.cmpf olt, %slice3A_107, %select_n3A_103 : vector<1024x128xf32>
    %lt3A_109 = arith.cmpf olt, %slice3A_107, %select_n3A_98 : vector<1024x128xf32>
    %lt3A_110 = arith.cmpf olt, %slice3A_107, %select_n3A_92 : vector<1024x128xf32>
    %select_n3A_111 = arith.select %lt3A_110, %slice3A_107, %select_n3A_92 : vector<1024x128xi1>, vector<1024x128xf32>
    %select_n3A_112 = arith.select %lt3A_109, %select_n3A_98, %select_n3A_111 : vector<1024x128xi1>, vector<1024x128xf32>
    %jit3A_113 = arith.constant 5.000000e+00 : f32
    %broadcast_in_dim3A_114 = vector.broadcast %jit3A_113 : f32 to vector<1024x128xf32>
    %select_n3A_115 = arith.select %lt3A_110, %broadcast_in_dim3A_114, %select_n3A_96 : vector<1024x128xi1>, vector<1024x128xf32>
    %select_n3A_116 = arith.select %lt3A_109, %select_n3A_102, %select_n3A_115 : vector<1024x128xi1>, vector<1024x128xf32>
    %select_n3A_117 = arith.select %lt3A_109, %slice3A_107, %select_n3A_98 : vector<1024x128xi1>, vector<1024x128xf32>
    %select_n3A_118 = arith.select %lt3A_108, %select_n3A_103, %select_n3A_117 : vector<1024x128xi1>, vector<1024x128xf32>
    %jit3A_119 = arith.constant 5.000000e+00 : f32
    %broadcast_in_dim3A_120 = vector.broadcast %jit3A_119 : f32 to vector<1024x128xf32>
    %select_n3A_121 = arith.select %lt3A_109, %broadcast_in_dim3A_120, %select_n3A_102 : vector<1024x128xi1>, vector<1024x128xf32>
    %select_n3A_122 = arith.select %lt3A_108, %select_n3A_106, %select_n3A_121 : vector<1024x128xi1>, vector<1024x128xf32>
    %select_n3A_123 = arith.select %lt3A_108, %slice3A_107, %select_n3A_103 : vector<1024x128xi1>, vector<1024x128xf32>
    %jit3A_124 = arith.constant 5.000000e+00 : f32
    %broadcast_in_dim3A_125 = vector.broadcast %jit3A_124 : f32 to vector<1024x128xf32>
    %select_n3A_126 = arith.select %lt3A_108, %broadcast_in_dim3A_125, %select_n3A_106 : vector<1024x128xi1>, vector<1024x128xf32>
    %slice3A_127 = vector.extract_strided_slice %add3A_20 {offsets = [0, 768], sizes = [1024, 128], strides = [1, 1]} : vector<1024x4096xf32> to vector<1024x128xf32>
    %lt3A_128 = arith.cmpf olt, %slice3A_127, %select_n3A_123 : vector<1024x128xf32>
    %lt3A_129 = arith.cmpf olt, %slice3A_127, %select_n3A_118 : vector<1024x128xf32>
    %lt3A_130 = arith.cmpf olt, %slice3A_127, %select_n3A_112 : vector<1024x128xf32>
    %select_n3A_131 = arith.select %lt3A_130, %slice3A_127, %select_n3A_112 : vector<1024x128xi1>, vector<1024x128xf32>
    %select_n3A_132 = arith.select %lt3A_129, %select_n3A_118, %select_n3A_131 : vector<1024x128xi1>, vector<1024x128xf32>
    %jit3A_133 = arith.constant 6.000000e+00 : f32
    %broadcast_in_dim3A_134 = vector.broadcast %jit3A_133 : f32 to vector<1024x128xf32>
    %select_n3A_135 = arith.select %lt3A_130, %broadcast_in_dim3A_134, %select_n3A_116 : vector<1024x128xi1>, vector<1024x128xf32>
    %select_n3A_136 = arith.select %lt3A_129, %select_n3A_122, %select_n3A_135 : vector<1024x128xi1>, vector<1024x128xf32>
    %select_n3A_137 = arith.select %lt3A_129, %slice3A_127, %select_n3A_118 : vector<1024x128xi1>, vector<1024x128xf32>
    %select_n3A_138 = arith.select %lt3A_128, %select_n3A_123, %select_n3A_137 : vector<1024x128xi1>, vector<1024x128xf32>
    %jit3A_139 = arith.constant 6.000000e+00 : f32
    %broadcast_in_dim3A_140 = vector.broadcast %jit3A_139 : f32 to vector<1024x128xf32>
    %select_n3A_141 = arith.select %lt3A_129, %broadcast_in_dim3A_140, %select_n3A_122 : vector<1024x128xi1>, vector<1024x128xf32>
    %select_n3A_142 = arith.select %lt3A_128, %select_n3A_126, %select_n3A_141 : vector<1024x128xi1>, vector<1024x128xf32>
    %select_n3A_143 = arith.select %lt3A_128, %slice3A_127, %select_n3A_123 : vector<1024x128xi1>, vector<1024x128xf32>
    %jit3A_144 = arith.constant 6.000000e+00 : f32
    %broadcast_in_dim3A_145 = vector.broadcast %jit3A_144 : f32 to vector<1024x128xf32>
    %select_n3A_146 = arith.select %lt3A_128, %broadcast_in_dim3A_145, %select_n3A_126 : vector<1024x128xi1>, vector<1024x128xf32>
    %slice3A_147 = vector.extract_strided_slice %add3A_20 {offsets = [0, 896], sizes = [1024, 128], strides = [1, 1]} : vector<1024x4096xf32> to vector<1024x128xf32>
    %lt3A_148 = arith.cmpf olt, %slice3A_147, %select_n3A_143 : vector<1024x128xf32>
    %lt3A_149 = arith.cmpf olt, %slice3A_147, %select_n3A_138 : vector<1024x128xf32>
    %lt3A_150 = arith.cmpf olt, %slice3A_147, %select_n3A_132 : vector<1024x128xf32>
    %select_n3A_151 = arith.select %lt3A_150, %slice3A_147, %select_n3A_132 : vector<1024x128xi1>, vector<1024x128xf32>
    %select_n3A_152 = arith.select %lt3A_149, %select_n3A_138, %select_n3A_151 : vector<1024x128xi1>, vector<1024x128xf32>
    %jit3A_153 = arith.constant 7.000000e+00 : f32
    %broadcast_in_dim3A_154 = vector.broadcast %jit3A_153 : f32 to vector<1024x128xf32>
    %select_n3A_155 = arith.select %lt3A_150, %broadcast_in_dim3A_154, %select_n3A_136 : vector<1024x128xi1>, vector<1024x128xf32>
    %select_n3A_156 = arith.select %lt3A_149, %select_n3A_142, %select_n3A_155 : vector<1024x128xi1>, vector<1024x128xf32>
    %select_n3A_157 = arith.select %lt3A_149, %slice3A_147, %select_n3A_138 : vector<1024x128xi1>, vector<1024x128xf32>
    %select_n3A_158 = arith.select %lt3A_148, %select_n3A_143, %select_n3A_157 : vector<1024x128xi1>, vector<1024x128xf32>
    %jit3A_159 = arith.constant 7.000000e+00 : f32
    %broadcast_in_dim3A_160 = vector.broadcast %jit3A_159 : f32 to vector<1024x128xf32>
    %select_n3A_161 = arith.select %lt3A_149, %broadcast_in_dim3A_160, %select_n3A_142 : vector<1024x128xi1>, vector<1024x128xf32>
    %select_n3A_162 = arith.select %lt3A_148, %select_n3A_146, %select_n3A_161 : vector<1024x128xi1>, vector<1024x128xf32>
    %select_n3A_163 = arith.select %lt3A_148, %slice3A_147, %select_n3A_143 : vector<1024x128xi1>, vector<1024x128xf32>
    %jit3A_164 = arith.constant 7.000000e+00 : f32
    %broadcast_in_dim3A_165 = vector.broadcast %jit3A_164 : f32 to vector<1024x128xf32>
    %select_n3A_166 = arith.select %lt3A_148, %broadcast_in_dim3A_165, %select_n3A_146 : vector<1024x128xi1>, vector<1024x128xf32>
    %slice3A_167 = vector.extract_strided_slice %add3A_20 {offsets = [0, 1024], sizes = [1024, 128], strides = [1, 1]} : vector<1024x4096xf32> to vector<1024x128xf32>
    %lt3A_168 = arith.cmpf olt, %slice3A_167, %select_n3A_163 : vector<1024x128xf32>
    %lt3A_169 = arith.cmpf olt, %slice3A_167, %select_n3A_158 : vector<1024x128xf32>
    %lt3A_170 = arith.cmpf olt, %slice3A_167, %select_n3A_152 : vector<1024x128xf32>
    %select_n3A_171 = arith.select %lt3A_170, %slice3A_167, %select_n3A_152 : vector<1024x128xi1>, vector<1024x128xf32>
    %select_n3A_172 = arith.select %lt3A_169, %select_n3A_158, %select_n3A_171 : vector<1024x128xi1>, vector<1024x128xf32>
    %jit3A_173 = arith.constant 8.000000e+00 : f32
    %broadcast_in_dim3A_174 = vector.broadcast %jit3A_173 : f32 to vector<1024x128xf32>
    %select_n3A_175 = arith.select %lt3A_170, %broadcast_in_dim3A_174, %select_n3A_156 : vector<1024x128xi1>, vector<1024x128xf32>
    %select_n3A_176 = arith.select %lt3A_169, %select_n3A_162, %select_n3A_175 : vector<1024x128xi1>, vector<1024x128xf32>
    %select_n3A_177 = arith.select %lt3A_169, %slice3A_167, %select_n3A_158 : vector<1024x128xi1>, vector<1024x128xf32>
    %select_n3A_178 = arith.select %lt3A_168, %select_n3A_163, %select_n3A_177 : vector<1024x128xi1>, vector<1024x128xf32>
    %jit3A_179 = arith.constant 8.000000e+00 : f32
    %broadcast_in_dim3A_180 = vector.broadcast %jit3A_179 : f32 to vector<1024x128xf32>
    %select_n3A_181 = arith.select %lt3A_169, %broadcast_in_dim3A_180, %select_n3A_162 : vector<1024x128xi1>, vector<1024x128xf32>
    %select_n3A_182 = arith.select %lt3A_168, %select_n3A_166, %select_n3A_181 : vector<1024x128xi1>, vector<1024x128xf32>
    %select_n3A_183 = arith.select %lt3A_168, %slice3A_167, %select_n3A_163 : vector<1024x128xi1>, vector<1024x128xf32>
    %jit3A_184 = arith.constant 8.000000e+00 : f32
    %broadcast_in_dim3A_185 = vector.broadcast %jit3A_184 : f32 to vector<1024x128xf32>
    %select_n3A_186 = arith.select %lt3A_168, %broadcast_in_dim3A_185, %select_n3A_166 : vector<1024x128xi1>, vector<1024x128xf32>
    %slice3A_187 = vector.extract_strided_slice %add3A_20 {offsets = [0, 1152], sizes = [1024, 128], strides = [1, 1]} : vector<1024x4096xf32> to vector<1024x128xf32>
    %lt3A_188 = arith.cmpf olt, %slice3A_187, %select_n3A_183 : vector<1024x128xf32>
    %lt3A_189 = arith.cmpf olt, %slice3A_187, %select_n3A_178 : vector<1024x128xf32>
    %lt3A_190 = arith.cmpf olt, %slice3A_187, %select_n3A_172 : vector<1024x128xf32>
    %select_n3A_191 = arith.select %lt3A_190, %slice3A_187, %select_n3A_172 : vector<1024x128xi1>, vector<1024x128xf32>
    %select_n3A_192 = arith.select %lt3A_189, %select_n3A_178, %select_n3A_191 : vector<1024x128xi1>, vector<1024x128xf32>
    %jit3A_193 = arith.constant 9.000000e+00 : f32
    %broadcast_in_dim3A_194 = vector.broadcast %jit3A_193 : f32 to vector<1024x128xf32>
    %select_n3A_195 = arith.select %lt3A_190, %broadcast_in_dim3A_194, %select_n3A_176 : vector<1024x128xi1>, vector<1024x128xf32>
    %select_n3A_196 = arith.select %lt3A_189, %select_n3A_182, %select_n3A_195 : vector<1024x128xi1>, vector<1024x128xf32>
    %select_n3A_197 = arith.select %lt3A_189, %slice3A_187, %select_n3A_178 : vector<1024x128xi1>, vector<1024x128xf32>
    %select_n3A_198 = arith.select %lt3A_188, %select_n3A_183, %select_n3A_197 : vector<1024x128xi1>, vector<1024x128xf32>
    %jit3A_199 = arith.constant 9.000000e+00 : f32
    %broadcast_in_dim3A_200 = vector.broadcast %jit3A_199 : f32 to vector<1024x128xf32>
    %select_n3A_201 = arith.select %lt3A_189, %broadcast_in_dim3A_200, %select_n3A_182 : vector<1024x128xi1>, vector<1024x128xf32>
    %select_n3A_202 = arith.select %lt3A_188, %select_n3A_186, %select_n3A_201 : vector<1024x128xi1>, vector<1024x128xf32>
    %select_n3A_203 = arith.select %lt3A_188, %slice3A_187, %select_n3A_183 : vector<1024x128xi1>, vector<1024x128xf32>
    %jit3A_204 = arith.constant 9.000000e+00 : f32
    %broadcast_in_dim3A_205 = vector.broadcast %jit3A_204 : f32 to vector<1024x128xf32>
    %select_n3A_206 = arith.select %lt3A_188, %broadcast_in_dim3A_205, %select_n3A_186 : vector<1024x128xi1>, vector<1024x128xf32>
    %slice3A_207 = vector.extract_strided_slice %add3A_20 {offsets = [0, 1280], sizes = [1024, 128], strides = [1, 1]} : vector<1024x4096xf32> to vector<1024x128xf32>
    %lt3A_208 = arith.cmpf olt, %slice3A_207, %select_n3A_203 : vector<1024x128xf32>
    %lt3A_209 = arith.cmpf olt, %slice3A_207, %select_n3A_198 : vector<1024x128xf32>
    %lt3A_210 = arith.cmpf olt, %slice3A_207, %select_n3A_192 : vector<1024x128xf32>
    %select_n3A_211 = arith.select %lt3A_210, %slice3A_207, %select_n3A_192 : vector<1024x128xi1>, vector<1024x128xf32>
    %select_n3A_212 = arith.select %lt3A_209, %select_n3A_198, %select_n3A_211 : vector<1024x128xi1>, vector<1024x128xf32>
    %jit3A_213 = arith.constant 1.000000e+01 : f32
    %broadcast_in_dim3A_214 = vector.broadcast %jit3A_213 : f32 to vector<1024x128xf32>
    %select_n3A_215 = arith.select %lt3A_210, %broadcast_in_dim3A_214, %select_n3A_196 : vector<1024x128xi1>, vector<1024x128xf32>
    %select_n3A_216 = arith.select %lt3A_209, %select_n3A_202, %select_n3A_215 : vector<1024x128xi1>, vector<1024x128xf32>
    %select_n3A_217 = arith.select %lt3A_209, %slice3A_207, %select_n3A_198 : vector<1024x128xi1>, vector<1024x128xf32>
    %select_n3A_218 = arith.select %lt3A_208, %select_n3A_203, %select_n3A_217 : vector<1024x128xi1>, vector<1024x128xf32>
    %jit3A_219 = arith.constant 1.000000e+01 : f32
    %broadcast_in_dim3A_220 = vector.broadcast %jit3A_219 : f32 to vector<1024x128xf32>
    %select_n3A_221 = arith.select %lt3A_209, %broadcast_in_dim3A_220, %select_n3A_202 : vector<1024x128xi1>, vector<1024x128xf32>
    %select_n3A_222 = arith.select %lt3A_208, %select_n3A_206, %select_n3A_221 : vector<1024x128xi1>, vector<1024x128xf32>
    %select_n3A_223 = arith.select %lt3A_208, %slice3A_207, %select_n3A_203 : vector<1024x128xi1>, vector<1024x128xf32>
    %jit3A_224 = arith.constant 1.000000e+01 : f32
    %broadcast_in_dim3A_225 = vector.broadcast %jit3A_224 : f32 to vector<1024x128xf32>
    %select_n3A_226 = arith.select %lt3A_208, %broadcast_in_dim3A_225, %select_n3A_206 : vector<1024x128xi1>, vector<1024x128xf32>
    %slice3A_227 = vector.extract_strided_slice %add3A_20 {offsets = [0, 1408], sizes = [1024, 128], strides = [1, 1]} : vector<1024x4096xf32> to vector<1024x128xf32>
    %lt3A_228 = arith.cmpf olt, %slice3A_227, %select_n3A_223 : vector<1024x128xf32>
    %lt3A_229 = arith.cmpf olt, %slice3A_227, %select_n3A_218 : vector<1024x128xf32>
    %lt3A_230 = arith.cmpf olt, %slice3A_227, %select_n3A_212 : vector<1024x128xf32>
    %select_n3A_231 = arith.select %lt3A_230, %slice3A_227, %select_n3A_212 : vector<1024x128xi1>, vector<1024x128xf32>
    %select_n3A_232 = arith.select %lt3A_229, %select_n3A_218, %select_n3A_231 : vector<1024x128xi1>, vector<1024x128xf32>
    %jit3A_233 = arith.constant 1.100000e+01 : f32
    %broadcast_in_dim3A_234 = vector.broadcast %jit3A_233 : f32 to vector<1024x128xf32>
    %select_n3A_235 = arith.select %lt3A_230, %broadcast_in_dim3A_234, %select_n3A_216 : vector<1024x128xi1>, vector<1024x128xf32>
    %select_n3A_236 = arith.select %lt3A_229, %select_n3A_222, %select_n3A_235 : vector<1024x128xi1>, vector<1024x128xf32>
    %select_n3A_237 = arith.select %lt3A_229, %slice3A_227, %select_n3A_218 : vector<1024x128xi1>, vector<1024x128xf32>
    %select_n3A_238 = arith.select %lt3A_228, %select_n3A_223, %select_n3A_237 : vector<1024x128xi1>, vector<1024x128xf32>
    %jit3A_239 = arith.constant 1.100000e+01 : f32
    %broadcast_in_dim3A_240 = vector.broadcast %jit3A_239 : f32 to vector<1024x128xf32>
    %select_n3A_241 = arith.select %lt3A_229, %broadcast_in_dim3A_240, %select_n3A_222 : vector<1024x128xi1>, vector<1024x128xf32>
    %select_n3A_242 = arith.select %lt3A_228, %select_n3A_226, %select_n3A_241 : vector<1024x128xi1>, vector<1024x128xf32>
    %select_n3A_243 = arith.select %lt3A_228, %slice3A_227, %select_n3A_223 : vector<1024x128xi1>, vector<1024x128xf32>
    %jit3A_244 = arith.constant 1.100000e+01 : f32
    %broadcast_in_dim3A_245 = vector.broadcast %jit3A_244 : f32 to vector<1024x128xf32>
    %select_n3A_246 = arith.select %lt3A_228, %broadcast_in_dim3A_245, %select_n3A_226 : vector<1024x128xi1>, vector<1024x128xf32>
    %slice3A_247 = vector.extract_strided_slice %add3A_20 {offsets = [0, 1536], sizes = [1024, 128], strides = [1, 1]} : vector<1024x4096xf32> to vector<1024x128xf32>
    %lt3A_248 = arith.cmpf olt, %slice3A_247, %select_n3A_243 : vector<1024x128xf32>
    %lt3A_249 = arith.cmpf olt, %slice3A_247, %select_n3A_238 : vector<1024x128xf32>
    %lt3A_250 = arith.cmpf olt, %slice3A_247, %select_n3A_232 : vector<1024x128xf32>
    %select_n3A_251 = arith.select %lt3A_250, %slice3A_247, %select_n3A_232 : vector<1024x128xi1>, vector<1024x128xf32>
    %select_n3A_252 = arith.select %lt3A_249, %select_n3A_238, %select_n3A_251 : vector<1024x128xi1>, vector<1024x128xf32>
    %jit3A_253 = arith.constant 1.200000e+01 : f32
    %broadcast_in_dim3A_254 = vector.broadcast %jit3A_253 : f32 to vector<1024x128xf32>
    %select_n3A_255 = arith.select %lt3A_250, %broadcast_in_dim3A_254, %select_n3A_236 : vector<1024x128xi1>, vector<1024x128xf32>
    %select_n3A_256 = arith.select %lt3A_249, %select_n3A_242, %select_n3A_255 : vector<1024x128xi1>, vector<1024x128xf32>
    %select_n3A_257 = arith.select %lt3A_249, %slice3A_247, %select_n3A_238 : vector<1024x128xi1>, vector<1024x128xf32>
    %select_n3A_258 = arith.select %lt3A_248, %select_n3A_243, %select_n3A_257 : vector<1024x128xi1>, vector<1024x128xf32>
    %jit3A_259 = arith.constant 1.200000e+01 : f32
    %broadcast_in_dim3A_260 = vector.broadcast %jit3A_259 : f32 to vector<1024x128xf32>
    %select_n3A_261 = arith.select %lt3A_249, %broadcast_in_dim3A_260, %select_n3A_242 : vector<1024x128xi1>, vector<1024x128xf32>
    %select_n3A_262 = arith.select %lt3A_248, %select_n3A_246, %select_n3A_261 : vector<1024x128xi1>, vector<1024x128xf32>
    %select_n3A_263 = arith.select %lt3A_248, %slice3A_247, %select_n3A_243 : vector<1024x128xi1>, vector<1024x128xf32>
    %jit3A_264 = arith.constant 1.200000e+01 : f32
    %broadcast_in_dim3A_265 = vector.broadcast %jit3A_264 : f32 to vector<1024x128xf32>
    %select_n3A_266 = arith.select %lt3A_248, %broadcast_in_dim3A_265, %select_n3A_246 : vector<1024x128xi1>, vector<1024x128xf32>
    %slice3A_267 = vector.extract_strided_slice %add3A_20 {offsets = [0, 1664], sizes = [1024, 128], strides = [1, 1]} : vector<1024x4096xf32> to vector<1024x128xf32>
    %lt3A_268 = arith.cmpf olt, %slice3A_267, %select_n3A_263 : vector<1024x128xf32>
    %lt3A_269 = arith.cmpf olt, %slice3A_267, %select_n3A_258 : vector<1024x128xf32>
    %lt3A_270 = arith.cmpf olt, %slice3A_267, %select_n3A_252 : vector<1024x128xf32>
    %select_n3A_271 = arith.select %lt3A_270, %slice3A_267, %select_n3A_252 : vector<1024x128xi1>, vector<1024x128xf32>
    %select_n3A_272 = arith.select %lt3A_269, %select_n3A_258, %select_n3A_271 : vector<1024x128xi1>, vector<1024x128xf32>
    %jit3A_273 = arith.constant 1.300000e+01 : f32
    %broadcast_in_dim3A_274 = vector.broadcast %jit3A_273 : f32 to vector<1024x128xf32>
    %select_n3A_275 = arith.select %lt3A_270, %broadcast_in_dim3A_274, %select_n3A_256 : vector<1024x128xi1>, vector<1024x128xf32>
    %select_n3A_276 = arith.select %lt3A_269, %select_n3A_262, %select_n3A_275 : vector<1024x128xi1>, vector<1024x128xf32>
    %select_n3A_277 = arith.select %lt3A_269, %slice3A_267, %select_n3A_258 : vector<1024x128xi1>, vector<1024x128xf32>
    %select_n3A_278 = arith.select %lt3A_268, %select_n3A_263, %select_n3A_277 : vector<1024x128xi1>, vector<1024x128xf32>
    %jit3A_279 = arith.constant 1.300000e+01 : f32
    %broadcast_in_dim3A_280 = vector.broadcast %jit3A_279 : f32 to vector<1024x128xf32>
    %select_n3A_281 = arith.select %lt3A_269, %broadcast_in_dim3A_280, %select_n3A_262 : vector<1024x128xi1>, vector<1024x128xf32>
    %select_n3A_282 = arith.select %lt3A_268, %select_n3A_266, %select_n3A_281 : vector<1024x128xi1>, vector<1024x128xf32>
    %select_n3A_283 = arith.select %lt3A_268, %slice3A_267, %select_n3A_263 : vector<1024x128xi1>, vector<1024x128xf32>
    %jit3A_284 = arith.constant 1.300000e+01 : f32
    %broadcast_in_dim3A_285 = vector.broadcast %jit3A_284 : f32 to vector<1024x128xf32>
    %select_n3A_286 = arith.select %lt3A_268, %broadcast_in_dim3A_285, %select_n3A_266 : vector<1024x128xi1>, vector<1024x128xf32>
    %slice3A_287 = vector.extract_strided_slice %add3A_20 {offsets = [0, 1792], sizes = [1024, 128], strides = [1, 1]} : vector<1024x4096xf32> to vector<1024x128xf32>
    %lt3A_288 = arith.cmpf olt, %slice3A_287, %select_n3A_283 : vector<1024x128xf32>
    %lt3A_289 = arith.cmpf olt, %slice3A_287, %select_n3A_278 : vector<1024x128xf32>
    %lt3A_290 = arith.cmpf olt, %slice3A_287, %select_n3A_272 : vector<1024x128xf32>
    %select_n3A_291 = arith.select %lt3A_290, %slice3A_287, %select_n3A_272 : vector<1024x128xi1>, vector<1024x128xf32>
    %select_n3A_292 = arith.select %lt3A_289, %select_n3A_278, %select_n3A_291 : vector<1024x128xi1>, vector<1024x128xf32>
    %jit3A_293 = arith.constant 1.400000e+01 : f32
    %broadcast_in_dim3A_294 = vector.broadcast %jit3A_293 : f32 to vector<1024x128xf32>
    %select_n3A_295 = arith.select %lt3A_290, %broadcast_in_dim3A_294, %select_n3A_276 : vector<1024x128xi1>, vector<1024x128xf32>
    %select_n3A_296 = arith.select %lt3A_289, %select_n3A_282, %select_n3A_295 : vector<1024x128xi1>, vector<1024x128xf32>
    %select_n3A_297 = arith.select %lt3A_289, %slice3A_287, %select_n3A_278 : vector<1024x128xi1>, vector<1024x128xf32>
    %select_n3A_298 = arith.select %lt3A_288, %select_n3A_283, %select_n3A_297 : vector<1024x128xi1>, vector<1024x128xf32>
    %jit3A_299 = arith.constant 1.400000e+01 : f32
    %broadcast_in_dim3A_300 = vector.broadcast %jit3A_299 : f32 to vector<1024x128xf32>
    %select_n3A_301 = arith.select %lt3A_289, %broadcast_in_dim3A_300, %select_n3A_282 : vector<1024x128xi1>, vector<1024x128xf32>
    %select_n3A_302 = arith.select %lt3A_288, %select_n3A_286, %select_n3A_301 : vector<1024x128xi1>, vector<1024x128xf32>
    %select_n3A_303 = arith.select %lt3A_288, %slice3A_287, %select_n3A_283 : vector<1024x128xi1>, vector<1024x128xf32>
    %jit3A_304 = arith.constant 1.400000e+01 : f32
    %broadcast_in_dim3A_305 = vector.broadcast %jit3A_304 : f32 to vector<1024x128xf32>
    %select_n3A_306 = arith.select %lt3A_288, %broadcast_in_dim3A_305, %select_n3A_286 : vector<1024x128xi1>, vector<1024x128xf32>
    %slice3A_307 = vector.extract_strided_slice %add3A_20 {offsets = [0, 1920], sizes = [1024, 128], strides = [1, 1]} : vector<1024x4096xf32> to vector<1024x128xf32>
    %lt3A_308 = arith.cmpf olt, %slice3A_307, %select_n3A_303 : vector<1024x128xf32>
    %lt3A_309 = arith.cmpf olt, %slice3A_307, %select_n3A_298 : vector<1024x128xf32>
    %lt3A_310 = arith.cmpf olt, %slice3A_307, %select_n3A_292 : vector<1024x128xf32>
    %select_n3A_311 = arith.select %lt3A_310, %slice3A_307, %select_n3A_292 : vector<1024x128xi1>, vector<1024x128xf32>
    %select_n3A_312 = arith.select %lt3A_309, %select_n3A_298, %select_n3A_311 : vector<1024x128xi1>, vector<1024x128xf32>
    %jit3A_313 = arith.constant 1.500000e+01 : f32
    %broadcast_in_dim3A_314 = vector.broadcast %jit3A_313 : f32 to vector<1024x128xf32>
    %select_n3A_315 = arith.select %lt3A_310, %broadcast_in_dim3A_314, %select_n3A_296 : vector<1024x128xi1>, vector<1024x128xf32>
    %select_n3A_316 = arith.select %lt3A_309, %select_n3A_302, %select_n3A_315 : vector<1024x128xi1>, vector<1024x128xf32>
    %select_n3A_317 = arith.select %lt3A_309, %slice3A_307, %select_n3A_298 : vector<1024x128xi1>, vector<1024x128xf32>
    %select_n3A_318 = arith.select %lt3A_308, %select_n3A_303, %select_n3A_317 : vector<1024x128xi1>, vector<1024x128xf32>
    %jit3A_319 = arith.constant 1.500000e+01 : f32
    %broadcast_in_dim3A_320 = vector.broadcast %jit3A_319 : f32 to vector<1024x128xf32>
    %select_n3A_321 = arith.select %lt3A_309, %broadcast_in_dim3A_320, %select_n3A_302 : vector<1024x128xi1>, vector<1024x128xf32>
    %select_n3A_322 = arith.select %lt3A_308, %select_n3A_306, %select_n3A_321 : vector<1024x128xi1>, vector<1024x128xf32>
    %select_n3A_323 = arith.select %lt3A_308, %slice3A_307, %select_n3A_303 : vector<1024x128xi1>, vector<1024x128xf32>
    %jit3A_324 = arith.constant 1.500000e+01 : f32
    %broadcast_in_dim3A_325 = vector.broadcast %jit3A_324 : f32 to vector<1024x128xf32>
    %select_n3A_326 = arith.select %lt3A_308, %broadcast_in_dim3A_325, %select_n3A_306 : vector<1024x128xi1>, vector<1024x128xf32>
    %slice3A_327 = vector.extract_strided_slice %add3A_20 {offsets = [0, 2048], sizes = [1024, 128], strides = [1, 1]} : vector<1024x4096xf32> to vector<1024x128xf32>
    %lt3A_328 = arith.cmpf olt, %slice3A_327, %select_n3A_323 : vector<1024x128xf32>
    %lt3A_329 = arith.cmpf olt, %slice3A_327, %select_n3A_318 : vector<1024x128xf32>
    %lt3A_330 = arith.cmpf olt, %slice3A_327, %select_n3A_312 : vector<1024x128xf32>
    %select_n3A_331 = arith.select %lt3A_330, %slice3A_327, %select_n3A_312 : vector<1024x128xi1>, vector<1024x128xf32>
    %select_n3A_332 = arith.select %lt3A_329, %select_n3A_318, %select_n3A_331 : vector<1024x128xi1>, vector<1024x128xf32>
    %jit3A_333 = arith.constant 1.600000e+01 : f32
    %broadcast_in_dim3A_334 = vector.broadcast %jit3A_333 : f32 to vector<1024x128xf32>
    %select_n3A_335 = arith.select %lt3A_330, %broadcast_in_dim3A_334, %select_n3A_316 : vector<1024x128xi1>, vector<1024x128xf32>
    %select_n3A_336 = arith.select %lt3A_329, %select_n3A_322, %select_n3A_335 : vector<1024x128xi1>, vector<1024x128xf32>
    %select_n3A_337 = arith.select %lt3A_329, %slice3A_327, %select_n3A_318 : vector<1024x128xi1>, vector<1024x128xf32>
    %select_n3A_338 = arith.select %lt3A_328, %select_n3A_323, %select_n3A_337 : vector<1024x128xi1>, vector<1024x128xf32>
    %jit3A_339 = arith.constant 1.600000e+01 : f32
    %broadcast_in_dim3A_340 = vector.broadcast %jit3A_339 : f32 to vector<1024x128xf32>
    %select_n3A_341 = arith.select %lt3A_329, %broadcast_in_dim3A_340, %select_n3A_322 : vector<1024x128xi1>, vector<1024x128xf32>
    %select_n3A_342 = arith.select %lt3A_328, %select_n3A_326, %select_n3A_341 : vector<1024x128xi1>, vector<1024x128xf32>
    %select_n3A_343 = arith.select %lt3A_328, %slice3A_327, %select_n3A_323 : vector<1024x128xi1>, vector<1024x128xf32>
    %jit3A_344 = arith.constant 1.600000e+01 : f32
    %broadcast_in_dim3A_345 = vector.broadcast %jit3A_344 : f32 to vector<1024x128xf32>
    %select_n3A_346 = arith.select %lt3A_328, %broadcast_in_dim3A_345, %select_n3A_326 : vector<1024x128xi1>, vector<1024x128xf32>
    %slice3A_347 = vector.extract_strided_slice %add3A_20 {offsets = [0, 2176], sizes = [1024, 128], strides = [1, 1]} : vector<1024x4096xf32> to vector<1024x128xf32>
    %lt3A_348 = arith.cmpf olt, %slice3A_347, %select_n3A_343 : vector<1024x128xf32>
    %lt3A_349 = arith.cmpf olt, %slice3A_347, %select_n3A_338 : vector<1024x128xf32>
    %lt3A_350 = arith.cmpf olt, %slice3A_347, %select_n3A_332 : vector<1024x128xf32>
    %select_n3A_351 = arith.select %lt3A_350, %slice3A_347, %select_n3A_332 : vector<1024x128xi1>, vector<1024x128xf32>
    %select_n3A_352 = arith.select %lt3A_349, %select_n3A_338, %select_n3A_351 : vector<1024x128xi1>, vector<1024x128xf32>
    %jit3A_353 = arith.constant 1.700000e+01 : f32
    %broadcast_in_dim3A_354 = vector.broadcast %jit3A_353 : f32 to vector<1024x128xf32>
    %select_n3A_355 = arith.select %lt3A_350, %broadcast_in_dim3A_354, %select_n3A_336 : vector<1024x128xi1>, vector<1024x128xf32>
    %select_n3A_356 = arith.select %lt3A_349, %select_n3A_342, %select_n3A_355 : vector<1024x128xi1>, vector<1024x128xf32>
    %select_n3A_357 = arith.select %lt3A_349, %slice3A_347, %select_n3A_338 : vector<1024x128xi1>, vector<1024x128xf32>
    %select_n3A_358 = arith.select %lt3A_348, %select_n3A_343, %select_n3A_357 : vector<1024x128xi1>, vector<1024x128xf32>
    %jit3A_359 = arith.constant 1.700000e+01 : f32
    %broadcast_in_dim3A_360 = vector.broadcast %jit3A_359 : f32 to vector<1024x128xf32>
    %select_n3A_361 = arith.select %lt3A_349, %broadcast_in_dim3A_360, %select_n3A_342 : vector<1024x128xi1>, vector<1024x128xf32>
    %select_n3A_362 = arith.select %lt3A_348, %select_n3A_346, %select_n3A_361 : vector<1024x128xi1>, vector<1024x128xf32>
    %select_n3A_363 = arith.select %lt3A_348, %slice3A_347, %select_n3A_343 : vector<1024x128xi1>, vector<1024x128xf32>
    %jit3A_364 = arith.constant 1.700000e+01 : f32
    %broadcast_in_dim3A_365 = vector.broadcast %jit3A_364 : f32 to vector<1024x128xf32>
    %select_n3A_366 = arith.select %lt3A_348, %broadcast_in_dim3A_365, %select_n3A_346 : vector<1024x128xi1>, vector<1024x128xf32>
    %slice3A_367 = vector.extract_strided_slice %add3A_20 {offsets = [0, 2304], sizes = [1024, 128], strides = [1, 1]} : vector<1024x4096xf32> to vector<1024x128xf32>
    %lt3A_368 = arith.cmpf olt, %slice3A_367, %select_n3A_363 : vector<1024x128xf32>
    %lt3A_369 = arith.cmpf olt, %slice3A_367, %select_n3A_358 : vector<1024x128xf32>
    %lt3A_370 = arith.cmpf olt, %slice3A_367, %select_n3A_352 : vector<1024x128xf32>
    %select_n3A_371 = arith.select %lt3A_370, %slice3A_367, %select_n3A_352 : vector<1024x128xi1>, vector<1024x128xf32>
    %select_n3A_372 = arith.select %lt3A_369, %select_n3A_358, %select_n3A_371 : vector<1024x128xi1>, vector<1024x128xf32>
    %jit3A_373 = arith.constant 1.800000e+01 : f32
    %broadcast_in_dim3A_374 = vector.broadcast %jit3A_373 : f32 to vector<1024x128xf32>
    %select_n3A_375 = arith.select %lt3A_370, %broadcast_in_dim3A_374, %select_n3A_356 : vector<1024x128xi1>, vector<1024x128xf32>
    %select_n3A_376 = arith.select %lt3A_369, %select_n3A_362, %select_n3A_375 : vector<1024x128xi1>, vector<1024x128xf32>
    %select_n3A_377 = arith.select %lt3A_369, %slice3A_367, %select_n3A_358 : vector<1024x128xi1>, vector<1024x128xf32>
    %select_n3A_378 = arith.select %lt3A_368, %select_n3A_363, %select_n3A_377 : vector<1024x128xi1>, vector<1024x128xf32>
    %jit3A_379 = arith.constant 1.800000e+01 : f32
    %broadcast_in_dim3A_380 = vector.broadcast %jit3A_379 : f32 to vector<1024x128xf32>
    %select_n3A_381 = arith.select %lt3A_369, %broadcast_in_dim3A_380, %select_n3A_362 : vector<1024x128xi1>, vector<1024x128xf32>
    %select_n3A_382 = arith.select %lt3A_368, %select_n3A_366, %select_n3A_381 : vector<1024x128xi1>, vector<1024x128xf32>
    %select_n3A_383 = arith.select %lt3A_368, %slice3A_367, %select_n3A_363 : vector<1024x128xi1>, vector<1024x128xf32>
    %jit3A_384 = arith.constant 1.800000e+01 : f32
    %broadcast_in_dim3A_385 = vector.broadcast %jit3A_384 : f32 to vector<1024x128xf32>
    %select_n3A_386 = arith.select %lt3A_368, %broadcast_in_dim3A_385, %select_n3A_366 : vector<1024x128xi1>, vector<1024x128xf32>
    %slice3A_387 = vector.extract_strided_slice %add3A_20 {offsets = [0, 2432], sizes = [1024, 128], strides = [1, 1]} : vector<1024x4096xf32> to vector<1024x128xf32>
    %lt3A_388 = arith.cmpf olt, %slice3A_387, %select_n3A_383 : vector<1024x128xf32>
    %lt3A_389 = arith.cmpf olt, %slice3A_387, %select_n3A_378 : vector<1024x128xf32>
    %lt3A_390 = arith.cmpf olt, %slice3A_387, %select_n3A_372 : vector<1024x128xf32>
    %select_n3A_391 = arith.select %lt3A_390, %slice3A_387, %select_n3A_372 : vector<1024x128xi1>, vector<1024x128xf32>
    %select_n3A_392 = arith.select %lt3A_389, %select_n3A_378, %select_n3A_391 : vector<1024x128xi1>, vector<1024x128xf32>
    %jit3A_393 = arith.constant 1.900000e+01 : f32
    %broadcast_in_dim3A_394 = vector.broadcast %jit3A_393 : f32 to vector<1024x128xf32>
    %select_n3A_395 = arith.select %lt3A_390, %broadcast_in_dim3A_394, %select_n3A_376 : vector<1024x128xi1>, vector<1024x128xf32>
    %select_n3A_396 = arith.select %lt3A_389, %select_n3A_382, %select_n3A_395 : vector<1024x128xi1>, vector<1024x128xf32>
    %select_n3A_397 = arith.select %lt3A_389, %slice3A_387, %select_n3A_378 : vector<1024x128xi1>, vector<1024x128xf32>
    %select_n3A_398 = arith.select %lt3A_388, %select_n3A_383, %select_n3A_397 : vector<1024x128xi1>, vector<1024x128xf32>
    %jit3A_399 = arith.constant 1.900000e+01 : f32
    %broadcast_in_dim3A_400 = vector.broadcast %jit3A_399 : f32 to vector<1024x128xf32>
    %select_n3A_401 = arith.select %lt3A_389, %broadcast_in_dim3A_400, %select_n3A_382 : vector<1024x128xi1>, vector<1024x128xf32>
    %select_n3A_402 = arith.select %lt3A_388, %select_n3A_386, %select_n3A_401 : vector<1024x128xi1>, vector<1024x128xf32>
    %select_n3A_403 = arith.select %lt3A_388, %slice3A_387, %select_n3A_383 : vector<1024x128xi1>, vector<1024x128xf32>
    %jit3A_404 = arith.constant 1.900000e+01 : f32
    %broadcast_in_dim3A_405 = vector.broadcast %jit3A_404 : f32 to vector<1024x128xf32>
    %select_n3A_406 = arith.select %lt3A_388, %broadcast_in_dim3A_405, %select_n3A_386 : vector<1024x128xi1>, vector<1024x128xf32>
    %slice3A_407 = vector.extract_strided_slice %add3A_20 {offsets = [0, 2560], sizes = [1024, 128], strides = [1, 1]} : vector<1024x4096xf32> to vector<1024x128xf32>
    %lt3A_408 = arith.cmpf olt, %slice3A_407, %select_n3A_403 : vector<1024x128xf32>
    %lt3A_409 = arith.cmpf olt, %slice3A_407, %select_n3A_398 : vector<1024x128xf32>
    %lt3A_410 = arith.cmpf olt, %slice3A_407, %select_n3A_392 : vector<1024x128xf32>
    %select_n3A_411 = arith.select %lt3A_410, %slice3A_407, %select_n3A_392 : vector<1024x128xi1>, vector<1024x128xf32>
    %select_n3A_412 = arith.select %lt3A_409, %select_n3A_398, %select_n3A_411 : vector<1024x128xi1>, vector<1024x128xf32>
    %jit3A_413 = arith.constant 2.000000e+01 : f32
    %broadcast_in_dim3A_414 = vector.broadcast %jit3A_413 : f32 to vector<1024x128xf32>
    %select_n3A_415 = arith.select %lt3A_410, %broadcast_in_dim3A_414, %select_n3A_396 : vector<1024x128xi1>, vector<1024x128xf32>
    %select_n3A_416 = arith.select %lt3A_409, %select_n3A_402, %select_n3A_415 : vector<1024x128xi1>, vector<1024x128xf32>
    %select_n3A_417 = arith.select %lt3A_409, %slice3A_407, %select_n3A_398 : vector<1024x128xi1>, vector<1024x128xf32>
    %select_n3A_418 = arith.select %lt3A_408, %select_n3A_403, %select_n3A_417 : vector<1024x128xi1>, vector<1024x128xf32>
    %jit3A_419 = arith.constant 2.000000e+01 : f32
    %broadcast_in_dim3A_420 = vector.broadcast %jit3A_419 : f32 to vector<1024x128xf32>
    %select_n3A_421 = arith.select %lt3A_409, %broadcast_in_dim3A_420, %select_n3A_402 : vector<1024x128xi1>, vector<1024x128xf32>
    %select_n3A_422 = arith.select %lt3A_408, %select_n3A_406, %select_n3A_421 : vector<1024x128xi1>, vector<1024x128xf32>
    %select_n3A_423 = arith.select %lt3A_408, %slice3A_407, %select_n3A_403 : vector<1024x128xi1>, vector<1024x128xf32>
    %jit3A_424 = arith.constant 2.000000e+01 : f32
    %broadcast_in_dim3A_425 = vector.broadcast %jit3A_424 : f32 to vector<1024x128xf32>
    %select_n3A_426 = arith.select %lt3A_408, %broadcast_in_dim3A_425, %select_n3A_406 : vector<1024x128xi1>, vector<1024x128xf32>
    %slice3A_427 = vector.extract_strided_slice %add3A_20 {offsets = [0, 2688], sizes = [1024, 128], strides = [1, 1]} : vector<1024x4096xf32> to vector<1024x128xf32>
    %lt3A_428 = arith.cmpf olt, %slice3A_427, %select_n3A_423 : vector<1024x128xf32>
    %lt3A_429 = arith.cmpf olt, %slice3A_427, %select_n3A_418 : vector<1024x128xf32>
    %lt3A_430 = arith.cmpf olt, %slice3A_427, %select_n3A_412 : vector<1024x128xf32>
    %select_n3A_431 = arith.select %lt3A_430, %slice3A_427, %select_n3A_412 : vector<1024x128xi1>, vector<1024x128xf32>
    %select_n3A_432 = arith.select %lt3A_429, %select_n3A_418, %select_n3A_431 : vector<1024x128xi1>, vector<1024x128xf32>
    %jit3A_433 = arith.constant 2.100000e+01 : f32
    %broadcast_in_dim3A_434 = vector.broadcast %jit3A_433 : f32 to vector<1024x128xf32>
    %select_n3A_435 = arith.select %lt3A_430, %broadcast_in_dim3A_434, %select_n3A_416 : vector<1024x128xi1>, vector<1024x128xf32>
    %select_n3A_436 = arith.select %lt3A_429, %select_n3A_422, %select_n3A_435 : vector<1024x128xi1>, vector<1024x128xf32>
    %select_n3A_437 = arith.select %lt3A_429, %slice3A_427, %select_n3A_418 : vector<1024x128xi1>, vector<1024x128xf32>
    %select_n3A_438 = arith.select %lt3A_428, %select_n3A_423, %select_n3A_437 : vector<1024x128xi1>, vector<1024x128xf32>
    %jit3A_439 = arith.constant 2.100000e+01 : f32
    %broadcast_in_dim3A_440 = vector.broadcast %jit3A_439 : f32 to vector<1024x128xf32>
    %select_n3A_441 = arith.select %lt3A_429, %broadcast_in_dim3A_440, %select_n3A_422 : vector<1024x128xi1>, vector<1024x128xf32>
    %select_n3A_442 = arith.select %lt3A_428, %select_n3A_426, %select_n3A_441 : vector<1024x128xi1>, vector<1024x128xf32>
    %select_n3A_443 = arith.select %lt3A_428, %slice3A_427, %select_n3A_423 : vector<1024x128xi1>, vector<1024x128xf32>
    %jit3A_444 = arith.constant 2.100000e+01 : f32
    %broadcast_in_dim3A_445 = vector.broadcast %jit3A_444 : f32 to vector<1024x128xf32>
    %select_n3A_446 = arith.select %lt3A_428, %broadcast_in_dim3A_445, %select_n3A_426 : vector<1024x128xi1>, vector<1024x128xf32>
    %slice3A_447 = vector.extract_strided_slice %add3A_20 {offsets = [0, 2816], sizes = [1024, 128], strides = [1, 1]} : vector<1024x4096xf32> to vector<1024x128xf32>
    %lt3A_448 = arith.cmpf olt, %slice3A_447, %select_n3A_443 : vector<1024x128xf32>
    %lt3A_449 = arith.cmpf olt, %slice3A_447, %select_n3A_438 : vector<1024x128xf32>
    %lt3A_450 = arith.cmpf olt, %slice3A_447, %select_n3A_432 : vector<1024x128xf32>
    %select_n3A_451 = arith.select %lt3A_450, %slice3A_447, %select_n3A_432 : vector<1024x128xi1>, vector<1024x128xf32>
    %select_n3A_452 = arith.select %lt3A_449, %select_n3A_438, %select_n3A_451 : vector<1024x128xi1>, vector<1024x128xf32>
    %jit3A_453 = arith.constant 2.200000e+01 : f32
    %broadcast_in_dim3A_454 = vector.broadcast %jit3A_453 : f32 to vector<1024x128xf32>
    %select_n3A_455 = arith.select %lt3A_450, %broadcast_in_dim3A_454, %select_n3A_436 : vector<1024x128xi1>, vector<1024x128xf32>
    %select_n3A_456 = arith.select %lt3A_449, %select_n3A_442, %select_n3A_455 : vector<1024x128xi1>, vector<1024x128xf32>
    %select_n3A_457 = arith.select %lt3A_449, %slice3A_447, %select_n3A_438 : vector<1024x128xi1>, vector<1024x128xf32>
    %select_n3A_458 = arith.select %lt3A_448, %select_n3A_443, %select_n3A_457 : vector<1024x128xi1>, vector<1024x128xf32>
    %jit3A_459 = arith.constant 2.200000e+01 : f32
    %broadcast_in_dim3A_460 = vector.broadcast %jit3A_459 : f32 to vector<1024x128xf32>
    %select_n3A_461 = arith.select %lt3A_449, %broadcast_in_dim3A_460, %select_n3A_442 : vector<1024x128xi1>, vector<1024x128xf32>
    %select_n3A_462 = arith.select %lt3A_448, %select_n3A_446, %select_n3A_461 : vector<1024x128xi1>, vector<1024x128xf32>
    %select_n3A_463 = arith.select %lt3A_448, %slice3A_447, %select_n3A_443 : vector<1024x128xi1>, vector<1024x128xf32>
    %jit3A_464 = arith.constant 2.200000e+01 : f32
    %broadcast_in_dim3A_465 = vector.broadcast %jit3A_464 : f32 to vector<1024x128xf32>
    %select_n3A_466 = arith.select %lt3A_448, %broadcast_in_dim3A_465, %select_n3A_446 : vector<1024x128xi1>, vector<1024x128xf32>
    %slice3A_467 = vector.extract_strided_slice %add3A_20 {offsets = [0, 2944], sizes = [1024, 128], strides = [1, 1]} : vector<1024x4096xf32> to vector<1024x128xf32>
    %lt3A_468 = arith.cmpf olt, %slice3A_467, %select_n3A_463 : vector<1024x128xf32>
    %lt3A_469 = arith.cmpf olt, %slice3A_467, %select_n3A_458 : vector<1024x128xf32>
    %lt3A_470 = arith.cmpf olt, %slice3A_467, %select_n3A_452 : vector<1024x128xf32>
    %select_n3A_471 = arith.select %lt3A_470, %slice3A_467, %select_n3A_452 : vector<1024x128xi1>, vector<1024x128xf32>
    %select_n3A_472 = arith.select %lt3A_469, %select_n3A_458, %select_n3A_471 : vector<1024x128xi1>, vector<1024x128xf32>
    %jit3A_473 = arith.constant 2.300000e+01 : f32
    %broadcast_in_dim3A_474 = vector.broadcast %jit3A_473 : f32 to vector<1024x128xf32>
    %select_n3A_475 = arith.select %lt3A_470, %broadcast_in_dim3A_474, %select_n3A_456 : vector<1024x128xi1>, vector<1024x128xf32>
    %select_n3A_476 = arith.select %lt3A_469, %select_n3A_462, %select_n3A_475 : vector<1024x128xi1>, vector<1024x128xf32>
    %select_n3A_477 = arith.select %lt3A_469, %slice3A_467, %select_n3A_458 : vector<1024x128xi1>, vector<1024x128xf32>
    %select_n3A_478 = arith.select %lt3A_468, %select_n3A_463, %select_n3A_477 : vector<1024x128xi1>, vector<1024x128xf32>
    %jit3A_479 = arith.constant 2.300000e+01 : f32
    %broadcast_in_dim3A_480 = vector.broadcast %jit3A_479 : f32 to vector<1024x128xf32>
    %select_n3A_481 = arith.select %lt3A_469, %broadcast_in_dim3A_480, %select_n3A_462 : vector<1024x128xi1>, vector<1024x128xf32>
    %select_n3A_482 = arith.select %lt3A_468, %select_n3A_466, %select_n3A_481 : vector<1024x128xi1>, vector<1024x128xf32>
    %select_n3A_483 = arith.select %lt3A_468, %slice3A_467, %select_n3A_463 : vector<1024x128xi1>, vector<1024x128xf32>
    %jit3A_484 = arith.constant 2.300000e+01 : f32
    %broadcast_in_dim3A_485 = vector.broadcast %jit3A_484 : f32 to vector<1024x128xf32>
    %select_n3A_486 = arith.select %lt3A_468, %broadcast_in_dim3A_485, %select_n3A_466 : vector<1024x128xi1>, vector<1024x128xf32>
    %slice3A_487 = vector.extract_strided_slice %add3A_20 {offsets = [0, 3072], sizes = [1024, 128], strides = [1, 1]} : vector<1024x4096xf32> to vector<1024x128xf32>
    %lt3A_488 = arith.cmpf olt, %slice3A_487, %select_n3A_483 : vector<1024x128xf32>
    %lt3A_489 = arith.cmpf olt, %slice3A_487, %select_n3A_478 : vector<1024x128xf32>
    %lt3A_490 = arith.cmpf olt, %slice3A_487, %select_n3A_472 : vector<1024x128xf32>
    %select_n3A_491 = arith.select %lt3A_490, %slice3A_487, %select_n3A_472 : vector<1024x128xi1>, vector<1024x128xf32>
    %select_n3A_492 = arith.select %lt3A_489, %select_n3A_478, %select_n3A_491 : vector<1024x128xi1>, vector<1024x128xf32>
    %jit3A_493 = arith.constant 2.400000e+01 : f32
    %broadcast_in_dim3A_494 = vector.broadcast %jit3A_493 : f32 to vector<1024x128xf32>
    %select_n3A_495 = arith.select %lt3A_490, %broadcast_in_dim3A_494, %select_n3A_476 : vector<1024x128xi1>, vector<1024x128xf32>
    %select_n3A_496 = arith.select %lt3A_489, %select_n3A_482, %select_n3A_495 : vector<1024x128xi1>, vector<1024x128xf32>
    %select_n3A_497 = arith.select %lt3A_489, %slice3A_487, %select_n3A_478 : vector<1024x128xi1>, vector<1024x128xf32>
    %select_n3A_498 = arith.select %lt3A_488, %select_n3A_483, %select_n3A_497 : vector<1024x128xi1>, vector<1024x128xf32>
    %jit3A_499 = arith.constant 2.400000e+01 : f32
    %broadcast_in_dim3A_500 = vector.broadcast %jit3A_499 : f32 to vector<1024x128xf32>
    %select_n3A_501 = arith.select %lt3A_489, %broadcast_in_dim3A_500, %select_n3A_482 : vector<1024x128xi1>, vector<1024x128xf32>
    %select_n3A_502 = arith.select %lt3A_488, %select_n3A_486, %select_n3A_501 : vector<1024x128xi1>, vector<1024x128xf32>
    %select_n3A_503 = arith.select %lt3A_488, %slice3A_487, %select_n3A_483 : vector<1024x128xi1>, vector<1024x128xf32>
    %jit3A_504 = arith.constant 2.400000e+01 : f32
    %broadcast_in_dim3A_505 = vector.broadcast %jit3A_504 : f32 to vector<1024x128xf32>
    %select_n3A_506 = arith.select %lt3A_488, %broadcast_in_dim3A_505, %select_n3A_486 : vector<1024x128xi1>, vector<1024x128xf32>
    %slice3A_507 = vector.extract_strided_slice %add3A_20 {offsets = [0, 3200], sizes = [1024, 128], strides = [1, 1]} : vector<1024x4096xf32> to vector<1024x128xf32>
    %lt3A_508 = arith.cmpf olt, %slice3A_507, %select_n3A_503 : vector<1024x128xf32>
    %lt3A_509 = arith.cmpf olt, %slice3A_507, %select_n3A_498 : vector<1024x128xf32>
    %lt3A_510 = arith.cmpf olt, %slice3A_507, %select_n3A_492 : vector<1024x128xf32>
    %select_n3A_511 = arith.select %lt3A_510, %slice3A_507, %select_n3A_492 : vector<1024x128xi1>, vector<1024x128xf32>
    %select_n3A_512 = arith.select %lt3A_509, %select_n3A_498, %select_n3A_511 : vector<1024x128xi1>, vector<1024x128xf32>
    %jit3A_513 = arith.constant 2.500000e+01 : f32
    %broadcast_in_dim3A_514 = vector.broadcast %jit3A_513 : f32 to vector<1024x128xf32>
    %select_n3A_515 = arith.select %lt3A_510, %broadcast_in_dim3A_514, %select_n3A_496 : vector<1024x128xi1>, vector<1024x128xf32>
    %select_n3A_516 = arith.select %lt3A_509, %select_n3A_502, %select_n3A_515 : vector<1024x128xi1>, vector<1024x128xf32>
    %select_n3A_517 = arith.select %lt3A_509, %slice3A_507, %select_n3A_498 : vector<1024x128xi1>, vector<1024x128xf32>
    %select_n3A_518 = arith.select %lt3A_508, %select_n3A_503, %select_n3A_517 : vector<1024x128xi1>, vector<1024x128xf32>
    %jit3A_519 = arith.constant 2.500000e+01 : f32
    %broadcast_in_dim3A_520 = vector.broadcast %jit3A_519 : f32 to vector<1024x128xf32>
    %select_n3A_521 = arith.select %lt3A_509, %broadcast_in_dim3A_520, %select_n3A_502 : vector<1024x128xi1>, vector<1024x128xf32>
    %select_n3A_522 = arith.select %lt3A_508, %select_n3A_506, %select_n3A_521 : vector<1024x128xi1>, vector<1024x128xf32>
    %select_n3A_523 = arith.select %lt3A_508, %slice3A_507, %select_n3A_503 : vector<1024x128xi1>, vector<1024x128xf32>
    %jit3A_524 = arith.constant 2.500000e+01 : f32
    %broadcast_in_dim3A_525 = vector.broadcast %jit3A_524 : f32 to vector<1024x128xf32>
    %select_n3A_526 = arith.select %lt3A_508, %broadcast_in_dim3A_525, %select_n3A_506 : vector<1024x128xi1>, vector<1024x128xf32>
    %slice3A_527 = vector.extract_strided_slice %add3A_20 {offsets = [0, 3328], sizes = [1024, 128], strides = [1, 1]} : vector<1024x4096xf32> to vector<1024x128xf32>
    %lt3A_528 = arith.cmpf olt, %slice3A_527, %select_n3A_523 : vector<1024x128xf32>
    %lt3A_529 = arith.cmpf olt, %slice3A_527, %select_n3A_518 : vector<1024x128xf32>
    %lt3A_530 = arith.cmpf olt, %slice3A_527, %select_n3A_512 : vector<1024x128xf32>
    %select_n3A_531 = arith.select %lt3A_530, %slice3A_527, %select_n3A_512 : vector<1024x128xi1>, vector<1024x128xf32>
    %select_n3A_532 = arith.select %lt3A_529, %select_n3A_518, %select_n3A_531 : vector<1024x128xi1>, vector<1024x128xf32>
    %jit3A_533 = arith.constant 2.600000e+01 : f32
    %broadcast_in_dim3A_534 = vector.broadcast %jit3A_533 : f32 to vector<1024x128xf32>
    %select_n3A_535 = arith.select %lt3A_530, %broadcast_in_dim3A_534, %select_n3A_516 : vector<1024x128xi1>, vector<1024x128xf32>
    %select_n3A_536 = arith.select %lt3A_529, %select_n3A_522, %select_n3A_535 : vector<1024x128xi1>, vector<1024x128xf32>
    %select_n3A_537 = arith.select %lt3A_529, %slice3A_527, %select_n3A_518 : vector<1024x128xi1>, vector<1024x128xf32>
    %select_n3A_538 = arith.select %lt3A_528, %select_n3A_523, %select_n3A_537 : vector<1024x128xi1>, vector<1024x128xf32>
    %jit3A_539 = arith.constant 2.600000e+01 : f32
    %broadcast_in_dim3A_540 = vector.broadcast %jit3A_539 : f32 to vector<1024x128xf32>
    %select_n3A_541 = arith.select %lt3A_529, %broadcast_in_dim3A_540, %select_n3A_522 : vector<1024x128xi1>, vector<1024x128xf32>
    %select_n3A_542 = arith.select %lt3A_528, %select_n3A_526, %select_n3A_541 : vector<1024x128xi1>, vector<1024x128xf32>
    %select_n3A_543 = arith.select %lt3A_528, %slice3A_527, %select_n3A_523 : vector<1024x128xi1>, vector<1024x128xf32>
    %jit3A_544 = arith.constant 2.600000e+01 : f32
    %broadcast_in_dim3A_545 = vector.broadcast %jit3A_544 : f32 to vector<1024x128xf32>
    %select_n3A_546 = arith.select %lt3A_528, %broadcast_in_dim3A_545, %select_n3A_526 : vector<1024x128xi1>, vector<1024x128xf32>
    %slice3A_547 = vector.extract_strided_slice %add3A_20 {offsets = [0, 3456], sizes = [1024, 128], strides = [1, 1]} : vector<1024x4096xf32> to vector<1024x128xf32>
    %lt3A_548 = arith.cmpf olt, %slice3A_547, %select_n3A_543 : vector<1024x128xf32>
    %lt3A_549 = arith.cmpf olt, %slice3A_547, %select_n3A_538 : vector<1024x128xf32>
    %lt3A_550 = arith.cmpf olt, %slice3A_547, %select_n3A_532 : vector<1024x128xf32>
    %select_n3A_551 = arith.select %lt3A_550, %slice3A_547, %select_n3A_532 : vector<1024x128xi1>, vector<1024x128xf32>
    %select_n3A_552 = arith.select %lt3A_549, %select_n3A_538, %select_n3A_551 : vector<1024x128xi1>, vector<1024x128xf32>
    %jit3A_553 = arith.constant 2.700000e+01 : f32
    %broadcast_in_dim3A_554 = vector.broadcast %jit3A_553 : f32 to vector<1024x128xf32>
    %select_n3A_555 = arith.select %lt3A_550, %broadcast_in_dim3A_554, %select_n3A_536 : vector<1024x128xi1>, vector<1024x128xf32>
    %select_n3A_556 = arith.select %lt3A_549, %select_n3A_542, %select_n3A_555 : vector<1024x128xi1>, vector<1024x128xf32>
    %select_n3A_557 = arith.select %lt3A_549, %slice3A_547, %select_n3A_538 : vector<1024x128xi1>, vector<1024x128xf32>
    %select_n3A_558 = arith.select %lt3A_548, %select_n3A_543, %select_n3A_557 : vector<1024x128xi1>, vector<1024x128xf32>
    %jit3A_559 = arith.constant 2.700000e+01 : f32
    %broadcast_in_dim3A_560 = vector.broadcast %jit3A_559 : f32 to vector<1024x128xf32>
    %select_n3A_561 = arith.select %lt3A_549, %broadcast_in_dim3A_560, %select_n3A_542 : vector<1024x128xi1>, vector<1024x128xf32>
    %select_n3A_562 = arith.select %lt3A_548, %select_n3A_546, %select_n3A_561 : vector<1024x128xi1>, vector<1024x128xf32>
    %select_n3A_563 = arith.select %lt3A_548, %slice3A_547, %select_n3A_543 : vector<1024x128xi1>, vector<1024x128xf32>
    %jit3A_564 = arith.constant 2.700000e+01 : f32
    %broadcast_in_dim3A_565 = vector.broadcast %jit3A_564 : f32 to vector<1024x128xf32>
    %select_n3A_566 = arith.select %lt3A_548, %broadcast_in_dim3A_565, %select_n3A_546 : vector<1024x128xi1>, vector<1024x128xf32>
    %slice3A_567 = vector.extract_strided_slice %add3A_20 {offsets = [0, 3584], sizes = [1024, 128], strides = [1, 1]} : vector<1024x4096xf32> to vector<1024x128xf32>
    %lt3A_568 = arith.cmpf olt, %slice3A_567, %select_n3A_563 : vector<1024x128xf32>
    %lt3A_569 = arith.cmpf olt, %slice3A_567, %select_n3A_558 : vector<1024x128xf32>
    %lt3A_570 = arith.cmpf olt, %slice3A_567, %select_n3A_552 : vector<1024x128xf32>
    %select_n3A_571 = arith.select %lt3A_570, %slice3A_567, %select_n3A_552 : vector<1024x128xi1>, vector<1024x128xf32>
    %select_n3A_572 = arith.select %lt3A_569, %select_n3A_558, %select_n3A_571 : vector<1024x128xi1>, vector<1024x128xf32>
    %jit3A_573 = arith.constant 2.800000e+01 : f32
    %broadcast_in_dim3A_574 = vector.broadcast %jit3A_573 : f32 to vector<1024x128xf32>
    %select_n3A_575 = arith.select %lt3A_570, %broadcast_in_dim3A_574, %select_n3A_556 : vector<1024x128xi1>, vector<1024x128xf32>
    %select_n3A_576 = arith.select %lt3A_569, %select_n3A_562, %select_n3A_575 : vector<1024x128xi1>, vector<1024x128xf32>
    %select_n3A_577 = arith.select %lt3A_569, %slice3A_567, %select_n3A_558 : vector<1024x128xi1>, vector<1024x128xf32>
    %select_n3A_578 = arith.select %lt3A_568, %select_n3A_563, %select_n3A_577 : vector<1024x128xi1>, vector<1024x128xf32>
    %jit3A_579 = arith.constant 2.800000e+01 : f32
    %broadcast_in_dim3A_580 = vector.broadcast %jit3A_579 : f32 to vector<1024x128xf32>
    %select_n3A_581 = arith.select %lt3A_569, %broadcast_in_dim3A_580, %select_n3A_562 : vector<1024x128xi1>, vector<1024x128xf32>
    %select_n3A_582 = arith.select %lt3A_568, %select_n3A_566, %select_n3A_581 : vector<1024x128xi1>, vector<1024x128xf32>
    %select_n3A_583 = arith.select %lt3A_568, %slice3A_567, %select_n3A_563 : vector<1024x128xi1>, vector<1024x128xf32>
    %jit3A_584 = arith.constant 2.800000e+01 : f32
    %broadcast_in_dim3A_585 = vector.broadcast %jit3A_584 : f32 to vector<1024x128xf32>
    %select_n3A_586 = arith.select %lt3A_568, %broadcast_in_dim3A_585, %select_n3A_566 : vector<1024x128xi1>, vector<1024x128xf32>
    %slice3A_587 = vector.extract_strided_slice %add3A_20 {offsets = [0, 3712], sizes = [1024, 128], strides = [1, 1]} : vector<1024x4096xf32> to vector<1024x128xf32>
    %lt3A_588 = arith.cmpf olt, %slice3A_587, %select_n3A_583 : vector<1024x128xf32>
    %lt3A_589 = arith.cmpf olt, %slice3A_587, %select_n3A_578 : vector<1024x128xf32>
    %lt3A_590 = arith.cmpf olt, %slice3A_587, %select_n3A_572 : vector<1024x128xf32>
    %select_n3A_591 = arith.select %lt3A_590, %slice3A_587, %select_n3A_572 : vector<1024x128xi1>, vector<1024x128xf32>
    %select_n3A_592 = arith.select %lt3A_589, %select_n3A_578, %select_n3A_591 : vector<1024x128xi1>, vector<1024x128xf32>
    %jit3A_593 = arith.constant 2.900000e+01 : f32
    %broadcast_in_dim3A_594 = vector.broadcast %jit3A_593 : f32 to vector<1024x128xf32>
    %select_n3A_595 = arith.select %lt3A_590, %broadcast_in_dim3A_594, %select_n3A_576 : vector<1024x128xi1>, vector<1024x128xf32>
    %select_n3A_596 = arith.select %lt3A_589, %select_n3A_582, %select_n3A_595 : vector<1024x128xi1>, vector<1024x128xf32>
    %select_n3A_597 = arith.select %lt3A_589, %slice3A_587, %select_n3A_578 : vector<1024x128xi1>, vector<1024x128xf32>
    %select_n3A_598 = arith.select %lt3A_588, %select_n3A_583, %select_n3A_597 : vector<1024x128xi1>, vector<1024x128xf32>
    %jit3A_599 = arith.constant 2.900000e+01 : f32
    %broadcast_in_dim3A_600 = vector.broadcast %jit3A_599 : f32 to vector<1024x128xf32>
    %select_n3A_601 = arith.select %lt3A_589, %broadcast_in_dim3A_600, %select_n3A_582 : vector<1024x128xi1>, vector<1024x128xf32>
    %select_n3A_602 = arith.select %lt3A_588, %select_n3A_586, %select_n3A_601 : vector<1024x128xi1>, vector<1024x128xf32>
    %select_n3A_603 = arith.select %lt3A_588, %slice3A_587, %select_n3A_583 : vector<1024x128xi1>, vector<1024x128xf32>
    %jit3A_604 = arith.constant 2.900000e+01 : f32
    %broadcast_in_dim3A_605 = vector.broadcast %jit3A_604 : f32 to vector<1024x128xf32>
    %select_n3A_606 = arith.select %lt3A_588, %broadcast_in_dim3A_605, %select_n3A_586 : vector<1024x128xi1>, vector<1024x128xf32>
    %slice3A_607 = vector.extract_strided_slice %add3A_20 {offsets = [0, 3840], sizes = [1024, 128], strides = [1, 1]} : vector<1024x4096xf32> to vector<1024x128xf32>
    %lt3A_608 = arith.cmpf olt, %slice3A_607, %select_n3A_603 : vector<1024x128xf32>
    %lt3A_609 = arith.cmpf olt, %slice3A_607, %select_n3A_598 : vector<1024x128xf32>
    %lt3A_610 = arith.cmpf olt, %slice3A_607, %select_n3A_592 : vector<1024x128xf32>
    %select_n3A_611 = arith.select %lt3A_610, %slice3A_607, %select_n3A_592 : vector<1024x128xi1>, vector<1024x128xf32>
    %select_n3A_612 = arith.select %lt3A_609, %select_n3A_598, %select_n3A_611 : vector<1024x128xi1>, vector<1024x128xf32>
    %jit3A_613 = arith.constant 3.000000e+01 : f32
    %broadcast_in_dim3A_614 = vector.broadcast %jit3A_613 : f32 to vector<1024x128xf32>
    %select_n3A_615 = arith.select %lt3A_610, %broadcast_in_dim3A_614, %select_n3A_596 : vector<1024x128xi1>, vector<1024x128xf32>
    %select_n3A_616 = arith.select %lt3A_609, %select_n3A_602, %select_n3A_615 : vector<1024x128xi1>, vector<1024x128xf32>
    %select_n3A_617 = arith.select %lt3A_609, %slice3A_607, %select_n3A_598 : vector<1024x128xi1>, vector<1024x128xf32>
    %select_n3A_618 = arith.select %lt3A_608, %select_n3A_603, %select_n3A_617 : vector<1024x128xi1>, vector<1024x128xf32>
    %jit3A_619 = arith.constant 3.000000e+01 : f32
    %broadcast_in_dim3A_620 = vector.broadcast %jit3A_619 : f32 to vector<1024x128xf32>
    %select_n3A_621 = arith.select %lt3A_609, %broadcast_in_dim3A_620, %select_n3A_602 : vector<1024x128xi1>, vector<1024x128xf32>
    %select_n3A_622 = arith.select %lt3A_608, %select_n3A_606, %select_n3A_621 : vector<1024x128xi1>, vector<1024x128xf32>
    %select_n3A_623 = arith.select %lt3A_608, %slice3A_607, %select_n3A_603 : vector<1024x128xi1>, vector<1024x128xf32>
    %jit3A_624 = arith.constant 3.000000e+01 : f32
    %broadcast_in_dim3A_625 = vector.broadcast %jit3A_624 : f32 to vector<1024x128xf32>
    %select_n3A_626 = arith.select %lt3A_608, %broadcast_in_dim3A_625, %select_n3A_606 : vector<1024x128xi1>, vector<1024x128xf32>
    %slice3A_627 = vector.extract_strided_slice %add3A_20 {offsets = [0, 3968], sizes = [1024, 128], strides = [1, 1]} : vector<1024x4096xf32> to vector<1024x128xf32>
    %lt3A_628 = arith.cmpf olt, %slice3A_627, %select_n3A_623 : vector<1024x128xf32>
    %lt3A_629 = arith.cmpf olt, %slice3A_627, %select_n3A_618 : vector<1024x128xf32>
    %lt3A_630 = arith.cmpf olt, %slice3A_627, %select_n3A_612 : vector<1024x128xf32>
    %select_n3A_631 = arith.select %lt3A_630, %slice3A_627, %select_n3A_612 : vector<1024x128xi1>, vector<1024x128xf32>
    %select_n3A_632 = arith.select %lt3A_629, %select_n3A_618, %select_n3A_631 : vector<1024x128xi1>, vector<1024x128xf32>
    %jit3A_633 = arith.constant 3.100000e+01 : f32
    %broadcast_in_dim3A_634 = vector.broadcast %jit3A_633 : f32 to vector<1024x128xf32>
    %select_n3A_635 = arith.select %lt3A_630, %broadcast_in_dim3A_634, %select_n3A_616 : vector<1024x128xi1>, vector<1024x128xf32>
    %select_n3A_636 = arith.select %lt3A_629, %select_n3A_622, %select_n3A_635 : vector<1024x128xi1>, vector<1024x128xf32>
    %select_n3A_637 = arith.select %lt3A_629, %slice3A_627, %select_n3A_618 : vector<1024x128xi1>, vector<1024x128xf32>
    %select_n3A_638 = arith.select %lt3A_628, %select_n3A_623, %select_n3A_637 : vector<1024x128xi1>, vector<1024x128xf32>
    %jit3A_639 = arith.constant 3.100000e+01 : f32
    %broadcast_in_dim3A_640 = vector.broadcast %jit3A_639 : f32 to vector<1024x128xf32>
    %select_n3A_641 = arith.select %lt3A_629, %broadcast_in_dim3A_640, %select_n3A_622 : vector<1024x128xi1>, vector<1024x128xf32>
    %select_n3A_642 = arith.select %lt3A_628, %select_n3A_626, %select_n3A_641 : vector<1024x128xi1>, vector<1024x128xf32>
    %select_n3A_643 = arith.select %lt3A_628, %slice3A_627, %select_n3A_623 : vector<1024x128xi1>, vector<1024x128xf32>
    %jit3A_644 = arith.constant 3.100000e+01 : f32
    %broadcast_in_dim3A_645 = vector.broadcast %jit3A_644 : f32 to vector<1024x128xf32>
    %select_n3A_646 = arith.select %lt3A_628, %broadcast_in_dim3A_645, %select_n3A_626 : vector<1024x128xi1>, vector<1024x128xf32>
    %iota3A = tpu.iota {dimensions = array<i32: 1>} : vector<1024x128xi32>
    %convert_element_type3A_647 = arith.sitofp %iota3A : vector<1024x128xi32> to vector<1024x128xf32>
    %mul3A_648 = arith.constant 4096 : i32
    %mul3A_649 = arith.muli %arg0, %mul3A_648 : i32
    %convert_element_type3A_650 = arith.sitofp %mul3A_649 : i32 to f32
    %mul3A_651 = arith.constant 1.280000e+02 : f32
    %mul3A_652 = vector.broadcast %mul3A_651 : f32 to vector<1024x128xf32>
    %mul3A_653 = arith.mulf %select_n3A_646, %mul3A_652 : vector<1024x128xf32>
    %add3A_654 = vector.broadcast %convert_element_type3A_650 : f32 to vector<1024x128xf32>
    %add3A_655 = arith.addf %convert_element_type3A_647, %add3A_654 : vector<1024x128xf32>
    %add3A_656 = arith.addf %mul3A_653, %add3A_655 : vector<1024x128xf32>
    %mul3A_657 = arith.constant 1.280000e+02 : f32
    %mul3A_658 = vector.broadcast %mul3A_657 : f32 to vector<1024x128xf32>
    %mul3A_659 = arith.mulf %select_n3A_642, %mul3A_658 : vector<1024x128xf32>
    %add3A_660 = vector.broadcast %convert_element_type3A_650 : f32 to vector<1024x128xf32>
    %add3A_661 = arith.addf %convert_element_type3A_647, %add3A_660 : vector<1024x128xf32>
    %add3A_662 = arith.addf %mul3A_659, %add3A_661 : vector<1024x128xf32>
    %mul3A_663 = arith.constant 1.280000e+02 : f32
    %mul3A_664 = vector.broadcast %mul3A_663 : f32 to vector<1024x128xf32>
    %mul3A_665 = arith.mulf %select_n3A_636, %mul3A_664 : vector<1024x128xf32>
    %add3A_666 = vector.broadcast %convert_element_type3A_650 : f32 to vector<1024x128xf32>
    %add3A_667 = arith.addf %convert_element_type3A_647, %add3A_666 : vector<1024x128xf32>
    %add3A_668 = arith.addf %mul3A_665, %add3A_667 : vector<1024x128xf32>
    %concatenate3A = tpu.concatenate %select_n3A_643, %select_n3A_638, %select_n3A_632 in 1 : vector<1024x128xf32>, vector<1024x128xf32>, vector<1024x128xf32> -> vector<1024x384xf32>
    %max3A = arith.constant 9.99999996E-13 : f32
    %max3A_669 = vector.broadcast %max3A : f32 to vector<1024x384xf32>
    %max3A_670 = arith.maximumf %concatenate3A, %max3A_669 : vector<1024x384xf32>
    %sqrt3A = math.sqrt %max3A_670 : vector<1024x384xf32>
    %get3A_671 = arith.constant 0 : index
    %get3A_672 = arith.constant 0 : index
    %get3A_673 = vector.load %arg7[%get3A_671, %get3A_672] : memref<1024x8xf32, #tpu.memory_space<vmem>>, vector<1024x8xf32>
    %concatenate3A_674 = tpu.concatenate %sqrt3A, %get3A_673 in 1 : vector<1024x384xf32>, vector<1024x8xf32> -> vector<1024x392xf32>
    %get3A_675 = arith.constant 0 : index
    %get3A_676 = arith.constant 0 : index
    %get3A_677 = vector.load %arg8[%get3A_675, %get3A_676] : memref<1024x8xf32, #tpu.memory_space<vmem>>, vector<1024x8xf32>
    %concatenate3A_678 = tpu.concatenate %add3A_656, %add3A_662, %add3A_668, %get3A_677 in 1 : vector<1024x128xf32>, vector<1024x128xf32>, vector<1024x128xf32>, vector<1024x8xf32> -> vector<1024x392xf32>
    %reduce_min3A = arith.constant dense<0x7F800000> : vector<1024xf32>
    %reduce_min3A_679 = vector.multi_reduction <minimumf>, %concatenate3A_674, %reduce_min3A [1] : vector<1024x392xf32> to vector<1024xf32>
    %broadcast_in_dim3A_680 = vector.shape_cast %reduce_min3A_679 : vector<1024xf32> to vector<1024x1xf32>
    %eq3A_681 = vector.broadcast %broadcast_in_dim3A_680 : vector<1024x1xf32> to vector<1024x392xf32>
    %eq3A_682 = arith.cmpf oeq, %concatenate3A_674, %eq3A_681 : vector<1024x392xf32>
    %jit3A_683 = arith.constant 3.000000e+38 : f32
    %broadcast_in_dim3A_684 = vector.broadcast %jit3A_683 : f32 to vector<1024x392xf32>
    %select_n3A_685 = arith.select %eq3A_682, %concatenate3A_678, %broadcast_in_dim3A_684 : vector<1024x392xi1>, vector<1024x392xf32>
    %reduce_min3A_686 = arith.constant dense<0x7F800000> : vector<1024xf32>
    %reduce_min3A_687 = vector.multi_reduction <minimumf>, %select_n3A_685, %reduce_min3A_686 [1] : vector<1024x392xf32> to vector<1024xf32>
    %broadcast_in_dim3A_688 = vector.shape_cast %reduce_min3A_687 : vector<1024xf32> to vector<1024x1xf32>
    %eq3A_689 = vector.broadcast %broadcast_in_dim3A_688 : vector<1024x1xf32> to vector<1024x392xf32>
    %eq3A_690 = arith.cmpf oeq, %concatenate3A_678, %eq3A_689 : vector<1024x392xf32>
    %jit3A_691 = arith.constant 0x7F800000 : f32
    %broadcast_in_dim3A_692 = vector.broadcast %jit3A_691 : f32 to vector<1024x392xf32>
    %select_n3A_693 = arith.select %eq3A_690, %broadcast_in_dim3A_692, %concatenate3A_674 : vector<1024x392xi1>, vector<1024x392xf32>
    %reduce_min3A_694 = arith.constant dense<0x7F800000> : vector<1024xf32>
    %reduce_min3A_695 = vector.multi_reduction <minimumf>, %select_n3A_693, %reduce_min3A_694 [1] : vector<1024x392xf32> to vector<1024xf32>
    %broadcast_in_dim3A_696 = vector.shape_cast %reduce_min3A_695 : vector<1024xf32> to vector<1024x1xf32>
    %eq3A_697 = vector.broadcast %broadcast_in_dim3A_696 : vector<1024x1xf32> to vector<1024x392xf32>
    %eq3A_698 = arith.cmpf oeq, %select_n3A_693, %eq3A_697 : vector<1024x392xf32>
    %jit3A_699 = arith.constant 3.000000e+38 : f32
    %broadcast_in_dim3A_700 = vector.broadcast %jit3A_699 : f32 to vector<1024x392xf32>
    %select_n3A_701 = arith.select %eq3A_698, %concatenate3A_678, %broadcast_in_dim3A_700 : vector<1024x392xi1>, vector<1024x392xf32>
    %reduce_min3A_702 = arith.constant dense<0x7F800000> : vector<1024xf32>
    %reduce_min3A_703 = vector.multi_reduction <minimumf>, %select_n3A_701, %reduce_min3A_702 [1] : vector<1024x392xf32> to vector<1024xf32>
    %broadcast_in_dim3A_704 = vector.shape_cast %reduce_min3A_703 : vector<1024xf32> to vector<1024x1xf32>
    %eq3A_705 = vector.broadcast %broadcast_in_dim3A_704 : vector<1024x1xf32> to vector<1024x392xf32>
    %eq3A_706 = arith.cmpf oeq, %concatenate3A_678, %eq3A_705 : vector<1024x392xf32>
    %jit3A_707 = arith.constant 0x7F800000 : f32
    %broadcast_in_dim3A_708 = vector.broadcast %jit3A_707 : f32 to vector<1024x392xf32>
    %select_n3A_709 = arith.select %eq3A_706, %broadcast_in_dim3A_708, %select_n3A_693 : vector<1024x392xi1>, vector<1024x392xf32>
    %reduce_min3A_710 = arith.constant dense<0x7F800000> : vector<1024xf32>
    %reduce_min3A_711 = vector.multi_reduction <minimumf>, %select_n3A_709, %reduce_min3A_710 [1] : vector<1024x392xf32> to vector<1024xf32>
    %broadcast_in_dim3A_712 = vector.shape_cast %reduce_min3A_711 : vector<1024xf32> to vector<1024x1xf32>
    %eq3A_713 = vector.broadcast %broadcast_in_dim3A_712 : vector<1024x1xf32> to vector<1024x392xf32>
    %eq3A_714 = arith.cmpf oeq, %select_n3A_709, %eq3A_713 : vector<1024x392xf32>
    %jit3A_715 = arith.constant 3.000000e+38 : f32
    %broadcast_in_dim3A_716 = vector.broadcast %jit3A_715 : f32 to vector<1024x392xf32>
    %select_n3A_717 = arith.select %eq3A_714, %concatenate3A_678, %broadcast_in_dim3A_716 : vector<1024x392xi1>, vector<1024x392xf32>
    %reduce_min3A_718 = arith.constant dense<0x7F800000> : vector<1024xf32>
    %reduce_min3A_719 = vector.multi_reduction <minimumf>, %select_n3A_717, %reduce_min3A_718 [1] : vector<1024x392xf32> to vector<1024xf32>
    %broadcast_in_dim3A_720 = vector.shape_cast %reduce_min3A_719 : vector<1024xf32> to vector<1024x1xf32>
    %eq3A_721 = vector.broadcast %broadcast_in_dim3A_720 : vector<1024x1xf32> to vector<1024x392xf32>
    %eq3A_722 = arith.cmpf oeq, %concatenate3A_678, %eq3A_721 : vector<1024x392xf32>
    %jit3A_723 = arith.constant 0x7F800000 : f32
    %broadcast_in_dim3A_724 = vector.broadcast %jit3A_723 : f32 to vector<1024x392xf32>
    %select_n3A_725 = arith.select %eq3A_722, %broadcast_in_dim3A_724, %select_n3A_709 : vector<1024x392xi1>, vector<1024x392xf32>
    %reduce_min3A_726 = arith.constant dense<0x7F800000> : vector<1024xf32>
    %reduce_min3A_727 = vector.multi_reduction <minimumf>, %select_n3A_725, %reduce_min3A_726 [1] : vector<1024x392xf32> to vector<1024xf32>
    %broadcast_in_dim3A_728 = vector.shape_cast %reduce_min3A_727 : vector<1024xf32> to vector<1024x1xf32>
    %eq3A_729 = vector.broadcast %broadcast_in_dim3A_728 : vector<1024x1xf32> to vector<1024x392xf32>
    %eq3A_730 = arith.cmpf oeq, %select_n3A_725, %eq3A_729 : vector<1024x392xf32>
    %jit3A_731 = arith.constant 3.000000e+38 : f32
    %broadcast_in_dim3A_732 = vector.broadcast %jit3A_731 : f32 to vector<1024x392xf32>
    %select_n3A_733 = arith.select %eq3A_730, %concatenate3A_678, %broadcast_in_dim3A_732 : vector<1024x392xi1>, vector<1024x392xf32>
    %reduce_min3A_734 = arith.constant dense<0x7F800000> : vector<1024xf32>
    %reduce_min3A_735 = vector.multi_reduction <minimumf>, %select_n3A_733, %reduce_min3A_734 [1] : vector<1024x392xf32> to vector<1024xf32>
    %broadcast_in_dim3A_736 = vector.shape_cast %reduce_min3A_735 : vector<1024xf32> to vector<1024x1xf32>
    %eq3A_737 = vector.broadcast %broadcast_in_dim3A_736 : vector<1024x1xf32> to vector<1024x392xf32>
    %eq3A_738 = arith.cmpf oeq, %concatenate3A_678, %eq3A_737 : vector<1024x392xf32>
    %jit3A_739 = arith.constant 0x7F800000 : f32
    %broadcast_in_dim3A_740 = vector.broadcast %jit3A_739 : f32 to vector<1024x392xf32>
    %select_n3A_741 = arith.select %eq3A_738, %broadcast_in_dim3A_740, %select_n3A_725 : vector<1024x392xi1>, vector<1024x392xf32>
    %reduce_min3A_742 = arith.constant dense<0x7F800000> : vector<1024xf32>
    %reduce_min3A_743 = vector.multi_reduction <minimumf>, %select_n3A_741, %reduce_min3A_742 [1] : vector<1024x392xf32> to vector<1024xf32>
    %broadcast_in_dim3A_744 = vector.shape_cast %reduce_min3A_743 : vector<1024xf32> to vector<1024x1xf32>
    %eq3A_745 = vector.broadcast %broadcast_in_dim3A_744 : vector<1024x1xf32> to vector<1024x392xf32>
    %eq3A_746 = arith.cmpf oeq, %select_n3A_741, %eq3A_745 : vector<1024x392xf32>
    %jit3A_747 = arith.constant 3.000000e+38 : f32
    %broadcast_in_dim3A_748 = vector.broadcast %jit3A_747 : f32 to vector<1024x392xf32>
    %select_n3A_749 = arith.select %eq3A_746, %concatenate3A_678, %broadcast_in_dim3A_748 : vector<1024x392xi1>, vector<1024x392xf32>
    %reduce_min3A_750 = arith.constant dense<0x7F800000> : vector<1024xf32>
    %reduce_min3A_751 = vector.multi_reduction <minimumf>, %select_n3A_749, %reduce_min3A_750 [1] : vector<1024x392xf32> to vector<1024xf32>
    %broadcast_in_dim3A_752 = vector.shape_cast %reduce_min3A_751 : vector<1024xf32> to vector<1024x1xf32>
    %broadcast_in_dim3A_753 = arith.constant 0x7F800000 : f32
    %broadcast_in_dim3A_754 = vector.broadcast %broadcast_in_dim3A_753 : f32 to vector<1024x1xf32>
    %broadcast_in_dim3A_755 = arith.constant 0.000000e+00 : f32
    %broadcast_in_dim3A_756 = vector.broadcast %broadcast_in_dim3A_755 : f32 to vector<1024x1xf32>
    %concatenate3A_757 = tpu.concatenate %broadcast_in_dim3A_680, %broadcast_in_dim3A_696, %broadcast_in_dim3A_712, %broadcast_in_dim3A_728, %broadcast_in_dim3A_744, %broadcast_in_dim3A_754, %broadcast_in_dim3A_754, %broadcast_in_dim3A_754 in 1 : vector<1024x1xf32>, vector<1024x1xf32>, vector<1024x1xf32>, vector<1024x1xf32>, vector<1024x1xf32>, vector<1024x1xf32>, vector<1024x1xf32>, vector<1024x1xf32> -> vector<1024x8xf32>
    %swap3A = arith.constant 0 : index
    %swap3A_758 = arith.constant 0 : index
    %swap3A_759 = vector.load %arg7[%swap3A, %swap3A_758] : memref<1024x8xf32, #tpu.memory_space<vmem>>, vector<1024x8xf32>
    tpu.vector_store %arg7[%swap3A, %swap3A_758], %concatenate3A_757 {strides = array<i32>} : memref<1024x8xf32, #tpu.memory_space<vmem>>, vector<1024x8xf32>,
    %concatenate3A_760 = tpu.concatenate %broadcast_in_dim3A_688, %broadcast_in_dim3A_704, %broadcast_in_dim3A_720, %broadcast_in_dim3A_736, %broadcast_in_dim3A_752, %broadcast_in_dim3A_756, %broadcast_in_dim3A_756, %broadcast_in_dim3A_756 in 1 : vector<1024x1xf32>, vector<1024x1xf32>, vector<1024x1xf32>, vector<1024x1xf32>, vector<1024x1xf32>, vector<1024x1xf32>, vector<1024x1xf32>, vector<1024x1xf32> -> vector<1024x8xf32>
    %swap3A_761 = arith.constant 0 : index
    %swap3A_762 = arith.constant 0 : index
    %swap3A_763 = vector.load %arg8[%swap3A_761, %swap3A_762] : memref<1024x8xf32, #tpu.memory_space<vmem>>, vector<1024x8xf32>
    tpu.vector_store %arg8[%swap3A_761, %swap3A_762], %concatenate3A_760 {strides = array<i32>} : memref<1024x8xf32, #tpu.memory_space<vmem>>, vector<1024x8xf32>,
    %eq3A_764 = arith.constant 24 : i32
    %eq3A_765 = arith.cmpi eq, %arg0, %eq3A_764 : i32
    %convert_element_type3A_766 = arith.extui %eq3A_765 : i1 to i32
    %cond3A_767 = arith.constant 0 : i32
    %cond3A_768 = arith.cmpi ne, %convert_element_type3A_766, %cond3A_767 : i32
    scf.if %cond3A_768 {
      %get3A_769 = arith.constant 0 : index
      %get3A_770 = arith.constant 0 : index
      %get3A_771 = vector.load %arg7[%get3A_769, %get3A_770] : memref<1024x8xf32, #tpu.memory_space<vmem>>, vector<1024x5xf32>
      %neg3A = arith.constant 0.000000e+00 : f32
      %neg3A_772 = vector.broadcast %neg3A : f32 to vector<1024x5xf32>
      %neg3A_773 = arith.subf %neg3A_772, %get3A_771 : vector<1024x5xf32>
      %reduce_max3A = arith.constant dense<0xFF800000> : vector<1024xf32>
      %reduce_max3A_774 = vector.multi_reduction <maximumf>, %neg3A_773, %reduce_max3A [1] : vector<1024x5xf32> to vector<1024xf32>
      %broadcast_in_dim3A_775 = vector.shape_cast %reduce_max3A_774 : vector<1024xf32> to vector<1024x1xf32>
      %sub3A = vector.broadcast %broadcast_in_dim3A_775 : vector<1024x1xf32> to vector<1024x5xf32>
      %sub3A_776 = arith.subf %neg3A_773, %sub3A : vector<1024x5xf32>
      %exp3A = math.exp %sub3A_776 : vector<1024x5xf32>
      %reduce_sum3A = arith.constant dense<0.000000e+00> : vector<1024xf32>
      %reduce_sum3A_777 = vector.multi_reduction <add>, %exp3A, %reduce_sum3A [1] : vector<1024x5xf32> to vector<1024xf32>
      %broadcast_in_dim3A_778 = vector.shape_cast %reduce_sum3A_777 : vector<1024xf32> to vector<1024x1xf32>
      %div3A = vector.broadcast %broadcast_in_dim3A_778 : vector<1024x1xf32> to vector<1024x5xf32>
      %div3A_779 = arith.divf %exp3A, %div3A : vector<1024x5xf32>
      %iota3A_780 = tpu.iota {dimensions = array<i32: 1>} : vector<1024x128xi32>
      %broadcast_in_dim3A_781 = arith.constant 0.000000e+00 : f32
      %broadcast_in_dim3A_782 = vector.broadcast %broadcast_in_dim3A_781 : f32 to vector<1024x128xf32>
      %jit3A_783 = arith.constant 16 : i32
      %div3A_784 = vector.broadcast %jit3A_783 : i32 to vector<1024x128xi32>
      %div3A_785 = arith.divsi %iota3A_780, %div3A_784 : vector<1024x128xi32>
      %sign3A = arith.constant 0 : i32
      %sign3A_786 = vector.broadcast %sign3A : i32 to vector<1024x128xi32>
      %sign3A_787 = arith.cmpi sgt, %iota3A_780, %sign3A_786 : vector<1024x128xi32>
      %sign3A_788 = arith.extui %sign3A_787 : vector<1024x128xi1> to vector<1024x128xi32>
      %sign3A_789 = arith.constant 0 : i32
      %sign3A_790 = vector.broadcast %sign3A_789 : i32 to vector<1024x128xi32>
      %sign3A_791 = arith.cmpi slt, %iota3A_780, %sign3A_790 : vector<1024x128xi32>
      %sign3A_792 = arith.extui %sign3A_791 : vector<1024x128xi1> to vector<1024x128xi32>
      %sign3A_793 = arith.subi %sign3A_788, %sign3A_792 : vector<1024x128xi32>
      %sign3A_794 = arith.constant 0 : i32
      %sign3A_795 = arith.cmpi sgt, %jit3A_783, %sign3A_794 : i32
      %sign3A_796 = arith.extui %sign3A_795 : i1 to i32
      %sign3A_797 = arith.constant 0 : i32
      %sign3A_798 = arith.cmpi slt, %jit3A_783, %sign3A_797 : i32
      %sign3A_799 = arith.extui %sign3A_798 : i1 to i32
      %sign3A_800 = arith.subi %sign3A_796, %sign3A_799 : i32
      %ne3A = vector.broadcast %sign3A_800 : i32 to vector<1024x128xi32>
      %ne3A_801 = arith.cmpi ne, %sign3A_793, %ne3A : vector<1024x128xi32>
      %rem3A = vector.broadcast %jit3A_783 : i32 to vector<1024x128xi32>
      %rem3A_802 = arith.remsi %iota3A_780, %rem3A : vector<1024x128xi32>
      %ne3A_803 = arith.constant 0 : i32
      %ne3A_804 = vector.broadcast %ne3A_803 : i32 to vector<1024x128xi32>
      %ne3A_805 = arith.cmpi ne, %rem3A_802, %ne3A_804 : vector<1024x128xi32>
      %and3A = arith.andi %ne3A_801, %ne3A_805 : vector<1024x128xi1>
      %sub3A_806 = arith.constant 1 : i32
      %sub3A_807 = vector.broadcast %sub3A_806 : i32 to vector<1024x128xi32>
      %sub3A_808 = arith.subi %div3A_785, %sub3A_807 : vector<1024x128xi32>
      %select_n3A_809 = arith.select %and3A, %sub3A_808, %div3A_785 : vector<1024x128xi1>, vector<1024x128xi32>
      %eq3A_810 = arith.constant 0 : i32
      %eq3A_811 = vector.broadcast %eq3A_810 : i32 to vector<1024x128xi32>
      %eq3A_812 = arith.cmpi eq, %select_n3A_809, %eq3A_811 : vector<1024x128xi32>
      %slice3A_813 = vector.extract_strided_slice %div3A_779 {offsets = [0, 0], sizes = [1024, 1], strides = [1, 1]} : vector<1024x5xf32> to vector<1024x1xf32>
      %broadcast_in_dim3A_814 = vector.shape_cast %slice3A_813 : vector<1024x1xf32> to vector<1024x1xf32>
      %broadcast_in_dim3A_815 = vector.broadcast %broadcast_in_dim3A_814 : vector<1024x1xf32> to vector<1024x128xf32>
      %select_n3A_816 = arith.select %eq3A_812, %broadcast_in_dim3A_815, %broadcast_in_dim3A_782 : vector<1024x128xi1>, vector<1024x128xf32>
      %jit3A_817 = arith.constant 16 : i32
      %div3A_818 = vector.broadcast %jit3A_817 : i32 to vector<1024x128xi32>
      %div3A_819 = arith.divsi %iota3A_780, %div3A_818 : vector<1024x128xi32>
      %sign3A_820 = arith.constant 0 : i32
      %sign3A_821 = vector.broadcast %sign3A_820 : i32 to vector<1024x128xi32>
      %sign3A_822 = arith.cmpi sgt, %iota3A_780, %sign3A_821 : vector<1024x128xi32>
      %sign3A_823 = arith.extui %sign3A_822 : vector<1024x128xi1> to vector<1024x128xi32>
      %sign3A_824 = arith.constant 0 : i32
      %sign3A_825 = vector.broadcast %sign3A_824 : i32 to vector<1024x128xi32>
      %sign3A_826 = arith.cmpi slt, %iota3A_780, %sign3A_825 : vector<1024x128xi32>
      %sign3A_827 = arith.extui %sign3A_826 : vector<1024x128xi1> to vector<1024x128xi32>
      %sign3A_828 = arith.subi %sign3A_823, %sign3A_827 : vector<1024x128xi32>
      %sign3A_829 = arith.constant 0 : i32
      %sign3A_830 = arith.cmpi sgt, %jit3A_817, %sign3A_829 : i32
      %sign3A_831 = arith.extui %sign3A_830 : i1 to i32
      %sign3A_832 = arith.constant 0 : i32
      %sign3A_833 = arith.cmpi slt, %jit3A_817, %sign3A_832 : i32
      %sign3A_834 = arith.extui %sign3A_833 : i1 to i32
      %sign3A_835 = arith.subi %sign3A_831, %sign3A_834 : i32
      %ne3A_836 = vector.broadcast %sign3A_835 : i32 to vector<1024x128xi32>
      %ne3A_837 = arith.cmpi ne, %sign3A_828, %ne3A_836 : vector<1024x128xi32>
      %rem3A_838 = vector.broadcast %jit3A_817 : i32 to vector<1024x128xi32>
      %rem3A_839 = arith.remsi %iota3A_780, %rem3A_838 : vector<1024x128xi32>
      %ne3A_840 = arith.constant 0 : i32
      %ne3A_841 = vector.broadcast %ne3A_840 : i32 to vector<1024x128xi32>
      %ne3A_842 = arith.cmpi ne, %rem3A_839, %ne3A_841 : vector<1024x128xi32>
      %and3A_843 = arith.andi %ne3A_837, %ne3A_842 : vector<1024x128xi1>
      %sub3A_844 = arith.constant 1 : i32
      %sub3A_845 = vector.broadcast %sub3A_844 : i32 to vector<1024x128xi32>
      %sub3A_846 = arith.subi %div3A_819, %sub3A_845 : vector<1024x128xi32>
      %select_n3A_847 = arith.select %and3A_843, %sub3A_846, %div3A_819 : vector<1024x128xi1>, vector<1024x128xi32>
      %eq3A_848 = arith.constant 1 : i32
      %eq3A_849 = vector.broadcast %eq3A_848 : i32 to vector<1024x128xi32>
      %eq3A_850 = arith.cmpi eq, %select_n3A_847, %eq3A_849 : vector<1024x128xi32>
      %slice3A_851 = vector.extract_strided_slice %div3A_779 {offsets = [0, 1], sizes = [1024, 1], strides = [1, 1]} : vector<1024x5xf32> to vector<1024x1xf32>
      %broadcast_in_dim3A_852 = vector.shape_cast %slice3A_851 : vector<1024x1xf32> to vector<1024x1xf32>
      %broadcast_in_dim3A_853 = vector.broadcast %broadcast_in_dim3A_852 : vector<1024x1xf32> to vector<1024x128xf32>
      %select_n3A_854 = arith.select %eq3A_850, %broadcast_in_dim3A_853, %select_n3A_816 : vector<1024x128xi1>, vector<1024x128xf32>
      %jit3A_855 = arith.constant 16 : i32
      %div3A_856 = vector.broadcast %jit3A_855 : i32 to vector<1024x128xi32>
      %div3A_857 = arith.divsi %iota3A_780, %div3A_856 : vector<1024x128xi32>
      %sign3A_858 = arith.constant 0 : i32
      %sign3A_859 = vector.broadcast %sign3A_858 : i32 to vector<1024x128xi32>
      %sign3A_860 = arith.cmpi sgt, %iota3A_780, %sign3A_859 : vector<1024x128xi32>
      %sign3A_861 = arith.extui %sign3A_860 : vector<1024x128xi1> to vector<1024x128xi32>
      %sign3A_862 = arith.constant 0 : i32
      %sign3A_863 = vector.broadcast %sign3A_862 : i32 to vector<1024x128xi32>
      %sign3A_864 = arith.cmpi slt, %iota3A_780, %sign3A_863 : vector<1024x128xi32>
      %sign3A_865 = arith.extui %sign3A_864 : vector<1024x128xi1> to vector<1024x128xi32>
      %sign3A_866 = arith.subi %sign3A_861, %sign3A_865 : vector<1024x128xi32>
      %sign3A_867 = arith.constant 0 : i32
      %sign3A_868 = arith.cmpi sgt, %jit3A_855, %sign3A_867 : i32
      %sign3A_869 = arith.extui %sign3A_868 : i1 to i32
      %sign3A_870 = arith.constant 0 : i32
      %sign3A_871 = arith.cmpi slt, %jit3A_855, %sign3A_870 : i32
      %sign3A_872 = arith.extui %sign3A_871 : i1 to i32
      %sign3A_873 = arith.subi %sign3A_869, %sign3A_872 : i32
      %ne3A_874 = vector.broadcast %sign3A_873 : i32 to vector<1024x128xi32>
      %ne3A_875 = arith.cmpi ne, %sign3A_866, %ne3A_874 : vector<1024x128xi32>
      %rem3A_876 = vector.broadcast %jit3A_855 : i32 to vector<1024x128xi32>
      %rem3A_877 = arith.remsi %iota3A_780, %rem3A_876 : vector<1024x128xi32>
      %ne3A_878 = arith.constant 0 : i32
      %ne3A_879 = vector.broadcast %ne3A_878 : i32 to vector<1024x128xi32>
      %ne3A_880 = arith.cmpi ne, %rem3A_877, %ne3A_879 : vector<1024x128xi32>
      %and3A_881 = arith.andi %ne3A_875, %ne3A_880 : vector<1024x128xi1>
      %sub3A_882 = arith.constant 1 : i32
      %sub3A_883 = vector.broadcast %sub3A_882 : i32 to vector<1024x128xi32>
      %sub3A_884 = arith.subi %div3A_857, %sub3A_883 : vector<1024x128xi32>
      %select_n3A_885 = arith.select %and3A_881, %sub3A_884, %div3A_857 : vector<1024x128xi1>, vector<1024x128xi32>
      %eq3A_886 = arith.constant 2 : i32
      %eq3A_887 = vector.broadcast %eq3A_886 : i32 to vector<1024x128xi32>
      %eq3A_888 = arith.cmpi eq, %select_n3A_885, %eq3A_887 : vector<1024x128xi32>
      %slice3A_889 = vector.extract_strided_slice %div3A_779 {offsets = [0, 2], sizes = [1024, 1], strides = [1, 1]} : vector<1024x5xf32> to vector<1024x1xf32>
      %broadcast_in_dim3A_890 = vector.shape_cast %slice3A_889 : vector<1024x1xf32> to vector<1024x1xf32>
      %broadcast_in_dim3A_891 = vector.broadcast %broadcast_in_dim3A_890 : vector<1024x1xf32> to vector<1024x128xf32>
      %select_n3A_892 = arith.select %eq3A_888, %broadcast_in_dim3A_891, %select_n3A_854 : vector<1024x128xi1>, vector<1024x128xf32>
      %jit3A_893 = arith.constant 16 : i32
      %div3A_894 = vector.broadcast %jit3A_893 : i32 to vector<1024x128xi32>
      %div3A_895 = arith.divsi %iota3A_780, %div3A_894 : vector<1024x128xi32>
      %sign3A_896 = arith.constant 0 : i32
      %sign3A_897 = vector.broadcast %sign3A_896 : i32 to vector<1024x128xi32>
      %sign3A_898 = arith.cmpi sgt, %iota3A_780, %sign3A_897 : vector<1024x128xi32>
      %sign3A_899 = arith.extui %sign3A_898 : vector<1024x128xi1> to vector<1024x128xi32>
      %sign3A_900 = arith.constant 0 : i32
      %sign3A_901 = vector.broadcast %sign3A_900 : i32 to vector<1024x128xi32>
      %sign3A_902 = arith.cmpi slt, %iota3A_780, %sign3A_901 : vector<1024x128xi32>
      %sign3A_903 = arith.extui %sign3A_902 : vector<1024x128xi1> to vector<1024x128xi32>
      %sign3A_904 = arith.subi %sign3A_899, %sign3A_903 : vector<1024x128xi32>
      %sign3A_905 = arith.constant 0 : i32
      %sign3A_906 = arith.cmpi sgt, %jit3A_893, %sign3A_905 : i32
      %sign3A_907 = arith.extui %sign3A_906 : i1 to i32
      %sign3A_908 = arith.constant 0 : i32
      %sign3A_909 = arith.cmpi slt, %jit3A_893, %sign3A_908 : i32
      %sign3A_910 = arith.extui %sign3A_909 : i1 to i32
      %sign3A_911 = arith.subi %sign3A_907, %sign3A_910 : i32
      %ne3A_912 = vector.broadcast %sign3A_911 : i32 to vector<1024x128xi32>
      %ne3A_913 = arith.cmpi ne, %sign3A_904, %ne3A_912 : vector<1024x128xi32>
      %rem3A_914 = vector.broadcast %jit3A_893 : i32 to vector<1024x128xi32>
      %rem3A_915 = arith.remsi %iota3A_780, %rem3A_914 : vector<1024x128xi32>
      %ne3A_916 = arith.constant 0 : i32
      %ne3A_917 = vector.broadcast %ne3A_916 : i32 to vector<1024x128xi32>
      %ne3A_918 = arith.cmpi ne, %rem3A_915, %ne3A_917 : vector<1024x128xi32>
      %and3A_919 = arith.andi %ne3A_913, %ne3A_918 : vector<1024x128xi1>
      %sub3A_920 = arith.constant 1 : i32
      %sub3A_921 = vector.broadcast %sub3A_920 : i32 to vector<1024x128xi32>
      %sub3A_922 = arith.subi %div3A_895, %sub3A_921 : vector<1024x128xi32>
      %select_n3A_923 = arith.select %and3A_919, %sub3A_922, %div3A_895 : vector<1024x128xi1>, vector<1024x128xi32>
      %eq3A_924 = arith.constant 3 : i32
      %eq3A_925 = vector.broadcast %eq3A_924 : i32 to vector<1024x128xi32>
      %eq3A_926 = arith.cmpi eq, %select_n3A_923, %eq3A_925 : vector<1024x128xi32>
      %slice3A_927 = vector.extract_strided_slice %div3A_779 {offsets = [0, 3], sizes = [1024, 1], strides = [1, 1]} : vector<1024x5xf32> to vector<1024x1xf32>
      %broadcast_in_dim3A_928 = vector.shape_cast %slice3A_927 : vector<1024x1xf32> to vector<1024x1xf32>
      %broadcast_in_dim3A_929 = vector.broadcast %broadcast_in_dim3A_928 : vector<1024x1xf32> to vector<1024x128xf32>
      %select_n3A_930 = arith.select %eq3A_926, %broadcast_in_dim3A_929, %select_n3A_892 : vector<1024x128xi1>, vector<1024x128xf32>
      %jit3A_931 = arith.constant 16 : i32
      %div3A_932 = vector.broadcast %jit3A_931 : i32 to vector<1024x128xi32>
      %div3A_933 = arith.divsi %iota3A_780, %div3A_932 : vector<1024x128xi32>
      %sign3A_934 = arith.constant 0 : i32
      %sign3A_935 = vector.broadcast %sign3A_934 : i32 to vector<1024x128xi32>
      %sign3A_936 = arith.cmpi sgt, %iota3A_780, %sign3A_935 : vector<1024x128xi32>
      %sign3A_937 = arith.extui %sign3A_936 : vector<1024x128xi1> to vector<1024x128xi32>
      %sign3A_938 = arith.constant 0 : i32
      %sign3A_939 = vector.broadcast %sign3A_938 : i32 to vector<1024x128xi32>
      %sign3A_940 = arith.cmpi slt, %iota3A_780, %sign3A_939 : vector<1024x128xi32>
      %sign3A_941 = arith.extui %sign3A_940 : vector<1024x128xi1> to vector<1024x128xi32>
      %sign3A_942 = arith.subi %sign3A_937, %sign3A_941 : vector<1024x128xi32>
      %sign3A_943 = arith.constant 0 : i32
      %sign3A_944 = arith.cmpi sgt, %jit3A_931, %sign3A_943 : i32
      %sign3A_945 = arith.extui %sign3A_944 : i1 to i32
      %sign3A_946 = arith.constant 0 : i32
      %sign3A_947 = arith.cmpi slt, %jit3A_931, %sign3A_946 : i32
      %sign3A_948 = arith.extui %sign3A_947 : i1 to i32
      %sign3A_949 = arith.subi %sign3A_945, %sign3A_948 : i32
      %ne3A_950 = vector.broadcast %sign3A_949 : i32 to vector<1024x128xi32>
      %ne3A_951 = arith.cmpi ne, %sign3A_942, %ne3A_950 : vector<1024x128xi32>
      %rem3A_952 = vector.broadcast %jit3A_931 : i32 to vector<1024x128xi32>
      %rem3A_953 = arith.remsi %iota3A_780, %rem3A_952 : vector<1024x128xi32>
      %ne3A_954 = arith.constant 0 : i32
      %ne3A_955 = vector.broadcast %ne3A_954 : i32 to vector<1024x128xi32>
      %ne3A_956 = arith.cmpi ne, %rem3A_953, %ne3A_955 : vector<1024x128xi32>
      %and3A_957 = arith.andi %ne3A_951, %ne3A_956 : vector<1024x128xi1>
      %sub3A_958 = arith.constant 1 : i32
      %sub3A_959 = vector.broadcast %sub3A_958 : i32 to vector<1024x128xi32>
      %sub3A_960 = arith.subi %div3A_933, %sub3A_959 : vector<1024x128xi32>
      %select_n3A_961 = arith.select %and3A_957, %sub3A_960, %div3A_933 : vector<1024x128xi1>, vector<1024x128xi32>
      %eq3A_962 = arith.constant 4 : i32
      %eq3A_963 = vector.broadcast %eq3A_962 : i32 to vector<1024x128xi32>
      %eq3A_964 = arith.cmpi eq, %select_n3A_961, %eq3A_963 : vector<1024x128xi32>
      %slice3A_965 = vector.extract_strided_slice %div3A_779 {offsets = [0, 4], sizes = [1024, 1], strides = [1, 1]} : vector<1024x5xf32> to vector<1024x1xf32>
      %broadcast_in_dim3A_966 = vector.shape_cast %slice3A_965 : vector<1024x1xf32> to vector<1024x1xf32>
      %broadcast_in_dim3A_967 = vector.broadcast %broadcast_in_dim3A_966 : vector<1024x1xf32> to vector<1024x128xf32>
      %select_n3A_968 = arith.select %eq3A_964, %broadcast_in_dim3A_967, %select_n3A_930 : vector<1024x128xi1>, vector<1024x128xf32>
      %swap3A_969 = arith.constant 0 : index
      %swap3A_970 = arith.constant 0 : index
      %swap3A_971 = vector.load %arg6[%swap3A_969, %swap3A_970] : memref<1024x128xf32, #tpu.memory_space<vmem>>, vector<1024x128xf32>
      tpu.vector_store %arg6[%swap3A_969, %swap3A_970], %select_n3A_968 {strides = array<i32>} : memref<1024x128xf32, #tpu.memory_space<vmem>>, vector<1024x128xf32>,
      %iota3A_972 = tpu.iota {dimensions = array<i32: 1>} : vector<1024x8xi32>
      %lt3A_973 = arith.constant 5 : i32
      %lt3A_974 = vector.broadcast %lt3A_973 : i32 to vector<1024x8xi32>
      %lt3A_975 = arith.cmpi slt, %iota3A_972, %lt3A_974 : vector<1024x8xi32>
      %get3A_976 = arith.constant 0 : index
      %get3A_977 = arith.constant 0 : index
      %get3A_978 = vector.load %arg8[%get3A_976, %get3A_977] : memref<1024x8xf32, #tpu.memory_space<vmem>>, vector<1024x8xf32>
      %convert_element_type3A_979 = arith.fptosi %get3A_978 : vector<1024x8xf32> to vector<1024x8xi32>
      %jit3A_980 = arith.constant 0 : i32
      %broadcast_in_dim3A_981 = vector.broadcast %jit3A_980 : i32 to vector<1024x8xi32>
      %select_n3A_982 = arith.select %lt3A_975, %convert_element_type3A_979, %broadcast_in_dim3A_981 : vector<1024x8xi1>, vector<1024x8xi32>
      %swap3A_983 = arith.constant 0 : index
      %swap3A_984 = arith.constant 0 : index
      %swap3A_985 = vector.load %arg5[%swap3A_983, %swap3A_984] : memref<1024x8xi32, #tpu.memory_space<vmem>>, vector<1024x8xi32>
      tpu.vector_store %arg5[%swap3A_983, %swap3A_984], %select_n3A_982 {strides = array<i32>} : memref<1024x8xi32, #tpu.memory_space<vmem>>, vector<1024x8xi32>,
    } else {
    }
    return
  }
  func.func @transform_0(%arg0: i32) -> (i32, i32) {
    %c0_i32 = arith.constant 0 : i32
    %c0_i32_0 = arith.constant 0 : i32
    %c0_i32_1 = arith.constant 0 : i32
    return %c0_i32, %c0_i32_0 : i32, i32
  }
  func.func @transform_1(%arg0: i32) -> (i32, i32) {
    %c0_i32 = arith.constant 0 : i32
    %c0_i32_0 = arith.constant 0 : i32
    %c0_i32_1 = arith.constant 0 : i32
    return %c0_i32, %c0_i32_0 : i32, i32
  }
  func.func @transform_2(%arg0: i32) -> (i32, i32, i32) {
    %c0_i32 = arith.constant 0 : i32
    %c0_i32_0 = arith.constant 0 : i32
    %c0_i32_1 = arith.constant 0 : i32
    return %arg0, %c0_i32, %c0_i32_0 : i32, i32, i32
  }
  func.func @transform_3(%arg0: i32) -> (i32, i32) {
    %c0_i32 = arith.constant 0 : i32
    %c0_i32_0 = arith.constant 0 : i32
    return %arg0, %c0_i32 : i32, i32
  }
  func.func @transform_4(%arg0: i32) -> (i32, i32) {
    %c0_i32 = arith.constant 0 : i32
    %c0_i32_0 = arith.constant 0 : i32
    %c0_i32_1 = arith.constant 0 : i32
    return %c0_i32, %c0_i32_0 : i32, i32
  }
  func.func @transform_5(%arg0: i32) -> (i32, i32) {
    %c0_i32 = arith.constant 0 : i32
    %c0_i32_0 = arith.constant 0 : i32
    %c0_i32_1 = arith.constant 0 : i32
    return %c0_i32, %c0_i32_0 : i32, i32
  }
}

</mosaic_0001>

<sc_bundles>
// kernel: kernel.4.cloned.1.call-start
scs
__scs_entry_jumppad:
0x0: {  	(pc) =	sbr.rel $0x88, $3  }
0x1: {  	(tag) =	ssettag $0x0;
	lr =	simm.s32 $0x1  }
0x2: {  	[smem:$0x3F9D] =	sst lr;
	_ =	strace $0xD0000000  }
0x3: {  	_ = 	snop  }
0x4: {  	_ = 	snop  }
0x5: {  	_ = 	snop  }
0x6: {  	_ = 	snop  }
0x7: {  	_ = 	snop  }
__scs_overlays_trampoline_lowered:
0x8: {  	[smem:$0x3FAC] =	sst s0  }
0x9: {  	[smem:$0x3FAD] =	sst s1  }
0xa: {  	[smem:$0x3FAE] =	sst s2  }
0xb: {  	[smem:$0x3FAF] =	sst s3  }
0xc: {  	[smem:$0x3FB0] =	sst s4  }
0xd: {  	[smem:$0x3FB1] =	sst s5  }
0xe: {  	[smem:$0x3FB2] =	sst s6  }
0xf: {  	[smem:$0x3FB3] =	sst s7  }
0x10: {  	[smem:$0x3FB4] =	sst s8  }
0x11: {  	[smem:$0x3FB5] =	sst s9;
	s0 =	simm.s32 @!p0 $0x0  }
0x12: {  	s1 =	sld [smem:$0x3F9B];
	s0 =	simm.s32 @p0 $0x1  }
0x13: {  	[smem:$0x3FB6] =	sst s0;
	s0 =	simm.s32 @!p1 $0x0  }
0x14: {  	s2 =	sld [smem:$0x3F9A];
	s0 =	simm.s32 @p1 $0x1  }
0x15: {  	[smem:$0x3FB7] =	sst s0;
	s0 =	simm.s32 @!p2 $0x0  }
0x16: {  	s3 =	sld [smem:$0x3FDB];
	s0 =	simm.s32 @p2 $0x1  }
0x17: {  	s4 =	simm.s32 $0x1BF5;
	[smem:$0x3FB9] =	sst s0  }
0x18: {  	s0 =	sld [smem:$0x3F9C];
	_ =	swait.ge [sflag:s4], $0x0  }
0x19: {  	s7 =	sld [smem:$0x3F9D]  }
0x1a: {  	s8 =	sadd.s32 $0xFFFFE003, lr  }
0x1b: {  	s9 =	sadd.s32 $0xFFFFFEF7, lr;
	s5 =	simm.s32 $0xFFFFFFFF;
	p2 =	slt.u32 s8, $0xFFFFF086  }
0x1c: {  	p1 =	slt.u32 s9, $0xF7A;
	s5 =	simm.s32 @!p2 $0x0  }
0x1d: {  	s5 =	simm.s32 @p1 $0x1;
	p0 =	seq.s32 s7, s2  }
0x1e: {  	s7 =	smul.u32 @!p0 $0xF7A, s2;
	p2 =	seq.s32 @!p0 s5, $0x0  }
0x1f: {  	s9 =	smul.u32 $0xF7A, s1;
	s8 =	simm.s32 @!p0 $0x1BF5;
	p2 =	por !p2, p0  }
0x20: {  	[sflag:s8] =	ssyncset.s32 @!p0 $0xFFFFF086;
	s6 =	sadd.s32 @!p0 s3, s7;
	s7 =	simm.s32 @!p0 $0x108  }
0x21: {  	s3 =	sadd.s32 s3, s9;
	s6 =	sadd.s32 @!p0 $0x88, s6;
	s7 =	simm.s32 @p2 $0x1082  }
0x22: {  	[simem:s7], [sflag:s8] =	dma.local @!p0 [hbm:s6], $0xF7A  }
0x23: {  	s9 =	sor.u32 $0xD0000000, s2;
	s6 =	simm.s32 $0x108;
	_ =	swait.ge @!p0 [sflag:s8], $0x0  }
0x24: {  	s3 =	sadd.s32 $0x88, s3;
	s6 =	simm.s32 @!p1 $0x1082;
	[sflag:s4] =	ssyncset.s32 $0xFFFFF086  }
0x25: {  	[simem:s6], [sflag:s4] =	dma.local [hbm:s3], $0xF7A  }
0x26: {  	[smem:$0x3F9D] =	sst s1;
	(tag) =	ssettag s2;
	_ =	strace s9  }
0x27: {  	s1 =	sld [smem:$0x3FAD]  }
0x28: {  	s2 =	sld [smem:$0x3FAE]  }
0x29: {  	s4 =	sld [smem:$0x3FB0]  }
0x2a: {  	p0 =	seq.s32 s5, $0x0;
	s5 =	sld [smem:$0x3FB1]  }
0x2b: {  	s6 =	sld [smem:$0x3FB2]  }
0x2c: {  	s7 =	sld [smem:$0x3FB3]  }
0x2d: {  	s3 =	simm.s32 $0x108;
	s8 =	sld [smem:$0x3FB4]  }
0x2e: {  	s3 =	simm.s32 @!p0 $0x1082;
	s9 =	sld [smem:$0x3FB5]  }
0x2f: {  	lr =	sadd.s32 s0, s3;
	s0 =	sld [smem:$0x3FAC]  }
0x30: {  	s3 =	sld [smem:$0x3FAF]  }
0x31: {  	[smem:$0x3FB8] =	sst s10  }
0x32: {  	s10 =	sld [smem:$0x3FB6];
	_ =	sdelay $0x3  }
0x33: {  	p0 =	seq.s32 s10, $0x1;
	s10 =	sld [smem:$0x3FB8];
	_ =	sdelay $0x3  }
0x34: {  	[smem:$0x3FB8] =	sst s10  }
0x35: {  	s10 =	sld [smem:$0x3FB7];
	_ =	sdelay $0x3  }
0x36: {  	p1 =	seq.s32 s10, $0x1;
	s10 =	sld [smem:$0x3FB8];
	_ =	sdelay $0x3  }
0x37: {  	[smem:$0x3FB8] =	sst s10  }
0x38: {  	s10 =	sld [smem:$0x3FB9]  }
0x39: {  	_ = 	snop;
	(pc) =	sbr.ind lr, $3  }
0x3a: {  	_ = 	snop  }
0x3b: {  	_ = 	snop  }
0x3c: {  	p2 =	seq.s32 s10, $0x1;
	s10 =	sld [smem:$0x3FB8]  }
0x3d: {  	_ =	shalt  }
0x3e: {  	_ =	shalt  }
0x3f: {  	_ =	shalt  }
0x40: {  	_ =	shalt  }
0x41: {  	_ =	shalt  }
0x42: {  	_ =	shalt  }
0x43: {  	_ =	shalt  }
0x44: {  	_ =	shalt  }
0x45: {  	_ =	shalt  }
0x46: {  	_ =	shalt  }
0x47: {  	_ =	shalt  }
0x48: {  	_ =	shalt  }
0x49: {  	_ =	shalt  }
0x4a: {  	_ =	shalt  }
0x4b: {  	_ =	shalt  }
0x4c: {  	_ =	shalt  }
0x4d: {  	_ =	shalt  }
0x4e: {  	_ =	shalt  }
0x4f: {  	_ =	shalt  }
0x50: {  	_ =	shalt  }
0x51: {  	_ =	shalt  }
0x52: {  	_ =	shalt  }
0x53: {  	_ =	shalt  }
0x54: {  	_ =	shalt  }
0x55: {  	_ =	shalt  }
0x56: {  	_ =	shalt  }
0x57: {  	_ =	shalt  }
0x58: {  	_ =	shalt  }
0x59: {  	_ =	shalt  }
0x5a: {  	_ =	shalt  }
0x5b: {  	_ =	shalt  }
0x5c: {  	_ =	shalt  }
0x5d: {  	_ =	shalt  }
0x5e: {  	_ =	shalt  }
0x5f: {  	_ =	shalt  }
0x60: {  	_ =	shalt  }
0x61: {  	_ =	shalt  }
0x62: {  	_ =	shalt  }
0x63: {  	_ =	shalt  }
0x64: {  	_ =	shalt  }
0x65: {  	_ =	shalt  }
0x66: {  	_ =	shalt  }
0x67: {  	_ =	shalt  }
0x68: {  	_ =	shalt  }
0x69: {  	_ =	shalt  }
0x6a: {  	_ =	shalt  }
0x6b: {  	_ =	shalt  }
0x6c: {  	_ =	shalt  }
0x6d: {  	_ =	shalt  }
0x6e: {  	_ =	shalt  }
0x6f: {  	_ =	shalt  }
0x70: {  	_ =	shalt  }
0x71: {  	_ =	shalt  }
0x72: {  	_ =	shalt  }
0x73: {  	_ =	shalt  }
0x74: {  	_ =	shalt  }
0x75: {  	_ =	shalt  }
0x76: {  	_ =	shalt  }
0x77: {  	_ =	shalt  }
0x78: {  	_ =	shalt  }
0x79: {  	_ =	shalt  }
0x7a: {  	_ =	shalt  }
0x7b: {  	_ =	shalt  }
0x7c: {  	_ =	shalt  }
0x7d: {  	_ =	shalt  }
0x7e: {  	_ =	shalt  }
0x7f: {  	_ =	shalt  }
0x80: {  	_ =	shalt  }
0x81: {  	_ =	shalt  }
0x82: {  	_ =	shalt  }
0x83: {  	_ =	shalt  }
0x84: {  	_ =	shalt  }
0x85: {  	_ =	shalt  }
0x86: {  	_ =	shalt  }
0x87: {  	_ =	shalt  }
.Lfunc_end0:
.L_simem_size_0:
called_computation_lowered:
.L_overlay_start_0:
0x88: {  	s2 =	sld [smem:$0x3FD9]  }
0x89: {  	s3 =	sld [smem:$0x3FFE];
	_ =	sdelay $0x1  }
0x8a: {  	s1 =	srdreg.scid  }
0x8b: {  	s0 =	sand.u32 $0x1, s1  }
0x8c: {  	s17 =	sshll.u32 s0, $0xA;
	s2 =	sadd.s32 s3, s2  }
0x8d: {  	s2 =	sadd.s32 s2, s17  }
0x8e: {  	[smem:$0x3FC4] =	sst s2  }
0x8f: {  	_ = 	snop  }
0x90: {  	s2 =	sld [smem:$0x3FD0];
	(tm) =	ssettm $0x1  }
0x91: {  	s18 =	sld [smem:$0x3FFB];
	_ =	sdelay $0x3  }
0x92: {  	_ =	strace s18  }
0x93: {  	s3 =	sld [smem:$0x3FFC];
	_ =	sdelay $0x3  }
0x94: {  	_ =	strace s3  }
0x95: {  	s3 =	sld [smem:$0x3FFD];
	_ =	sdelay $0x3  }
0x96: {  	_ =	strace s3  }
0x97: {  	_ =	strace $0x8FFFFFFF  }
0x98: {  	s19 =	sld [smem:$0x3FDB];
	_ =	sdelay $0x1  }
0x99: {  	s4 =	simm.s32 $_scs_section_size  }
0x9a: {  	s5 =	simm.s32 $_size__tile_overlayer_lowered;
	s6 =	simm.s32 $_tile_overlayer_lowered  }
0x9b: {  	s22 =	simm.s32 $0x1BFF;
	s21 =	sshll.u32 s6, $0x1;
	s3 =	sadd.s32 s4, s19  }
0x9c: {  	s7 =	simm.s32 $0x0;
	s20 =	sshll.u32 s5, $0x1;
	s5 =	sadd.s32 s21, s3  }
0x9d: {  	[timem:s7], [sflag:s22] =	dma.local [hbm:s5], s20  }
0x9e: {  	_ =	swait.ge [sflag:s22], s20  }
0x9f: {  	s4 =	ssub.s32 $0x0, s20;
	[sflag:s22] =	ssyncset.done $0x0  }
0xa0: {  	[sflag:s22] =	ssyncadd.s32 s4;
	_ =	sdelay $0x1  }
0xa1: {  	s23 =	simm.s32 $0x1B8B  }
0xa2: {  	_ =	swait.ge [sflag:s23], $0x1  }
0xa3: {  	[sflag:s23] =	ssyncset.done $0x0  }
0xa4: {  	s25 =	simm.s32 $0x1B8E;
	s24 =	sld [smem:$0x3FFE];
	[sflag:s23] =	ssyncadd.s32 $0xFFFFFFFF  }
0xa5: {  	s26 =	simm.s32 $execute0_lowered;
	[smem:$0x3FD2] =	sst s25  }
0xa6: {  	s5 =	sshll.u32 s26, $0x1;
	_ =	strace $0x80000046;
	[dreg:$0x1] =	wrdreg $0xFFFFFFFF  }
0xa7: {  	s28 =	simm.s32 $_size_execute0_lowered;
	s3 =	sadd.s32 s3, s5;
	[dreg:$0x0] =	wrdreg $0x0  }
0xa8: {  	s5 =	sshll.u32 s28, $0x1;
	[dreg:$0x2] =	wrdreg s3  }
0xa9: {  	[dreg:$0x3] =	wrdreg s5  }
0xaa: {  	[dreg:$0x4] =	wrdreg $0xC0  }
0xab: {  	_ =	task [dreg:s7], $0x5FFFF  }
0xac: {  	[dreg:$0x1] =	wrdreg $0xFFFFFFFF  }
0xad: {  	[dreg:$0x0] =	wrdreg $0x60  }
0xae: {  	[dreg:$0x2] =	wrdreg s24  }
0xaf: {  	[dreg:$0x3] =	wrdreg s2  }
0xb0: {  	[dreg:$0x4] =	wrdreg $0x9  }
0xb1: {  	_ =	task.clear_ibuf [dreg:s7], $0x5FFFF;
	_ =	strace $0x90000046  }
0xb2: {  	s29 =	simm.s32 $0x9;
	_ =	strace $0x80000048  }
0xb3: {  	_ =	swait.ge [sflag:s29], $0x1  }
0xb4: {  	[sflag:s29] =	ssyncadd.s32 $0xFFFFFFFF  }
0xb5: {  	_ =	strace $0x90000048  }
0xb6: {  	_ =	sfence  }
0xb7: {  	s30 =	sld [smem:$0x0];
	_ =	sdelay $0x2  }
0xb8: {  	s31 =	sshll.u32 s1, $0xD;
	s1 =	sshrl.u32 s1, $0x2  }
0xb9: {  	s3 =	sand.u32 $0x4000, s31;
	s1 =	sadd.s32 s1, s30  }
0xba: {  	s0 =	sor.u32 s3, s0;
	s1 =	sshll.u32 s1, $0x11  }
0xbb: {  	s0 =	sor.u32 s1, s0  }
0xbc: {  	s0 =	sadd.s32 $0x8F2B, s0  }
0xbd: {  	[sflag:s0] =	ssyncadd.remote.s32 $0x1  }
0xbe: {  	_ =	sfence.sel $0xFFFF  }
0xbf: {  	[dreg:$0x0] =	wrdreg $0xFFFFFFFF;
	(pc) =	sbr.abs _section_cstart, $3  }
0xc0: {  	[dreg:$0x1] =	wrdreg $0xFFFFFFFF  }
0xc1: {  	_ =	task.clear_ibuf [dreg:s7], $0x2FFFF;
	_ =	strace $0x9FFFFFFF  }
0xc2: {  	(tm) =	ssettm $0x7FFFFFFF  }
0xc3: {  	_ =	shalt  }
tec
execute0_lowered:
.L_overlay_start_1:
0x0: {  	(tag) =	ssettag $0x1  }
0x1: {  	s4 =	rddreg [dreg:$0x0]  }
0x2: {  	s6 =	rddreg [dreg:$0x1]  }
0x3: {  	s0 =	rddreg [dreg:$0x2];
	s2 =	simm.s32 $0x0  }
0x4: {  	s3 =	srdreg.scid;
	s1 =	stileid.u32;
	s11 =	simm.s32 $0x3  }
0x5: {  	s12 =	simm.s32 $0x1;
	s13 =	simm.s32 $0x2100;
	s14 =	simm.s32 $0x4  }
0x6: {  	[smem:$0x7FF] =	sst s2;
	s5 =	sand.u32 $0x1, s3;
	s7 =	sshll.u32 s1, $0x1  }
0x7: {  	s3 =	sadd.s32 $0x186C00, s4;
	_ =	strace $0x80000047;
	s7 =	sor.u32 s5, s7  }
0x8: {  	s5 =	ssub.s32 $0x2, s5;
	s8 =	sshll.u32 s7, $0x5;
	s9 =	sshll.u32 s7, $0x9  }
0x9: {  	s10 =	sshrl.u32 s5, $0x1;
	s7 =	sshll.u32 s7, $0x6;
	s8 =	sadd.s32 s8, s4  }
0xa: {  	s9 =	sadd.s32 s9, s4;
	s10 =	ssub.s32 s5, s10;
	s6 =	sadd.s32 s6, s7  }
0xb: {  	s4 =	sadd.s32 $0x200, s8;
	s5 =	sadd.s32 $0xF400, s9;
	s7 =	smax.u32 s10, $0x1  }
0xc: {  	s8 =	simm.s32 $0x1100;
	s9 =	simm.s32 $0x2;
	s10 =	simm.s32 $0x100  }
.LBB2_1:
0xd: {  	[tilespmem:s2], [sflag:$0x2] =	stream.linear.gather [hbm4b:s4+s2], $0x100, $0x38;
	[tilespmem:$0x2300] =	vst v63  }
0xe: {  	_ = 	snop  }
0xf: {  	[tilespmem:s8], [sflag:$0x3] =	stream.linear.gather [hbm4b:s5+s2], $0x1000, $0x38;
	[tilespmem:$0x2300] =	vst v63  }
0x10: {  	_ =	swait.ge [sflag:s9], $0x100  }
0x11: {  	[sflag:s9] =	ssyncset.done $0x0  }
0x12: {  	[sflag:s9] =	ssyncadd.s32 $0xFFFFFF00  }
0x13: {  	[tilespmem:s10], [sflag:$0x1] =	stream.indirect.gather [hbm4b:s3+s10], $0x10, s2, s10, $0xb8;
	[tilespmem:$0x2300] =	vst v63  }
0x14: {  	_ =	swait.ge [sflag:s11], $0x1000  }
0x15: {  	[sflag:s11] =	ssyncset.done $0x0  }
0x16: {  	[sflag:s11] =	ssyncadd.s32 $0xFFFFF000  }
0x17: {  	_ =	swait.ge [sflag:s12], $0x1000  }
0x18: {  	[sflag:s12] =	ssyncset.done $0x0  }
0x19: {  	[sflag:s12] =	ssyncadd.s32 $0xFFFFF000  }
0x1a: {  	v0 =	vld [tilespmem:$0x100]  }
0x1b: {  	v1 =	vld [tilespmem:$0x1100]  }
0x1c: {  	v2 =	vld [tilespmem:$0x110]  }
0x1d: {  	v3 =	vld [tilespmem:$0x1110]  }
0x1e: {  	v4 =	vld [tilespmem:$0x120]  }
0x1f: {  	v5 =	vld [tilespmem:$0x1120]  }
0x20: {  	v6 =	vld [tilespmem:$0x130]  }
0x21: {  	v7 =	vld [tilespmem:$0x1130]  }
0x22: {  	v8 =	vld [tilespmem:$0x140]  }
0x23: {  	v9 =	vld [tilespmem:$0x1140]  }
0x24: {  	v10 =	vld [tilespmem:$0x150]  }
0x25: {  	v11 =	vld [tilespmem:$0x1150]  }
0x26: {  	v12 =	vld [tilespmem:$0x160]  }
0x27: {  	v13 =	vld [tilespmem:$0x1160]  }
0x28: {  	v14 =	vld [tilespmem:$0x170]  }
0x29: {  	v15 =	vld [tilespmem:$0x1170]  }
0x2a: {  	v16 =	vld [tilespmem:$0x180]  }
0x2b: {  	v17 =	vld [tilespmem:$0x1180]  }
0x2c: {  	v18 =	vld [tilespmem:$0x190]  }
0x2d: {  	v60 =	vld [tilespmem:$0x3F0]  }
0x2e: {  	v19 =	vld [tilespmem:$0x1190]  }
0x2f: {  	v20 =	vld [tilespmem:$0x1A0]  }
0x30: {  	v21 =	vld [tilespmem:$0x11A0]  }
0x31: {  	v22 =	vld [tilespmem:$0x1B0]  }
0x32: {  	[tilespmem:$0x1EC60] =	vst v60;
	v60 =	vld [tilespmem:$0x14C0]  }
0x33: {  	v23 =	vld [tilespmem:$0x11B0]  }
0x34: {  	v24 =	vld [tilespmem:$0x1C0]  }
0x35: {  	v25 =	vld [tilespmem:$0x11C0]  }
0x36: {  	v26 =	vld [tilespmem:$0x1D0]  }
0x37: {  	[tilespmem:$0x1EC90] =	vst v60;
	v60 =	vld [tilespmem:$0x530]  }
0x38: {  	v36 =	vld [tilespmem:$0x11D0]  }
0x39: {  	v39 =	vld [tilespmem:$0x1E0]  }
0x3a: {  	v41 =	vld [tilespmem:$0x11E0]  }
0x3b: {  	v43 =	vld [tilespmem:$0x1F0]  }
0x3c: {  	[tilespmem:$0x1ECE0] =	vst v60;
	v60 =	vld [tilespmem:$0x1530]  }
0x3d: {  	v58 =	vld [tilespmem:$0x11F0]  }
0x3e: {  	v63 =	vld [tilespmem:$0x200]  }
0x3f: {  	v48 =	vld [tilespmem:$0x1210]  }
0x40: {  	v54 =	vld [tilespmem:$0x220]  }
0x41: {  	[tilespmem:$0x1ECF0] =	vst v60;
	v60 =	vld [tilespmem:$0x540]  }
0x42: {  	v45 =	vld [tilespmem:$0x1220]  }
0x43: {  	v46 =	vld [tilespmem:$0x230]  }
0x44: {  	v44 =	vld [tilespmem:$0x240]  }
0x45: {  	v33 =	vld [tilespmem:$0x1240]  }
0x46: {  	[tilespmem:$0x1ED40] =	vst v60;
	v60 =	vld [tilespmem:$0x1540]  }
0x47: {  	v47 =	vld [tilespmem:$0x250]  }
0x48: {  	v27 =	vld [tilespmem:$0x1260]  }
0x49: {  	v28 =	vld [tilespmem:$0x270]  }
0x4a: {  	v29 =	vld [tilespmem:$0x1270]  }
0x4b: {  	[tilespmem:$0x1ED50] =	vst v60;
	v60 =	vld [tilespmem:$0x550]  }
0x4c: {  	v55 =	vld [tilespmem:$0x2C0]  }
0x4d: {  	v49 =	vld [tilespmem:$0x12C0]  }
0x4e: {  	v56 =	vld [tilespmem:$0x2D0]  }
0x4f: {  	v50 =	vld [tilespmem:$0x12D0]  }
0x50: {  	[tilespmem:$0x1EDA0] =	vst v60;
	v60 =	vld [tilespmem:$0x1550]  }
0x51: {  	v30 =	vld [tilespmem:$0x2E0]  }
0x52: {  	v31 =	vld [tilespmem:$0x12E0]  }
0x53: {  	v32 =	vld [tilespmem:$0x2F0]  }
0x54: {  	v34 =	vld [tilespmem:$0x12F0]  }
0x55: {  	[tilespmem:$0x1EDB0] =	vst v60;
	v60 =	vld [tilespmem:$0x560]  }
0x56: {  	v51 =	vld [tilespmem:$0x1370]  }
0x57: {  	v52 =	vld [tilespmem:$0x3D0]  }
0x58: {  	v53 =	vld [tilespmem:$0x13D0]  }
0x59: {  	v61 =	vld [tilespmem:$0x13F0]  }
0x5a: {  	[tilespmem:$0x1EE30] =	vst v60;
	v60 =	vld [tilespmem:$0x1560]  }
0x5b: {  	v62 =	vmul.f32 v9, v8;
	v9 =	vld [tilespmem:$0x1200]  }
0x5c: {  	v38 =	vmul.f32 v19, v18;
	v19 =	vld [tilespmem:$0x210]  }
0x5d: {  	v35 =	vmul.f32 v3, v2;
	v2 =	vmul.f32 v36, v26;
	v36 =	vld [tilespmem:$0x1230]  }
0x5e: {  	v59 =	vmul.f32 v23, v22;
	v22 =	vmul.f32 v41, v39;
	v41 =	vld [tilespmem:$0x1250]  }
0x5f: {  	[tilespmem:$0x1EE40] =	vst v60;
	v60 =	vld [tilespmem:$0x570]  }
0x60: {  	v26 =	vld [tilespmem:$0x260]  }
0x61: {  	v23 =	vmul.f32 v15, v14;
	v14 =	vld [tilespmem:$0x280]  }
0x62: {  	v42 =	vmul.f32 v21, v20;
	v21 =	vmul.f32 v13, v12;
	v12 =	vld [tilespmem:$0x1280]  }
0x63: {  	v13 =	vld [tilespmem:$0x290]  }
0x64: {  	[tilespmem:$0x1EF30] =	vst v60;
	v60 =	vld [tilespmem:$0x1570]  }
0x65: {  	v20 =	vmul.f32 v11, v10;
	v10 =	vld [tilespmem:$0x1290]  }
0x66: {  	v37 =	vmul.f32 v17, v16;
	v16 =	vld [tilespmem:$0x12A0]  }
0x67: {  	v39 =	vld [tilespmem:$0x2B0]  }
0x68: {  	[tilespmem:$0x1EB10] =	vst v29;
	v29 =	vld [tilespmem:$0x12B0]  }
0x69: {  	[tilespmem:$0x1EF40] =	vst v60;
	v60 =	vld [tilespmem:$0x580]  }
0x6a: {  	v40 =	vmul.f32 v5, v4;
	v4 =	vld [tilespmem:$0x300]  }
0x6b: {  	v0 =	vmul.f32 v1, v0;
	v1 =	vld [tilespmem:$0x1310]  }
0x6c: {  	v11 =	vld [tilespmem:$0x320]  }
0x6d: {  	v8 =	vld [tilespmem:$0x1320]  }
0x6e: {  	[tilespmem:$0x1ED60] =	vst v60;
	v60 =	vld [tilespmem:$0x1580]  }
0x6f: {  	v18 =	vmul.f32 v25, v24;
	v24 =	vmul.f32 v58, v43;
	v43 =	vld [tilespmem:$0x370]  }
0x70: {  	v57 =	vmul.f32 v7, v6;
	v6 =	vld [tilespmem:$0x1380]  }
0x71: {  	v7 =	vld [tilespmem:$0x390]  }
0x72: {  	v5 =	vld [tilespmem:$0x1390]  }
0x73: {  	[tilespmem:$0x1ED70] =	vst v60;
	v60 =	vld [tilespmem:$0x590]  }
0x74: {  	v17 =	vld [tilespmem:$0x3A0]  }
0x75: {  	v15 =	vld [tilespmem:$0x13A0]  }
0x76: {  	[tilespmem:$0x1EB20] =	vst v30;
	v30 =	vld [tilespmem:$0x3B0]  }
0x77: {  	[tilespmem:$0x1EAF0] =	vst v27;
	v27 =	vld [tilespmem:$0x13B0]  }
0x78: {  	[tilespmem:$0x1ED80] =	vst v60;
	v60 =	vld [tilespmem:$0x1590]  }
0x79: {  	[tilespmem:$0x1EBC0] =	vst v51;
	v51 =	vld [tilespmem:$0x13C0]  }
0x7a: {  	v58 =	vld [tilespmem:$0x3E0]  }
0x7b: {  	[tilespmem:$0x1EB30] =	vst v31;
	v31 =	vld [tilespmem:$0x1400]  }
0x7c: {  	[tilespmem:$0x1EB50] =	vst v32;
	v32 =	vld [tilespmem:$0x410]  }
0x7d: {  	[tilespmem:$0x1ED90] =	vst v60;
	v60 =	vld [tilespmem:$0x5A0]  }
0x7e: {  	[tilespmem:$0x1EB90] =	vst v52;
	v52 =	vld [tilespmem:$0x1420]  }
0x7f: {  	[tilespmem:$0x1EB00] =	vst v28;
	v28 =	vld [tilespmem:$0x1450]  }
0x80: {  	[tilespmem:$0x1EB60] =	vst v34;
	v34 =	vld [tilespmem:$0x460]  }
0x81: {  	[tilespmem:$0x1EBA0] =	vst v53;
	v53 =	vld [tilespmem:$0x4B0]  }
0x82: {  	[tilespmem:$0x1EDE0] =	vst v60;
	v60 =	vld [tilespmem:$0x15A0]  }
0x83: {  	[tilespmem:$0x1EC70] =	vst v61;
	v61 =	vld [tilespmem:$0x14B0]  }
0x84: {  	v3 =	vadd.f32 v38, v37;
	v37 =	vld [tilespmem:$0x1340]  }
0x85: {  	v0 =	vadd.f32 v35, v0;
	v35 =	vld [tilespmem:$0x350]  }
0x86: {  	v38 =	vld [tilespmem:$0x360]  }
0x87: {  	[tilespmem:$0x1EDF0] =	vst v60;
	v60 =	vld [tilespmem:$0x5B0]  }
0x88: {  	v3 =	vadd.f32 v42, v3;
	v42 =	vld [tilespmem:$0x340]  }
0x89: {  	v0 =	vadd.f32 v40, v0;
	v40 =	vld [tilespmem:$0x1360]  }
0x8a: {  	[tilespmem:$0x1EAD0] =	vst v19;
	v19 =	vld [tilespmem:$0x1330]  }
0x8b: {  	[tilespmem:$0x1EAC0] =	vst v9;
	v9 =	vld [tilespmem:$0x380]  }
0x8c: {  	[tilespmem:$0x1EE50] =	vst v60;
	v60 =	vld [tilespmem:$0x15B0]  }
0x8d: {  	[tilespmem:$0x1EBD0] =	vst v58;
	v58 =	vld [tilespmem:$0x420]  }
0x8e: {  	[tilespmem:$0x1EAE0] =	vst v26;
	v26 =	vld [tilespmem:$0x450]  }
0x8f: {  	[tilespmem:$0x1EBB0] =	vst v43;
	v43 =	vld [tilespmem:$0x1470]  }
0x90: {  	[tilespmem:$0x1EC40] =	vst v28;
	v28 =	vld [tilespmem:$0x14D0]  }
0x91: {  	[tilespmem:$0x1EE60] =	vst v60;
	v60 =	vld [tilespmem:$0x5C0]  }
0x92: {  	[tilespmem:$0x1ECA0] =	vst v34;
	v34 =	vld [tilespmem:$0x4E0]  }
0x93: {  	[tilespmem:$0x1EC50] =	vst v53;
	v53 =	vld [tilespmem:$0x4F0]  }
0x94: {  	v0 =	vadd.f32 v57, v0;
	v57 =	vld [tilespmem:$0x3C0]  }
0x95: {  	v3 =	vadd.f32 v59, v3;
	v59 =	vld [tilespmem:$0x13E0]  }
0x96: {  	[tilespmem:$0x1EE90] =	vst v60;
	v60 =	vld [tilespmem:$0x15C0]  }
0x97: {  	[tilespmem:$0x1EB70] =	vst v38;
	v38 =	vld [tilespmem:$0x400]  }
0x98: {  	[tilespmem:$0x1EB40] =	vst v35;
	v35 =	vld [tilespmem:$0x1460]  }
0x99: {  	v3 =	vadd.f32 v18, v3;
	v18 =	vld [tilespmem:$0x2A0]  }
0x9a: {  	v0 =	vadd.f32 v62, v0;
	v62 =	vld [tilespmem:$0x1350]  }
0x9b: {  	[tilespmem:$0x1EEA0] =	vst v60;
	v60 =	vld [tilespmem:$0x5D0]  }
0x9c: {  	[tilespmem:$0x1EB80] =	vst v40;
	v40 =	vld [tilespmem:$0x470]  }
0x9d: {  	v2 =	vadd.f32 v2, v3;
	v3 =	vld [tilespmem:$0x310]  }
0x9e: {  	v0 =	vadd.f32 v20, v0;
	v20 =	vld [tilespmem:$0x430]  }
0x9f: {  	[tilespmem:$0x1ED10] =	vst v43;
	v43 =	vld [tilespmem:$0x4A0]  }
0xa0: {  	[tilespmem:$0x1EEB0] =	vst v60;
	v60 =	vld [tilespmem:$0x15D0]  }
0xa1: {  	[tilespmem:$0x1EC30] =	vst v26;
	v26 =	vld [tilespmem:$0x4D0]  }
0xa2: {  	[tilespmem:$0x1ED20] =	vst v34;
	v34 =	vld [tilespmem:$0x1500]  }
0xa3: {  	[tilespmem:$0x1ECD0] =	vst v28;
	v28 =	vld [tilespmem:$0x510]  }
0xa4: {  	[tilespmem:$0x1EDC0] =	vst v53;
	v53 =	vld [tilespmem:$0x1520]  }
0xa5: {  	[tilespmem:$0x1EEC0] =	vst v60;
	v60 =	vld [tilespmem:$0x5E0]  }
0xa6: {  	[tilespmem:$0x1EBE0] =	vst v59;
	v59 =	vld [tilespmem:$0x4C0]  }
0xa7: {  	v0 =	vadd.f32 v21, v0;
	v21 =	vld [tilespmem:$0x330]  }
0xa8: {  	v2 =	vadd.f32 v22, v2;
	v22 =	vld [tilespmem:$0x1430]  }
0xa9: {  	[tilespmem:$0x1ECB0] =	vst v35;
	v35 =	vld [tilespmem:$0x14E0]  }
0xaa: {  	[tilespmem:$0x1EF90] =	vst v60;
	v60 =	vld [tilespmem:$0x15E0]  }
0xab: {  	v25 =	vadd.f32 v24, v2;
	v2 =	vld [tilespmem:$0x1300]  }
0xac: {  	v0 =	vadd.f32 v23, v0;
	v23 =	vld [tilespmem:$0x440];
	[tilespmem:$0x1ED00] =	vst v40  }
0xad: {  	v24 =	vld [tilespmem:$0x1440];
	[tilespmem:$0x1EBF0] =	vst v20  }
0xae: {  	v40 =	vld [tilespmem:$0x14A0];
	[tilespmem:$0x1ECC0] =	vst v26  }
0xaf: {  	[tilespmem:$0x1EFA0] =	vst v60;
	v60 =	vld [tilespmem:$0x5F0]  }
0xb0: {  	v20 =	vld [tilespmem:$0x1490];
	[tilespmem:$0x2100] =	vst v0  }
0xb1: {  	v26 =	vld [tilespmem:$0x1510];
	[tilespmem:$0x2110] =	vst v25  }
0xb2: {  	v25 =	vld [tilespmem:$0x1410];
	[tilespmem:$0x1EC80] =	vst v59  }
0xb3: {  	v59 =	vld [tilespmem:$0x14F0];
	[tilespmem:$0x1EC00] =	vst v22  }
0xb4: {  	[tilespmem:$0x1EFF0] =	vst v60;
	v60 =	vld [tilespmem:$0x15F0]  }
0xb5: {  	v22 =	vld [tilespmem:$0x1480];
	[tilespmem:$0x1ED30] =	vst v35  }
0xb6: {  	v35 =	vld [tilespmem:$0x500];
	[tilespmem:$0x1EC10] =	vst v23  }
0xb7: {  	[tilespmem:$0x1EC20] =	vst v24;
	v24 =	vld [tilespmem:$0x480]  }
0xb8: {  	v23 =	vld [tilespmem:$0x490];
	[tilespmem:$0x1EDD0] =	vst v59  }
0xb9: {  	v59 =	vld [tilespmem:$0x520];
	[tilespmem:$0x1F000] =	vst v60  }
0xba: {  	v0 =	vld [tilespmem:$0x600];
	_ =	sdelay $0x4  }
0xbb: {  	[tilespmem:$0x1EE00] =	vst v0;
	v0 =	vld [tilespmem:$0x620];
	_ =	sdelay $0x4  }
0xbc: {  	[tilespmem:$0x1EE70] =	vst v0;
	v0 =	vld [tilespmem:$0x1620];
	_ =	sdelay $0x4  }
0xbd: {  	[tilespmem:$0x1EE80] =	vst v0;
	v0 =	vld [tilespmem:$0x630];
	_ =	sdelay $0x4  }
0xbe: {  	[tilespmem:$0x1EED0] =	vst v0;
	v0 =	vld [tilespmem:$0x1630];
	_ =	sdelay $0x4  }
0xbf: {  	[tilespmem:$0x1EEE0] =	vst v0;
	v0 =	vld [tilespmem:$0x640];
	_ =	sdelay $0x4  }
0xc0: {  	[tilespmem:$0x1EF50] =	vst v0;
	v0 =	vld [tilespmem:$0x1640];
	_ =	sdelay $0x4  }
0xc1: {  	[tilespmem:$0x1EF60] =	vst v0;
	v0 =	vld [tilespmem:$0x650];
	_ =	sdelay $0x4  }
0xc2: {  	[tilespmem:$0x1EFB0] =	vst v0;
	v0 =	vld [tilespmem:$0x1650];
	_ =	sdelay $0x4  }
0xc3: {  	[tilespmem:$0x1EFC0] =	vst v0;
	v0 =	vld [tilespmem:$0x660];
	_ =	sdelay $0x4  }
0xc4: {  	[tilespmem:$0x1F010] =	vst v0;
	v0 =	vld [tilespmem:$0x1660];
	_ =	sdelay $0x4  }
0xc5: {  	[tilespmem:$0x1F020] =	vst v0;
	v0 =	vld [tilespmem:$0x670];
	_ =	sdelay $0x4  }
0xc6: {  	[tilespmem:$0x1F0B0] =	vst v0;
	v0 =	vld [tilespmem:$0x1670];
	_ =	sdelay $0x4  }
0xc7: {  	[tilespmem:$0x1F0C0] =	vst v0;
	v0 =	vld [tilespmem:$0x680];
	_ =	sdelay $0x4  }
0xc8: {  	[tilespmem:$0x1EEF0] =	vst v0;
	v0 =	vld [tilespmem:$0x1680];
	_ =	sdelay $0x4  }
0xc9: {  	[tilespmem:$0x1EF00] =	vst v0;
	v0 =	vld [tilespmem:$0x690];
	_ =	sdelay $0x4  }
0xca: {  	[tilespmem:$0x1EF10] =	vst v0;
	v0 =	vld [tilespmem:$0x1690];
	_ =	sdelay $0x4  }
0xcb: {  	[tilespmem:$0x1EF20] =	vst v0;
	v0 =	vld [tilespmem:$0x6A0];
	_ =	sdelay $0x4  }
0xcc: {  	[tilespmem:$0x1EF70] =	vst v0;
	v0 =	vld [tilespmem:$0x16A0];
	_ =	sdelay $0x4  }
0xcd: {  	[tilespmem:$0x1EF80] =	vst v0;
	v0 =	vld [tilespmem:$0x6B0];
	_ =	sdelay $0x4  }
0xce: {  	[tilespmem:$0x1EFD0] =	vst v0;
	v0 =	vld [tilespmem:$0x16B0];
	_ =	sdelay $0x4  }
0xcf: {  	[tilespmem:$0x1EFE0] =	vst v0;
	v0 =	vld [tilespmem:$0x6C0];
	_ =	sdelay $0x4  }
0xd0: {  	[tilespmem:$0x1F030] =	vst v0;
	v0 =	vld [tilespmem:$0x16C0];
	_ =	sdelay $0x4  }
0xd1: {  	[tilespmem:$0x1F040] =	vst v0;
	v0 =	vld [tilespmem:$0x6D0];
	_ =	sdelay $0x4  }
0xd2: {  	[tilespmem:$0x1F090] =	vst v0;
	v0 =	vld [tilespmem:$0x16D0];
	_ =	sdelay $0x4  }
0xd3: {  	[tilespmem:$0x1F0A0] =	vst v0;
	v0 =	vld [tilespmem:$0x6E0];
	_ =	sdelay $0x4  }
0xd4: {  	[tilespmem:$0x1F130] =	vst v0;
	v0 =	vld [tilespmem:$0x16E0];
	_ =	sdelay $0x4  }
0xd5: {  	[tilespmem:$0x1F140] =	vst v0;
	v0 =	vld [tilespmem:$0x6F0];
	_ =	sdelay $0x4  }
0xd6: {  	[tilespmem:$0x1F230] =	vst v0;
	v0 =	vld [tilespmem:$0x16F0];
	_ =	sdelay $0x4  }
0xd7: {  	[tilespmem:$0x1F240] =	vst v0;
	v0 =	vld [tilespmem:$0x700];
	_ =	sdelay $0x4  }
0xd8: {  	[tilespmem:$0x1F050] =	vst v0;
	v0 =	vld [tilespmem:$0x1700];
	_ =	sdelay $0x4  }
0xd9: {  	[tilespmem:$0x1F060] =	vst v0;
	v0 =	vld [tilespmem:$0x710];
	_ =	sdelay $0x4  }
0xda: {  	[tilespmem:$0x1F070] =	vst v0;
	v0 =	vld [tilespmem:$0x1710];
	_ =	sdelay $0x4  }
0xdb: {  	[tilespmem:$0x1F080] =	vst v0;
	v0 =	vld [tilespmem:$0x720];
	_ =	sdelay $0x4  }
0xdc: {  	[tilespmem:$0x1F0D0] =	vst v0;
	v0 =	vld [tilespmem:$0x1720];
	_ =	sdelay $0x4  }
0xdd: {  	[tilespmem:$0x1F0E0] =	vst v0;
	v0 =	vld [tilespmem:$0x730];
	_ =	sdelay $0x4  }
0xde: {  	[tilespmem:$0x1F150] =	vst v0;
	v0 =	vld [tilespmem:$0x1730];
	_ =	sdelay $0x4  }
0xdf: {  	[tilespmem:$0x1F160] =	vst v0;
	v0 =	vld [tilespmem:$0x740];
	_ =	sdelay $0x4  }
0xe0: {  	[tilespmem:$0x1F190] =	vst v0;
	v0 =	vld [tilespmem:$0x1740];
	_ =	sdelay $0x4  }
0xe1: {  	[tilespmem:$0x1F1A0] =	vst v0;
	v0 =	vld [tilespmem:$0x750];
	_ =	sdelay $0x4  }
0xe2: {  	[tilespmem:$0x1F1B0] =	vst v0;
	v0 =	vld [tilespmem:$0x1750];
	_ =	sdelay $0x4  }
0xe3: {  	[tilespmem:$0x1F1C0] =	vst v0;
	v0 =	vld [tilespmem:$0x760];
	_ =	sdelay $0x4  }
0xe4: {  	[tilespmem:$0x1F290] =	vst v0;
	v0 =	vld [tilespmem:$0x1760];
	_ =	sdelay $0x4  }
0xe5: {  	[tilespmem:$0x1F2A0] =	vst v0;
	v0 =	vld [tilespmem:$0x770];
	_ =	sdelay $0x4  }
0xe6: {  	[tilespmem:$0x1F2F0] =	vst v0;
	v0 =	vld [tilespmem:$0x1770];
	_ =	sdelay $0x4  }
0xe7: {  	[tilespmem:$0x1F300] =	vst v0;
	v0 =	vld [tilespmem:$0x780];
	_ =	sdelay $0x4  }
0xe8: {  	[tilespmem:$0x1F0F0] =	vst v0;
	v0 =	vld [tilespmem:$0x1780];
	_ =	sdelay $0x4  }
0xe9: {  	[tilespmem:$0x1F100] =	vst v0;
	v0 =	vld [tilespmem:$0x790];
	_ =	sdelay $0x4  }
0xea: {  	[tilespmem:$0x1F110] =	vst v0;
	v0 =	vld [tilespmem:$0x1790];
	_ =	sdelay $0x4  }
0xeb: {  	[tilespmem:$0x1F120] =	vst v0;
	v0 =	vld [tilespmem:$0x7A0];
	_ =	sdelay $0x4  }
0xec: {  	[tilespmem:$0x1F170] =	vst v0;
	v0 =	vld [tilespmem:$0x17A0];
	_ =	sdelay $0x4  }
0xed: {  	[tilespmem:$0x1F180] =	vst v0;
	v0 =	vld [tilespmem:$0x7B0];
	_ =	sdelay $0x4  }
0xee: {  	[tilespmem:$0x1F1D0] =	vst v0;
	v0 =	vld [tilespmem:$0x17B0];
	_ =	sdelay $0x4  }
0xef: {  	[tilespmem:$0x1F1E0] =	vst v0;
	v0 =	vld [tilespmem:$0x7C0];
	_ =	sdelay $0x4  }
0xf0: {  	[tilespmem:$0x1F250] =	vst v0;
	v0 =	vld [tilespmem:$0x17C0];
	_ =	sdelay $0x4  }
0xf1: {  	[tilespmem:$0x1F260] =	vst v0;
	v0 =	vld [tilespmem:$0x7D0];
	_ =	sdelay $0x4  }
0xf2: {  	[tilespmem:$0x1F2B0] =	vst v0;
	v0 =	vld [tilespmem:$0x17D0];
	_ =	sdelay $0x4  }
0xf3: {  	[tilespmem:$0x1F2C0] =	vst v0;
	v0 =	vld [tilespmem:$0x7E0];
	_ =	sdelay $0x4  }
0xf4: {  	[tilespmem:$0x1F310] =	vst v0;
	v0 =	vld [tilespmem:$0x17E0];
	_ =	sdelay $0x4  }
0xf5: {  	[tilespmem:$0x1F320] =	vst v0;
	v0 =	vld [tilespmem:$0x7F0];
	_ =	sdelay $0x4  }
0xf6: {  	[tilespmem:$0x1F3B0] =	vst v0;
	v0 =	vld [tilespmem:$0x17F0];
	_ =	sdelay $0x4  }
0xf7: {  	[tilespmem:$0x1F3C0] =	vst v0;
	v0 =	vld [tilespmem:$0x800];
	_ =	sdelay $0x4  }
0xf8: {  	[tilespmem:$0x1F1F0] =	vst v0;
	v0 =	vld [tilespmem:$0x1800];
	_ =	sdelay $0x4  }
0xf9: {  	[tilespmem:$0x1F200] =	vst v0;
	v0 =	vld [tilespmem:$0x810];
	_ =	sdelay $0x4  }
0xfa: {  	[tilespmem:$0x1F210] =	vst v0;
	v0 =	vld [tilespmem:$0x1810];
	_ =	sdelay $0x4  }
0xfb: {  	[tilespmem:$0x1F220] =	vst v0;
	v0 =	vld [tilespmem:$0x820];
	_ =	sdelay $0x4  }
0xfc: {  	[tilespmem:$0x1F270] =	vst v0;
	v0 =	vld [tilespmem:$0x1820];
	_ =	sdelay $0x4  }
0xfd: {  	[tilespmem:$0x1F280] =	vst v0;
	v0 =	vld [tilespmem:$0x830];
	_ =	sdelay $0x4  }
0xfe: {  	[tilespmem:$0x1F2D0] =	vst v0;
	v0 =	vld [tilespmem:$0x1830];
	_ =	sdelay $0x4  }
0xff: {  	[tilespmem:$0x1F2E0] =	vst v0;
	v0 =	vld [tilespmem:$0x840];
	_ =	sdelay $0x4  }
0x100: {  	[tilespmem:$0x1F330] =	vst v0;
	v0 =	vld [tilespmem:$0x1840];
	_ =	sdelay $0x4  }
0x101: {  	[tilespmem:$0x1F340] =	vst v0;
	v0 =	vld [tilespmem:$0x850];
	_ =	sdelay $0x4  }
0x102: {  	[tilespmem:$0x1F390] =	vst v0;
	v0 =	vld [tilespmem:$0x1850];
	_ =	sdelay $0x4  }
0x103: {  	[tilespmem:$0x1F3A0] =	vst v0;
	v0 =	vld [tilespmem:$0x860];
	_ =	sdelay $0x4  }
0x104: {  	[tilespmem:$0x1F430] =	vst v0;
	v0 =	vld [tilespmem:$0x1860];
	_ =	sdelay $0x4  }
0x105: {  	[tilespmem:$0x1F440] =	vst v0;
	v0 =	vld [tilespmem:$0x870];
	_ =	sdelay $0x4  }
0x106: {  	[tilespmem:$0x1F530] =	vst v0;
	v0 =	vld [tilespmem:$0x1870];
	_ =	sdelay $0x4  }
0x107: {  	[tilespmem:$0x1F540] =	vst v0;
	v0 =	vld [tilespmem:$0x880];
	_ =	sdelay $0x4  }
0x108: {  	[tilespmem:$0x1F350] =	vst v0;
	v0 =	vld [tilespmem:$0x1880];
	_ =	sdelay $0x4  }
0x109: {  	[tilespmem:$0x1F360] =	vst v0;
	v0 =	vld [tilespmem:$0x890];
	_ =	sdelay $0x4  }
0x10a: {  	[tilespmem:$0x1F370] =	vst v0;
	v0 =	vld [tilespmem:$0x1890];
	_ =	sdelay $0x4  }
0x10b: {  	[tilespmem:$0x1F380] =	vst v0;
	v0 =	vld [tilespmem:$0x8A0];
	_ =	sdelay $0x4  }
0x10c: {  	[tilespmem:$0x1F3D0] =	vst v0;
	v0 =	vld [tilespmem:$0x18A0];
	_ =	sdelay $0x4  }
0x10d: {  	[tilespmem:$0x1F3E0] =	vst v0;
	v0 =	vld [tilespmem:$0x8B0];
	_ =	sdelay $0x4  }
0x10e: {  	[tilespmem:$0x1F450] =	vst v0;
	v0 =	vld [tilespmem:$0x18B0];
	_ =	sdelay $0x4  }
0x10f: {  	[tilespmem:$0x1F460] =	vst v0;
	v0 =	vld [tilespmem:$0x8C0];
	_ =	sdelay $0x4  }
0x110: {  	[tilespmem:$0x1F490] =	vst v0;
	v0 =	vld [tilespmem:$0x18C0];
	_ =	sdelay $0x4  }
0x111: {  	[tilespmem:$0x1F4A0] =	vst v0;
	v0 =	vld [tilespmem:$0x8D0];
	_ =	sdelay $0x4  }
0x112: {  	[tilespmem:$0x1F4B0] =	vst v0;
	v0 =	vld [tilespmem:$0x18D0];
	_ =	sdelay $0x4  }
0x113: {  	[tilespmem:$0x1F4C0] =	vst v0;
	v0 =	vld [tilespmem:$0x8E0];
	_ =	sdelay $0x4  }
0x114: {  	[tilespmem:$0x1F590] =	vst v0;
	v0 =	vld [tilespmem:$0x18E0];
	_ =	sdelay $0x4  }
0x115: {  	[tilespmem:$0x1F5A0] =	vst v0;
	v0 =	vld [tilespmem:$0x8F0];
	_ =	sdelay $0x4  }
0x116: {  	[tilespmem:$0x1F5F0] =	vst v0;
	v0 =	vld [tilespmem:$0x18F0];
	_ =	sdelay $0x4  }
0x117: {  	[tilespmem:$0x1F600] =	vst v0;
	v0 =	vld [tilespmem:$0x900];
	_ =	sdelay $0x4  }
0x118: {  	[tilespmem:$0x1F3F0] =	vst v0;
	v0 =	vld [tilespmem:$0x1900];
	_ =	sdelay $0x4  }
0x119: {  	[tilespmem:$0x1F400] =	vst v0;
	v0 =	vld [tilespmem:$0x910];
	_ =	sdelay $0x4  }
0x11a: {  	[tilespmem:$0x1F410] =	vst v0;
	v0 =	vld [tilespmem:$0x1910];
	_ =	sdelay $0x4  }
0x11b: {  	[tilespmem:$0x1F420] =	vst v0;
	v0 =	vld [tilespmem:$0x920];
	_ =	sdelay $0x4  }
0x11c: {  	[tilespmem:$0x1F470] =	vst v0;
	v0 =	vld [tilespmem:$0x1920];
	_ =	sdelay $0x4  }
0x11d: {  	[tilespmem:$0x1F480] =	vst v0;
	v0 =	vld [tilespmem:$0x930];
	_ =	sdelay $0x4  }
0x11e: {  	[tilespmem:$0x1F4D0] =	vst v0;
	v0 =	vld [tilespmem:$0x1930];
	_ =	sdelay $0x4  }
0x11f: {  	[tilespmem:$0x1F4E0] =	vst v0;
	v0 =	vld [tilespmem:$0x940];
	_ =	sdelay $0x4  }
0x120: {  	[tilespmem:$0x1F550] =	vst v0;
	v0 =	vld [tilespmem:$0x1940];
	_ =	sdelay $0x4  }
0x121: {  	[tilespmem:$0x1F560] =	vst v0;
	v0 =	vld [tilespmem:$0x950];
	_ =	sdelay $0x4  }
0x122: {  	[tilespmem:$0x1F5B0] =	vst v0;
	v0 =	vld [tilespmem:$0x1950];
	_ =	sdelay $0x4  }
0x123: {  	[tilespmem:$0x1F5C0] =	vst v0;
	v0 =	vld [tilespmem:$0x960];
	_ =	sdelay $0x4  }
0x124: {  	[tilespmem:$0x1F610] =	vst v0;
	v0 =	vld [tilespmem:$0x1960];
	_ =	sdelay $0x4  }
0x125: {  	[tilespmem:$0x1F620] =	vst v0;
	v0 =	vld [tilespmem:$0x970];
	_ =	sdelay $0x4  }
0x126: {  	[tilespmem:$0x1F6B0] =	vst v0;
	v0 =	vld [tilespmem:$0x1970];
	_ =	sdelay $0x4  }
0x127: {  	[tilespmem:$0x1F6C0] =	vst v0;
	v0 =	vld [tilespmem:$0x980];
	_ =	sdelay $0x4  }
0x128: {  	[tilespmem:$0x1F4F0] =	vst v0;
	v0 =	vld [tilespmem:$0x1980];
	_ =	sdelay $0x4  }
0x129: {  	[tilespmem:$0x1F500] =	vst v0;
	v0 =	vld [tilespmem:$0x990];
	_ =	sdelay $0x4  }
0x12a: {  	[tilespmem:$0x1F510] =	vst v0;
	v0 =	vld [tilespmem:$0x1990];
	_ =	sdelay $0x4  }
0x12b: {  	[tilespmem:$0x1F520] =	vst v0;
	v0 =	vld [tilespmem:$0x9A0];
	_ =	sdelay $0x4  }
0x12c: {  	[tilespmem:$0x1F570] =	vst v0;
	v0 =	vld [tilespmem:$0x19A0];
	_ =	sdelay $0x4  }
0x12d: {  	[tilespmem:$0x1F580] =	vst v0;
	v0 =	vld [tilespmem:$0x9B0];
	_ =	sdelay $0x4  }
0x12e: {  	[tilespmem:$0x1F5D0] =	vst v0;
	v0 =	vld [tilespmem:$0x19B0];
	_ =	sdelay $0x4  }
0x12f: {  	[tilespmem:$0x1F5E0] =	vst v0;
	v0 =	vld [tilespmem:$0x9C0];
	_ =	sdelay $0x4  }
0x130: {  	[tilespmem:$0x1F630] =	vst v0;
	v0 =	vld [tilespmem:$0x19C0];
	_ =	sdelay $0x4  }
0x131: {  	[tilespmem:$0x1F640] =	vst v0;
	v0 =	vld [tilespmem:$0x9D0];
	_ =	sdelay $0x4  }
0x132: {  	[tilespmem:$0x1F690] =	vst v0;
	v0 =	vld [tilespmem:$0x19D0];
	_ =	sdelay $0x4  }
0x133: {  	[tilespmem:$0x1F6A0] =	vst v0;
	v0 =	vld [tilespmem:$0x9E0];
	_ =	sdelay $0x4  }
0x134: {  	[tilespmem:$0x1F730] =	vst v0;
	v0 =	vld [tilespmem:$0x19E0];
	_ =	sdelay $0x4  }
0x135: {  	[tilespmem:$0x1F740] =	vst v0;
	v0 =	vld [tilespmem:$0x9F0];
	_ =	sdelay $0x4  }
0x136: {  	[tilespmem:$0x1F830] =	vst v0;
	v0 =	vld [tilespmem:$0x19F0];
	_ =	sdelay $0x4  }
0x137: {  	[tilespmem:$0x1F840] =	vst v0;
	v0 =	vld [tilespmem:$0xA00];
	_ =	sdelay $0x4  }
0x138: {  	[tilespmem:$0x1F650] =	vst v0;
	v0 =	vld [tilespmem:$0x1A00];
	_ =	sdelay $0x4  }
0x139: {  	[tilespmem:$0x1F660] =	vst v0;
	v0 =	vld [tilespmem:$0xA10];
	_ =	sdelay $0x4  }
0x13a: {  	[tilespmem:$0x1F670] =	vst v0;
	v0 =	vld [tilespmem:$0x1A10];
	_ =	sdelay $0x4  }
0x13b: {  	[tilespmem:$0x1F680] =	vst v0;
	v0 =	vld [tilespmem:$0xA20];
	_ =	sdelay $0x4  }
0x13c: {  	[tilespmem:$0x1F6D0] =	vst v0;
	v0 =	vld [tilespmem:$0x1A20];
	_ =	sdelay $0x4  }
0x13d: {  	[tilespmem:$0x1F6E0] =	vst v0;
	v0 =	vld [tilespmem:$0xA30];
	_ =	sdelay $0x4  }
0x13e: {  	[tilespmem:$0x1F750] =	vst v0;
	v0 =	vld [tilespmem:$0x1A30];
	_ =	sdelay $0x4  }
0x13f: {  	[tilespmem:$0x1F760] =	vst v0;
	v0 =	vld [tilespmem:$0xA40];
	_ =	sdelay $0x4  }
0x140: {  	[tilespmem:$0x1F790] =	vst v0;
	v0 =	vld [tilespmem:$0x1A40];
	_ =	sdelay $0x4  }
0x141: {  	[tilespmem:$0x1F7A0] =	vst v0;
	v0 =	vld [tilespmem:$0xA50];
	_ =	sdelay $0x4  }
0x142: {  	[tilespmem:$0x1F7B0] =	vst v0;
	v0 =	vld [tilespmem:$0x1A50];
	_ =	sdelay $0x4  }
0x143: {  	[tilespmem:$0x1F7C0] =	vst v0;
	v0 =	vld [tilespmem:$0xA60];
	_ =	sdelay $0x4  }
0x144: {  	[tilespmem:$0x1F890] =	vst v0;
	v0 =	vld [tilespmem:$0xB80];
	_ =	sdelay $0x4  }
0x145: {  	[tilespmem:$0x1F950] =	vst v0;
	v0 =	vld [tilespmem:$0x1A60];
	_ =	sdelay $0x4  }
0x146: {  	[tilespmem:$0x1F8A0] =	vst v0;
	v0 =	vld [tilespmem:$0xA70];
	_ =	sdelay $0x4  }
0x147: {  	[tilespmem:$0x1F8F0] =	vst v0;
	v0 =	vld [tilespmem:$0x1A70];
	_ =	sdelay $0x4  }
0x148: {  	[tilespmem:$0x1F900] =	vst v0;
	v0 =	vld [tilespmem:$0xA80];
	_ =	sdelay $0x4  }
0x149: {  	[tilespmem:$0x1F6F0] =	vst v0;
	v0 =	vld [tilespmem:$0x1A80];
	_ =	sdelay $0x4  }
0x14a: {  	[tilespmem:$0x1F700] =	vst v0;
	v0 =	vld [tilespmem:$0xA90];
	_ =	sdelay $0x4  }
0x14b: {  	[tilespmem:$0x1F710] =	vst v0;
	v0 =	vld [tilespmem:$0x1A90];
	_ =	sdelay $0x4  }
0x14c: {  	[tilespmem:$0x1F720] =	vst v0;
	v0 =	vld [tilespmem:$0xAA0];
	_ =	sdelay $0x4  }
0x14d: {  	[tilespmem:$0x1F770] =	vst v0;
	v0 =	vld [tilespmem:$0x1AA0];
	_ =	sdelay $0x4  }
0x14e: {  	[tilespmem:$0x1F780] =	vst v0;
	v0 =	vld [tilespmem:$0xAB0];
	_ =	sdelay $0x4  }
0x14f: {  	[tilespmem:$0x1F7D0] =	vst v0;
	v0 =	vld [tilespmem:$0xAD0];
	_ =	sdelay $0x4  }
0x150: {  	[tilespmem:$0x1F8B0] =	vst v0;
	v0 =	vld [tilespmem:$0x1AB0];
	_ =	sdelay $0x4  }
0x151: {  	[tilespmem:$0x1F7E0] =	vst v0;
	v0 =	vld [tilespmem:$0xAC0];
	_ =	sdelay $0x4  }
0x152: {  	[tilespmem:$0x1F850] =	vst v0;
	v0 =	vld [tilespmem:$0x1AC0];
	_ =	sdelay $0x4  }
0x153: {  	[tilespmem:$0x1F860] =	vst v0;
	v0 =	vld [tilespmem:$0x1AD0];
	_ =	sdelay $0x4  }
0x154: {  	[tilespmem:$0x1F8C0] =	vst v0;
	v0 =	vld [tilespmem:$0xAE0];
	_ =	sdelay $0x4  }
0x155: {  	[tilespmem:$0x1F910] =	vst v0;
	v0 =	vld [tilespmem:$0x1AE0];
	_ =	sdelay $0x4  }
0x156: {  	[tilespmem:$0x1F920] =	vst v0;
	v0 =	vld [tilespmem:$0xAF0];
	_ =	sdelay $0x4  }
0x157: {  	[tilespmem:$0x1F9B0] =	vst v0;
	v0 =	vld [tilespmem:$0x1D50];
	_ =	sdelay $0x4  }
0x158: {  	[tilespmem:$0x1FCF0] =	vst v0;
	v0 =	vld [tilespmem:$0x1AF0];
	_ =	sdelay $0x4  }
0x159: {  	[tilespmem:$0x1F9C0] =	vst v0;
	v0 =	vld [tilespmem:$0xC70];
	_ =	sdelay $0x4  }
0x15a: {  	[tilespmem:$0x1FC50] =	vst v0;
	v0 =	vld [tilespmem:$0xB00];
	_ =	sdelay $0x4  }
0x15b: {  	[tilespmem:$0x1F7F0] =	vst v0;
	v0 =	vld [tilespmem:$0x1B00];
	_ =	sdelay $0x4  }
0x15c: {  	[tilespmem:$0x1F800] =	vst v0;
	v0 =	vld [tilespmem:$0xB10];
	_ =	sdelay $0x4  }
0x15d: {  	[tilespmem:$0x1F810] =	vst v0;
	v0 =	vld [tilespmem:$0xD20];
	_ =	sdelay $0x4  }
0x15e: {  	[tilespmem:$0x1FC00] =	vst v0;
	v0 =	vld [tilespmem:$0x1B10];
	_ =	sdelay $0x4  }
0x15f: {  	[tilespmem:$0x1F820] =	vst v0;
	v0 =	vld [tilespmem:$0xCD0];
	_ =	sdelay $0x4  }
0x160: {  	[tilespmem:$0x1FBC0] =	vst v0;
	v0 =	vld [tilespmem:$0xB20];
	_ =	sdelay $0x4  }
0x161: {  	[tilespmem:$0x1F870] =	vst v0;
	v0 =	vld [tilespmem:$0xD00];
	_ =	sdelay $0x4  }
0x162: {  	[tilespmem:$0x1FB90] =	vst v0;
	v0 =	vld [tilespmem:$0xD10];
	_ =	sdelay $0x4  }
0x163: {  	[tilespmem:$0x1FBA0] =	vst v0;
	v0 =	vld [tilespmem:$0x1C60];
	_ =	sdelay $0x4  }
0x164: {  	[tilespmem:$0x1FB70] =	vst v0;
	v0 =	vld [tilespmem:$0x1B20];
	_ =	sdelay $0x4  }
0x165: {  	[tilespmem:$0x1F880] =	vst v0;
	v0 =	vld [tilespmem:$0xB30];
	_ =	sdelay $0x4  }
0x166: {  	[tilespmem:$0x1F8D0] =	vst v0;
	v0 =	vld [tilespmem:$0x1B30];
	_ =	sdelay $0x4  }
0x167: {  	[tilespmem:$0x1F8E0] =	vst v0;
	v0 =	vld [tilespmem:$0xB40];
	_ =	sdelay $0x4  }
0x168: {  	[tilespmem:$0x1F930] =	vst v0;
	v0 =	vld [tilespmem:$0x1B40];
	_ =	sdelay $0x4  }
0x169: {  	[tilespmem:$0x1F940] =	vst v0;
	v0 =	vld [tilespmem:$0xC50];
	_ =	sdelay $0x4  }
0x16a: {  	[tilespmem:$0x1FB20] =	vst v0;
	v0 =	vld [tilespmem:$0xCB0];
	_ =	sdelay $0x4  }
0x16b: {  	[tilespmem:$0x1FB40] =	vst v0;
	v0 =	vld [tilespmem:$0xB50];
	_ =	sdelay $0x4  }
0x16c: {  	[tilespmem:$0x1F990] =	vst v0;
	v0 =	vld [tilespmem:$0x1B50];
	_ =	sdelay $0x4  }
0x16d: {  	[tilespmem:$0x1F9A0] =	vst v0;
	v0 =	vld [tilespmem:$0xC40];
	_ =	sdelay $0x4  }
0x16e: {  	[tilespmem:$0x1FAE0] =	vst v0;
	v0 =	vld [tilespmem:$0xBE0];
	_ =	sdelay $0x4  }
0x16f: {  	[tilespmem:$0x1FB00] =	vst v0;
	v0 =	vld [tilespmem:$0x1C80];
	_ =	sdelay $0x4  }
0x170: {  	[tilespmem:$0x1FAB0] =	vst v0;
	v0 =	vld [tilespmem:$0xB60];
	_ =	sdelay $0x4  }
0x171: {  	[tilespmem:$0x1FA10] =	vst v0;
	v0 =	vld [tilespmem:$0x1B60];
	_ =	sdelay $0x4  }
0x172: {  	[tilespmem:$0x1FA20] =	vst v0;
	v0 =	vld [tilespmem:$0xB70];
	_ =	sdelay $0x4  }
0x173: {  	[tilespmem:$0x1FAC0] =	vst v0;
	v0 =	vld [tilespmem:$0xCA0];
	_ =	sdelay $0x4  }
0x174: {  	[tilespmem:$0x1FAF0] =	vst v0;
	v0 =	vld [tilespmem:$0x1B70];
	_ =	sdelay $0x4  }
0x175: {  	[tilespmem:$0x1FAD0] =	vst v0;
	v0 =	vld [tilespmem:$0x1BB0];
	_ =	sdelay $0x4  }
0x176: {  	[tilespmem:$0x1FA30] =	vst v0;
	v0 =	vld [tilespmem:$0x1B80];
	_ =	sdelay $0x4  }
0x177: {  	[tilespmem:$0x1F960] =	vst v0;
	v0 =	vld [tilespmem:$0x1C20];
	_ =	sdelay $0x4  }
0x178: {  	[tilespmem:$0x1FA50] =	vst v0;
	v0 =	vld [tilespmem:$0xB90];
	_ =	sdelay $0x4  }
0x179: {  	[tilespmem:$0x1F970] =	vst v0;
	v0 =	vld [tilespmem:$0x1B90];
	_ =	sdelay $0x4  }
0x17a: {  	[tilespmem:$0x1F980] =	vst v0;
	v0 =	vld [tilespmem:$0xBA0];
	_ =	sdelay $0x4  }
0x17b: {  	[tilespmem:$0x1F9D0] =	vst v0;
	v0 =	vld [tilespmem:$0x1C00];
	_ =	sdelay $0x4  }
0x17c: {  	[tilespmem:$0x1F9F0] =	vst v0;
	v0 =	vld [tilespmem:$0x1BA0];
	_ =	sdelay $0x4  }
0x17d: {  	[tilespmem:$0x1F9E0] =	vst v0;
	v0 =	vld [tilespmem:$0xBB0];
	_ =	sdelay $0x4  }
0x17e: {  	[tilespmem:$0x1FA40] =	vst v0;
	v0 =	vld [tilespmem:$0xBC0];
	_ =	sdelay $0x4  }
0x17f: {  	[tilespmem:$0x1FA70] =	vst v0;
	v0 =	vld [tilespmem:$0x1BC0];
	_ =	sdelay $0x4  }
0x180: {  	[tilespmem:$0x1FA80] =	vst v0;
	v0 =	vld [tilespmem:$0xBD0]  }
0x181: {  	v60 =	vld [tilespmem:$0x1600]  }
0x182: {  	v45 =	vmul.f32 v45, v54;
	v54 =	vld [tilespmem:$0xBF0]  }
0x183: {  	v36 =	vmul.f32 v36, v46;
	v46 =	vld [tilespmem:$0xC00]  }
0x184: {  	v33 =	vmul.f32 v33, v44;
	v44 =	vld [tilespmem:$0x1C10]  }
0x185: {  	[tilespmem:$0x1FA90] =	vst v0;
	v0 =	vld [tilespmem:$0x1EAC0]  }
0x186: {  	v12 =	vmul.f32 v12, v14;
	v10 =	vmul.f32 v10, v13;
	v14 =	vld [tilespmem:$0xC30]  }
0x187: {  	v47 =	vmul.f32 v41, v47;
	v41 =	vmul.f32 v8, v11;
	v13 =	vld [tilespmem:$0x1C40]  }
0x188: {  	v1 =	vmul.f32 v1, v3;
	v2 =	vmul.f32 v2, v4;
	v11 =	vld [tilespmem:$0xC80]  }
0x189: {  	v10 =	vadd.f32 v10, v12;
	v12 =	vld [tilespmem:$0x1C90]  }
0x18a: {  	v1 =	vadd.f32 v1, v2;
	v0 =	vmul.f32 v0, v63;
	v63 =	vld [tilespmem:$0x1EAD0]  }
0x18b: {  	[tilespmem:$0x1EE10] =	vst v60;
	v60 =	vld [tilespmem:$0x610]  }
0x18c: {  	v1 =	vadd.f32 v41, v1;
	v41 =	vld [tilespmem:$0x1EB60]  }
0x18d: {  	v8 =	vld [tilespmem:$0x1ECE0]  }
0x18e: {  	[tilespmem:$0x1FB50] =	vst v54;
	v54 =	vld [tilespmem:$0x1EAE0]  }
0x18f: {  	v48 =	vmul.f32 v48, v63;
	v63 =	vld [tilespmem:$0x1BD0]  }
0x190: {  	[tilespmem:$0x1EE20] =	vst v60;
	v60 =	vld [tilespmem:$0x1610]  }
0x191: {  	v0 =	vadd.f32 v48, v0;
	v48 =	vmul.f32 v16, v18;
	v16 =	vld [tilespmem:$0x1C30]  }
0x192: {  	v18 =	vld [tilespmem:$0x1EAF0]  }
0x193: {  	v0 =	vadd.f32 v45, v0;
	v45 =	vld [tilespmem:$0xC20]  }
0x194: {  	[tilespmem:$0x1FAA0] =	vst v63;
	v63 =	vld [tilespmem:$0x1BE0]  }
0x195: {  	v0 =	vadd.f32 v36, v0;
	v36 =	vmul.f32 v29, v39;
	v39 =	vld [tilespmem:$0x1C50]  }
0x196: {  	v29 =	vld [tilespmem:$0xC60]  }
0x197: {  	v3 =	vmul.f32 v18, v54;
	v54 =	vld [tilespmem:$0x1EB10]  }
0x198: {  	v18 =	vmul.f32 v52, v58;
	v52 =	vld [tilespmem:$0xD40]  }
0x199: {  	v58 =	vld [tilespmem:$0x1ECC0]  }
0x19a: {  	v0 =	vadd.f32 v33, v0;
	v33 =	vadd.f32 v48, v10;
	v10 =	vld [tilespmem:$0x1C70]  }
0x19b: {  	v48 =	vmul.f32 v19, v21;
	v19 =	vld [tilespmem:$0x1EB20]  }
0x19c: {  	v21 =	vld [tilespmem:$0x1EB30]  }
0x19d: {  	[tilespmem:$0x1FA60] =	vst v45;
	v45 =	vmul.f32 v49, v55;
	v49 =	vmul.f32 v6, v9;
	v9 =	vld [tilespmem:$0xC90]  }
0x19e: {  	v55 =	vmul.f32 v37, v42;
	v37 =	vmul.f32 v27, v30;
	v27 =	vld [tilespmem:$0xCC0]  }
0x19f: {  	v42 =	vld [tilespmem:$0x1CC0]  }
0x1a0: {  	v30 =	vld [tilespmem:$0x1EBF0]  }
0x1a1: {  	[tilespmem:$0x1FB10] =	vst v63;
	v63 =	vld [tilespmem:$0x1BF0]  }
0x1a2: {  	v0 =	vadd.f32 v47, v0;
	v47 =	vmul.f32 v50, v56;
	v50 =	vld [tilespmem:$0x1EB00]  }
0x1a3: {  	v56 =	vmul.f32 v15, v17;
	v17 =	vld [tilespmem:$0x1CA0]  }
0x1a4: {  	[tilespmem:$0x1FA00] =	vst v44;
	v44 =	vadd.f32 v36, v33;
	v33 =	vld [tilespmem:$0x1EB40]  }
0x1a5: {  	v15 =	vld [tilespmem:$0x1CB0]  }
0x1a6: {  	v5 =	vmul.f32 v5, v7;
	v1 =	vadd.f32 v48, v1;
	v48 =	vld [tilespmem:$0x1CD0]  }
0x1a7: {  	[tilespmem:$0x1FB30] =	vst v39;
	v39 =	vld [tilespmem:$0x1EB50]  }
0x1a8: {  	v4 =	vadd.f32 v5, v49;
	v49 =	vmul.f32 v31, v38;
	v31 =	vld [tilespmem:$0x1EC00]  }
0x1a9: {  	v38 =	vld [tilespmem:$0x1EC20]  }
0x1aa: {  	v0 =	vadd.f32 v3, v0;
	v3 =	vadd.f32 v45, v44;
	v44 =	vld [tilespmem:$0x1EB70]  }
0x1ab: {  	v45 =	vld [tilespmem:$0x1EB80]  }
0x1ac: {  	v1 =	vadd.f32 v55, v1;
	v55 =	vld [tilespmem:$0x1EBA0]  }
0x1ad: {  	v36 =	vadd.f32 v56, v4;
	v56 =	vld [tilespmem:$0x1CE0]  }
0x1ae: {  	v7 =	vmul.f32 v21, v19;
	v19 =	vld [tilespmem:$0xCF0]  }
0x1af: {  	v21 =	vmul.f32 v22, v24;
	v22 =	vmul.f32 v20, v23;
	v23 =	vld [tilespmem:$0x1CF0]  }
0x1b0: {  	v24 =	vld [tilespmem:$0x1EBD0]  }
0x1b1: {  	v3 =	vadd.f32 v47, v3;
	v47 =	vmul.f32 v51, v57;
	v51 =	vld [tilespmem:$0xCE0]  }
0x1b2: {  	v57 =	vld [tilespmem:$0x1EBB0]  }
0x1b3: {  	[tilespmem:$0x1FB80] =	vst v42;
	v42 =	vld [tilespmem:$0x1EC50]  }
0x1b4: {  	[tilespmem:$0x1FB60] =	vst v63;
	v63 =	vld [tilespmem:$0xC10]  }
0x1b5: {  	v6 =	vmul.f32 v54, v50;
	v54 =	vld [tilespmem:$0x1EB90]  }
0x1b6: {  	v2 =	vmul.f32 v62, v33;
	v62 =	vld [tilespmem:$0x1EBC0]  }
0x1b7: {  	v50 =	vmul.f32 v25, v32;
	v25 =	vld [tilespmem:$0x1EBE0]  }
0x1b8: {  	v33 =	vmul.f32 v40, v43;
	v40 =	vld [tilespmem:$0x1EC30]  }
0x1b9: {  	v43 =	vld [tilespmem:$0x1D20]  }
0x1ba: {  	[tilespmem:$0x1FBD0] =	vst v48;
	v48 =	vld [tilespmem:$0x1EC60]  }
0x1bb: {  	[tilespmem:$0x1FCB0] =	vst v52;
	v5 =	vmul.f32 v41, v39;
	v39 =	vld [tilespmem:$0x1D10]  }
0x1bc: {  	v41 =	vld [tilespmem:$0x1EC40];
	[tilespmem:$0x1FBF0] =	vst v56  }
0x1bd: {  	v3 =	vadd.f32 v7, v3;
	v0 =	vadd.f32 v6, v0;
	[tilespmem:$0x1FC90] =	vst v19;
	v56 =	vld [tilespmem:$0x1ECA0]  }
0x1be: {  	v1 =	vadd.f32 v2, v1;
	[tilespmem:$0x1FCA0] =	vst v23;
	v19 =	vld [tilespmem:$0xD60]  }
0x1bf: {  	v2 =	vmul.f32 v45, v44;
	v3 =	vadd.f32 v5, v3;
	[tilespmem:$0x1FE30] =	vst v0;
	v0 =	vadd.f32 v37, v36;
	v36 =	vld [tilespmem:$0x1D30]  }
0x1c0: {  	[tilespmem:$0x1FBE0] =	vst v51;
	v37 =	vld [tilespmem:$0x1EC10]  }
0x1c1: {  	v1 =	vadd.f32 v2, v1;
	[tilespmem:$0x1FE80] =	vst v3;
	v4 =	vmul.f32 v62, v57;
	v3 =	vadd.f32 v50, v49;
	v49 =	vld [tilespmem:$0x1EC70]  }
0x1c2: {  	v2 =	vmul.f32 v55, v54;
	[tilespmem:$0x1FC10] =	vst v43;
	v55 =	vld [tilespmem:$0x1D40];
	v0 =	vadd.f32 v47, v0  }
0x1c3: {  	[tilespmem:$0x1FBB0] =	vst v39;
	v47 =	vld [tilespmem:$0xD30];
	v1 =	vadd.f32 v4, v1  }
0x1c4: {  	v7 =	vmul.f32 v25, v24;
	v0 =	vadd.f32 v2, v0;
	v2 =	vmul.f32 v61, v42;
	v61 =	vld [tilespmem:$0xD50];
	[tilespmem:$0x1FD10] =	vst v19  }
0x1c5: {  	v5 =	vmul.f32 v31, v30;
	v51 =	vld [tilespmem:$0x1EC90];
	v3 =	vadd.f32 v18, v3;
	[tilespmem:$0x1FEB0] =	vst v1  }
0x1c6: {  	v25 =	vld [tilespmem:$0x1D00];
	[tilespmem:$0x1FC60] =	vst v36;
	v0 =	vadd.f32 v7, v0;
	v7 =	vmul.f32 v49, v48  }
0x1c7: {  	v50 =	vld [tilespmem:$0x1EC80];
	v3 =	vadd.f32 v5, v3;
	v4 =	vmul.f32 v38, v37;
	[tilespmem:$0x1FCC0] =	vst v55  }
0x1c8: {  	v57 =	vld [tilespmem:$0x1ECB0];
	[tilespmem:$0x1FC70] =	vst v47;
	v0 =	vadd.f32 v7, v0  }
0x1c9: {  	v54 =	vmul.f32 v53, v59;
	v59 =	vld [tilespmem:$0x1ECD0];
	v5 =	vmul.f32 v41, v40;
	v3 =	vadd.f32 v4, v3;
	[tilespmem:$0x1FD00] =	vst v61  }
0x1ca: {  	v18 =	vld [tilespmem:$0x1ECF0];
	[tilespmem:$0x1FEC0] =	vst v0  }
0x1cb: {  	v3 =	vadd.f32 v5, v3;
	v5 =	vld [tilespmem:$0x1ED00]  }
0x1cc: {  	v20 =	vld [tilespmem:$0x1ED10]  }
0x1cd: {  	v32 =	vadd.f32 v22, v21;
	v21 =	vld [tilespmem:$0x1D60]  }
0x1ce: {  	v22 =	vld [tilespmem:$0x1ED20]  }
0x1cf: {  	v23 =	vld [tilespmem:$0x1ED30]  }
0x1d0: {  	v24 =	vld [tilespmem:$0x1ED40]  }
0x1d1: {  	v45 =	vmul.f32 v26, v28;
	v26 =	vld [tilespmem:$0x1ED50]  }
0x1d2: {  	v28 =	vld [tilespmem:$0xD70]  }
0x1d3: {  	v30 =	vld [tilespmem:$0x1ED60]  }
0x1d4: {  	v31 =	vld [tilespmem:$0x1ED70]  }
0x1d5: {  	v1 =	vadd.f32 v33, v32;
	v32 =	vld [tilespmem:$0x1ED80]  }
0x1d6: {  	v33 =	vld [tilespmem:$0x1ED90]  }
0x1d7: {  	v44 =	vmul.f32 v34, v35;
	v34 =	vld [tilespmem:$0x1D70]  }
0x1d8: {  	v35 =	vld [tilespmem:$0x1EDA0]  }
0x1d9: {  	v36 =	vld [tilespmem:$0x1EDB0]  }
0x1da: {  	v37 =	vld [tilespmem:$0xD80]  }
0x1db: {  	v38 =	vld [tilespmem:$0x1EDC0]  }
0x1dc: {  	v39 =	vld [tilespmem:$0x1EDD0]  }
0x1dd: {  	v40 =	vld [tilespmem:$0x1EDE0]  }
0x1de: {  	v41 =	vld [tilespmem:$0x1EDF0]  }
0x1df: {  	v42 =	vld [tilespmem:$0x1D80]  }
0x1e0: {  	v43 =	vld [tilespmem:$0x1EE00]  }
0x1e1: {  	v4 =	vadd.f32 v45, v44;
	v44 =	vld [tilespmem:$0x1EE10]  }
0x1e2: {  	v45 =	vld [tilespmem:$0x1EE20]  }
0x1e3: {  	v47 =	vld [tilespmem:$0xD90]  }
0x1e4: {  	v48 =	vld [tilespmem:$0x1EE30]  }
0x1e5: {  	v49 =	vld [tilespmem:$0x1EE40]  }
0x1e6: {  	v1 =	vadd.f32 v2, v1;
	v2 =	vmul.f32 v51, v50;
	v50 =	vld [tilespmem:$0x1EE50]  }
0x1e7: {  	v51 =	vld [tilespmem:$0x1EE60]  }
0x1e8: {  	v53 =	vld [tilespmem:$0x1EE70]  }
0x1e9: {  	v62 =	vadd.f32 v54, v4;
	v54 =	vld [tilespmem:$0x1EE80]  }
0x1ea: {  	v55 =	vld [tilespmem:$0xDA0]  }
0x1eb: {  	v6 =	vmul.f32 v57, v56;
	v56 =	vld [tilespmem:$0x1EE90]  }
0x1ec: {  	v57 =	vld [tilespmem:$0x1EEA0]  }
0x1ed: {  	v1 =	vadd.f32 v2, v1;
	v2 =	vmul.f32 v59, v58;
	v58 =	vld [tilespmem:$0x1EEB0]  }
0x1ee: {  	v4 =	vmul.f32 v18, v8;
	v59 =	vld [tilespmem:$0x1EEC0]  }
0x1ef: {  	v61 =	vld [tilespmem:$0x1EEE0]  }
0x1f0: {  	v0 =	vadd.f32 v4, v62;
	v62 =	vld [tilespmem:$0xDB0]  }
0x1f1: {  	v18 =	vld [tilespmem:$0x1EEF0]  }
0x1f2: {  	v19 =	vld [tilespmem:$0x1EF00]  }
0x1f3: {  	v8 =	vld [tilespmem:$0x1F770]  }
0x1f4: {  	[tilespmem:$0x1FC20] =	vst v37;
	v37 =	vld [tilespmem:$0x1DA0]  }
0x1f5: {  	v3 =	vadd.f32 v6, v3;
	v6 =	vmul.f32 v60, v45;
	v60 =	vld [tilespmem:$0x1EED0]  }
0x1f6: {  	v5 =	vmul.f32 v20, v5;
	v20 =	vld [tilespmem:$0x1EF10]  }
0x1f7: {  	[tilespmem:$0x1FD20] =	vst v21;
	v21 =	vld [tilespmem:$0x1EF20]  }
0x1f8: {  	v1 =	vadd.f32 v2, v1;
	v2 =	vmul.f32 v23, v22;
	v22 =	vld [tilespmem:$0x1DB0]  }
0x1f9: {  	v23 =	vld [tilespmem:$0x1EF30]  }
0x1fa: {  	v4 =	vmul.f32 v26, v24;
	v24 =	vld [tilespmem:$0x1EF40]  }
0x1fb: {  	v26 =	vld [tilespmem:$0x1EF50]  }
0x1fc: {  	[tilespmem:$0x1FD50] =	vst v28;
	v28 =	vld [tilespmem:$0x1EF60]  }
0x1fd: {  	[tilespmem:$0x1FD60] =	vst v34;
	v34 =	vld [tilespmem:$0x1EF90]  }
0x1fe: {  	[tilespmem:$0x1FC30] =	vst v42;
	v42 =	vld [tilespmem:$0x1EFD0]  }
0x1ff: {  	v45 =	vld [tilespmem:$0x1EFF0]  }
0x200: {  	[tilespmem:$0x1FC40] =	vst v47;
	v47 =	vld [tilespmem:$0x1F000]  }
0x201: {  	v7 =	vmul.f32 v49, v48;
	v48 =	vld [tilespmem:$0xDE0]  }
0x202: {  	v49 =	vld [tilespmem:$0x1F010]  }
0x203: {  	[tilespmem:$0x1FC80] =	vst v55;
	v55 =	vld [tilespmem:$0x1F060]  }
0x204: {  	[tilespmem:$0x1FCD0] =	vst v62;
	v62 =	vld [tilespmem:$0x1F0B0]  }
0x205: {  	v1 =	vadd.f32 v2, v1;
	v2 =	vmul.f32 v36, v35;
	v36 =	vld [tilespmem:$0x1D90]  }
0x206: {  	v3 =	vadd.f32 v5, v3;
	v5 =	vmul.f32 v33, v32;
	v32 =	vld [tilespmem:$0x1EF80]  }
0x207: {  	v33 =	vld [tilespmem:$0x1DC0]  }
0x208: {  	v35 =	vld [tilespmem:$0x1EFA0]  }
0x209: {  	v0 =	vadd.f32 v4, v0;
	v4 =	vmul.f32 v39, v38;
	v38 =	vld [tilespmem:$0x1EFB0]  }
0x20a: {  	v39 =	vld [tilespmem:$0x1EFC0]  }
0x20b: {  	[tilespmem:$0x1FED0] =	vst v3;
	v3 =	vmul.f32 v31, v30;
	v30 =	vld [tilespmem:$0xDC0]  }
0x20c: {  	v31 =	vld [tilespmem:$0x1EF70]  }
0x20d: {  	v0 =	vadd.f32 v2, v0;
	v2 =	vmul.f32 v44, v43;
	v43 =	vld [tilespmem:$0x1EFE0]  }
0x20e: {  	v44 =	vld [tilespmem:$0x1DD0]  }
0x20f: {  	v1 =	vadd.f32 v4, v1;
	v4 =	vmul.f32 v57, v56;
	v56 =	vld [tilespmem:$0x1F070]  }
0x210: {  	v57 =	vld [tilespmem:$0x1F080]  }
0x211: {  	[tilespmem:$0x1FCE0] =	vst v22;
	v22 =	vld [tilespmem:$0x1F0F0]  }
0x212: {  	[tilespmem:$0x1FDF0] =	vst v48;
	v48 =	vld [tilespmem:$0x1F1E0]  }
0x213: {  	v3 =	vadd.f32 v5, v3;
	v5 =	vmul.f32 v41, v40;
	v40 =	vld [tilespmem:$0xDD0]  }
0x214: {  	v52 =	vadd.f32 v6, v2;
	v2 =	vmul.f32 v54, v53;
	v53 =	vld [tilespmem:$0x1DE0]  }
0x215: {  	v54 =	vld [tilespmem:$0x1F050]  }
0x216: {  	v6 =	vmul.f32 v21, v20;
	v20 =	vld [tilespmem:$0x1F0E0]  }
0x217: {  	v21 =	vld [tilespmem:$0xE00]  }
0x218: {  	v0 =	vadd.f32 v7, v0;
	v7 =	vmul.f32 v24, v23;
	v23 =	vld [tilespmem:$0x1F100]  }
0x219: {  	v24 =	vld [tilespmem:$0x1F110]  }
0x21a: {  	[tilespmem:$0x1FD40] =	vst v33;
	v33 =	vld [tilespmem:$0x1F160]  }
0x21b: {  	v3 =	vadd.f32 v5, v3;
	v5 =	vmul.f32 v51, v50;
	v50 =	vld [tilespmem:$0x1F020]  }
0x21c: {  	v51 =	vld [tilespmem:$0x1F030]  }
0x21d: {  	[tilespmem:$0x1FEE0] =	vst v1;
	v1 =	vadd.f32 v2, v52;
	v52 =	vld [tilespmem:$0x1F040]  }
0x21e: {  	v2 =	vmul.f32 v61, v60;
	v60 =	vld [tilespmem:$0x1F0A0]  }
0x21f: {  	v61 =	vld [tilespmem:$0x1DF0]  }
0x220: {  	[tilespmem:$0x1FD30] =	vst v30;
	v30 =	vld [tilespmem:$0x1F130]  }
0x221: {  	[tilespmem:$0x1FD80] =	vst v44;
	v44 =	vld [tilespmem:$0x1F1B0]  }
0x222: {  	v3 =	vadd.f32 v5, v3;
	v5 =	vmul.f32 v59, v58;
	v58 =	vld [tilespmem:$0xDF0]  }
0x223: {  	v59 =	vld [tilespmem:$0x1F090]  }
0x224: {  	v1 =	vadd.f32 v2, v1;
	v2 =	vmul.f32 v28, v26;
	v26 =	vld [tilespmem:$0x1F120]  }
0x225: {  	v28 =	vld [tilespmem:$0x1E00]  }
0x226: {  	[tilespmem:$0x1FD70] =	vst v40;
	v40 =	vld [tilespmem:$0x1E10]  }
0x227: {  	[tilespmem:$0x1FE00] =	vst v53;
	v53 =	vld [tilespmem:$0x1F220]  }
0x228: {  	[tilespmem:$0x1FD90] =	vst v21;
	v21 =	vld [tilespmem:$0x1F2C0]  }
0x229: {  	v3 =	vadd.f32 v4, v3;
	v4 =	vmul.f32 v19, v18;
	v18 =	vld [tilespmem:$0x1F0C0]  }
0x22a: {  	v19 =	vld [tilespmem:$0x1F0D0]  }
0x22b: {  	v1 =	vadd.f32 v2, v1;
	v2 =	vmul.f32 v39, v38;
	v38 =	vld [tilespmem:$0x1F170]  }
0x22c: {  	v39 =	vld [tilespmem:$0x1F180]  }
0x22d: {  	[tilespmem:$0x1FE50] =	vst v61;
	v61 =	vld [tilespmem:$0x1F280]  }
0x22e: {  	v3 =	vadd.f32 v5, v3;
	v5 =	vmul.f32 v32, v31;
	v31 =	vld [tilespmem:$0x1F140]  }
0x22f: {  	v32 =	vld [tilespmem:$0x1F150]  }
0x230: {  	v4 =	vadd.f32 v6, v4;
	v6 =	vmul.f32 v35, v34;
	v34 =	vld [tilespmem:$0xE10]  }
0x231: {  	v1 =	vadd.f32 v2, v1;
	v2 =	vmul.f32 v50, v49;
	v49 =	vld [tilespmem:$0x1E20]  }
0x232: {  	v50 =	vld [tilespmem:$0x1F1F0]  }
0x233: {  	[tilespmem:$0x1FE40] =	vst v58;
	v58 =	vld [tilespmem:$0x1F260]  }
0x234: {  	[tilespmem:$0x1FDA0] =	vst v28;
	v28 =	vld [tilespmem:$0xE50]  }
0x235: {  	v41 =	vadd.f32 v5, v4;
	v4 =	vmul.f32 v43, v42;
	v42 =	vld [tilespmem:$0x1F1A0]  }
0x236: {  	v43 =	vld [tilespmem:$0xE20]  }
0x237: {  	v5 =	vmul.f32 v47, v45;
	v45 =	vld [tilespmem:$0x1F1C0]  }
0x238: {  	v47 =	vld [tilespmem:$0x1F1D0]  }
0x239: {  	v1 =	vadd.f32 v2, v1;
	v2 =	vmul.f32 v60, v59;
	v59 =	vld [tilespmem:$0x1E30]  }
0x23a: {  	v60 =	vld [tilespmem:$0x1F270]  }
0x23b: {  	v3 =	vadd.f32 v6, v3;
	v6 =	vmul.f32 v26, v24;
	v24 =	vld [tilespmem:$0x1F2D0]  }
0x23c: {  	v0 =	vadd.f32 v7, v0;
	v26 =	vld [tilespmem:$0x1F2E0]  }
0x23d: {  	[tilespmem:$0x1FDC0] =	vst v40;
	v40 =	vld [tilespmem:$0x1F350]  }
0x23e: {  	[tilespmem:$0x1FF30] =	vst v0;
	v0 =	vadd.f32 v4, v41;
	v41 =	vld [tilespmem:$0x1F190]  }
0x23f: {  	v4 =	vmul.f32 v52, v51;
	v51 =	vld [tilespmem:$0x1F200]  }
0x240: {  	v52 =	vld [tilespmem:$0x1F210]  }
0x241: {  	v3 =	vadd.f32 v5, v3;
	v5 =	vmul.f32 v57, v56;
	v56 =	vld [tilespmem:$0x1F240]  }
0x242: {  	v57 =	vld [tilespmem:$0x1F250]  }
0x243: {  	v7 =	vmul.f32 v31, v30;
	v30 =	vld [tilespmem:$0x1F2F0]  }
0x244: {  	v31 =	vld [tilespmem:$0x1F300]  }
0x245: {  	[tilespmem:$0x1FDB0] =	vst v34;
	v34 =	vld [tilespmem:$0x1F320]  }
0x246: {  	[tilespmem:$0x1FDE0] =	vst v49;
	v49 =	vld [tilespmem:$0x1F3B0]  }
0x247: {  	[tilespmem:$0x1FF50] =	vst v3;
	v3 =	vmul.f32 v55, v54;
	v54 =	vld [tilespmem:$0xE30]  }
0x248: {  	v55 =	vld [tilespmem:$0x1F230]  }
0x249: {  	v0 =	vadd.f32 v4, v0;
	v4 =	vmul.f32 v18, v62;
	v62 =	vld [tilespmem:$0xE40]  }
0x24a: {  	v18 =	vld [tilespmem:$0x1F290]  }
0x24b: {  	[tilespmem:$0x1FE90] =	vst v28;
	v28 =	vld [tilespmem:$0x1F4E0]  }
0x24c: {  	[tilespmem:$0x1FDD0] =	vst v43;
	v43 =	vld [tilespmem:$0x1F380]  }
0x24d: {  	[tilespmem:$0x1FE20] =	vst v59;
	v59 =	vld [tilespmem:$0x1F440]  }
0x24e: {  	v3 =	vadd.f32 v5, v3;
	v5 =	vmul.f32 v20, v19;
	v19 =	vld [tilespmem:$0x1F2A0]  }
0x24f: {  	v20 =	vld [tilespmem:$0x1F2B0]  }
0x250: {  	v0 =	vadd.f32 v2, v0;
	v2 =	vmul.f32 v23, v22;
	v22 =	vld [tilespmem:$0x1E40]  }
0x251: {  	v1 =	vadd.f32 v4, v1;
	v4 =	vmul.f32 v42, v41;
	v41 =	vld [tilespmem:$0x1F360]  }
0x252: {  	v42 =	vld [tilespmem:$0x1F370]  }
0x253: {  	v3 =	vadd.f32 v5, v3;
	v5 =	vmul.f32 v33, v32;
	v32 =	vld [tilespmem:$0x1E50]  }
0x254: {  	v33 =	vld [tilespmem:$0x1F310]  }
0x255: {  	v35 =	vadd.f32 v6, v2;
	v2 =	vmul.f32 v39, v38;
	v38 =	vld [tilespmem:$0x1F340]  }
0x256: {  	v39 =	vld [tilespmem:$0xE60]  }
0x257: {  	v6 =	vmul.f32 v53, v52;
	v52 =	vld [tilespmem:$0x1F3E0]  }
0x258: {  	v53 =	vld [tilespmem:$0x1E70]  }
0x259: {  	[tilespmem:$0x1FE10] =	vst v54;
	v54 =	vld [tilespmem:$0x1F3F0]  }
0x25a: {  	v0 =	vadd.f32 v7, v0;
	v7 =	vmul.f32 v56, v55;
	v55 =	vld [tilespmem:$0x1F400]  }
0x25b: {  	v56 =	vld [tilespmem:$0x1F410]  }
0x25c: {  	[tilespmem:$0x1FE60] =	vst v62;
	v62 =	vld [tilespmem:$0x1F460]  }
0x25d: {  	[tilespmem:$0x1FF60] =	vst v1;
	v1 =	vadd.f32 v2, v35;
	v35 =	vld [tilespmem:$0x1F330]  }
0x25e: {  	v3 =	vadd.f32 v5, v3;
	v5 =	vmul.f32 v45, v44;
	v44 =	vld [tilespmem:$0x1E60]  }
0x25f: {  	v45 =	vld [tilespmem:$0x1F390]  }
0x260: {  	v2 =	vmul.f32 v48, v47;
	v47 =	vld [tilespmem:$0x1F3A0]  }
0x261: {  	v48 =	vld [tilespmem:$0xE70]  }
0x262: {  	[tilespmem:$0x1FE70] =	vst v22;
	v22 =	vld [tilespmem:$0x1F4A0]  }
0x263: {  	v3 =	vadd.f32 v4, v3;
	v4 =	vmul.f32 v51, v50;
	v50 =	vld [tilespmem:$0x1F3C0]  }
0x264: {  	v51 =	vld [tilespmem:$0x1F3D0]  }
0x265: {  	v1 =	vadd.f32 v2, v1;
	v2 =	vmul.f32 v58, v57;
	v57 =	vld [tilespmem:$0x1F420]  }
0x266: {  	v58 =	vld [tilespmem:$0x1F430]  }
0x267: {  	[tilespmem:$0x1FEA0] =	vst v32;
	v32 =	vld [tilespmem:$0x1F510]  }
0x268: {  	[tilespmem:$0x1FEF0] =	vst v39;
	v39 =	vld [tilespmem:$0x1F560]  }
0x269: {  	[tilespmem:$0x1FF20] =	vst v53;
	v53 =	vld [tilespmem:$0x1ED0]  }
0x26a: {  	v3 =	vadd.f32 v5, v3;
	v5 =	vmul.f32 v61, v60;
	v61 =	vld [tilespmem:$0xE80]  }
0x26b: {  	v60 =	vld [tilespmem:$0x1F450]  }
0x26c: {  	v4 =	vadd.f32 v6, v4;
	v6 =	vmul.f32 v19, v18;
	v19 =	vld [tilespmem:$0x1F470]  }
0x26d: {  	v1 =	vadd.f32 v2, v1;
	v2 =	vmul.f32 v21, v20;
	v20 =	vld [tilespmem:$0x1F480]  }
0x26e: {  	v21 =	vld [tilespmem:$0x1F490]  }
0x26f: {  	[tilespmem:$0x1FF10] =	vst v48;
	v48 =	vld [tilespmem:$0x1EA0]  }
0x270: {  	[tilespmem:$0x1FF00] =	vst v44;
	v44 =	vld [tilespmem:$0x1F5B0]  }
0x271: {  	v23 =	vadd.f32 v5, v4;
	v4 =	vmul.f32 v26, v24;
	v24 =	vld [tilespmem:$0x1F4C0]  }
0x272: {  	v26 =	vld [tilespmem:$0x1F4D0]  }
0x273: {  	v5 =	vmul.f32 v31, v30;
	v30 =	vld [tilespmem:$0x1F4F0]  }
0x274: {  	v31 =	vld [tilespmem:$0x1F500]  }
0x275: {  	v1 =	vadd.f32 v2, v1;
	v2 =	vmul.f32 v34, v33;
	v33 =	vld [tilespmem:$0x1F520]  }
0x276: {  	v34 =	vld [tilespmem:$0x1F530]  }
0x277: {  	v0 =	vadd.f32 v7, v0;
	v7 =	vmul.f32 v59, v58;
	v58 =	vld [tilespmem:$0x1E80]  }
0x278: {  	v3 =	vadd.f32 v6, v3;
	v6 =	vmul.f32 v57, v56;
	v57 =	vld [tilespmem:$0xEC0]  }
0x279: {  	v56 =	vld [tilespmem:$0x1F5D0]  }
0x27a: {  	v59 =	vld [tilespmem:$0x1F5E0]  }
0x27b: {  	[tilespmem:$0x1FF70] =	vst v0;
	v0 =	vadd.f32 v4, v23;
	v23 =	vld [tilespmem:$0x1F4B0]  }
0x27c: {  	v4 =	vmul.f32 v38, v35;
	v35 =	vld [tilespmem:$0x1F540]  }
0x27d: {  	v38 =	vld [tilespmem:$0x1F550]  }
0x27e: {  	v3 =	vadd.f32 v5, v3;
	v5 =	vmul.f32 v43, v42;
	v42 =	vld [tilespmem:$0x1F590]  }
0x27f: {  	v43 =	vld [tilespmem:$0x1F5A0]  }
0x280: {  	v1 =	vadd.f32 v2, v1;
	v2 =	vmul.f32 v47, v45;
	v45 =	vld [tilespmem:$0x1F5C0]  }
0x281: {  	v0 =	vadd.f32 v4, v0;
	v4 =	vmul.f32 v50, v49;
	v50 =	vld [tilespmem:$0x1E90]  }
0x282: {  	[tilespmem:$0x1FFA0] =	vst v3;
	v3 =	vmul.f32 v41, v40;
	v40 =	vld [tilespmem:$0x1F570]  }
0x283: {  	v41 =	vld [tilespmem:$0x1F580]  }
0x284: {  	v49 =	vld [tilespmem:$0x1EB0]  }
0x285: {  	v0 =	vadd.f32 v2, v0;
	v2 =	vmul.f32 v55, v54;
	v54 =	vld [tilespmem:$0xE90]  }
0x286: {  	v55 =	vld [tilespmem:$0xEA0]  }
0x287: {  	v3 =	vadd.f32 v5, v3;
	v5 =	vmul.f32 v52, v51;
	v52 =	vld [tilespmem:$0xEB0]  }
0x288: {  	v51 =	vld [tilespmem:$0x1EC0]  }
0x289: {  	v1 =	vadd.f32 v4, v1;
	v4 =	vmul.f32 v22, v21;
	v21 =	vld [tilespmem:$0x1F640]  }
0x28a: {  	v22 =	vld [tilespmem:$0x1F650]  }
0x28b: {  	v3 =	vadd.f32 v5, v3;
	v5 =	vmul.f32 v62, v60;
	v60 =	vld [tilespmem:$0x1F5F0]  }
0x28c: {  	v62 =	vld [tilespmem:$0x1F600]  }
0x28d: {  	v18 =	vadd.f32 v6, v2;
	v2 =	vmul.f32 v20, v19;
	v19 =	vld [tilespmem:$0x1F620]  }
0x28e: {  	v20 =	vld [tilespmem:$0x1F630]  }
0x28f: {  	v6 =	vmul.f32 v33, v32;
	v32 =	vld [tilespmem:$0x1F6B0]  }
0x290: {  	v33 =	vld [tilespmem:$0x1F6C0]  }
0x291: {  	v0 =	vadd.f32 v7, v0;
	v7 =	vmul.f32 v35, v34;
	v34 =	vld [tilespmem:$0x1F6D0]  }
0x292: {  	v35 =	vld [tilespmem:$0x1F6E0]  }
0x293: {  	[tilespmem:$0x1FFB0] =	vst v1;
	v1 =	vadd.f32 v2, v18;
	v18 =	vld [tilespmem:$0x1F610]  }
0x294: {  	v3 =	vadd.f32 v5, v3;
	v5 =	vmul.f32 v24, v23;
	v23 =	vld [tilespmem:$0x1F660]  }
0x295: {  	v24 =	vld [tilespmem:$0x1F670]  }
0x296: {  	v2 =	vmul.f32 v28, v26;
	v26 =	vld [tilespmem:$0x1F680]  }
0x297: {  	v28 =	vld [tilespmem:$0xEE0]  }
0x298: {  	v50 =	vmul.f32 v50, v54;
	v54 =	vld [tilespmem:$0x1030]  }
0x299: {  	v48 =	vmul.f32 v48, v55;
	v55 =	vld [tilespmem:$0x1FE20]  }
0x29a: {  	v3 =	vadd.f32 v4, v3;
	v4 =	vmul.f32 v31, v30;
	v30 =	vld [tilespmem:$0x1F690]  }
0x29b: {  	v31 =	vld [tilespmem:$0x1F6A0]  }
0x29c: {  	v1 =	vadd.f32 v2, v1;
	v2 =	vmul.f32 v39, v38;
	v38 =	vld [tilespmem:$0xEF0]  }
0x29d: {  	v39 =	vld [tilespmem:$0x1F6F0]  }
0x29e: {  	v3 =	vadd.f32 v5, v3;
	v5 =	vmul.f32 v41, v40;
	v40 =	vld [tilespmem:$0x1F700]  }
0x29f: {  	v41 =	vld [tilespmem:$0x1F710]  }
0x2a0: {  	v4 =	vadd.f32 v6, v4;
	v6 =	vmul.f32 v43, v42;
	v42 =	vld [tilespmem:$0x1F720]  }
0x2a1: {  	v43 =	vld [tilespmem:$0x1EF0]  }
0x2a2: {  	v1 =	vadd.f32 v2, v1;
	v2 =	vmul.f32 v45, v44;
	v44 =	vld [tilespmem:$0x1F730]  }
0x2a3: {  	v45 =	vld [tilespmem:$0x1F740]  }
0x2a4: {  	[tilespmem:$0x1FF40] =	vst v28;
	v28 =	vld [tilespmem:$0x1F800]  }
0x2a5: {  	v47 =	vadd.f32 v5, v4;
	v4 =	vmul.f32 v59, v56;
	v59 =	vld [tilespmem:$0xED0]  }
0x2a6: {  	v5 =	vmul.f32 v62, v60;
	v60 =	vld [tilespmem:$0x1EE0]  }
0x2a7: {  	v56 =	vld [tilespmem:$0x1F760]  }
0x2a8: {  	v1 =	vadd.f32 v2, v1;
	v2 =	vmul.f32 v19, v18;
	v18 =	vld [tilespmem:$0x1F780]  }
0x2a9: {  	v0 =	vadd.f32 v7, v0;
	v19 =	vld [tilespmem:$0x1F790]  }
0x2aa: {  	[tilespmem:$0x1FF80] =	vst v38;
	v38 =	vld [tilespmem:$0xF20]  }
0x2ab: {  	[tilespmem:$0x1FFC0] =	vst v0;
	v0 =	vadd.f32 v4, v47;
	v47 =	vld [tilespmem:$0x1F750]  }
0x2ac: {  	v3 =	vadd.f32 v6, v3;
	v4 =	vmul.f32 v21, v20;
	v20 =	vld [tilespmem:$0x1F7A0]  }
0x2ad: {  	v21 =	vld [tilespmem:$0x1F7B0]  }
0x2ae: {  	v3 =	vadd.f32 v5, v3;
	v5 =	vmul.f32 v26, v24;
	v24 =	vld [tilespmem:$0x1F7E0]  }
0x2af: {  	v26 =	vld [tilespmem:$0x1F7F0]  }
0x2b0: {  	v1 =	vadd.f32 v2, v1;
	v2 =	vmul.f32 v31, v30;
	v30 =	vld [tilespmem:$0x1F810]  }
0x2b1: {  	v6 =	vmul.f32 v42, v41;
	v41 =	vld [tilespmem:$0x1F860]  }
0x2b2: {  	v42 =	vld [tilespmem:$0x1F870]  }
0x2b3: {  	v7 =	vmul.f32 v45, v44;
	v44 =	vld [tilespmem:$0x1F880]  }
0x2b4: {  	v45 =	vld [tilespmem:$0x1F890]  }
0x2b5: {  	[tilespmem:$0x1FFD0] =	vst v3;
	v3 =	vmul.f32 v23, v22;
	v22 =	vld [tilespmem:$0x1F7C0]  }
0x2b6: {  	v23 =	vld [tilespmem:$0x1F7D0]  }
0x2b7: {  	v0 =	vadd.f32 v4, v0;
	v4 =	vmul.f32 v33, v32;
	v32 =	vld [tilespmem:$0x1F820]  }
0x2b8: {  	v33 =	vld [tilespmem:$0x1F830]  }
0x2b9: {  	v3 =	vadd.f32 v5, v3;
	v5 =	vmul.f32 v35, v34;
	v35 =	vld [tilespmem:$0x1F840]  }
0x2ba: {  	v0 =	vadd.f32 v2, v0;
	v2 =	vmul.f32 v40, v39;
	v40 =	vld [tilespmem:$0x1F850]  }
0x2bb: {  	v1 =	vadd.f32 v4, v1;
	v4 =	vmul.f32 v20, v19;
	v19 =	vld [tilespmem:$0x1F8D0]  }
0x2bc: {  	v20 =	vld [tilespmem:$0x1F8E0]  }
0x2bd: {  	v3 =	vadd.f32 v5, v3;
	v5 =	vmul.f32 v56, v47;
	v47 =	vld [tilespmem:$0x1F8A0]  }
0x2be: {  	v62 =	vadd.f32 v6, v2;
	v2 =	vmul.f32 v18, v8;
	v56 =	vld [tilespmem:$0x1F8B0]  }
0x2bf: {  	v6 =	vmul.f32 v32, v30;
	v30 =	vld [tilespmem:$0x1F950]  }
0x2c0: {  	[tilespmem:$0x1FFE0] =	vst v1;
	v1 =	vadd.f32 v2, v62;
	v62 =	vld [tilespmem:$0x1F8C0]  }
0x2c1: {  	v3 =	vadd.f32 v5, v3;
	v5 =	vmul.f32 v22, v21;
	v21 =	vld [tilespmem:$0x1F8F0]  }
0x2c2: {  	v22 =	vld [tilespmem:$0x1F900]  }
0x2c3: {  	v2 =	vmul.f32 v24, v23;
	v23 =	vld [tilespmem:$0x1F910]  }
0x2c4: {  	v24 =	vld [tilespmem:$0x1F920]  }
0x2c5: {  	v3 =	vadd.f32 v4, v3;
	v4 =	vmul.f32 v28, v26;
	v26 =	vld [tilespmem:$0x1F930]  }
0x2c6: {  	v28 =	vld [tilespmem:$0x1F940]  }
0x2c7: {  	v1 =	vadd.f32 v2, v1;
	v2 =	vmul.f32 v41, v40;
	v41 =	vld [tilespmem:$0x1F960];
	v3 =	vadd.f32 v5, v3  }
0x2c8: {  	v4 =	vadd.f32 v6, v4;
	v5 =	vmul.f32 v44, v42;
	v6 =	vmul.f32 v47, v45;
	v45 =	vld [tilespmem:$0x1F970]  }
0x2c9: {  	v47 =	vld [tilespmem:$0x1F980]  }
0x2ca: {  	v18 =	vadd.f32 v5, v4;
	v4 =	vmul.f32 v20, v19;
	v19 =	vld [tilespmem:$0x1F9A0]  }
0x2cb: {  	v20 =	vld [tilespmem:$0x1F9B0]  }
0x2cc: {  	v1 =	vadd.f32 v2, v1;
	v2 =	vmul.f32 v62, v56;
	v5 =	vmul.f32 v22, v21;
	v21 =	vld [tilespmem:$0x1F9C0]  }
0x2cd: {  	v0 =	vadd.f32 v7, v0;
	v22 =	vld [tilespmem:$0x1F9D0]  }
0x2ce: {  	v7 =	vmul.f32 v35, v33;
	v1 =	vadd.f32 v2, v1;
	v2 =	vmul.f32 v24, v23;
	v23 =	vld [tilespmem:$0x1F9E0]  }
0x2cf: {  	v24 =	vld [tilespmem:$0x1F9F0]  }
0x2d0: {  	v62 =	vadd.f32 v7, v0;
	v0 =	vadd.f32 v4, v18;
	v18 =	vld [tilespmem:$0x1F990]  }
0x2d1: {  	v3 =	vadd.f32 v6, v3;
	v4 =	vmul.f32 v28, v26;
	v26 =	vld [tilespmem:$0x1FA00]  }
0x2d2: {  	v28 =	vld [tilespmem:$0xF70]  }
0x2d3: {  	v56 =	vadd.f32 v5, v3;
	v3 =	vmul.f32 v41, v30;
	v30 =	vld [tilespmem:$0x1FA10];
	v5 =	vmul.f32 v47, v45  }
0x2d4: {  	v0 =	vadd.f32 v4, v0;
	v4 =	vmul.f32 v21, v20;
	v21 =	vld [tilespmem:$0x1FA70]  }
0x2d5: {  	v3 =	vadd.f32 v5, v3;
	v5 =	vmul.f32 v23, v22;
	v22 =	vld [tilespmem:$0x1FA80]  }
0x2d6: {  	v6 =	vmul.f32 v26, v63;
	v63 =	vld [tilespmem:$0x1FA30]  }
0x2d7: {  	v1 =	vadd.f32 v2, v1;
	v2 =	vmul.f32 v19, v18;
	v18 =	vld [tilespmem:$0x1FA40]  }
0x2d8: {  	v26 =	vld [tilespmem:$0x1FA50]  }
0x2d9: {  	v0 =	vadd.f32 v2, v0;
	v2 =	vmul.f32 v24, v46;
	v46 =	vld [tilespmem:$0x1FA20]  }
0x2da: {  	[tilespmem:$0x1FFF0] =	vst v28;
	v28 =	vld [tilespmem:$0x1FA60]  }
0x2db: {  	v31 =	vld [tilespmem:$0x1F10]  }
0x2dc: {  	[tilespmem:$0x1FF90] =	vst v43;
	v43 =	vld [tilespmem:$0xF00];
	v3 =	vadd.f32 v5, v3;
	v5 =	vmul.f32 v63, v18  }
0x2dd: {  	v39 =	vld [tilespmem:$0x1F00]  }
0x2de: {  	v24 =	vld [tilespmem:$0x1FA90];
	v7 =	vmul.f32 v46, v30;
	v30 =	vadd.f32 v5, v3;
	v3 =	vmul.f32 v22, v21  }
0x2df: {  	v19 =	vadd.f32 v6, v2;
	v2 =	vmul.f32 v26, v28;
	v26 =	vld [tilespmem:$0x1FAA0]  }
0x2e0: {  	v3 =	vadd.f32 v3, v30;
	v30 =	vld [tilespmem:$0x1FAB0]  }
0x2e1: {  	v34 =	vld [tilespmem:$0xF10]  }
0x2e2: {  	v32 =	vld [tilespmem:$0x1F20]  }
0x2e3: {  	v33 =	vld [tilespmem:$0x1F30]  }
0x2e4: {  	v6 =	vmul.f32 v26, v24;
	v24 =	vld [tilespmem:$0x1FAC0]  }
0x2e5: {  	v5 =	vmul.f32 v30, v11;
	v30 =	vld [tilespmem:$0x1FAE0]  }
0x2e6: {  	v26 =	vld [tilespmem:$0x1FAD0]  }
0x2e7: {  	v35 =	vld [tilespmem:$0x1F40]  }
0x2e8: {  	v28 =	vmul.f32 v16, v14;
	v46 =	vadd.f32 v4, v1;
	v1 =	vadd.f32 v2, v19;
	v4 =	vld [tilespmem:$0x1FAF0]  }
0x2e9: {  	v22 =	vld [tilespmem:$0x1FB00]  }
0x2ea: {  	v28 =	vadd.f32 v28, v1;
	v14 =	vadd.f32 v6, v3;
	v6 =	vld [tilespmem:$0x1FB20];
	v13 =	vmul.f32 v13, v30  }
0x2eb: {  	v11 =	vmul.f32 v26, v24;
	v24 =	vld [tilespmem:$0x1FB10]  }
0x2ec: {  	v9 =	vmul.f32 v12, v9;
	v12 =	vadd.f32 v13, v28;
	v13 =	vld [tilespmem:$0x1FB30]  }
0x2ed: {  	v31 =	vmul.f32 v31, v34;
	v34 =	vld [tilespmem:$0x2060]  }
0x2ee: {  	v19 =	vld [tilespmem:$0x1FB40]  }
0x2ef: {  	v40 =	vld [tilespmem:$0xF30];
	v7 =	vadd.f32 v7, v0  }
0x2f0: {  	v3 =	vadd.f32 v9, v5;
	v5 =	vmul.f32 v17, v4;
	v4 =	vld [tilespmem:$0x1FB70];
	v26 =	vmul.f32 v24, v22  }
0x2f1: {  	v24 =	vld [tilespmem:$0x1FB50];
	v13 =	vmul.f32 v13, v6  }
0x2f2: {  	v30 =	vadd.f32 v11, v7;
	v9 =	vadd.f32 v26, v14;
	v26 =	vld [tilespmem:$0x1FB60]  }
0x2f3: {  	v8 =	vmul.f32 v15, v19;
	v7 =	vadd.f32 v5, v3;
	v12 =	vadd.f32 v13, v12;
	v13 =	vld [tilespmem:$0x1FB80]  }
0x2f4: {  	v11 =	vld [tilespmem:$0x1FBD0]  }
0x2f5: {  	v8 =	vadd.f32 v8, v7;
	v7 =	vld [tilespmem:$0x1FBC0]  }
0x2f6: {  	v14 =	vld [tilespmem:$0x1FB90]  }
0x2f7: {  	v28 =	vmul.f32 v26, v24;
	v26 =	vld [tilespmem:$0x1FBA0]  }
0x2f8: {  	v0 =	vmul.f32 v13, v27;
	v27 =	vld [tilespmem:$0x1FBB0]  }
0x2f9: {  	v42 =	vld [tilespmem:$0xF40];
	v5 =	vmul.f32 v4, v29  }
0x2fa: {  	v44 =	vld [tilespmem:$0xF50]  }
0x2fb: {  	v15 =	vadd.f32 v5, v12;
	v12 =	vld [tilespmem:$0x1FBE0]  }
0x2fc: {  	v28 =	vadd.f32 v28, v9;
	v9 =	vmul.f32 v25, v14;
	v5 =	vld [tilespmem:$0x1FC10]  }
0x2fd: {  	v8 =	vadd.f32 v0, v8;
	v0 =	vmul.f32 v11, v7;
	v11 =	vld [tilespmem:$0x1FC40];
	v29 =	vmul.f32 v27, v26  }
0x2fe: {  	v27 =	vld [tilespmem:$0x1FBF0]  }
0x2ff: {  	v9 =	vadd.f32 v29, v9;
	v29 =	vld [tilespmem:$0x1FC00]  }
0x300: {  	v41 =	vld [tilespmem:$0x1F50]  }
0x301: {  	v6 =	vld [tilespmem:$0x1FC20]  }
0x302: {  	v7 =	vld [tilespmem:$0x1FC30]  }
0x303: {  	v8 =	vadd.f32 v0, v8;
	v0 =	vmul.f32 v36, v11;
	v11 =	vld [tilespmem:$0x1FCA0]  }
0x304: {  	v4 =	vmul.f32 v27, v12;
	v12 =	vld [tilespmem:$0x1FC50];
	v14 =	vmul.f32 v5, v29  }
0x305: {  	v29 =	vld [tilespmem:$0x1FC70]  }
0x306: {  	v9 =	vadd.f32 v14, v9;
	v14 =	vld [tilespmem:$0x1FC60]  }
0x307: {  	v2 =	vmul.f32 v7, v6;
	v6 =	vld [tilespmem:$0x1FCD0]  }
0x308: {  	v4 =	vadd.f32 v4, v8;
	v8 =	vld [tilespmem:$0x1FC80]  }
0x309: {  	v3 =	vmul.f32 v10, v12;
	v10 =	vld [tilespmem:$0x1FC90]  }
0x30a: {  	v12 =	vld [tilespmem:$0x1FCB0]  }
0x30b: {  	v1 =	vmul.f32 v14, v29;
	v14 =	vld [tilespmem:$0x1FCC0]  }
0x30c: {  	v7 =	vld [tilespmem:$0x1FCE0]  }
0x30d: {  	v47 =	vld [tilespmem:$0xF60]  }
0x30e: {  	v45 =	vld [tilespmem:$0x1F60];
	v0 =	vadd.f32 v0, v2;
	v2 =	vmul.f32 v37, v8;
	v8 =	vmul.f32 v11, v10  }
0x30f: {  	v20 =	vld [tilespmem:$0xFA0]  }
0x310: {  	v9 =	vadd.f32 v1, v9;
	v1 =	vmul.f32 v14, v12;
	v14 =	vadd.f32 v8, v4;
	v8 =	vld [tilespmem:$0x1FCF0]  }
0x311: {  	v12 =	vadd.f32 v3, v15;
	v15 =	vmul.f32 v7, v6;
	v6 =	vld [tilespmem:$0x1FD10]  }
0x312: {  	v7 =	vld [tilespmem:$0x1FD20]  }
0x313: {  	v1 =	vadd.f32 v1, v9;
	v9 =	vld [tilespmem:$0x1FD00]  }
0x314: {  	v23 =	vld [tilespmem:$0xF80]  }
0x315: {  	v18 =	vld [tilespmem:$0xF90];
	v2 =	vadd.f32 v2, v0  }
0x316: {  	v16 =	vld [tilespmem:$0x1F90]  }
0x317: {  	v2 =	vadd.f32 v15, v2;
	v15 =	vld [tilespmem:$0x1FD30]  }
0x318: {  	v4 =	vmul.f32 v7, v6;
	v6 =	vld [tilespmem:$0x1FD40];
	v8 =	vmul.f32 v8, v9  }
0x319: {  	v7 =	vld [tilespmem:$0x1FD50]  }
0x31a: {  	v1 =	vadd.f32 v8, v1;
	v8 =	vld [tilespmem:$0x1FD60]  }
0x31b: {  	v63 =	vld [tilespmem:$0x1F70]  }
0x31c: {  	v21 =	vld [tilespmem:$0x1F80]  }
0x31d: {  	v16 =	vmul.f32 v16, v18;
	v18 =	vld [tilespmem:$0x1090]  }
0x31e: {  	v15 =	vmul.f32 v6, v15;
	v6 =	vld [tilespmem:$0x1FD70]  }
0x31f: {  	v8 =	vmul.f32 v8, v7;
	v7 =	vld [tilespmem:$0x1FD80]  }
0x320: {  	v1 =	vadd.f32 v4, v1;
	v4 =	vmul.f32 v58, v61;
	v61 =	vld [tilespmem:$0x1FDD0]  }
0x321: {  	v58 =	vld [tilespmem:$0x1FDE0]  }
0x322: {  	v0 =	vld [tilespmem:$0x1FD90]  }
0x323: {  	v2 =	vadd.f32 v15, v2;
	v15 =	vld [tilespmem:$0x1FDA0]  }
0x324: {  	v19 =	vld [tilespmem:$0x1FB0];
	v3 =	vmul.f32 v7, v6  }
0x325: {  	v17 =	vld [tilespmem:$0x1FA0]  }
0x326: {  	v2 =	vadd.f32 v3, v2;
	v3 =	vmul.f32 v58, v61;
	v58 =	vld [tilespmem:$0x1FDF0]  }
0x327: {  	v61 =	vld [tilespmem:$0x1FE00]  }
0x328: {  	v15 =	vmul.f32 v15, v0;
	v0 =	vld [tilespmem:$0x1FDB0]  }
0x329: {  	v6 =	vld [tilespmem:$0x1FDC0]  }
0x32a: {  	v22 =	vld [tilespmem:$0xFB0]  }
0x32b: {  	v17 =	vmul.f32 v17, v20;
	v20 =	vld [tilespmem:$0x10A0]  }
0x32c: {  	v24 =	vld [tilespmem:$0xFC0];
	v58 =	vmul.f32 v61, v58  }
0x32d: {  	v61 =	vld [tilespmem:$0x1FE10]  }
0x32e: {  	v0 =	vmul.f32 v6, v0;
	v2 =	vadd.f32 v58, v2;
	v58 =	vld [tilespmem:$0x1FE30]  }
0x32f: {  	v25 =	vld [tilespmem:$0x1FD0]  }
0x330: {  	v13 =	vld [tilespmem:$0x1FC0];
	v0 =	vadd.f32 v0, v15  }
0x331: {  	v26 =	vld [tilespmem:$0xFD0]  }
0x332: {  	v0 =	vadd.f32 v3, v0;
	v3 =	vmul.f32 v55, v61;
	v61 =	vld [tilespmem:$0x1FE40]  }
0x333: {  	[tilespmem:$0x2120] =	vst v58;
	v58 =	vld [tilespmem:$0x1FE50]  }
0x334: {  	v36 =	vld [tilespmem:$0x1FE0]  }
0x335: {  	v27 =	vld [tilespmem:$0xFE0]  }
0x336: {  	v5 =	vld [tilespmem:$0x2010];
	v4 =	vadd.f32 v50, v4  }
0x337: {  	v37 =	vld [tilespmem:$0x1FF0]  }
0x338: {  	v4 =	vadd.f32 v48, v4;
	v48 =	vmul.f32 v49, v52;
	v52 =	vmul.f32 v58, v61;
	v61 =	vld [tilespmem:$0x1FE60]  }
0x339: {  	v58 =	vld [tilespmem:$0x1FE70]  }
0x33a: {  	v29 =	vld [tilespmem:$0xFF0]  }
0x33b: {  	v11 =	vld [tilespmem:$0x1000]  }
0x33c: {  	v10 =	vld [tilespmem:$0x2000]  }
0x33d: {  	v9 =	vld [tilespmem:$0x1010]  }
0x33e: {  	v0 =	vadd.f32 v3, v0;
	v3 =	vmul.f32 v58, v61;
	v61 =	vld [tilespmem:$0x1FE80]  }
0x33f: {  	v50 =	vld [tilespmem:$0x1040]  }
0x340: {  	v49 =	vld [tilespmem:$0x1050]  }
0x341: {  	v4 =	vadd.f32 v48, v4;
	v48 =	vmul.f32 v51, v57;
	v57 =	vld [tilespmem:$0x1FEE0]  }
0x342: {  	v58 =	vld [tilespmem:$0x1FE90]  }
0x343: {  	[tilespmem:$0x2130] =	vst v61;
	v61 =	vld [tilespmem:$0x1FEA0]  }
0x344: {  	v1 =	vadd.f32 v8, v1;
	v8 =	vld [tilespmem:$0x2040]  }
0x345: {  	v51 =	vld [tilespmem:$0x1060]  }
0x346: {  	v7 =	vld [tilespmem:$0x1020]  }
0x347: {  	[tilespmem:$0x2170] =	vst v57;
	v57 =	vld [tilespmem:$0x1FF20]  }
0x348: {  	v58 =	vmul.f32 v61, v58;
	v61 =	vld [tilespmem:$0x1FEB0]  }
0x349: {  	v6 =	vld [tilespmem:$0x2020]  }
0x34a: {  	v15 =	vld [tilespmem:$0x2030];
	v0 =	vadd.f32 v3, v0  }
0x34b: {  	v55 =	vld [tilespmem:$0x2050]  }
0x34c: {  	v0 =	vadd.f32 v58, v0;
	v58 =	vld [tilespmem:$0x1FEF0]  }
0x34d: {  	[tilespmem:$0x2140] =	vst v61;
	v61 =	vmul.f32 v39, v43;
	v43 =	vld [tilespmem:$0x1FEC0]  }
0x34e: {  	v39 =	vmul.f32 v53, v59;
	v53 =	vld [tilespmem:$0x1FED0]  }
0x34f: {  	v59 =	vld [tilespmem:$0x1FF00]  }
0x350: {  	v4 =	vadd.f32 v48, v4;
	v3 =	vadd.f32 v31, v61;
	v31 =	vmul.f32 v32, v38;
	v32 =	vld [tilespmem:$0x2070]  }
0x351: {  	v61 =	vld [tilespmem:$0x1FF10]  }
0x352: {  	v4 =	vadd.f32 v39, v4;
	v39 =	vld [tilespmem:$0x1080]  }
0x353: {  	v3 =	vadd.f32 v31, v3;
	v31 =	vld [tilespmem:$0x2090]  }
0x354: {  	[tilespmem:$0x2150] =	vst v43;
	v43 =	vld [tilespmem:$0x1070]  }
0x355: {  	v38 =	vmul.f32 v59, v58;
	v58 =	vld [tilespmem:$0x1FF30]  }
0x356: {  	v59 =	vld [tilespmem:$0x1FF40]  }
0x357: {  	v48 =	vmul.f32 v57, v61;
	v61 =	vld [tilespmem:$0x1FF50]  }
0x358: {  	v0 =	vadd.f32 v38, v0;
	v57 =	vld [tilespmem:$0x1FF70]  }
0x359: {  	v38 =	vld [tilespmem:$0x10D0]  }
0x35a: {  	v0 =	vadd.f32 v48, v0;
	v48 =	vld [tilespmem:$0x1FFC0]  }
0x35b: {  	v2 =	vadd.f32 v52, v2;
	v52 =	vmul.f32 v60, v59;
	v60 =	vmul.f32 v33, v40;
	v33 =	vld [tilespmem:$0x2080]  }
0x35c: {  	v40 =	vld [tilespmem:$0x1FF60]  }
0x35d: {  	v21 =	vmul.f32 v21, v23;
	[tilespmem:$0x2180] =	vst v58;
	v58 =	vld [tilespmem:$0x1FF80]  }
0x35e: {  	v59 =	vld [tilespmem:$0x1FF90]  }
0x35f: {  	[tilespmem:$0x2210] =	vst v62;
	v16 =	vadd.f32 v16, v21;
	v3 =	vadd.f32 v60, v3;
	v60 =	vld [tilespmem:$0x1FFA0]  }
0x360: {  	[tilespmem:$0x2190] =	vst v61;
	v61 =	vmul.f32 v41, v44;
	v41 =	vld [tilespmem:$0x1FFB0]  }
0x361: {  	[tilespmem:$0x2220] =	vst v56;
	v16 =	vadd.f32 v17, v16;
	v44 =	vld [tilespmem:$0x10B0]  }
0x362: {  	[tilespmem:$0x2160] =	vst v53;
	v53 =	vmul.f32 v35, v42;
	v42 =	vmul.f32 v19, v22;
	v4 =	vadd.f32 v52, v4;
	v52 =	vld [tilespmem:$0x20B0]  }
0x363: {  	v13 =	vmul.f32 v13, v24;
	[tilespmem:$0x21A0] =	vst v40;
	v40 =	vld [tilespmem:$0x20A0]  }
0x364: {  	v56 =	vmul.f32 v37, v29;
	v10 =	vmul.f32 v10, v11;
	[tilespmem:$0x21B0] =	vst v57;
	v57 =	vadd.f32 v42, v16;
	v42 =	vld [tilespmem:$0x10E0]  }
0x365: {  	[tilespmem:$0x2230] =	vst v46;
	v5 =	vmul.f32 v5, v9;
	v3 =	vadd.f32 v53, v3;
	v53 =	vld [tilespmem:$0x1FFD0];
	v35 =	vmul.f32 v59, v58  }
0x366: {  	[tilespmem:$0x2240] =	vst v30;
	v58 =	vmul.f32 v33, v39;
	v59 =	vmul.f32 v31, v18;
	v31 =	vld [tilespmem:$0x20C0]  }
0x367: {  	v5 =	vadd.f32 v5, v10;
	v6 =	vmul.f32 v6, v7;
	v33 =	vmul.f32 v45, v47;
	[tilespmem:$0x21C0] =	vst v60;
	v60 =	vld [tilespmem:$0x10C0]  }
0x368: {  	[tilespmem:$0x2250] =	vst v28;
	v45 =	vld [tilespmem:$0x20E0];
	v4 =	vadd.f32 v35, v4;
	v16 =	vadd.f32 v59, v58;
	v35 =	vmul.f32 v40, v20  }
0x369: {  	[tilespmem:$0x2260] =	vst v12;
	v5 =	vadd.f32 v6, v5;
	v49 =	vmul.f32 v55, v49;
	v39 =	vmul.f32 v15, v54;
	v40 =	vld [tilespmem:$0x20D0]  }
0x36a: {  	[tilespmem:$0x2270] =	vst v14;
	v11 =	vadd.f32 v13, v57;
	v47 =	vld [tilespmem:$0x10F0];
	v9 =	vmul.f32 v52, v44;
	v16 =	vadd.f32 v35, v16  }
0x36b: {  	[tilespmem:$0x21D0] =	vst v41;
	v41 =	vmul.f32 v25, v26;
	v5 =	vadd.f32 v39, v5;
	v44 =	vmul.f32 v8, v50;
	v52 =	vld [tilespmem:$0x1FFF0]  }
0x36c: {  	[tilespmem:$0x2280] =	vst v1;
	v3 =	vadd.f32 v61, v3;
	v61 =	vld [tilespmem:$0x1FFE0];
	v7 =	vmul.f32 v31, v60;
	v9 =	vadd.f32 v9, v16  }
0x36d: {  	[tilespmem:$0x21E0] =	vst v48;
	v48 =	vmul.f32 v36, v27;
	v50 =	vld [tilespmem:$0x20F0];
	v46 =	vadd.f32 v41, v11;
	v5 =	vadd.f32 v44, v5  }
0x36e: {  	v3 =	vadd.f32 v33, v3;
	[tilespmem:$0x21F0] =	vst v53;
	v53 =	vmul.f32 v40, v38;
	v7 =	vadd.f32 v7, v9  }
0x36f: {  	v55 =	vmul.f32 v34, v51;
	[tilespmem:$0x2290] =	vst v2;
	v54 =	vadd.f32 v48, v46;
	v5 =	vadd.f32 v49, v5  }
0x370: {  	[tilespmem:$0x22A0] =	vst v0;
	v8 =	vmul.f32 v45, v42;
	v14 =	vmul.f32 v63, v52;
	v7 =	vadd.f32 v53, v7  }
0x371: {  	v59 =	vmul.f32 v32, v43;
	[tilespmem:$0x22B0] =	vst v4;
	v58 =	vadd.f32 v55, v5;
	v1 =	vadd.f32 v56, v54  }
0x372: {  	[tilespmem:$0x2200] =	vst v61;
	v61 =	vmul.f32 v50, v47;
	v57 =	vadd.f32 v14, v3;
	v60 =	vadd.f32 v8, v7  }
0x373: {  	v62 =	vadd.f32 v59, v58;
	[tilespmem:$0x22D0] =	vst v1  }
0x374: {  	[tilespmem:$0x22C0] =	vst v57;
	v63 =	vadd.f32 v61, v60  }
0x375: {  	p0 =	sne.s32 s7, $0x1;
	[tilespmem:$0x22E0] =	vst v62  }
.Ltmp0:
0x376: {  	[tilespmem:$0x22F0] =	vst v63;
	(pc) =	sbr.rel @p0 .LBB2_1-.Ltmp0, $4  }
0x377: {  	[hbm4b:s6+s2] =	stream.linear.scatter [tilespmem:s13], [sflag:$0x4], $0x200, $0x38;
	[tilespmem:$0x2300] =	vst v63  }
0x378: {  	_ =	swait.ge [sflag:s14], $0x200  }
0x379: {  	[sflag:s14] =	ssyncset.done $0x0  }
0x37a: {  	s7 =	sadd.s32 $0xFFFFFFFF, s7;
	[sflag:s14] =	ssyncadd.s32 $0xFFFFFE00  }
0x37b: {  	_ =	sfence.sel $0x180000  }
0x37c: {  	[bflag:$0x0] =	sbarrier.arrive $0xFFFF  }
0x37d: {  	p0 =	sne.s32 s1, $0x0;
	_ =	strace $0x90000047  }
0x37e: {  	s0 =	sadd.s32 @!p0 $0x100000, s0;
	[bflag:$0x2] =	sbarrier.arrive $0xFFFF  }
0x37f: {  	[sflag:s0] =	ssyncadd.tile.s32 @!p0 $0x1;
	_ =	shalt  }
.Lfunc_end2:
_tile_overlayer_lowered:
.L_overlay_start_2:
0x380: {  	(tag) =	ssettag $0x2  }
0x381: {  	s0 =	rddreg [dreg:$0x0];
	s2 =	stileid.u32  }
0x382: {  	s1 =	rddreg [dreg:$0x1];
	p0 =	sne.s32 s2, $0x0  }
0x383: {  	s3 =	rddreg [dreg:$0x2];
	[bflag:$0x3] =	sbarrier.arrive $0xFFFF;
	s2 =	simm.s32 @!p0 $0x1C04  }
0x384: {  	[timem:s3], [sflag:s2] =	dma.local @!p0 [hbm:s0], s1  }
0x385: {  	s0 =	simm.s32 @!p0 $0x4  }
0x386: {  	_ =	swait.ge @!p0 [sflag:s0], s1  }
0x387: {  	s1 =	ssub.s32 @!p0 $0x0, s1;
	[sflag:s0] =	ssyncset.done @!p0 $0x0  }
0x388: {  	[sflag:s0] =	ssyncadd.s32 @!p0 s1  }
0x389: {  	[bflag:$0x3] =	sbarrier.arrive $0xFFFF  }
0x38a: {  	_ =	shalt  }

</sc_bundles>
